<compile_context>
chip_gen: v7x
topology: tpu7x:2x2x1
jax: 0.10.2.dev20260603
libtpu: 0.0.44.dev20260713+nightly
codegen_flags: <defaults>
</compile_context>

<pallas_src>
import functools

import jax
import jax.numpy as jnp
from jax import lax
from jax.experimental import pallas as pl
from jax.experimental.pallas import tpu as pltpu
from jax.experimental.pallas import tpu_sc as plsc

NC = 2
NS = 16
NW = NC * NS
CW = 16


def _sc_mesh():
  return plsc.VectorSubcoreMesh(
      core_axis_name="c", subcore_axis_name="s", num_cores=NC,
      num_subcores=NS)


_SC_PARAMS = pltpu.CompilerParams(use_tc_tiling_on_sc=False,
                                  needs_layout_passes=False)



def _make_sc_agg(n_pad, d, cpt, ch, nbuf):
  rpt = n_pad // NS
  hw = d // 2
  nv = hw // 16

  scratch = (
      [pltpu.VMEM_SHARED((n_pad, d), jnp.float32)] +
      [pltpu.VMEM((cpt, ch), jnp.int32)] +
      [pltpu.VMEM((nbuf, ch), jnp.int32)] +
      [pltpu.VMEM((ch, hw), jnp.int32)] * nbuf +
      [pltpu.VMEM((ch, d), jnp.float32)] +
      [pltpu.SemaphoreType.DMA] * (2 * nbuf))

  def body(table, srcs, dsts, zeros, out, acc, src_v, dst_ib, *rest):
    rbufs = rest[:nbuf]
    frow = rest[nbuf]
    gsems = rest[nbuf + 1:nbuf + 1 + nbuf]
    dsems = rest[nbuf + 1 + nbuf:]

    c = lax.axis_index("c")
    s = lax.axis_index("s")
    wid = c * NS + s

    pltpu.sync_copy(zeros.at[pl.ds(s * rpt, rpt)], acc.at[pl.ds(s * rpt, rpt)])
    pltpu.sync_copy(srcs.at[wid], src_v)
    plsc.subcore_barrier()

    def issue(j, b):
      pltpu.async_copy(table.at[src_v.at[j]], rbufs[b], gsems[b])
      pltpu.async_copy(dsts.at[wid, j], dst_ib.at[b], dsems[b])

    def unpack_rows(b):
      def row_body(r, _):
        for v in range(nv):
          w = rbufs[b][r, pl.ds(v * 16, 16)]
          lo = plsc.bitcast(lax.shift_left(w, 16), jnp.float32)
          hi = plsc.bitcast(w & jnp.int32(-65536), jnp.float32)
          frow[r, pl.ds(v * 16, 16)] = lo
          frow[r, pl.ds(hw + v * 16, 16)] = hi
        return _
      lax.fori_loop(0, ch, row_body, None)

    def step(j, b, fetch_next):
      pltpu.make_async_copy(table.at[src_v.at[j]], rbufs[b], gsems[b]).wait()
      pltpu.make_async_copy(dsts.at[wid, j], dst_ib.at[b], dsems[b]).wait()
      unpack_rows(b)
      if fetch_next:
        issue(j + nbuf, b)
      pltpu.sync_copy(frow, acc.at[dst_ib.at[b]], add=True)

    for b in range(nbuf):
      issue(b, b)

    def loop_body(g, _):
      for b in range(nbuf):
        step(g * nbuf + b, b, True)
      return _

    lax.fori_loop(0, cpt // nbuf - 1, loop_body, None)
    for b in range(nbuf):
      step(cpt - nbuf + b, b, False)

    plsc.subcore_barrier()
    pltpu.sync_copy(acc.at[pl.ds(s * rpt, rpt)],
                    out.at[c, pl.ds(s * rpt, rpt)])

  return pl.kernel(
      body,
      out_type=jax.ShapeDtypeStruct((NC, n_pad, d), jnp.float32),
      mesh=_sc_mesh(),
      compiler_params=_SC_PARAMS,
      scratch_types=scratch)



def _make_sc_cnt(n_pad, cpt, ch):
  rpt = n_pad // NS

  scratch = [
      pltpu.VMEM_SHARED((n_pad, CW), jnp.float32),
      pltpu.VMEM((cpt, ch), jnp.int32),
      pltpu.VMEM((ch, CW), jnp.float32),
  ]

  def body(dsts, zeros_c, ones, cnt_out, cnt_acc, dst_v, ones_v):
    c = lax.axis_index("c")
    s = lax.axis_index("s")
    wid = c * NS + s

    pltpu.sync_copy(zeros_c.at[pl.ds(s * rpt, rpt)],
                    cnt_acc.at[pl.ds(s * rpt, rpt)])
    pltpu.sync_copy(dsts.at[wid], dst_v)
    pltpu.sync_copy(ones, ones_v)
    plsc.subcore_barrier()

    def loop_body(j, _):
      pltpu.sync_copy(ones_v, cnt_acc.at[dst_v.at[j]], add=True)
      return _

    lax.fori_loop(0, cpt, loop_body, None)

    plsc.subcore_barrier()
    pltpu.sync_copy(cnt_acc.at[pl.ds(s * rpt, rpt)],
                    cnt_out.at[c, pl.ds(s * rpt, rpt)])

  return pl.kernel(
      body,
      out_type=jax.ShapeDtypeStruct((NC, n_pad, CW), jnp.float32),
      mesh=_sc_mesh(),
      compiler_params=_SC_PARAMS,
      scratch_types=scratch)



def _sage_dense_body(a0, a1, c0, c1, x, wl, bl, wr, o, *, relu):
  cnt = jnp.maximum(c0[...] + c1[...], 1.0)
  agg = (a0[...] + a1[...]) / cnt
  h = (jnp.dot(agg, wl[...], preferred_element_type=jnp.float32) + bl[...]
       + jnp.dot(x[...], wr[...], preferred_element_type=jnp.float32))
  nrm = jnp.sqrt(jnp.sum(h * h, axis=-1, keepdims=True))
  h = h / jnp.maximum(nrm, 1e-12)
  if relu:
    h = jnp.maximum(h, 0.0)
  o[...] = h


def _final_body(a0, a1, c0, c1, x, wl, bl, wr, wfc, bfc, o):
  cnt = jnp.maximum(c0[...] + c1[...], 1.0)
  agg = (a0[...] + a1[...]) / cnt
  h = (jnp.dot(agg, wl[...], preferred_element_type=jnp.float32) + bl[...]
       + jnp.dot(x[...], wr[...], preferred_element_type=jnp.float32))
  nrm = jnp.sqrt(jnp.sum(h * h, axis=-1, keepdims=True))
  h = h / jnp.maximum(nrm, 1e-12)
  logits = jnp.dot(h, wfc[...], preferred_element_type=jnp.float32) + bfc[...]
  m = jnp.max(logits, axis=-1, keepdims=True)
  e = jnp.exp(logits - m)
  o[...] = e / jnp.sum(e, axis=-1, keepdims=True)


def _dense_call(body, n, d, br, extra_w):
  grid = (n // br,)
  row_spec = pl.BlockSpec((br, d), lambda i: (i, 0))
  cnt_spec = pl.BlockSpec((br, 1), lambda i: (i, 0))
  w_spec = pl.BlockSpec((d, d), lambda i: (0, 0))
  b_spec = pl.BlockSpec((1, d), lambda i: (0, 0))
  in_specs = [row_spec, row_spec, cnt_spec, cnt_spec, row_spec,
              w_spec, b_spec, w_spec] + [w_spec, b_spec] * extra_w
  return pl.pallas_call(
      body,
      grid=grid,
      in_specs=in_specs,
      out_specs=pl.BlockSpec((br, d), lambda i: (i, 0)),
      out_shape=jax.ShapeDtypeStruct((n, d), jnp.float32),
  )



def _pack_bf16(x):
  hw = x.shape[1] // 2
  u = lax.bitcast_convert_type(x.astype(jnp.bfloat16), jnp.uint16)
  w = u[:, :hw].astype(jnp.uint32) | (u[:, hw:].astype(jnp.uint32) << 16)
  return lax.bitcast_convert_type(w, jnp.int32)


def kernel(feat, edge_index, Wl1, bl1, Wr1, Wl2, bl2, Wr2, Wl3, bl3, Wr3,
           Wfc, bfc):
  n, d = feat.shape
  e = edge_index.shape[1]
  out_dim = Wfc.shape[0]

  ch = 128
  nbuf = 2
  cpt = -(-e // (NW * ch))
  cpt = -(-cpt // nbuf) * nbuf
  cap = NW * cpt * ch
  n_pad = -(-(n + 1) // (NS * 8)) * (NS * 8)

  src = edge_index[0]
  dst = edge_index[1]
  pad = cap - e
  src_p = jnp.concatenate(
      [src, jnp.zeros((pad,), jnp.int32)]).reshape(NW, cpt, ch)
  dst_p = jnp.concatenate(
      [dst, jnp.full((pad,), n, jnp.int32)]).reshape(NW, cpt, ch)

  zeros = jnp.zeros((n_pad, d), jnp.float32)
  zeros_c = jnp.zeros((n_pad, CW), jnp.float32)
  ones = jnp.ones((ch, CW), jnp.float32)

  agg = _make_sc_agg(n_pad, d, cpt, ch, nbuf)
  cntk = _make_sc_cnt(n_pad, cpt, ch)

  br = 1000 if n % 1000 == 0 else n
  dense = _dense_call(functools.partial(_sage_dense_body, relu=True),
                      n, d, br, 0)
  final = _dense_call(_final_body, n, d, br, 1)

  c_parts = cntk(dst_p, zeros_c, ones)
  c0 = c_parts[0, :n, 0:1]
  c1 = c_parts[1, :n, 0:1]

  a_parts = agg(_pack_bf16(feat), src_p, dst_p, zeros)
  h1 = dense(a_parts[0, :n], a_parts[1, :n], c0, c1, feat,
             Wl1.T, bl1[None, :], Wr1.T)
  a_parts2 = agg(_pack_bf16(h1), src_p, dst_p, zeros)
  h2 = dense(a_parts2[0, :n], a_parts2[1, :n], c0, c1, h1,
             Wl2.T, bl2[None, :], Wr2.T)
  a_parts3 = agg(_pack_bf16(h2), src_p, dst_p, zeros)

  wfc_pad = jnp.zeros((d, d), jnp.float32).at[:, :out_dim].set(Wfc.T)
  bfc_pad = jnp.full((1, d), -1e30, jnp.float32).at[0, :out_dim].set(bfc)
  out = final(a_parts3[0, :n], a_parts3[1, :n], c0, c1, h2,
              Wl3.T, bl3[None, :], Wr3.T, wfc_pad, bfc_pad)
  return out[:, :out_dim]

# --- scband reference (transcript-rebuilt; emitter-appended) ---
"""Pipeline reference for scband-graph-sage-31396210934180 (READ-ONLY COPY).

The authoritative reference and input builder live on the scoring server;
editing this copy changes nothing except your own understanding.
"""

import jax, jax.numpy as jnp
import numpy as np

N, E, D, H, OUT = 10000, 320000, 128, 128, 40


def _xavier(key, fan_out, fan_in):
    s = np.sqrt(6.0 / (fan_in + fan_out))
    return jax.random.uniform(key, (fan_out, fan_in), jnp.float32, -s, s)


def setup_inputs(seed: int = 0) -> dict:
    key = jax.random.key(seed)
    ks = jax.random.split(key, 16)
    feat = jax.random.normal(ks[0], (N, D), jnp.float32)
    edge_index = jax.random.randint(ks[1], (2, E), 0, N, dtype=jnp.int32)
    inp = {
        'feat': feat,
        'edge_index': edge_index,
        'Wl1': _xavier(ks[2], H, D), 'bl1': jnp.zeros((H,), jnp.float32), 'Wr1': _xavier(ks[3], H, D),
        'Wl2': _xavier(ks[4], H, H), 'bl2': jnp.zeros((H,), jnp.float32), 'Wr2': _xavier(ks[5], H, H),
        'Wl3': _xavier(ks[6], H, H), 'bl3': jnp.zeros((H,), jnp.float32), 'Wr3': _xavier(ks[7], H, H),
        'Wfc': _xavier(ks[8], OUT, H), 'bfc': jnp.zeros((OUT,), jnp.float32),
    }
    return inp


def _sage_layer(x, src, dst, Wl, bl, Wr):
    # message: x_j = x[src]; aggr='mean' onto dst nodes
    msg = jnp.take(x, src, axis=0)
    agg = jax.ops.segment_sum(msg, dst, num_segments=N)
    cnt = jax.ops.segment_sum(jnp.ones((src.shape[0], 1), jnp.float32), dst, num_segments=N)
    agg = agg / jnp.clip(cnt, 1.0, None)
    out = agg @ Wl.T + bl + x @ Wr.T
    # F.normalize(out, p=2, dim=-1)
    nrm = jnp.linalg.norm(out, axis=-1, keepdims=True)
    out = out / jnp.clip(nrm, 1e-12, None)
    return out


def reference(feat, edge_index, Wl1, bl1, Wr1, Wl2, bl2, Wr2, Wl3, bl3, Wr3, Wfc, bfc):
    src = edge_index[0]
    dst = edge_index[1]
    h = _sage_layer(feat, src, dst, Wl1, bl1, Wr1)
    h = jax.nn.relu(h)
    h = _sage_layer(h, src, dst, Wl2, bl2, Wr2)
    h = jax.nn.relu(h)
    h = _sage_layer(h, src, dst, Wl3, bl3, Wr3)
    out = h @ Wfc.T + bfc
    return jax.nn.softmax(out, axis=-1)

if __name__ == "__main__":
    import jax
    _d = setup_inputs()
    print(jax.jit(kernel)(*tuple(_d.values())))

</pallas_src>

<mosaic_0001>
#map = affine_map<(d0, d1) -> (0, 0)>
#map1 = affine_map<(d0, d1) -> (0, 0, 0)>
module attributes {stable_mosaic.version = 14 : i64} {
  func.func @body(%arg0: i32, %arg1: i32, %arg2: memref<10000x64xi32, #tpu.memory_space<hbm>>, %arg3: memref<32x80x128xi32, #tpu.memory_space<hbm>>, %arg4: memref<32x80x128xi32, #tpu.memory_space<hbm>>, %arg5: memref<10112x128xf32, #tpu.memory_space<hbm>>, %arg6: memref<2x10112x128xf32, #tpu.memory_space<hbm>>, %arg7: memref<10112x128xf32, #tpu.memory_space<vmem_shared>>, %arg8: memref<80x128xi32, #tpu.memory_space<vmem>>, %arg9: memref<2x128xi32, #tpu.memory_space<vmem>>, %arg10: memref<128x64xi32, #tpu.memory_space<vmem>>, %arg11: memref<128x64xi32, #tpu.memory_space<vmem>>, %arg12: memref<128x128xf32, #tpu.memory_space<vmem>>, %arg13: memref<!tpu.dma_semaphore, #tpu.memory_space<semaphore_mem>>, %arg14: memref<!tpu.dma_semaphore, #tpu.memory_space<semaphore_mem>>, %arg15: memref<!tpu.dma_semaphore, #tpu.memory_space<semaphore_mem>>, %arg16: memref<!tpu.dma_semaphore, #tpu.memory_space<semaphore_mem>>) attributes {dimension_semantics = [#tpu.dimension_semantics<core_parallel>, #tpu.dimension_semantics<subcore_parallel>], iteration_bounds = array<i64: 2, 16>, scalar_prefetch = 0 : i64, scratch_operands = 10 : i64, tpu.core_type = #tpu.core_type<sc_vector_subcore>, window_params = [{transform_indices = #map}, {transform_indices = #map1}, {transform_indices = #map1}, {transform_indices = #map}, {transform_indices = #map1}]} {
    %mul3A = arith.constant 16 : i32
    %mul3A_0 = arith.muli %arg0, %mul3A : i32
    %add3A = arith.addi %mul3A_0, %arg1 : i32
    %mul3A_1 = arith.constant 632 : i32
    %mul3A_2 = arith.muli %arg1, %mul3A_1 : i32
    %mul3A_3 = arith.constant 632 : i32
    %mul3A_4 = arith.muli %arg1, %mul3A_3 : i32
    "tpu.region"() ({
      %run_scoped3A_107 = tpu.sem_alloc : memref<!tpu.dma_semaphore, #tpu.memory_space<semaphore_mem>>
      %dma_start3A_108 = arith.constant 0 : i32
      %dma_start3A_109 = tpu.memref_slice %arg7[%mul3A_4, %dma_start3A_108] : memref<10112x128xf32, #tpu.memory_space<vmem_shared>> -> memref<632x128xf32, #tpu.memory_space<vmem_shared>>
      %dma_start3A_110 = arith.constant 0 : i32
      %dma_start3A_111 = tpu.memref_slice %arg5[%mul3A_2, %dma_start3A_110] : memref<10112x128xf32, #tpu.memory_space<hbm>> -> memref<632x128xf32, #tpu.memory_space<hbm>>
      tpu.enqueue_dma source(%dma_start3A_111 : memref<632x128xf32, #tpu.memory_space<hbm>>) target(%dma_start3A_109 : memref<632x128xf32, #tpu.memory_space<vmem_shared>>) target_semaphore(%run_scoped3A_107 : memref<!tpu.dma_semaphore, #tpu.memory_space<semaphore_mem>>)
      %dma_wait3A_112 = arith.constant 0 : i32
      %dma_wait3A_113 = tpu.memref_slice %arg7[%mul3A_4, %dma_wait3A_112] : memref<10112x128xf32, #tpu.memory_space<vmem_shared>> -> memref<632x128xf32, #tpu.memory_space<vmem_shared>>
      %dma_wait3A_114 = arith.constant 0 : i32
      %dma_wait3A_115 = tpu.memref_slice %arg5[%mul3A_2, %dma_wait3A_114] : memref<10112x128xf32, #tpu.memory_space<hbm>> -> memref<632x128xf32, #tpu.memory_space<hbm>>
      tpu.wait_dma2 semaphore(%run_scoped3A_107 : memref<!tpu.dma_semaphore, #tpu.memory_space<semaphore_mem>>) src(%dma_wait3A_115 : memref<632x128xf32, #tpu.memory_space<hbm>>) dst(%dma_wait3A_113 : memref<632x128xf32, #tpu.memory_space<vmem_shared>>)
      tpu.yield
    }) : () -> ()
    "tpu.region"() ({
      %run_scoped3A_107 = tpu.sem_alloc : memref<!tpu.dma_semaphore, #tpu.memory_space<semaphore_mem>>
      %dma_start3A_108 = arith.constant 0 : i32
      %dma_start3A_109 = arith.constant 0 : i32
      %dma_start3A_110 = tpu.memref_slice %arg3[%add3A, %dma_start3A_108, %dma_start3A_109] : memref<32x80x128xi32, #tpu.memory_space<hbm>> -> memref<1x80x128xi32, #tpu.memory_space<hbm>>
      %dma_start3A_111 = tpu.memref_squeeze %dma_start3A_110 : memref<1x80x128xi32, #tpu.memory_space<hbm>> -> memref<80x128xi32, #tpu.memory_space<hbm>>
      %dma_start3A_112 = arith.constant 0 : i32
      %dma_start3A_113 = arith.constant 0 : i32
      %dma_start3A_114 = tpu.memref_slice %arg3[%add3A, %dma_start3A_112, %dma_start3A_113] : memref<32x80x128xi32, #tpu.memory_space<hbm>> -> memref<1x80x128xi32, #tpu.memory_space<hbm>>
      %dma_start3A_115 = tpu.memref_squeeze %dma_start3A_114 : memref<1x80x128xi32, #tpu.memory_space<hbm>> -> memref<80x128xi32, #tpu.memory_space<hbm>>
      tpu.enqueue_dma source(%dma_start3A_115 : memref<80x128xi32, #tpu.memory_space<hbm>>) target(%arg8 : memref<80x128xi32, #tpu.memory_space<vmem>>) target_semaphore(%run_scoped3A_107 : memref<!tpu.dma_semaphore, #tpu.memory_space<semaphore_mem>>)
      %dma_wait3A_116 = arith.constant 0 : i32
      %dma_wait3A_117 = arith.constant 0 : i32
      %dma_wait3A_118 = tpu.memref_slice %arg3[%add3A, %dma_wait3A_116, %dma_wait3A_117] : memref<32x80x128xi32, #tpu.memory_space<hbm>> -> memref<1x80x128xi32, #tpu.memory_space<hbm>>
      %dma_wait3A_119 = tpu.memref_squeeze %dma_wait3A_118 : memref<1x80x128xi32, #tpu.memory_space<hbm>> -> memref<80x128xi32, #tpu.memory_space<hbm>>
      %dma_wait3A_120 = arith.constant 0 : i32
      %dma_wait3A_121 = arith.constant 0 : i32
      %dma_wait3A_122 = tpu.memref_slice %arg3[%add3A, %dma_wait3A_120, %dma_wait3A_121] : memref<32x80x128xi32, #tpu.memory_space<hbm>> -> memref<1x80x128xi32, #tpu.memory_space<hbm>>
      %dma_wait3A_123 = tpu.memref_squeeze %dma_wait3A_122 : memref<1x80x128xi32, #tpu.memory_space<hbm>> -> memref<80x128xi32, #tpu.memory_space<hbm>>
      tpu.wait_dma2 semaphore(%run_scoped3A_107 : memref<!tpu.dma_semaphore, #tpu.memory_space<semaphore_mem>>) src(%dma_wait3A_123 : memref<80x128xi32, #tpu.memory_space<hbm>>) dst(%arg8 : memref<80x128xi32, #tpu.memory_space<vmem>>)
      tpu.yield
    }) : () -> ()
    %barrier3A = arith.constant 0 : index
    tpu.barrier barrier_id(%barrier3A)
    %dma_start3A = arith.constant 0 : i32
    %dma_start3A_5 = arith.constant 0 : i32
    %dma_start3A_6 = tpu.memref_slice %arg8[%dma_start3A, %dma_start3A_5] : memref<80x128xi32, #tpu.memory_space<vmem>> -> memref<1x128xi32, #tpu.memory_space<vmem>>
    %dma_start3A_7 = tpu.memref_squeeze %dma_start3A_6 : memref<1x128xi32, #tpu.memory_space<vmem>> -> memref<128xi32, #tpu.memory_space<vmem>>
    %dma_start3A_8 = arith.constant 0 : i32
    %dma_start3A_9 = arith.constant 0 : i32
    %dma_start3A_10 = tpu.memref_slice %arg2[%dma_start3A_8, %dma_start3A_9] : memref<10000x64xi32, #tpu.memory_space<hbm>> -> memref<10000x64xi32, #tpu.memory_space<hbm>>
    tpu.enqueue_indirect_dma source(%dma_start3A_10 : memref<10000x64xi32, #tpu.memory_space<hbm>>) target(%arg10 : memref<128x64xi32, #tpu.memory_space<vmem>>) offsets(%dma_start3A_7 : memref<128xi32, #tpu.memory_space<vmem>>) semaphore(%arg13 : memref<!tpu.dma_semaphore, #tpu.memory_space<semaphore_mem>>)
    %dma_start3A_11 = arith.constant 0 : i32
    %dma_start3A_12 = arith.constant 0 : i32
    %dma_start3A_13 = arith.constant 0 : i32
    %dma_start3A_14 = tpu.memref_slice %arg9[%dma_start3A_12, %dma_start3A_13] : memref<2x128xi32, #tpu.memory_space<vmem>> -> memref<1x128xi32, #tpu.memory_space<vmem>>
    %dma_start3A_15 = tpu.memref_squeeze %dma_start3A_14 : memref<1x128xi32, #tpu.memory_space<vmem>> -> memref<128xi32, #tpu.memory_space<vmem>>
    %dma_start3A_16 = arith.constant 0 : i32
    %dma_start3A_17 = tpu.memref_slice %arg4[%add3A, %dma_start3A_11, %dma_start3A_16] : memref<32x80x128xi32, #tpu.memory_space<hbm>> -> memref<1x1x128xi32, #tpu.memory_space<hbm>>
    %dma_start3A_18 = tpu.memref_squeeze %dma_start3A_17 : memref<1x1x128xi32, #tpu.memory_space<hbm>> -> memref<128xi32, #tpu.memory_space<hbm>>
    %dma_start3A_19 = arith.constant 0 : i32
    %dma_start3A_20 = tpu.memref_slice %arg9[%dma_start3A_12, %dma_start3A_19] : memref<2x128xi32, #tpu.memory_space<vmem>> -> memref<1x128xi32, #tpu.memory_space<vmem>>
    %dma_start3A_21 = tpu.memref_squeeze %dma_start3A_20 : memref<1x128xi32, #tpu.memory_space<vmem>> -> memref<128xi32, #tpu.memory_space<vmem>>
    %dma_start3A_22 = arith.constant 0 : i32
    %dma_start3A_23 = tpu.memref_slice %arg4[%add3A, %dma_start3A_11, %dma_start3A_22] : memref<32x80x128xi32, #tpu.memory_space<hbm>> -> memref<1x1x128xi32, #tpu.memory_space<hbm>>
    %dma_start3A_24 = tpu.memref_squeeze %dma_start3A_23 : memref<1x1x128xi32, #tpu.memory_space<hbm>> -> memref<128xi32, #tpu.memory_space<hbm>>
    tpu.enqueue_dma source(%dma_start3A_24 : memref<128xi32, #tpu.memory_space<hbm>>) target(%dma_start3A_21 : memref<128xi32, #tpu.memory_space<vmem>>) target_semaphore(%arg15 : memref<!tpu.dma_semaphore, #tpu.memory_space<semaphore_mem>>)
    %dma_start3A_25 = arith.constant 1 : i32
    %dma_start3A_26 = arith.constant 0 : i32
    %dma_start3A_27 = tpu.memref_slice %arg8[%dma_start3A_25, %dma_start3A_26] : memref<80x128xi32, #tpu.memory_space<vmem>> -> memref<1x128xi32, #tpu.memory_space<vmem>>
    %dma_start3A_28 = tpu.memref_squeeze %dma_start3A_27 : memref<1x128xi32, #tpu.memory_space<vmem>> -> memref<128xi32, #tpu.memory_space<vmem>>
    %dma_start3A_29 = arith.constant 0 : i32
    %dma_start3A_30 = arith.constant 0 : i32
    %dma_start3A_31 = tpu.memref_slice %arg2[%dma_start3A_29, %dma_start3A_30] : memref<10000x64xi32, #tpu.memory_space<hbm>> -> memref<10000x64xi32, #tpu.memory_space<hbm>>
    tpu.enqueue_indirect_dma source(%dma_start3A_31 : memref<10000x64xi32, #tpu.memory_space<hbm>>) target(%arg11 : memref<128x64xi32, #tpu.memory_space<vmem>>) offsets(%dma_start3A_28 : memref<128xi32, #tpu.memory_space<vmem>>) semaphore(%arg14 : memref<!tpu.dma_semaphore, #tpu.memory_space<semaphore_mem>>)
    %dma_start3A_32 = arith.constant 1 : i32
    %dma_start3A_33 = arith.constant 1 : i32
    %dma_start3A_34 = arith.constant 0 : i32
    %dma_start3A_35 = tpu.memref_slice %arg9[%dma_start3A_33, %dma_start3A_34] : memref<2x128xi32, #tpu.memory_space<vmem>> -> memref<1x128xi32, #tpu.memory_space<vmem>>
    %dma_start3A_36 = tpu.memref_squeeze %dma_start3A_35 : memref<1x128xi32, #tpu.memory_space<vmem>> -> memref<128xi32, #tpu.memory_space<vmem>>
    %dma_start3A_37 = arith.constant 0 : i32
    %dma_start3A_38 = tpu.memref_slice %arg4[%add3A, %dma_start3A_32, %dma_start3A_37] : memref<32x80x128xi32, #tpu.memory_space<hbm>> -> memref<1x1x128xi32, #tpu.memory_space<hbm>>
    %dma_start3A_39 = tpu.memref_squeeze %dma_start3A_38 : memref<1x1x128xi32, #tpu.memory_space<hbm>> -> memref<128xi32, #tpu.memory_space<hbm>>
    %dma_start3A_40 = arith.constant 0 : i32
    %dma_start3A_41 = tpu.memref_slice %arg9[%dma_start3A_33, %dma_start3A_40] : memref<2x128xi32, #tpu.memory_space<vmem>> -> memref<1x128xi32, #tpu.memory_space<vmem>>
    %dma_start3A_42 = tpu.memref_squeeze %dma_start3A_41 : memref<1x128xi32, #tpu.memory_space<vmem>> -> memref<128xi32, #tpu.memory_space<vmem>>
    %dma_start3A_43 = arith.constant 0 : i32
    %dma_start3A_44 = tpu.memref_slice %arg4[%add3A, %dma_start3A_32, %dma_start3A_43] : memref<32x80x128xi32, #tpu.memory_space<hbm>> -> memref<1x1x128xi32, #tpu.memory_space<hbm>>
    %dma_start3A_45 = tpu.memref_squeeze %dma_start3A_44 : memref<1x1x128xi32, #tpu.memory_space<hbm>> -> memref<128xi32, #tpu.memory_space<hbm>>
    tpu.enqueue_dma source(%dma_start3A_45 : memref<128xi32, #tpu.memory_space<hbm>>) target(%dma_start3A_42 : memref<128xi32, #tpu.memory_space<vmem>>) target_semaphore(%arg16 : memref<!tpu.dma_semaphore, #tpu.memory_space<semaphore_mem>>)
    %scan3A = arith.constant 0 : i32
    %scan3A_46 = arith.constant 39 : i32
    %scan3A_47 = arith.addi %scan3A, %scan3A_46 : i32
    %scan3A_48 = arith.constant 1 : i32
    scf.for %scan3A_107 = %scan3A to %scan3A_47 step %scan3A_48  : i32 {
      %mul3A_108 = arith.constant 2 : i32
      %mul3A_109 = arith.muli %scan3A_107, %mul3A_108 : i32
      %add3A_110 = arith.constant 0 : i32
      %add3A_111 = arith.addi %mul3A_109, %add3A_110 : i32
      %dma_wait3A_112 = arith.constant 0 : i32
      %dma_wait3A_113 = tpu.memref_slice %arg8[%add3A_111, %dma_wait3A_112] : memref<80x128xi32, #tpu.memory_space<vmem>> -> memref<1x128xi32, #tpu.memory_space<vmem>>
      %dma_wait3A_114 = tpu.memref_squeeze %dma_wait3A_113 : memref<1x128xi32, #tpu.memory_space<vmem>> -> memref<128xi32, #tpu.memory_space<vmem>>
      %dma_wait3A_115 = arith.constant 0 : i32
      %dma_wait3A_116 = arith.constant 0 : i32
      %dma_wait3A_117 = tpu.memref_slice %arg2[%dma_wait3A_115, %dma_wait3A_116] : memref<10000x64xi32, #tpu.memory_space<hbm>> -> memref<10000x64xi32, #tpu.memory_space<hbm>>
      tpu.wait_indirect_dma semaphore(%arg13 : memref<!tpu.dma_semaphore, #tpu.memory_space<semaphore_mem>>) src(%dma_wait3A_117 : memref<10000x64xi32, #tpu.memory_space<hbm>>) dst(%arg10 : memref<128x64xi32, #tpu.memory_space<vmem>>)
      %dma_wait3A_118 = arith.constant 0 : i32
      %dma_wait3A_119 = arith.constant 0 : i32
      %dma_wait3A_120 = tpu.memref_slice %arg9[%dma_wait3A_118, %dma_wait3A_119] : memref<2x128xi32, #tpu.memory_space<vmem>> -> memref<1x128xi32, #tpu.memory_space<vmem>>
      %dma_wait3A_121 = tpu.memref_squeeze %dma_wait3A_120 : memref<1x128xi32, #tpu.memory_space<vmem>> -> memref<128xi32, #tpu.memory_space<vmem>>
      %dma_wait3A_122 = arith.constant 0 : i32
      %dma_wait3A_123 = tpu.memref_slice %arg4[%add3A, %add3A_111, %dma_wait3A_122] : memref<32x80x128xi32, #tpu.memory_space<hbm>> -> memref<1x1x128xi32, #tpu.memory_space<hbm>>
      %dma_wait3A_124 = tpu.memref_squeeze %dma_wait3A_123 : memref<1x1x128xi32, #tpu.memory_space<hbm>> -> memref<128xi32, #tpu.memory_space<hbm>>
      %dma_wait3A_125 = arith.constant 0 : i32
      %dma_wait3A_126 = tpu.memref_slice %arg9[%dma_wait3A_118, %dma_wait3A_125] : memref<2x128xi32, #tpu.memory_space<vmem>> -> memref<1x128xi32, #tpu.memory_space<vmem>>
      %dma_wait3A_127 = tpu.memref_squeeze %dma_wait3A_126 : memref<1x128xi32, #tpu.memory_space<vmem>> -> memref<128xi32, #tpu.memory_space<vmem>>
      %dma_wait3A_128 = arith.constant 0 : i32
      %dma_wait3A_129 = tpu.memref_slice %arg4[%add3A, %add3A_111, %dma_wait3A_128] : memref<32x80x128xi32, #tpu.memory_space<hbm>> -> memref<1x1x128xi32, #tpu.memory_space<hbm>>
      %dma_wait3A_130 = tpu.memref_squeeze %dma_wait3A_129 : memref<1x1x128xi32, #tpu.memory_space<hbm>> -> memref<128xi32, #tpu.memory_space<hbm>>
      tpu.wait_dma2 semaphore(%arg15 : memref<!tpu.dma_semaphore, #tpu.memory_space<semaphore_mem>>) src(%dma_wait3A_130 : memref<128xi32, #tpu.memory_space<hbm>>) dst(%dma_wait3A_127 : memref<128xi32, #tpu.memory_space<vmem>>)
      %scan3A_131 = arith.constant 0 : i32
      %scan3A_132 = arith.constant 128 : i32
      %scan3A_133 = arith.addi %scan3A_131, %scan3A_132 : i32
      %scan3A_134 = arith.constant 1 : i32
      scf.for %scan3A_208 = %scan3A_131 to %scan3A_133 step %scan3A_134  : i32 {
        %get3A = arith.index_cast %scan3A_208 : i32 to index
        %get3A_209 = arith.constant 0 : index
        %get3A_210 = tpu.vector_load %arg10[%get3A, %get3A_209] {strides = array<i32>} : memref<128x64xi32, #tpu.memory_space<vmem>>, vector<16xi32>,
        %shift_left3A = arith.constant 16 : i32
        %shift_left3A_211 = vector.broadcast %shift_left3A : i32 to vector<16xi32>
        %shift_left3A_212 = arith.shli %get3A_210, %shift_left3A_211 : vector<16xi32>
        %bitcast3A = vector.bitcast %shift_left3A_212 : vector<16xi32> to vector<16xf32>
        %and3A = arith.constant -65536 : i32
        %and3A_213 = vector.broadcast %and3A : i32 to vector<16xi32>
        %and3A_214 = arith.andi %get3A_210, %and3A_213 : vector<16xi32>
        %bitcast3A_215 = vector.bitcast %and3A_214 : vector<16xi32> to vector<16xf32>
        %swap3A = arith.index_cast %scan3A_208 : i32 to index
        %swap3A_216 = arith.constant 0 : index
        %swap3A_217 = tpu.vector_load %arg12[%swap3A, %swap3A_216] {strides = array<i32>} : memref<128x128xf32, #tpu.memory_space<vmem>>, vector<16xf32>,
        tpu.vector_store %arg12[%swap3A, %swap3A_216], %bitcast3A {strides = array<i32>} : memref<128x128xf32, #tpu.memory_space<vmem>>, vector<16xf32>,
        %swap3A_218 = arith.index_cast %scan3A_208 : i32 to index
        %swap3A_219 = arith.constant 64 : index
        %swap3A_220 = tpu.vector_load %arg12[%swap3A_218, %swap3A_219] {strides = array<i32>} : memref<128x128xf32, #tpu.memory_space<vmem>>, vector<16xf32>,
        tpu.vector_store %arg12[%swap3A_218, %swap3A_219], %bitcast3A_215 {strides = array<i32>} : memref<128x128xf32, #tpu.memory_space<vmem>>, vector<16xf32>,
        %get3A_221 = arith.index_cast %scan3A_208 : i32 to index
        %get3A_222 = arith.constant 16 : index
        %get3A_223 = tpu.vector_load %arg10[%get3A_221, %get3A_222] {strides = array<i32>} : memref<128x64xi32, #tpu.memory_space<vmem>>, vector<16xi32>,
        %shift_left3A_224 = arith.constant 16 : i32
        %shift_left3A_225 = vector.broadcast %shift_left3A_224 : i32 to vector<16xi32>
        %shift_left3A_226 = arith.shli %get3A_223, %shift_left3A_225 : vector<16xi32>
        %bitcast3A_227 = vector.bitcast %shift_left3A_226 : vector<16xi32> to vector<16xf32>
        %and3A_228 = arith.constant -65536 : i32
        %and3A_229 = vector.broadcast %and3A_228 : i32 to vector<16xi32>
        %and3A_230 = arith.andi %get3A_223, %and3A_229 : vector<16xi32>
        %bitcast3A_231 = vector.bitcast %and3A_230 : vector<16xi32> to vector<16xf32>
        %swap3A_232 = arith.index_cast %scan3A_208 : i32 to index
        %swap3A_233 = arith.constant 16 : index
        %swap3A_234 = tpu.vector_load %arg12[%swap3A_232, %swap3A_233] {strides = array<i32>} : memref<128x128xf32, #tpu.memory_space<vmem>>, vector<16xf32>,
        tpu.vector_store %arg12[%swap3A_232, %swap3A_233], %bitcast3A_227 {strides = array<i32>} : memref<128x128xf32, #tpu.memory_space<vmem>>, vector<16xf32>,
        %swap3A_235 = arith.index_cast %scan3A_208 : i32 to index
        %swap3A_236 = arith.constant 80 : index
        %swap3A_237 = tpu.vector_load %arg12[%swap3A_235, %swap3A_236] {strides = array<i32>} : memref<128x128xf32, #tpu.memory_space<vmem>>, vector<16xf32>,
        tpu.vector_store %arg12[%swap3A_235, %swap3A_236], %bitcast3A_231 {strides = array<i32>} : memref<128x128xf32, #tpu.memory_space<vmem>>, vector<16xf32>,
        %get3A_238 = arith.index_cast %scan3A_208 : i32 to index
        %get3A_239 = arith.constant 32 : index
        %get3A_240 = tpu.vector_load %arg10[%get3A_238, %get3A_239] {strides = array<i32>} : memref<128x64xi32, #tpu.memory_space<vmem>>, vector<16xi32>,
        %shift_left3A_241 = arith.constant 16 : i32
        %shift_left3A_242 = vector.broadcast %shift_left3A_241 : i32 to vector<16xi32>
        %shift_left3A_243 = arith.shli %get3A_240, %shift_left3A_242 : vector<16xi32>
        %bitcast3A_244 = vector.bitcast %shift_left3A_243 : vector<16xi32> to vector<16xf32>
        %and3A_245 = arith.constant -65536 : i32
        %and3A_246 = vector.broadcast %and3A_245 : i32 to vector<16xi32>
        %and3A_247 = arith.andi %get3A_240, %and3A_246 : vector<16xi32>
        %bitcast3A_248 = vector.bitcast %and3A_247 : vector<16xi32> to vector<16xf32>
        %swap3A_249 = arith.index_cast %scan3A_208 : i32 to index
        %swap3A_250 = arith.constant 32 : index
        %swap3A_251 = tpu.vector_load %arg12[%swap3A_249, %swap3A_250] {strides = array<i32>} : memref<128x128xf32, #tpu.memory_space<vmem>>, vector<16xf32>,
        tpu.vector_store %arg12[%swap3A_249, %swap3A_250], %bitcast3A_244 {strides = array<i32>} : memref<128x128xf32, #tpu.memory_space<vmem>>, vector<16xf32>,
        %swap3A_252 = arith.index_cast %scan3A_208 : i32 to index
        %swap3A_253 = arith.constant 96 : index
        %swap3A_254 = tpu.vector_load %arg12[%swap3A_252, %swap3A_253] {strides = array<i32>} : memref<128x128xf32, #tpu.memory_space<vmem>>, vector<16xf32>,
        tpu.vector_store %arg12[%swap3A_252, %swap3A_253], %bitcast3A_248 {strides = array<i32>} : memref<128x128xf32, #tpu.memory_space<vmem>>, vector<16xf32>,
        %get3A_255 = arith.index_cast %scan3A_208 : i32 to index
        %get3A_256 = arith.constant 48 : index
        %get3A_257 = tpu.vector_load %arg10[%get3A_255, %get3A_256] {strides = array<i32>} : memref<128x64xi32, #tpu.memory_space<vmem>>, vector<16xi32>,
        %shift_left3A_258 = arith.constant 16 : i32
        %shift_left3A_259 = vector.broadcast %shift_left3A_258 : i32 to vector<16xi32>
        %shift_left3A_260 = arith.shli %get3A_257, %shift_left3A_259 : vector<16xi32>
        %bitcast3A_261 = vector.bitcast %shift_left3A_260 : vector<16xi32> to vector<16xf32>
        %and3A_262 = arith.constant -65536 : i32
        %and3A_263 = vector.broadcast %and3A_262 : i32 to vector<16xi32>
        %and3A_264 = arith.andi %get3A_257, %and3A_263 : vector<16xi32>
        %bitcast3A_265 = vector.bitcast %and3A_264 : vector<16xi32> to vector<16xf32>
        %swap3A_266 = arith.index_cast %scan3A_208 : i32 to index
        %swap3A_267 = arith.constant 48 : index
        %swap3A_268 = tpu.vector_load %arg12[%swap3A_266, %swap3A_267] {strides = array<i32>} : memref<128x128xf32, #tpu.memory_space<vmem>>, vector<16xf32>,
        tpu.vector_store %arg12[%swap3A_266, %swap3A_267], %bitcast3A_261 {strides = array<i32>} : memref<128x128xf32, #tpu.memory_space<vmem>>, vector<16xf32>,
        %swap3A_269 = arith.index_cast %scan3A_208 : i32 to index
        %swap3A_270 = arith.constant 112 : index
        %swap3A_271 = tpu.vector_load %arg12[%swap3A_269, %swap3A_270] {strides = array<i32>} : memref<128x128xf32, #tpu.memory_space<vmem>>, vector<16xf32>,
        tpu.vector_store %arg12[%swap3A_269, %swap3A_270], %bitcast3A_265 {strides = array<i32>} : memref<128x128xf32, #tpu.memory_space<vmem>>, vector<16xf32>,
      }
      %scan3A_135 = arith.constant 128 : i32
      %add3A_136 = arith.constant 2 : i32
      %add3A_137 = arith.addi %add3A_111, %add3A_136 : i32
      %dma_start3A_138 = arith.constant 0 : i32
      %dma_start3A_139 = tpu.memref_slice %arg8[%add3A_137, %dma_start3A_138] : memref<80x128xi32, #tpu.memory_space<vmem>> -> memref<1x128xi32, #tpu.memory_space<vmem>>
      %dma_start3A_140 = tpu.memref_squeeze %dma_start3A_139 : memref<1x128xi32, #tpu.memory_space<vmem>> -> memref<128xi32, #tpu.memory_space<vmem>>
      %dma_start3A_141 = arith.constant 0 : i32
      %dma_start3A_142 = arith.constant 0 : i32
      %dma_start3A_143 = tpu.memref_slice %arg2[%dma_start3A_141, %dma_start3A_142] : memref<10000x64xi32, #tpu.memory_space<hbm>> -> memref<10000x64xi32, #tpu.memory_space<hbm>>
      tpu.enqueue_indirect_dma source(%dma_start3A_143 : memref<10000x64xi32, #tpu.memory_space<hbm>>) target(%arg10 : memref<128x64xi32, #tpu.memory_space<vmem>>) offsets(%dma_start3A_140 : memref<128xi32, #tpu.memory_space<vmem>>) semaphore(%arg13 : memref<!tpu.dma_semaphore, #tpu.memory_space<semaphore_mem>>)
      %dma_start3A_144 = arith.constant 0 : i32
      %dma_start3A_145 = arith.constant 0 : i32
      %dma_start3A_146 = tpu.memref_slice %arg9[%dma_start3A_144, %dma_start3A_145] : memref<2x128xi32, #tpu.memory_space<vmem>> -> memref<1x128xi32, #tpu.memory_space<vmem>>
      %dma_start3A_147 = tpu.memref_squeeze %dma_start3A_146 : memref<1x128xi32, #tpu.memory_space<vmem>> -> memref<128xi32, #tpu.memory_space<vmem>>
      %dma_start3A_148 = arith.constant 0 : i32
      %dma_start3A_149 = tpu.memref_slice %arg4[%add3A, %add3A_137, %dma_start3A_148] : memref<32x80x128xi32, #tpu.memory_space<hbm>> -> memref<1x1x128xi32, #tpu.memory_space<hbm>>
      %dma_start3A_150 = tpu.memref_squeeze %dma_start3A_149 : memref<1x1x128xi32, #tpu.memory_space<hbm>> -> memref<128xi32, #tpu.memory_space<hbm>>
      %dma_start3A_151 = arith.constant 0 : i32
      %dma_start3A_152 = tpu.memref_slice %arg9[%dma_start3A_144, %dma_start3A_151] : memref<2x128xi32, #tpu.memory_space<vmem>> -> memref<1x128xi32, #tpu.memory_space<vmem>>
      %dma_start3A_153 = tpu.memref_squeeze %dma_start3A_152 : memref<1x128xi32, #tpu.memory_space<vmem>> -> memref<128xi32, #tpu.memory_space<vmem>>
      %dma_start3A_154 = arith.constant 0 : i32
      %dma_start3A_155 = tpu.memref_slice %arg4[%add3A, %add3A_137, %dma_start3A_154] : memref<32x80x128xi32, #tpu.memory_space<hbm>> -> memref<1x1x128xi32, #tpu.memory_space<hbm>>
      %dma_start3A_156 = tpu.memref_squeeze %dma_start3A_155 : memref<1x1x128xi32, #tpu.memory_space<hbm>> -> memref<128xi32, #tpu.memory_space<hbm>>
      tpu.enqueue_dma source(%dma_start3A_156 : memref<128xi32, #tpu.memory_space<hbm>>) target(%dma_start3A_153 : memref<128xi32, #tpu.memory_space<vmem>>) target_semaphore(%arg15 : memref<!tpu.dma_semaphore, #tpu.memory_space<semaphore_mem>>)
      %run_scoped3A_157 = arith.constant 0 : i32
      "tpu.region"() ({
        %run_scoped3A_208 = tpu.sem_alloc : memref<!tpu.dma_semaphore, #tpu.memory_space<semaphore_mem>>
        %dma_start3A_209 = arith.constant 0 : i32
        %dma_start3A_210 = tpu.memref_slice %arg9[%run_scoped3A_157, %dma_start3A_209] : memref<2x128xi32, #tpu.memory_space<vmem>> -> memref<1x128xi32, #tpu.memory_space<vmem>>
        %dma_start3A_211 = tpu.memref_squeeze %dma_start3A_210 : memref<1x128xi32, #tpu.memory_space<vmem>> -> memref<128xi32, #tpu.memory_space<vmem>>
        %dma_start3A_212 = arith.constant 0 : i32
        %dma_start3A_213 = arith.constant 0 : i32
        %dma_start3A_214 = tpu.memref_slice %arg7[%dma_start3A_212, %dma_start3A_213] : memref<10112x128xf32, #tpu.memory_space<vmem_shared>> -> memref<10112x128xf32, #tpu.memory_space<vmem_shared>>
        tpu.enqueue_indirect_dma source(%arg12 : memref<128x128xf32, #tpu.memory_space<vmem>>) target(%dma_start3A_214 : memref<10112x128xf32, #tpu.memory_space<vmem_shared>>) offsets(%dma_start3A_211 : memref<128xi32, #tpu.memory_space<vmem>>) semaphore(%run_scoped3A_208 : memref<!tpu.dma_semaphore, #tpu.memory_space<semaphore_mem>>) {add = true}
        %dma_wait3A_215 = arith.constant 0 : i32
        %dma_wait3A_216 = tpu.memref_slice %arg9[%run_scoped3A_157, %dma_wait3A_215] : memref<2x128xi32, #tpu.memory_space<vmem>> -> memref<1x128xi32, #tpu.memory_space<vmem>>
        %dma_wait3A_217 = tpu.memref_squeeze %dma_wait3A_216 : memref<1x128xi32, #tpu.memory_space<vmem>> -> memref<128xi32, #tpu.memory_space<vmem>>
        %dma_wait3A_218 = arith.constant 0 : i32
        %dma_wait3A_219 = arith.constant 0 : i32
        %dma_wait3A_220 = tpu.memref_slice %arg7[%dma_wait3A_218, %dma_wait3A_219] : memref<10112x128xf32, #tpu.memory_space<vmem_shared>> -> memref<10112x128xf32, #tpu.memory_space<vmem_shared>>
        tpu.wait_indirect_dma semaphore(%run_scoped3A_208 : memref<!tpu.dma_semaphore, #tpu.memory_space<semaphore_mem>>) src(%arg12 : memref<128x128xf32, #tpu.memory_space<vmem>>) dst(%dma_wait3A_220 : memref<10112x128xf32, #tpu.memory_space<vmem_shared>>)
        tpu.yield
      }) : () -> ()
      %mul3A_158 = arith.constant 2 : i32
      %mul3A_159 = arith.muli %scan3A_107, %mul3A_158 : i32
      %add3A_160 = arith.constant 1 : i32
      %add3A_161 = arith.addi %mul3A_159, %add3A_160 : i32
      %dma_wait3A_162 = arith.constant 0 : i32
      %dma_wait3A_163 = tpu.memref_slice %arg8[%add3A_161, %dma_wait3A_162] : memref<80x128xi32, #tpu.memory_space<vmem>> -> memref<1x128xi32, #tpu.memory_space<vmem>>
      %dma_wait3A_164 = tpu.memref_squeeze %dma_wait3A_163 : memref<1x128xi32, #tpu.memory_space<vmem>> -> memref<128xi32, #tpu.memory_space<vmem>>
      %dma_wait3A_165 = arith.constant 0 : i32
      %dma_wait3A_166 = arith.constant 0 : i32
      %dma_wait3A_167 = tpu.memref_slice %arg2[%dma_wait3A_165, %dma_wait3A_166] : memref<10000x64xi32, #tpu.memory_space<hbm>> -> memref<10000x64xi32, #tpu.memory_space<hbm>>
      tpu.wait_indirect_dma semaphore(%arg14 : memref<!tpu.dma_semaphore, #tpu.memory_space<semaphore_mem>>) src(%dma_wait3A_167 : memref<10000x64xi32, #tpu.memory_space<hbm>>) dst(%arg11 : memref<128x64xi32, #tpu.memory_space<vmem>>)
      %dma_wait3A_168 = arith.constant 1 : i32
      %dma_wait3A_169 = arith.constant 0 : i32
      %dma_wait3A_170 = tpu.memref_slice %arg9[%dma_wait3A_168, %dma_wait3A_169] : memref<2x128xi32, #tpu.memory_space<vmem>> -> memref<1x128xi32, #tpu.memory_space<vmem>>
      %dma_wait3A_171 = tpu.memref_squeeze %dma_wait3A_170 : memref<1x128xi32, #tpu.memory_space<vmem>> -> memref<128xi32, #tpu.memory_space<vmem>>
      %dma_wait3A_172 = arith.constant 0 : i32
      %dma_wait3A_173 = tpu.memref_slice %arg4[%add3A, %add3A_161, %dma_wait3A_172] : memref<32x80x128xi32, #tpu.memory_space<hbm>> -> memref<1x1x128xi32, #tpu.memory_space<hbm>>
      %dma_wait3A_174 = tpu.memref_squeeze %dma_wait3A_173 : memref<1x1x128xi32, #tpu.memory_space<hbm>> -> memref<128xi32, #tpu.memory_space<hbm>>
      %dma_wait3A_175 = arith.constant 0 : i32
      %dma_wait3A_176 = tpu.memref_slice %arg9[%dma_wait3A_168, %dma_wait3A_175] : memref<2x128xi32, #tpu.memory_space<vmem>> -> memref<1x128xi32, #tpu.memory_space<vmem>>
      %dma_wait3A_177 = tpu.memref_squeeze %dma_wait3A_176 : memref<1x128xi32, #tpu.memory_space<vmem>> -> memref<128xi32, #tpu.memory_space<vmem>>
      %dma_wait3A_178 = arith.constant 0 : i32
      %dma_wait3A_179 = tpu.memref_slice %arg4[%add3A, %add3A_161, %dma_wait3A_178] : memref<32x80x128xi32, #tpu.memory_space<hbm>> -> memref<1x1x128xi32, #tpu.memory_space<hbm>>
      %dma_wait3A_180 = tpu.memref_squeeze %dma_wait3A_179 : memref<1x1x128xi32, #tpu.memory_space<hbm>> -> memref<128xi32, #tpu.memory_space<hbm>>
      tpu.wait_dma2 semaphore(%arg16 : memref<!tpu.dma_semaphore, #tpu.memory_space<semaphore_mem>>) src(%dma_wait3A_180 : memref<128xi32, #tpu.memory_space<hbm>>) dst(%dma_wait3A_177 : memref<128xi32, #tpu.memory_space<vmem>>)
      %scan3A_181 = arith.constant 0 : i32
      %scan3A_182 = arith.constant 128 : i32
      %scan3A_183 = arith.addi %scan3A_181, %scan3A_182 : i32
      %scan3A_184 = arith.constant 1 : i32
      scf.for %scan3A_208 = %scan3A_181 to %scan3A_183 step %scan3A_184  : i32 {
        %get3A = arith.index_cast %scan3A_208 : i32 to index
        %get3A_209 = arith.constant 0 : index
        %get3A_210 = tpu.vector_load %arg11[%get3A, %get3A_209] {strides = array<i32>} : memref<128x64xi32, #tpu.memory_space<vmem>>, vector<16xi32>,
        %shift_left3A = arith.constant 16 : i32
        %shift_left3A_211 = vector.broadcast %shift_left3A : i32 to vector<16xi32>
        %shift_left3A_212 = arith.shli %get3A_210, %shift_left3A_211 : vector<16xi32>
        %bitcast3A = vector.bitcast %shift_left3A_212 : vector<16xi32> to vector<16xf32>
        %and3A = arith.constant -65536 : i32
        %and3A_213 = vector.broadcast %and3A : i32 to vector<16xi32>
        %and3A_214 = arith.andi %get3A_210, %and3A_213 : vector<16xi32>
        %bitcast3A_215 = vector.bitcast %and3A_214 : vector<16xi32> to vector<16xf32>
        %swap3A = arith.index_cast %scan3A_208 : i32 to index
        %swap3A_216 = arith.constant 0 : index
        %swap3A_217 = tpu.vector_load %arg12[%swap3A, %swap3A_216] {strides = array<i32>} : memref<128x128xf32, #tpu.memory_space<vmem>>, vector<16xf32>,
        tpu.vector_store %arg12[%swap3A, %swap3A_216], %bitcast3A {strides = array<i32>} : memref<128x128xf32, #tpu.memory_space<vmem>>, vector<16xf32>,
        %swap3A_218 = arith.index_cast %scan3A_208 : i32 to index
        %swap3A_219 = arith.constant 64 : index
        %swap3A_220 = tpu.vector_load %arg12[%swap3A_218, %swap3A_219] {strides = array<i32>} : memref<128x128xf32, #tpu.memory_space<vmem>>, vector<16xf32>,
        tpu.vector_store %arg12[%swap3A_218, %swap3A_219], %bitcast3A_215 {strides = array<i32>} : memref<128x128xf32, #tpu.memory_space<vmem>>, vector<16xf32>,
        %get3A_221 = arith.index_cast %scan3A_208 : i32 to index
        %get3A_222 = arith.constant 16 : index
        %get3A_223 = tpu.vector_load %arg11[%get3A_221, %get3A_222] {strides = array<i32>} : memref<128x64xi32, #tpu.memory_space<vmem>>, vector<16xi32>,
        %shift_left3A_224 = arith.constant 16 : i32
        %shift_left3A_225 = vector.broadcast %shift_left3A_224 : i32 to vector<16xi32>
        %shift_left3A_226 = arith.shli %get3A_223, %shift_left3A_225 : vector<16xi32>
        %bitcast3A_227 = vector.bitcast %shift_left3A_226 : vector<16xi32> to vector<16xf32>
        %and3A_228 = arith.constant -65536 : i32
        %and3A_229 = vector.broadcast %and3A_228 : i32 to vector<16xi32>
        %and3A_230 = arith.andi %get3A_223, %and3A_229 : vector<16xi32>
        %bitcast3A_231 = vector.bitcast %and3A_230 : vector<16xi32> to vector<16xf32>
        %swap3A_232 = arith.index_cast %scan3A_208 : i32 to index
        %swap3A_233 = arith.constant 16 : index
        %swap3A_234 = tpu.vector_load %arg12[%swap3A_232, %swap3A_233] {strides = array<i32>} : memref<128x128xf32, #tpu.memory_space<vmem>>, vector<16xf32>,
        tpu.vector_store %arg12[%swap3A_232, %swap3A_233], %bitcast3A_227 {strides = array<i32>} : memref<128x128xf32, #tpu.memory_space<vmem>>, vector<16xf32>,
        %swap3A_235 = arith.index_cast %scan3A_208 : i32 to index
        %swap3A_236 = arith.constant 80 : index
        %swap3A_237 = tpu.vector_load %arg12[%swap3A_235, %swap3A_236] {strides = array<i32>} : memref<128x128xf32, #tpu.memory_space<vmem>>, vector<16xf32>,
        tpu.vector_store %arg12[%swap3A_235, %swap3A_236], %bitcast3A_231 {strides = array<i32>} : memref<128x128xf32, #tpu.memory_space<vmem>>, vector<16xf32>,
        %get3A_238 = arith.index_cast %scan3A_208 : i32 to index
        %get3A_239 = arith.constant 32 : index
        %get3A_240 = tpu.vector_load %arg11[%get3A_238, %get3A_239] {strides = array<i32>} : memref<128x64xi32, #tpu.memory_space<vmem>>, vector<16xi32>,
        %shift_left3A_241 = arith.constant 16 : i32
        %shift_left3A_242 = vector.broadcast %shift_left3A_241 : i32 to vector<16xi32>
        %shift_left3A_243 = arith.shli %get3A_240, %shift_left3A_242 : vector<16xi32>
        %bitcast3A_244 = vector.bitcast %shift_left3A_243 : vector<16xi32> to vector<16xf32>
        %and3A_245 = arith.constant -65536 : i32
        %and3A_246 = vector.broadcast %and3A_245 : i32 to vector<16xi32>
        %and3A_247 = arith.andi %get3A_240, %and3A_246 : vector<16xi32>
        %bitcast3A_248 = vector.bitcast %and3A_247 : vector<16xi32> to vector<16xf32>
        %swap3A_249 = arith.index_cast %scan3A_208 : i32 to index
        %swap3A_250 = arith.constant 32 : index
        %swap3A_251 = tpu.vector_load %arg12[%swap3A_249, %swap3A_250] {strides = array<i32>} : memref<128x128xf32, #tpu.memory_space<vmem>>, vector<16xf32>,
        tpu.vector_store %arg12[%swap3A_249, %swap3A_250], %bitcast3A_244 {strides = array<i32>} : memref<128x128xf32, #tpu.memory_space<vmem>>, vector<16xf32>,
        %swap3A_252 = arith.index_cast %scan3A_208 : i32 to index
        %swap3A_253 = arith.constant 96 : index
        %swap3A_254 = tpu.vector_load %arg12[%swap3A_252, %swap3A_253] {strides = array<i32>} : memref<128x128xf32, #tpu.memory_space<vmem>>, vector<16xf32>,
        tpu.vector_store %arg12[%swap3A_252, %swap3A_253], %bitcast3A_248 {strides = array<i32>} : memref<128x128xf32, #tpu.memory_space<vmem>>, vector<16xf32>,
        %get3A_255 = arith.index_cast %scan3A_208 : i32 to index
        %get3A_256 = arith.constant 48 : index
        %get3A_257 = tpu.vector_load %arg11[%get3A_255, %get3A_256] {strides = array<i32>} : memref<128x64xi32, #tpu.memory_space<vmem>>, vector<16xi32>,
        %shift_left3A_258 = arith.constant 16 : i32
        %shift_left3A_259 = vector.broadcast %shift_left3A_258 : i32 to vector<16xi32>
        %shift_left3A_260 = arith.shli %get3A_257, %shift_left3A_259 : vector<16xi32>
        %bitcast3A_261 = vector.bitcast %shift_left3A_260 : vector<16xi32> to vector<16xf32>
        %and3A_262 = arith.constant -65536 : i32
        %and3A_263 = vector.broadcast %and3A_262 : i32 to vector<16xi32>
        %and3A_264 = arith.andi %get3A_257, %and3A_263 : vector<16xi32>
        %bitcast3A_265 = vector.bitcast %and3A_264 : vector<16xi32> to vector<16xf32>
        %swap3A_266 = arith.index_cast %scan3A_208 : i32 to index
        %swap3A_267 = arith.constant 48 : index
        %swap3A_268 = tpu.vector_load %arg12[%swap3A_266, %swap3A_267] {strides = array<i32>} : memref<128x128xf32, #tpu.memory_space<vmem>>, vector<16xf32>,
        tpu.vector_store %arg12[%swap3A_266, %swap3A_267], %bitcast3A_261 {strides = array<i32>} : memref<128x128xf32, #tpu.memory_space<vmem>>, vector<16xf32>,
        %swap3A_269 = arith.index_cast %scan3A_208 : i32 to index
        %swap3A_270 = arith.constant 112 : index
        %swap3A_271 = tpu.vector_load %arg12[%swap3A_269, %swap3A_270] {strides = array<i32>} : memref<128x128xf32, #tpu.memory_space<vmem>>, vector<16xf32>,
        tpu.vector_store %arg12[%swap3A_269, %swap3A_270], %bitcast3A_265 {strides = array<i32>} : memref<128x128xf32, #tpu.memory_space<vmem>>, vector<16xf32>,
      }
      %scan3A_185 = arith.constant 128 : i32
      %add3A_186 = arith.constant 2 : i32
      %add3A_187 = arith.addi %add3A_161, %add3A_186 : i32
      %dma_start3A_188 = arith.constant 0 : i32
      %dma_start3A_189 = tpu.memref_slice %arg8[%add3A_187, %dma_start3A_188] : memref<80x128xi32, #tpu.memory_space<vmem>> -> memref<1x128xi32, #tpu.memory_space<vmem>>
      %dma_start3A_190 = tpu.memref_squeeze %dma_start3A_189 : memref<1x128xi32, #tpu.memory_space<vmem>> -> memref<128xi32, #tpu.memory_space<vmem>>
      %dma_start3A_191 = arith.constant 0 : i32
      %dma_start3A_192 = arith.constant 0 : i32
      %dma_start3A_193 = tpu.memref_slice %arg2[%dma_start3A_191, %dma_start3A_192] : memref<10000x64xi32, #tpu.memory_space<hbm>> -> memref<10000x64xi32, #tpu.memory_space<hbm>>
      tpu.enqueue_indirect_dma source(%dma_start3A_193 : memref<10000x64xi32, #tpu.memory_space<hbm>>) target(%arg11 : memref<128x64xi32, #tpu.memory_space<vmem>>) offsets(%dma_start3A_190 : memref<128xi32, #tpu.memory_space<vmem>>) semaphore(%arg14 : memref<!tpu.dma_semaphore, #tpu.memory_space<semaphore_mem>>)
      %dma_start3A_194 = arith.constant 1 : i32
      %dma_start3A_195 = arith.constant 0 : i32
      %dma_start3A_196 = tpu.memref_slice %arg9[%dma_start3A_194, %dma_start3A_195] : memref<2x128xi32, #tpu.memory_space<vmem>> -> memref<1x128xi32, #tpu.memory_space<vmem>>
      %dma_start3A_197 = tpu.memref_squeeze %dma_start3A_196 : memref<1x128xi32, #tpu.memory_space<vmem>> -> memref<128xi32, #tpu.memory_space<vmem>>
      %dma_start3A_198 = arith.constant 0 : i32
      %dma_start3A_199 = tpu.memref_slice %arg4[%add3A, %add3A_187, %dma_start3A_198] : memref<32x80x128xi32, #tpu.memory_space<hbm>> -> memref<1x1x128xi32, #tpu.memory_space<hbm>>
      %dma_start3A_200 = tpu.memref_squeeze %dma_start3A_199 : memref<1x1x128xi32, #tpu.memory_space<hbm>> -> memref<128xi32, #tpu.memory_space<hbm>>
      %dma_start3A_201 = arith.constant 0 : i32
      %dma_start3A_202 = tpu.memref_slice %arg9[%dma_start3A_194, %dma_start3A_201] : memref<2x128xi32, #tpu.memory_space<vmem>> -> memref<1x128xi32, #tpu.memory_space<vmem>>
      %dma_start3A_203 = tpu.memref_squeeze %dma_start3A_202 : memref<1x128xi32, #tpu.memory_space<vmem>> -> memref<128xi32, #tpu.memory_space<vmem>>
      %dma_start3A_204 = arith.constant 0 : i32
      %dma_start3A_205 = tpu.memref_slice %arg4[%add3A, %add3A_187, %dma_start3A_204] : memref<32x80x128xi32, #tpu.memory_space<hbm>> -> memref<1x1x128xi32, #tpu.memory_space<hbm>>
      %dma_start3A_206 = tpu.memref_squeeze %dma_start3A_205 : memref<1x1x128xi32, #tpu.memory_space<hbm>> -> memref<128xi32, #tpu.memory_space<hbm>>
      tpu.enqueue_dma source(%dma_start3A_206 : memref<128xi32, #tpu.memory_space<hbm>>) target(%dma_start3A_203 : memref<128xi32, #tpu.memory_space<vmem>>) target_semaphore(%arg16 : memref<!tpu.dma_semaphore, #tpu.memory_space<semaphore_mem>>)
      %run_scoped3A_207 = arith.constant 1 : i32
      "tpu.region"() ({
        %run_scoped3A_208 = tpu.sem_alloc : memref<!tpu.dma_semaphore, #tpu.memory_space<semaphore_mem>>
        %dma_start3A_209 = arith.constant 0 : i32
        %dma_start3A_210 = tpu.memref_slice %arg9[%run_scoped3A_207, %dma_start3A_209] : memref<2x128xi32, #tpu.memory_space<vmem>> -> memref<1x128xi32, #tpu.memory_space<vmem>>
        %dma_start3A_211 = tpu.memref_squeeze %dma_start3A_210 : memref<1x128xi32, #tpu.memory_space<vmem>> -> memref<128xi32, #tpu.memory_space<vmem>>
        %dma_start3A_212 = arith.constant 0 : i32
        %dma_start3A_213 = arith.constant 0 : i32
        %dma_start3A_214 = tpu.memref_slice %arg7[%dma_start3A_212, %dma_start3A_213] : memref<10112x128xf32, #tpu.memory_space<vmem_shared>> -> memref<10112x128xf32, #tpu.memory_space<vmem_shared>>
        tpu.enqueue_indirect_dma source(%arg12 : memref<128x128xf32, #tpu.memory_space<vmem>>) target(%dma_start3A_214 : memref<10112x128xf32, #tpu.memory_space<vmem_shared>>) offsets(%dma_start3A_211 : memref<128xi32, #tpu.memory_space<vmem>>) semaphore(%run_scoped3A_208 : memref<!tpu.dma_semaphore, #tpu.memory_space<semaphore_mem>>) {add = true}
        %dma_wait3A_215 = arith.constant 0 : i32
        %dma_wait3A_216 = tpu.memref_slice %arg9[%run_scoped3A_207, %dma_wait3A_215] : memref<2x128xi32, #tpu.memory_space<vmem>> -> memref<1x128xi32, #tpu.memory_space<vmem>>
        %dma_wait3A_217 = tpu.memref_squeeze %dma_wait3A_216 : memref<1x128xi32, #tpu.memory_space<vmem>> -> memref<128xi32, #tpu.memory_space<vmem>>
        %dma_wait3A_218 = arith.constant 0 : i32
        %dma_wait3A_219 = arith.constant 0 : i32
        %dma_wait3A_220 = tpu.memref_slice %arg7[%dma_wait3A_218, %dma_wait3A_219] : memref<10112x128xf32, #tpu.memory_space<vmem_shared>> -> memref<10112x128xf32, #tpu.memory_space<vmem_shared>>
        tpu.wait_indirect_dma semaphore(%run_scoped3A_208 : memref<!tpu.dma_semaphore, #tpu.memory_space<semaphore_mem>>) src(%arg12 : memref<128x128xf32, #tpu.memory_space<vmem>>) dst(%dma_wait3A_220 : memref<10112x128xf32, #tpu.memory_space<vmem_shared>>)
        tpu.yield
      }) : () -> ()
    }
    %scan3A_49 = arith.constant 39 : i32
    %dma_wait3A = arith.constant 78 : i32
    %dma_wait3A_50 = arith.constant 0 : i32
    %dma_wait3A_51 = tpu.memref_slice %arg8[%dma_wait3A, %dma_wait3A_50] : memref<80x128xi32, #tpu.memory_space<vmem>> -> memref<1x128xi32, #tpu.memory_space<vmem>>
    %dma_wait3A_52 = tpu.memref_squeeze %dma_wait3A_51 : memref<1x128xi32, #tpu.memory_space<vmem>> -> memref<128xi32, #tpu.memory_space<vmem>>
    %dma_wait3A_53 = arith.constant 0 : i32
    %dma_wait3A_54 = arith.constant 0 : i32
    %dma_wait3A_55 = tpu.memref_slice %arg2[%dma_wait3A_53, %dma_wait3A_54] : memref<10000x64xi32, #tpu.memory_space<hbm>> -> memref<10000x64xi32, #tpu.memory_space<hbm>>
    tpu.wait_indirect_dma semaphore(%arg13 : memref<!tpu.dma_semaphore, #tpu.memory_space<semaphore_mem>>) src(%dma_wait3A_55 : memref<10000x64xi32, #tpu.memory_space<hbm>>) dst(%arg10 : memref<128x64xi32, #tpu.memory_space<vmem>>)
    %dma_wait3A_56 = arith.constant 78 : i32
    %dma_wait3A_57 = arith.constant 0 : i32
    %dma_wait3A_58 = arith.constant 0 : i32
    %dma_wait3A_59 = tpu.memref_slice %arg9[%dma_wait3A_57, %dma_wait3A_58] : memref<2x128xi32, #tpu.memory_space<vmem>> -> memref<1x128xi32, #tpu.memory_space<vmem>>
    %dma_wait3A_60 = tpu.memref_squeeze %dma_wait3A_59 : memref<1x128xi32, #tpu.memory_space<vmem>> -> memref<128xi32, #tpu.memory_space<vmem>>
    %dma_wait3A_61 = arith.constant 0 : i32
    %dma_wait3A_62 = tpu.memref_slice %arg4[%add3A, %dma_wait3A_56, %dma_wait3A_61] : memref<32x80x128xi32, #tpu.memory_space<hbm>> -> memref<1x1x128xi32, #tpu.memory_space<hbm>>
    %dma_wait3A_63 = tpu.memref_squeeze %dma_wait3A_62 : memref<1x1x128xi32, #tpu.memory_space<hbm>> -> memref<128xi32, #tpu.memory_space<hbm>>
    %dma_wait3A_64 = arith.constant 0 : i32
    %dma_wait3A_65 = tpu.memref_slice %arg9[%dma_wait3A_57, %dma_wait3A_64] : memref<2x128xi32, #tpu.memory_space<vmem>> -> memref<1x128xi32, #tpu.memory_space<vmem>>
    %dma_wait3A_66 = tpu.memref_squeeze %dma_wait3A_65 : memref<1x128xi32, #tpu.memory_space<vmem>> -> memref<128xi32, #tpu.memory_space<vmem>>
    %dma_wait3A_67 = arith.constant 0 : i32
    %dma_wait3A_68 = tpu.memref_slice %arg4[%add3A, %dma_wait3A_56, %dma_wait3A_67] : memref<32x80x128xi32, #tpu.memory_space<hbm>> -> memref<1x1x128xi32, #tpu.memory_space<hbm>>
    %dma_wait3A_69 = tpu.memref_squeeze %dma_wait3A_68 : memref<1x1x128xi32, #tpu.memory_space<hbm>> -> memref<128xi32, #tpu.memory_space<hbm>>
    tpu.wait_dma2 semaphore(%arg15 : memref<!tpu.dma_semaphore, #tpu.memory_space<semaphore_mem>>) src(%dma_wait3A_69 : memref<128xi32, #tpu.memory_space<hbm>>) dst(%dma_wait3A_66 : memref<128xi32, #tpu.memory_space<vmem>>)
    %scan3A_70 = arith.constant 0 : i32
    %scan3A_71 = arith.constant 128 : i32
    %scan3A_72 = arith.addi %scan3A_70, %scan3A_71 : i32
    %scan3A_73 = arith.constant 1 : i32
    scf.for %scan3A_107 = %scan3A_70 to %scan3A_72 step %scan3A_73  : i32 {
      %get3A = arith.index_cast %scan3A_107 : i32 to index
      %get3A_108 = arith.constant 0 : index
      %get3A_109 = tpu.vector_load %arg10[%get3A, %get3A_108] {strides = array<i32>} : memref<128x64xi32, #tpu.memory_space<vmem>>, vector<16xi32>,
      %shift_left3A = arith.constant 16 : i32
      %shift_left3A_110 = vector.broadcast %shift_left3A : i32 to vector<16xi32>
      %shift_left3A_111 = arith.shli %get3A_109, %shift_left3A_110 : vector<16xi32>
      %bitcast3A = vector.bitcast %shift_left3A_111 : vector<16xi32> to vector<16xf32>
      %and3A = arith.constant -65536 : i32
      %and3A_112 = vector.broadcast %and3A : i32 to vector<16xi32>
      %and3A_113 = arith.andi %get3A_109, %and3A_112 : vector<16xi32>
      %bitcast3A_114 = vector.bitcast %and3A_113 : vector<16xi32> to vector<16xf32>
      %swap3A = arith.index_cast %scan3A_107 : i32 to index
      %swap3A_115 = arith.constant 0 : index
      %swap3A_116 = tpu.vector_load %arg12[%swap3A, %swap3A_115] {strides = array<i32>} : memref<128x128xf32, #tpu.memory_space<vmem>>, vector<16xf32>,
      tpu.vector_store %arg12[%swap3A, %swap3A_115], %bitcast3A {strides = array<i32>} : memref<128x128xf32, #tpu.memory_space<vmem>>, vector<16xf32>,
      %swap3A_117 = arith.index_cast %scan3A_107 : i32 to index
      %swap3A_118 = arith.constant 64 : index
      %swap3A_119 = tpu.vector_load %arg12[%swap3A_117, %swap3A_118] {strides = array<i32>} : memref<128x128xf32, #tpu.memory_space<vmem>>, vector<16xf32>,
      tpu.vector_store %arg12[%swap3A_117, %swap3A_118], %bitcast3A_114 {strides = array<i32>} : memref<128x128xf32, #tpu.memory_space<vmem>>, vector<16xf32>,
      %get3A_120 = arith.index_cast %scan3A_107 : i32 to index
      %get3A_121 = arith.constant 16 : index
      %get3A_122 = tpu.vector_load %arg10[%get3A_120, %get3A_121] {strides = array<i32>} : memref<128x64xi32, #tpu.memory_space<vmem>>, vector<16xi32>,
      %shift_left3A_123 = arith.constant 16 : i32
      %shift_left3A_124 = vector.broadcast %shift_left3A_123 : i32 to vector<16xi32>
      %shift_left3A_125 = arith.shli %get3A_122, %shift_left3A_124 : vector<16xi32>
      %bitcast3A_126 = vector.bitcast %shift_left3A_125 : vector<16xi32> to vector<16xf32>
      %and3A_127 = arith.constant -65536 : i32
      %and3A_128 = vector.broadcast %and3A_127 : i32 to vector<16xi32>
      %and3A_129 = arith.andi %get3A_122, %and3A_128 : vector<16xi32>
      %bitcast3A_130 = vector.bitcast %and3A_129 : vector<16xi32> to vector<16xf32>
      %swap3A_131 = arith.index_cast %scan3A_107 : i32 to index
      %swap3A_132 = arith.constant 16 : index
      %swap3A_133 = tpu.vector_load %arg12[%swap3A_131, %swap3A_132] {strides = array<i32>} : memref<128x128xf32, #tpu.memory_space<vmem>>, vector<16xf32>,
      tpu.vector_store %arg12[%swap3A_131, %swap3A_132], %bitcast3A_126 {strides = array<i32>} : memref<128x128xf32, #tpu.memory_space<vmem>>, vector<16xf32>,
      %swap3A_134 = arith.index_cast %scan3A_107 : i32 to index
      %swap3A_135 = arith.constant 80 : index
      %swap3A_136 = tpu.vector_load %arg12[%swap3A_134, %swap3A_135] {strides = array<i32>} : memref<128x128xf32, #tpu.memory_space<vmem>>, vector<16xf32>,
      tpu.vector_store %arg12[%swap3A_134, %swap3A_135], %bitcast3A_130 {strides = array<i32>} : memref<128x128xf32, #tpu.memory_space<vmem>>, vector<16xf32>,
      %get3A_137 = arith.index_cast %scan3A_107 : i32 to index
      %get3A_138 = arith.constant 32 : index
      %get3A_139 = tpu.vector_load %arg10[%get3A_137, %get3A_138] {strides = array<i32>} : memref<128x64xi32, #tpu.memory_space<vmem>>, vector<16xi32>,
      %shift_left3A_140 = arith.constant 16 : i32
      %shift_left3A_141 = vector.broadcast %shift_left3A_140 : i32 to vector<16xi32>
      %shift_left3A_142 = arith.shli %get3A_139, %shift_left3A_141 : vector<16xi32>
      %bitcast3A_143 = vector.bitcast %shift_left3A_142 : vector<16xi32> to vector<16xf32>
      %and3A_144 = arith.constant -65536 : i32
      %and3A_145 = vector.broadcast %and3A_144 : i32 to vector<16xi32>
      %and3A_146 = arith.andi %get3A_139, %and3A_145 : vector<16xi32>
      %bitcast3A_147 = vector.bitcast %and3A_146 : vector<16xi32> to vector<16xf32>
      %swap3A_148 = arith.index_cast %scan3A_107 : i32 to index
      %swap3A_149 = arith.constant 32 : index
      %swap3A_150 = tpu.vector_load %arg12[%swap3A_148, %swap3A_149] {strides = array<i32>} : memref<128x128xf32, #tpu.memory_space<vmem>>, vector<16xf32>,
      tpu.vector_store %arg12[%swap3A_148, %swap3A_149], %bitcast3A_143 {strides = array<i32>} : memref<128x128xf32, #tpu.memory_space<vmem>>, vector<16xf32>,
      %swap3A_151 = arith.index_cast %scan3A_107 : i32 to index
      %swap3A_152 = arith.constant 96 : index
      %swap3A_153 = tpu.vector_load %arg12[%swap3A_151, %swap3A_152] {strides = array<i32>} : memref<128x128xf32, #tpu.memory_space<vmem>>, vector<16xf32>,
      tpu.vector_store %arg12[%swap3A_151, %swap3A_152], %bitcast3A_147 {strides = array<i32>} : memref<128x128xf32, #tpu.memory_space<vmem>>, vector<16xf32>,
      %get3A_154 = arith.index_cast %scan3A_107 : i32 to index
      %get3A_155 = arith.constant 48 : index
      %get3A_156 = tpu.vector_load %arg10[%get3A_154, %get3A_155] {strides = array<i32>} : memref<128x64xi32, #tpu.memory_space<vmem>>, vector<16xi32>,
      %shift_left3A_157 = arith.constant 16 : i32
      %shift_left3A_158 = vector.broadcast %shift_left3A_157 : i32 to vector<16xi32>
      %shift_left3A_159 = arith.shli %get3A_156, %shift_left3A_158 : vector<16xi32>
      %bitcast3A_160 = vector.bitcast %shift_left3A_159 : vector<16xi32> to vector<16xf32>
      %and3A_161 = arith.constant -65536 : i32
      %and3A_162 = vector.broadcast %and3A_161 : i32 to vector<16xi32>
      %and3A_163 = arith.andi %get3A_156, %and3A_162 : vector<16xi32>
      %bitcast3A_164 = vector.bitcast %and3A_163 : vector<16xi32> to vector<16xf32>
      %swap3A_165 = arith.index_cast %scan3A_107 : i32 to index
      %swap3A_166 = arith.constant 48 : index
      %swap3A_167 = tpu.vector_load %arg12[%swap3A_165, %swap3A_166] {strides = array<i32>} : memref<128x128xf32, #tpu.memory_space<vmem>>, vector<16xf32>,
      tpu.vector_store %arg12[%swap3A_165, %swap3A_166], %bitcast3A_160 {strides = array<i32>} : memref<128x128xf32, #tpu.memory_space<vmem>>, vector<16xf32>,
      %swap3A_168 = arith.index_cast %scan3A_107 : i32 to index
      %swap3A_169 = arith.constant 112 : index
      %swap3A_170 = tpu.vector_load %arg12[%swap3A_168, %swap3A_169] {strides = array<i32>} : memref<128x128xf32, #tpu.memory_space<vmem>>, vector<16xf32>,
      tpu.vector_store %arg12[%swap3A_168, %swap3A_169], %bitcast3A_164 {strides = array<i32>} : memref<128x128xf32, #tpu.memory_space<vmem>>, vector<16xf32>,
    }
    %scan3A_74 = arith.constant 128 : i32
    %run_scoped3A = arith.constant 0 : i32
    "tpu.region"() ({
      %run_scoped3A_107 = tpu.sem_alloc : memref<!tpu.dma_semaphore, #tpu.memory_space<semaphore_mem>>
      %dma_start3A_108 = arith.constant 0 : i32
      %dma_start3A_109 = tpu.memref_slice %arg9[%run_scoped3A, %dma_start3A_108] : memref<2x128xi32, #tpu.memory_space<vmem>> -> memref<1x128xi32, #tpu.memory_space<vmem>>
      %dma_start3A_110 = tpu.memref_squeeze %dma_start3A_109 : memref<1x128xi32, #tpu.memory_space<vmem>> -> memref<128xi32, #tpu.memory_space<vmem>>
      %dma_start3A_111 = arith.constant 0 : i32
      %dma_start3A_112 = arith.constant 0 : i32
      %dma_start3A_113 = tpu.memref_slice %arg7[%dma_start3A_111, %dma_start3A_112] : memref<10112x128xf32, #tpu.memory_space<vmem_shared>> -> memref<10112x128xf32, #tpu.memory_space<vmem_shared>>
      tpu.enqueue_indirect_dma source(%arg12 : memref<128x128xf32, #tpu.memory_space<vmem>>) target(%dma_start3A_113 : memref<10112x128xf32, #tpu.memory_space<vmem_shared>>) offsets(%dma_start3A_110 : memref<128xi32, #tpu.memory_space<vmem>>) semaphore(%run_scoped3A_107 : memref<!tpu.dma_semaphore, #tpu.memory_space<semaphore_mem>>) {add = true}
      %dma_wait3A_114 = arith.constant 0 : i32
      %dma_wait3A_115 = tpu.memref_slice %arg9[%run_scoped3A, %dma_wait3A_114] : memref<2x128xi32, #tpu.memory_space<vmem>> -> memref<1x128xi32, #tpu.memory_space<vmem>>
      %dma_wait3A_116 = tpu.memref_squeeze %dma_wait3A_115 : memref<1x128xi32, #tpu.memory_space<vmem>> -> memref<128xi32, #tpu.memory_space<vmem>>
      %dma_wait3A_117 = arith.constant 0 : i32
      %dma_wait3A_118 = arith.constant 0 : i32
      %dma_wait3A_119 = tpu.memref_slice %arg7[%dma_wait3A_117, %dma_wait3A_118] : memref<10112x128xf32, #tpu.memory_space<vmem_shared>> -> memref<10112x128xf32, #tpu.memory_space<vmem_shared>>
      tpu.wait_indirect_dma semaphore(%run_scoped3A_107 : memref<!tpu.dma_semaphore, #tpu.memory_space<semaphore_mem>>) src(%arg12 : memref<128x128xf32, #tpu.memory_space<vmem>>) dst(%dma_wait3A_119 : memref<10112x128xf32, #tpu.memory_space<vmem_shared>>)
      tpu.yield
    }) : () -> ()
    %dma_wait3A_75 = arith.constant 79 : i32
    %dma_wait3A_76 = arith.constant 0 : i32
    %dma_wait3A_77 = tpu.memref_slice %arg8[%dma_wait3A_75, %dma_wait3A_76] : memref<80x128xi32, #tpu.memory_space<vmem>> -> memref<1x128xi32, #tpu.memory_space<vmem>>
    %dma_wait3A_78 = tpu.memref_squeeze %dma_wait3A_77 : memref<1x128xi32, #tpu.memory_space<vmem>> -> memref<128xi32, #tpu.memory_space<vmem>>
    %dma_wait3A_79 = arith.constant 0 : i32
    %dma_wait3A_80 = arith.constant 0 : i32
    %dma_wait3A_81 = tpu.memref_slice %arg2[%dma_wait3A_79, %dma_wait3A_80] : memref<10000x64xi32, #tpu.memory_space<hbm>> -> memref<10000x64xi32, #tpu.memory_space<hbm>>
    tpu.wait_indirect_dma semaphore(%arg14 : memref<!tpu.dma_semaphore, #tpu.memory_space<semaphore_mem>>) src(%dma_wait3A_81 : memref<10000x64xi32, #tpu.memory_space<hbm>>) dst(%arg11 : memref<128x64xi32, #tpu.memory_space<vmem>>)
    %dma_wait3A_82 = arith.constant 79 : i32
    %dma_wait3A_83 = arith.constant 1 : i32
    %dma_wait3A_84 = arith.constant 0 : i32
    %dma_wait3A_85 = tpu.memref_slice %arg9[%dma_wait3A_83, %dma_wait3A_84] : memref<2x128xi32, #tpu.memory_space<vmem>> -> memref<1x128xi32, #tpu.memory_space<vmem>>
    %dma_wait3A_86 = tpu.memref_squeeze %dma_wait3A_85 : memref<1x128xi32, #tpu.memory_space<vmem>> -> memref<128xi32, #tpu.memory_space<vmem>>
    %dma_wait3A_87 = arith.constant 0 : i32
    %dma_wait3A_88 = tpu.memref_slice %arg4[%add3A, %dma_wait3A_82, %dma_wait3A_87] : memref<32x80x128xi32, #tpu.memory_space<hbm>> -> memref<1x1x128xi32, #tpu.memory_space<hbm>>
    %dma_wait3A_89 = tpu.memref_squeeze %dma_wait3A_88 : memref<1x1x128xi32, #tpu.memory_space<hbm>> -> memref<128xi32, #tpu.memory_space<hbm>>
    %dma_wait3A_90 = arith.constant 0 : i32
    %dma_wait3A_91 = tpu.memref_slice %arg9[%dma_wait3A_83, %dma_wait3A_90] : memref<2x128xi32, #tpu.memory_space<vmem>> -> memref<1x128xi32, #tpu.memory_space<vmem>>
    %dma_wait3A_92 = tpu.memref_squeeze %dma_wait3A_91 : memref<1x128xi32, #tpu.memory_space<vmem>> -> memref<128xi32, #tpu.memory_space<vmem>>
    %dma_wait3A_93 = arith.constant 0 : i32
    %dma_wait3A_94 = tpu.memref_slice %arg4[%add3A, %dma_wait3A_82, %dma_wait3A_93] : memref<32x80x128xi32, #tpu.memory_space<hbm>> -> memref<1x1x128xi32, #tpu.memory_space<hbm>>
    %dma_wait3A_95 = tpu.memref_squeeze %dma_wait3A_94 : memref<1x1x128xi32, #tpu.memory_space<hbm>> -> memref<128xi32, #tpu.memory_space<hbm>>
    tpu.wait_dma2 semaphore(%arg16 : memref<!tpu.dma_semaphore, #tpu.memory_space<semaphore_mem>>) src(%dma_wait3A_95 : memref<128xi32, #tpu.memory_space<hbm>>) dst(%dma_wait3A_92 : memref<128xi32, #tpu.memory_space<vmem>>)
    %scan3A_96 = arith.constant 0 : i32
    %scan3A_97 = arith.constant 128 : i32
    %scan3A_98 = arith.addi %scan3A_96, %scan3A_97 : i32
    %scan3A_99 = arith.constant 1 : i32
    scf.for %scan3A_107 = %scan3A_96 to %scan3A_98 step %scan3A_99  : i32 {
      %get3A = arith.index_cast %scan3A_107 : i32 to index
      %get3A_108 = arith.constant 0 : index
      %get3A_109 = tpu.vector_load %arg11[%get3A, %get3A_108] {strides = array<i32>} : memref<128x64xi32, #tpu.memory_space<vmem>>, vector<16xi32>,
      %shift_left3A = arith.constant 16 : i32
      %shift_left3A_110 = vector.broadcast %shift_left3A : i32 to vector<16xi32>
      %shift_left3A_111 = arith.shli %get3A_109, %shift_left3A_110 : vector<16xi32>
      %bitcast3A = vector.bitcast %shift_left3A_111 : vector<16xi32> to vector<16xf32>
      %and3A = arith.constant -65536 : i32
      %and3A_112 = vector.broadcast %and3A : i32 to vector<16xi32>
      %and3A_113 = arith.andi %get3A_109, %and3A_112 : vector<16xi32>
      %bitcast3A_114 = vector.bitcast %and3A_113 : vector<16xi32> to vector<16xf32>
      %swap3A = arith.index_cast %scan3A_107 : i32 to index
      %swap3A_115 = arith.constant 0 : index
      %swap3A_116 = tpu.vector_load %arg12[%swap3A, %swap3A_115] {strides = array<i32>} : memref<128x128xf32, #tpu.memory_space<vmem>>, vector<16xf32>,
      tpu.vector_store %arg12[%swap3A, %swap3A_115], %bitcast3A {strides = array<i32>} : memref<128x128xf32, #tpu.memory_space<vmem>>, vector<16xf32>,
      %swap3A_117 = arith.index_cast %scan3A_107 : i32 to index
      %swap3A_118 = arith.constant 64 : index
      %swap3A_119 = tpu.vector_load %arg12[%swap3A_117, %swap3A_118] {strides = array<i32>} : memref<128x128xf32, #tpu.memory_space<vmem>>, vector<16xf32>,
      tpu.vector_store %arg12[%swap3A_117, %swap3A_118], %bitcast3A_114 {strides = array<i32>} : memref<128x128xf32, #tpu.memory_space<vmem>>, vector<16xf32>,
      %get3A_120 = arith.index_cast %scan3A_107 : i32 to index
      %get3A_121 = arith.constant 16 : index
      %get3A_122 = tpu.vector_load %arg11[%get3A_120, %get3A_121] {strides = array<i32>} : memref<128x64xi32, #tpu.memory_space<vmem>>, vector<16xi32>,
      %shift_left3A_123 = arith.constant 16 : i32
      %shift_left3A_124 = vector.broadcast %shift_left3A_123 : i32 to vector<16xi32>
      %shift_left3A_125 = arith.shli %get3A_122, %shift_left3A_124 : vector<16xi32>
      %bitcast3A_126 = vector.bitcast %shift_left3A_125 : vector<16xi32> to vector<16xf32>
      %and3A_127 = arith.constant -65536 : i32
      %and3A_128 = vector.broadcast %and3A_127 : i32 to vector<16xi32>
      %and3A_129 = arith.andi %get3A_122, %and3A_128 : vector<16xi32>
      %bitcast3A_130 = vector.bitcast %and3A_129 : vector<16xi32> to vector<16xf32>
      %swap3A_131 = arith.index_cast %scan3A_107 : i32 to index
      %swap3A_132 = arith.constant 16 : index
      %swap3A_133 = tpu.vector_load %arg12[%swap3A_131, %swap3A_132] {strides = array<i32>} : memref<128x128xf32, #tpu.memory_space<vmem>>, vector<16xf32>,
      tpu.vector_store %arg12[%swap3A_131, %swap3A_132], %bitcast3A_126 {strides = array<i32>} : memref<128x128xf32, #tpu.memory_space<vmem>>, vector<16xf32>,
      %swap3A_134 = arith.index_cast %scan3A_107 : i32 to index
      %swap3A_135 = arith.constant 80 : index
      %swap3A_136 = tpu.vector_load %arg12[%swap3A_134, %swap3A_135] {strides = array<i32>} : memref<128x128xf32, #tpu.memory_space<vmem>>, vector<16xf32>,
      tpu.vector_store %arg12[%swap3A_134, %swap3A_135], %bitcast3A_130 {strides = array<i32>} : memref<128x128xf32, #tpu.memory_space<vmem>>, vector<16xf32>,
      %get3A_137 = arith.index_cast %scan3A_107 : i32 to index
      %get3A_138 = arith.constant 32 : index
      %get3A_139 = tpu.vector_load %arg11[%get3A_137, %get3A_138] {strides = array<i32>} : memref<128x64xi32, #tpu.memory_space<vmem>>, vector<16xi32>,
      %shift_left3A_140 = arith.constant 16 : i32
      %shift_left3A_141 = vector.broadcast %shift_left3A_140 : i32 to vector<16xi32>
      %shift_left3A_142 = arith.shli %get3A_139, %shift_left3A_141 : vector<16xi32>
      %bitcast3A_143 = vector.bitcast %shift_left3A_142 : vector<16xi32> to vector<16xf32>
      %and3A_144 = arith.constant -65536 : i32
      %and3A_145 = vector.broadcast %and3A_144 : i32 to vector<16xi32>
      %and3A_146 = arith.andi %get3A_139, %and3A_145 : vector<16xi32>
      %bitcast3A_147 = vector.bitcast %and3A_146 : vector<16xi32> to vector<16xf32>
      %swap3A_148 = arith.index_cast %scan3A_107 : i32 to index
      %swap3A_149 = arith.constant 32 : index
      %swap3A_150 = tpu.vector_load %arg12[%swap3A_148, %swap3A_149] {strides = array<i32>} : memref<128x128xf32, #tpu.memory_space<vmem>>, vector<16xf32>,
      tpu.vector_store %arg12[%swap3A_148, %swap3A_149], %bitcast3A_143 {strides = array<i32>} : memref<128x128xf32, #tpu.memory_space<vmem>>, vector<16xf32>,
      %swap3A_151 = arith.index_cast %scan3A_107 : i32 to index
      %swap3A_152 = arith.constant 96 : index
      %swap3A_153 = tpu.vector_load %arg12[%swap3A_151, %swap3A_152] {strides = array<i32>} : memref<128x128xf32, #tpu.memory_space<vmem>>, vector<16xf32>,
      tpu.vector_store %arg12[%swap3A_151, %swap3A_152], %bitcast3A_147 {strides = array<i32>} : memref<128x128xf32, #tpu.memory_space<vmem>>, vector<16xf32>,
      %get3A_154 = arith.index_cast %scan3A_107 : i32 to index
      %get3A_155 = arith.constant 48 : index
      %get3A_156 = tpu.vector_load %arg11[%get3A_154, %get3A_155] {strides = array<i32>} : memref<128x64xi32, #tpu.memory_space<vmem>>, vector<16xi32>,
      %shift_left3A_157 = arith.constant 16 : i32
      %shift_left3A_158 = vector.broadcast %shift_left3A_157 : i32 to vector<16xi32>
      %shift_left3A_159 = arith.shli %get3A_156, %shift_left3A_158 : vector<16xi32>
      %bitcast3A_160 = vector.bitcast %shift_left3A_159 : vector<16xi32> to vector<16xf32>
      %and3A_161 = arith.constant -65536 : i32
      %and3A_162 = vector.broadcast %and3A_161 : i32 to vector<16xi32>
      %and3A_163 = arith.andi %get3A_156, %and3A_162 : vector<16xi32>
      %bitcast3A_164 = vector.bitcast %and3A_163 : vector<16xi32> to vector<16xf32>
      %swap3A_165 = arith.index_cast %scan3A_107 : i32 to index
      %swap3A_166 = arith.constant 48 : index
      %swap3A_167 = tpu.vector_load %arg12[%swap3A_165, %swap3A_166] {strides = array<i32>} : memref<128x128xf32, #tpu.memory_space<vmem>>, vector<16xf32>,
      tpu.vector_store %arg12[%swap3A_165, %swap3A_166], %bitcast3A_160 {strides = array<i32>} : memref<128x128xf32, #tpu.memory_space<vmem>>, vector<16xf32>,
      %swap3A_168 = arith.index_cast %scan3A_107 : i32 to index
      %swap3A_169 = arith.constant 112 : index
      %swap3A_170 = tpu.vector_load %arg12[%swap3A_168, %swap3A_169] {strides = array<i32>} : memref<128x128xf32, #tpu.memory_space<vmem>>, vector<16xf32>,
      tpu.vector_store %arg12[%swap3A_168, %swap3A_169], %bitcast3A_164 {strides = array<i32>} : memref<128x128xf32, #tpu.memory_space<vmem>>, vector<16xf32>,
    }
    %scan3A_100 = arith.constant 128 : i32
    %run_scoped3A_101 = arith.constant 1 : i32
    "tpu.region"() ({
      %run_scoped3A_107 = tpu.sem_alloc : memref<!tpu.dma_semaphore, #tpu.memory_space<semaphore_mem>>
      %dma_start3A_108 = arith.constant 0 : i32
      %dma_start3A_109 = tpu.memref_slice %arg9[%run_scoped3A_101, %dma_start3A_108] : memref<2x128xi32, #tpu.memory_space<vmem>> -> memref<1x128xi32, #tpu.memory_space<vmem>>
      %dma_start3A_110 = tpu.memref_squeeze %dma_start3A_109 : memref<1x128xi32, #tpu.memory_space<vmem>> -> memref<128xi32, #tpu.memory_space<vmem>>
      %dma_start3A_111 = arith.constant 0 : i32
      %dma_start3A_112 = arith.constant 0 : i32
      %dma_start3A_113 = tpu.memref_slice %arg7[%dma_start3A_111, %dma_start3A_112] : memref<10112x128xf32, #tpu.memory_space<vmem_shared>> -> memref<10112x128xf32, #tpu.memory_space<vmem_shared>>
      tpu.enqueue_indirect_dma source(%arg12 : memref<128x128xf32, #tpu.memory_space<vmem>>) target(%dma_start3A_113 : memref<10112x128xf32, #tpu.memory_space<vmem_shared>>) offsets(%dma_start3A_110 : memref<128xi32, #tpu.memory_space<vmem>>) semaphore(%run_scoped3A_107 : memref<!tpu.dma_semaphore, #tpu.memory_space<semaphore_mem>>) {add = true}
      %dma_wait3A_114 = arith.constant 0 : i32
      %dma_wait3A_115 = tpu.memref_slice %arg9[%run_scoped3A_101, %dma_wait3A_114] : memref<2x128xi32, #tpu.memory_space<vmem>> -> memref<1x128xi32, #tpu.memory_space<vmem>>
      %dma_wait3A_116 = tpu.memref_squeeze %dma_wait3A_115 : memref<1x128xi32, #tpu.memory_space<vmem>> -> memref<128xi32, #tpu.memory_space<vmem>>
      %dma_wait3A_117 = arith.constant 0 : i32
      %dma_wait3A_118 = arith.constant 0 : i32
      %dma_wait3A_119 = tpu.memref_slice %arg7[%dma_wait3A_117, %dma_wait3A_118] : memref<10112x128xf32, #tpu.memory_space<vmem_shared>> -> memref<10112x128xf32, #tpu.memory_space<vmem_shared>>
      tpu.wait_indirect_dma semaphore(%run_scoped3A_107 : memref<!tpu.dma_semaphore, #tpu.memory_space<semaphore_mem>>) src(%arg12 : memref<128x128xf32, #tpu.memory_space<vmem>>) dst(%dma_wait3A_119 : memref<10112x128xf32, #tpu.memory_space<vmem_shared>>)
      tpu.yield
    }) : () -> ()
    %barrier3A_102 = arith.constant 0 : index
    tpu.barrier barrier_id(%barrier3A_102)
    %mul3A_103 = arith.constant 632 : i32
    %mul3A_104 = arith.muli %arg1, %mul3A_103 : i32
    %mul3A_105 = arith.constant 632 : i32
    %mul3A_106 = arith.muli %arg1, %mul3A_105 : i32
    "tpu.region"() ({
      %run_scoped3A_107 = tpu.sem_alloc : memref<!tpu.dma_semaphore, #tpu.memory_space<semaphore_mem>>
      %dma_start3A_108 = arith.constant 0 : i32
      %dma_start3A_109 = tpu.memref_slice %arg6[%arg0, %mul3A_106, %dma_start3A_108] : memref<2x10112x128xf32, #tpu.memory_space<hbm>> -> memref<1x632x128xf32, #tpu.memory_space<hbm>>
      %dma_start3A_110 = tpu.memref_squeeze %dma_start3A_109 : memref<1x632x128xf32, #tpu.memory_space<hbm>> -> memref<632x128xf32, #tpu.memory_space<hbm>>
      %dma_start3A_111 = arith.constant 0 : i32
      %dma_start3A_112 = tpu.memref_slice %arg7[%mul3A_104, %dma_start3A_111] : memref<10112x128xf32, #tpu.memory_space<vmem_shared>> -> memref<632x128xf32, #tpu.memory_space<vmem_shared>>
      tpu.enqueue_dma source(%dma_start3A_112 : memref<632x128xf32, #tpu.memory_space<vmem_shared>>) target(%dma_start3A_110 : memref<632x128xf32, #tpu.memory_space<hbm>>) target_semaphore(%run_scoped3A_107 : memref<!tpu.dma_semaphore, #tpu.memory_space<semaphore_mem>>)
      %dma_wait3A_113 = arith.constant 0 : i32
      %dma_wait3A_114 = tpu.memref_slice %arg6[%arg0, %mul3A_106, %dma_wait3A_113] : memref<2x10112x128xf32, #tpu.memory_space<hbm>> -> memref<1x632x128xf32, #tpu.memory_space<hbm>>
      %dma_wait3A_115 = tpu.memref_squeeze %dma_wait3A_114 : memref<1x632x128xf32, #tpu.memory_space<hbm>> -> memref<632x128xf32, #tpu.memory_space<hbm>>
      %dma_wait3A_116 = arith.constant 0 : i32
      %dma_wait3A_117 = tpu.memref_slice %arg7[%mul3A_104, %dma_wait3A_116] : memref<10112x128xf32, #tpu.memory_space<vmem_shared>> -> memref<632x128xf32, #tpu.memory_space<vmem_shared>>
      tpu.wait_dma2 semaphore(%run_scoped3A_107 : memref<!tpu.dma_semaphore, #tpu.memory_space<semaphore_mem>>) src(%dma_wait3A_117 : memref<632x128xf32, #tpu.memory_space<vmem_shared>>) dst(%dma_wait3A_115 : memref<632x128xf32, #tpu.memory_space<hbm>>)
      tpu.yield
    }) : () -> ()
    return
  }
}

#map = affine_map<(d0, d1) -> (0, 0)>
#map1 = affine_map<(d0, d1) -> (0, 0, 0)>
module attributes {stable_mosaic.version = 14 : i64} {
  func.func @body(%arg0: i32, %arg1: i32, %arg2: memref<10000x64xi32, #tpu.memory_space<hbm>>, %arg3: memref<32x80x128xi32, #tpu.memory_space<hbm>>, %arg4: memref<32x80x128xi32, #tpu.memory_space<hbm>>, %arg5: memref<10112x128xf32, #tpu.memory_space<hbm>>, %arg6: memref<2x10112x128xf32, #tpu.memory_space<hbm>>, %arg7: memref<10112x128xf32, #tpu.memory_space<vmem_shared>>, %arg8: memref<80x128xi32, #tpu.memory_space<vmem>>, %arg9: memref<2x128xi32, #tpu.memory_space<vmem>>, %arg10: memref<128x64xi32, #tpu.memory_space<vmem>>, %arg11: memref<128x64xi32, #tpu.memory_space<vmem>>, %arg12: memref<128x128xf32, #tpu.memory_space<vmem>>, %arg13: memref<!tpu.dma_semaphore, #tpu.memory_space<semaphore_mem>>, %arg14: memref<!tpu.dma_semaphore, #tpu.memory_space<semaphore_mem>>, %arg15: memref<!tpu.dma_semaphore, #tpu.memory_space<semaphore_mem>>, %arg16: memref<!tpu.dma_semaphore, #tpu.memory_space<semaphore_mem>>) attributes {dimension_semantics = [#tpu.dimension_semantics<core_parallel>, #tpu.dimension_semantics<subcore_parallel>], iteration_bounds = array<i64: 2, 16>, scalar_prefetch = 0 : i64, scratch_operands = 10 : i64, tpu.core_type = #tpu.core_type<sc_vector_subcore>, window_params = [{transform_indices = #map}, {transform_indices = #map1}, {transform_indices = #map1}, {transform_indices = #map}, {transform_indices = #map1}]} {
    %mul3A = arith.constant 16 : i32
    %mul3A_0 = arith.muli %arg0, %mul3A : i32
    %add3A = arith.addi %mul3A_0, %arg1 : i32
    %mul3A_1 = arith.constant 632 : i32
    %mul3A_2 = arith.muli %arg1, %mul3A_1 : i32
    %mul3A_3 = arith.constant 632 : i32
    %mul3A_4 = arith.muli %arg1, %mul3A_3 : i32
    "tpu.region"() ({
      %run_scoped3A_107 = tpu.sem_alloc : memref<!tpu.dma_semaphore, #tpu.memory_space<semaphore_mem>>
      %dma_start3A_108 = arith.constant 0 : i32
      %dma_start3A_109 = tpu.memref_slice %arg7[%mul3A_4, %dma_start3A_108] : memref<10112x128xf32, #tpu.memory_space<vmem_shared>> -> memref<632x128xf32, #tpu.memory_space<vmem_shared>>
      %dma_start3A_110 = arith.constant 0 : i32
      %dma_start3A_111 = tpu.memref_slice %arg5[%mul3A_2, %dma_start3A_110] : memref<10112x128xf32, #tpu.memory_space<hbm>> -> memref<632x128xf32, #tpu.memory_space<hbm>>
      tpu.enqueue_dma source(%dma_start3A_111 : memref<632x128xf32, #tpu.memory_space<hbm>>) target(%dma_start3A_109 : memref<632x128xf32, #tpu.memory_space<vmem_shared>>) target_semaphore(%run_scoped3A_107 : memref<!tpu.dma_semaphore, #tpu.memory_space<semaphore_mem>>)
      %dma_wait3A_112 = arith.constant 0 : i32
      %dma_wait3A_113 = tpu.memref_slice %arg7[%mul3A_4, %dma_wait3A_112] : memref<10112x128xf32, #tpu.memory_space<vmem_shared>> -> memref<632x128xf32, #tpu.memory_space<vmem_shared>>
      %dma_wait3A_114 = arith.constant 0 : i32
      %dma_wait3A_115 = tpu.memref_slice %arg5[%mul3A_2, %dma_wait3A_114] : memref<10112x128xf32, #tpu.memory_space<hbm>> -> memref<632x128xf32, #tpu.memory_space<hbm>>
      tpu.wait_dma2 semaphore(%run_scoped3A_107 : memref<!tpu.dma_semaphore, #tpu.memory_space<semaphore_mem>>) src(%dma_wait3A_115 : memref<632x128xf32, #tpu.memory_space<hbm>>) dst(%dma_wait3A_113 : memref<632x128xf32, #tpu.memory_space<vmem_shared>>)
      tpu.yield
    }) : () -> ()
    "tpu.region"() ({
      %run_scoped3A_107 = tpu.sem_alloc : memref<!tpu.dma_semaphore, #tpu.memory_space<semaphore_mem>>
      %dma_start3A_108 = arith.constant 0 : i32
      %dma_start3A_109 = arith.constant 0 : i32
      %dma_start3A_110 = tpu.memref_slice %arg3[%add3A, %dma_start3A_108, %dma_start3A_109] : memref<32x80x128xi32, #tpu.memory_space<hbm>> -> memref<1x80x128xi32, #tpu.memory_space<hbm>>
      %dma_start3A_111 = tpu.memref_squeeze %dma_start3A_110 : memref<1x80x128xi32, #tpu.memory_space<hbm>> -> memref<80x128xi32, #tpu.memory_space<hbm>>
      %dma_start3A_112 = arith.constant 0 : i32
      %dma_start3A_113 = arith.constant 0 : i32
      %dma_start3A_114 = tpu.memref_slice %arg3[%add3A, %dma_start3A_112, %dma_start3A_113] : memref<32x80x128xi32, #tpu.memory_space<hbm>> -> memref<1x80x128xi32, #tpu.memory_space<hbm>>
      %dma_start3A_115 = tpu.memref_squeeze %dma_start3A_114 : memref<1x80x128xi32, #tpu.memory_space<hbm>> -> memref<80x128xi32, #tpu.memory_space<hbm>>
      tpu.enqueue_dma source(%dma_start3A_115 : memref<80x128xi32, #tpu.memory_space<hbm>>) target(%arg8 : memref<80x128xi32, #tpu.memory_space<vmem>>) target_semaphore(%run_scoped3A_107 : memref<!tpu.dma_semaphore, #tpu.memory_space<semaphore_mem>>)
      %dma_wait3A_116 = arith.constant 0 : i32
      %dma_wait3A_117 = arith.constant 0 : i32
      %dma_wait3A_118 = tpu.memref_slice %arg3[%add3A, %dma_wait3A_116, %dma_wait3A_117] : memref<32x80x128xi32, #tpu.memory_space<hbm>> -> memref<1x80x128xi32, #tpu.memory_space<hbm>>
      %dma_wait3A_119 = tpu.memref_squeeze %dma_wait3A_118 : memref<1x80x128xi32, #tpu.memory_space<hbm>> -> memref<80x128xi32, #tpu.memory_space<hbm>>
      %dma_wait3A_120 = arith.constant 0 : i32
      %dma_wait3A_121 = arith.constant 0 : i32
      %dma_wait3A_122 = tpu.memref_slice %arg3[%add3A, %dma_wait3A_120, %dma_wait3A_121] : memref<32x80x128xi32, #tpu.memory_space<hbm>> -> memref<1x80x128xi32, #tpu.memory_space<hbm>>
      %dma_wait3A_123 = tpu.memref_squeeze %dma_wait3A_122 : memref<1x80x128xi32, #tpu.memory_space<hbm>> -> memref<80x128xi32, #tpu.memory_space<hbm>>
      tpu.wait_dma2 semaphore(%run_scoped3A_107 : memref<!tpu.dma_semaphore, #tpu.memory_space<semaphore_mem>>) src(%dma_wait3A_123 : memref<80x128xi32, #tpu.memory_space<hbm>>) dst(%arg8 : memref<80x128xi32, #tpu.memory_space<vmem>>)
      tpu.yield
    }) : () -> ()
    %barrier3A = arith.constant 0 : index
    tpu.barrier barrier_id(%barrier3A)
    %dma_start3A = arith.constant 0 : i32
    %dma_start3A_5 = arith.constant 0 : i32
    %dma_start3A_6 = tpu.memref_slice %arg8[%dma_start3A, %dma_start3A_5] : memref<80x128xi32, #tpu.memory_space<vmem>> -> memref<1x128xi32, #tpu.memory_space<vmem>>
    %dma_start3A_7 = tpu.memref_squeeze %dma_start3A_6 : memref<1x128xi32, #tpu.memory_space<vmem>> -> memref<128xi32, #tpu.memory_space<vmem>>
    %dma_start3A_8 = arith.constant 0 : i32
    %dma_start3A_9 = arith.constant 0 : i32
    %dma_start3A_10 = tpu.memref_slice %arg2[%dma_start3A_8, %dma_start3A_9] : memref<10000x64xi32, #tpu.memory_space<hbm>> -> memref<10000x64xi32, #tpu.memory_space<hbm>>
    tpu.enqueue_indirect_dma source(%dma_start3A_10 : memref<10000x64xi32, #tpu.memory_space<hbm>>) target(%arg10 : memref<128x64xi32, #tpu.memory_space<vmem>>) offsets(%dma_start3A_7 : memref<128xi32, #tpu.memory_space<vmem>>) semaphore(%arg13 : memref<!tpu.dma_semaphore, #tpu.memory_space<semaphore_mem>>)
    %dma_start3A_11 = arith.constant 0 : i32
    %dma_start3A_12 = arith.constant 0 : i32
    %dma_start3A_13 = arith.constant 0 : i32
    %dma_start3A_14 = tpu.memref_slice %arg9[%dma_start3A_12, %dma_start3A_13] : memref<2x128xi32, #tpu.memory_space<vmem>> -> memref<1x128xi32, #tpu.memory_space<vmem>>
    %dma_start3A_15 = tpu.memref_squeeze %dma_start3A_14 : memref<1x128xi32, #tpu.memory_space<vmem>> -> memref<128xi32, #tpu.memory_space<vmem>>
    %dma_start3A_16 = arith.constant 0 : i32
    %dma_start3A_17 = tpu.memref_slice %arg4[%add3A, %dma_start3A_11, %dma_start3A_16] : memref<32x80x128xi32, #tpu.memory_space<hbm>> -> memref<1x1x128xi32, #tpu.memory_space<hbm>>
    %dma_start3A_18 = tpu.memref_squeeze %dma_start3A_17 : memref<1x1x128xi32, #tpu.memory_space<hbm>> -> memref<128xi32, #tpu.memory_space<hbm>>
    %dma_start3A_19 = arith.constant 0 : i32
    %dma_start3A_20 = tpu.memref_slice %arg9[%dma_start3A_12, %dma_start3A_19] : memref<2x128xi32, #tpu.memory_space<vmem>> -> memref<1x128xi32, #tpu.memory_space<vmem>>
    %dma_start3A_21 = tpu.memref_squeeze %dma_start3A_20 : memref<1x128xi32, #tpu.memory_space<vmem>> -> memref<128xi32, #tpu.memory_space<vmem>>
    %dma_start3A_22 = arith.constant 0 : i32
    %dma_start3A_23 = tpu.memref_slice %arg4[%add3A, %dma_start3A_11, %dma_start3A_22] : memref<32x80x128xi32, #tpu.memory_space<hbm>> -> memref<1x1x128xi32, #tpu.memory_space<hbm>>
    %dma_start3A_24 = tpu.memref_squeeze %dma_start3A_23 : memref<1x1x128xi32, #tpu.memory_space<hbm>> -> memref<128xi32, #tpu.memory_space<hbm>>
    tpu.enqueue_dma source(%dma_start3A_24 : memref<128xi32, #tpu.memory_space<hbm>>) target(%dma_start3A_21 : memref<128xi32, #tpu.memory_space<vmem>>) target_semaphore(%arg15 : memref<!tpu.dma_semaphore, #tpu.memory_space<semaphore_mem>>)
    %dma_start3A_25 = arith.constant 1 : i32
    %dma_start3A_26 = arith.constant 0 : i32
    %dma_start3A_27 = tpu.memref_slice %arg8[%dma_start3A_25, %dma_start3A_26] : memref<80x128xi32, #tpu.memory_space<vmem>> -> memref<1x128xi32, #tpu.memory_space<vmem>>
    %dma_start3A_28 = tpu.memref_squeeze %dma_start3A_27 : memref<1x128xi32, #tpu.memory_space<vmem>> -> memref<128xi32, #tpu.memory_space<vmem>>
    %dma_start3A_29 = arith.constant 0 : i32
    %dma_start3A_30 = arith.constant 0 : i32
    %dma_start3A_31 = tpu.memref_slice %arg2[%dma_start3A_29, %dma_start3A_30] : memref<10000x64xi32, #tpu.memory_space<hbm>> -> memref<10000x64xi32, #tpu.memory_space<hbm>>
    tpu.enqueue_indirect_dma source(%dma_start3A_31 : memref<10000x64xi32, #tpu.memory_space<hbm>>) target(%arg11 : memref<128x64xi32, #tpu.memory_space<vmem>>) offsets(%dma_start3A_28 : memref<128xi32, #tpu.memory_space<vmem>>) semaphore(%arg14 : memref<!tpu.dma_semaphore, #tpu.memory_space<semaphore_mem>>)
    %dma_start3A_32 = arith.constant 1 : i32
    %dma_start3A_33 = arith.constant 1 : i32
    %dma_start3A_34 = arith.constant 0 : i32
    %dma_start3A_35 = tpu.memref_slice %arg9[%dma_start3A_33, %dma_start3A_34] : memref<2x128xi32, #tpu.memory_space<vmem>> -> memref<1x128xi32, #tpu.memory_space<vmem>>
    %dma_start3A_36 = tpu.memref_squeeze %dma_start3A_35 : memref<1x128xi32, #tpu.memory_space<vmem>> -> memref<128xi32, #tpu.memory_space<vmem>>
    %dma_start3A_37 = arith.constant 0 : i32
    %dma_start3A_38 = tpu.memref_slice %arg4[%add3A, %dma_start3A_32, %dma_start3A_37] : memref<32x80x128xi32, #tpu.memory_space<hbm>> -> memref<1x1x128xi32, #tpu.memory_space<hbm>>
    %dma_start3A_39 = tpu.memref_squeeze %dma_start3A_38 : memref<1x1x128xi32, #tpu.memory_space<hbm>> -> memref<128xi32, #tpu.memory_space<hbm>>
    %dma_start3A_40 = arith.constant 0 : i32
    %dma_start3A_41 = tpu.memref_slice %arg9[%dma_start3A_33, %dma_start3A_40] : memref<2x128xi32, #tpu.memory_space<vmem>> -> memref<1x128xi32, #tpu.memory_space<vmem>>
    %dma_start3A_42 = tpu.memref_squeeze %dma_start3A_41 : memref<1x128xi32, #tpu.memory_space<vmem>> -> memref<128xi32, #tpu.memory_space<vmem>>
    %dma_start3A_43 = arith.constant 0 : i32
    %dma_start3A_44 = tpu.memref_slice %arg4[%add3A, %dma_start3A_32, %dma_start3A_43] : memref<32x80x128xi32, #tpu.memory_space<hbm>> -> memref<1x1x128xi32, #tpu.memory_space<hbm>>
    %dma_start3A_45 = tpu.memref_squeeze %dma_start3A_44 : memref<1x1x128xi32, #tpu.memory_space<hbm>> -> memref<128xi32, #tpu.memory_space<hbm>>
    tpu.enqueue_dma source(%dma_start3A_45 : memref<128xi32, #tpu.memory_space<hbm>>) target(%dma_start3A_42 : memref<128xi32, #tpu.memory_space<vmem>>) target_semaphore(%arg16 : memref<!tpu.dma_semaphore, #tpu.memory_space<semaphore_mem>>)
    %scan3A = arith.constant 0 : i32
    %scan3A_46 = arith.constant 39 : i32
    %scan3A_47 = arith.addi %scan3A, %scan3A_46 : i32
    %scan3A_48 = arith.constant 1 : i32
    scf.for %scan3A_107 = %scan3A to %scan3A_47 step %scan3A_48  : i32 {
      %mul3A_108 = arith.constant 2 : i32
      %mul3A_109 = arith.muli %scan3A_107, %mul3A_108 : i32
      %add3A_110 = arith.constant 0 : i32
      %add3A_111 = arith.addi %mul3A_109, %add3A_110 : i32
      %dma_wait3A_112 = arith.constant 0 : i32
      %dma_wait3A_113 = tpu.memref_slice %arg8[%add3A_111, %dma_wait3A_112] : memref<80x128xi32, #tpu.memory_space<vmem>> -> memref<1x128xi32, #tpu.memory_space<vmem>>
      %dma_wait3A_114 = tpu.memref_squeeze %dma_wait3A_113 : memref<1x128xi32, #tpu.memory_space<vmem>> -> memref<128xi32, #tpu.memory_space<vmem>>
      %dma_wait3A_115 = arith.constant 0 : i32
      %dma_wait3A_116 = arith.constant 0 : i32
      %dma_wait3A_117 = tpu.memref_slice %arg2[%dma_wait3A_115, %dma_wait3A_116] : memref<10000x64xi32, #tpu.memory_space<hbm>> -> memref<10000x64xi32, #tpu.memory_space<hbm>>
      tpu.wait_indirect_dma semaphore(%arg13 : memref<!tpu.dma_semaphore, #tpu.memory_space<semaphore_mem>>) src(%dma_wait3A_117 : memref<10000x64xi32, #tpu.memory_space<hbm>>) dst(%arg10 : memref<128x64xi32, #tpu.memory_space<vmem>>)
      %dma_wait3A_118 = arith.constant 0 : i32
      %dma_wait3A_119 = arith.constant 0 : i32
      %dma_wait3A_120 = tpu.memref_slice %arg9[%dma_wait3A_118, %dma_wait3A_119] : memref<2x128xi32, #tpu.memory_space<vmem>> -> memref<1x128xi32, #tpu.memory_space<vmem>>
      %dma_wait3A_121 = tpu.memref_squeeze %dma_wait3A_120 : memref<1x128xi32, #tpu.memory_space<vmem>> -> memref<128xi32, #tpu.memory_space<vmem>>
      %dma_wait3A_122 = arith.constant 0 : i32
      %dma_wait3A_123 = tpu.memref_slice %arg4[%add3A, %add3A_111, %dma_wait3A_122] : memref<32x80x128xi32, #tpu.memory_space<hbm>> -> memref<1x1x128xi32, #tpu.memory_space<hbm>>
      %dma_wait3A_124 = tpu.memref_squeeze %dma_wait3A_123 : memref<1x1x128xi32, #tpu.memory_space<hbm>> -> memref<128xi32, #tpu.memory_space<hbm>>
      %dma_wait3A_125 = arith.constant 0 : i32
      %dma_wait3A_126 = tpu.memref_slice %arg9[%dma_wait3A_118, %dma_wait3A_125] : memref<2x128xi32, #tpu.memory_space<vmem>> -> memref<1x128xi32, #tpu.memory_space<vmem>>
      %dma_wait3A_127 = tpu.memref_squeeze %dma_wait3A_126 : memref<1x128xi32, #tpu.memory_space<vmem>> -> memref<128xi32, #tpu.memory_space<vmem>>
      %dma_wait3A_128 = arith.constant 0 : i32
      %dma_wait3A_129 = tpu.memref_slice %arg4[%add3A, %add3A_111, %dma_wait3A_128] : memref<32x80x128xi32, #tpu.memory_space<hbm>> -> memref<1x1x128xi32, #tpu.memory_space<hbm>>
      %dma_wait3A_130 = tpu.memref_squeeze %dma_wait3A_129 : memref<1x1x128xi32, #tpu.memory_space<hbm>> -> memref<128xi32, #tpu.memory_space<hbm>>
      tpu.wait_dma2 semaphore(%arg15 : memref<!tpu.dma_semaphore, #tpu.memory_space<semaphore_mem>>) src(%dma_wait3A_130 : memref<128xi32, #tpu.memory_space<hbm>>) dst(%dma_wait3A_127 : memref<128xi32, #tpu.memory_space<vmem>>)
      %scan3A_131 = arith.constant 0 : i32
      %scan3A_132 = arith.constant 128 : i32
      %scan3A_133 = arith.addi %scan3A_131, %scan3A_132 : i32
      %scan3A_134 = arith.constant 1 : i32
      scf.for %scan3A_208 = %scan3A_131 to %scan3A_133 step %scan3A_134  : i32 {
        %get3A = arith.index_cast %scan3A_208 : i32 to index
        %get3A_209 = arith.constant 0 : index
        %get3A_210 = tpu.vector_load %arg10[%get3A, %get3A_209] {strides = array<i32>} : memref<128x64xi32, #tpu.memory_space<vmem>>, vector<16xi32>,
        %shift_left3A = arith.constant 16 : i32
        %shift_left3A_211 = vector.broadcast %shift_left3A : i32 to vector<16xi32>
        %shift_left3A_212 = arith.shli %get3A_210, %shift_left3A_211 : vector<16xi32>
        %bitcast3A = vector.bitcast %shift_left3A_212 : vector<16xi32> to vector<16xf32>
        %and3A = arith.constant -65536 : i32
        %and3A_213 = vector.broadcast %and3A : i32 to vector<16xi32>
        %and3A_214 = arith.andi %get3A_210, %and3A_213 : vector<16xi32>
        %bitcast3A_215 = vector.bitcast %and3A_214 : vector<16xi32> to vector<16xf32>
        %swap3A = arith.index_cast %scan3A_208 : i32 to index
        %swap3A_216 = arith.constant 0 : index
        %swap3A_217 = tpu.vector_load %arg12[%swap3A, %swap3A_216] {strides = array<i32>} : memref<128x128xf32, #tpu.memory_space<vmem>>, vector<16xf32>,
        tpu.vector_store %arg12[%swap3A, %swap3A_216], %bitcast3A {strides = array<i32>} : memref<128x128xf32, #tpu.memory_space<vmem>>, vector<16xf32>,
        %swap3A_218 = arith.index_cast %scan3A_208 : i32 to index
        %swap3A_219 = arith.constant 64 : index
        %swap3A_220 = tpu.vector_load %arg12[%swap3A_218, %swap3A_219] {strides = array<i32>} : memref<128x128xf32, #tpu.memory_space<vmem>>, vector<16xf32>,
        tpu.vector_store %arg12[%swap3A_218, %swap3A_219], %bitcast3A_215 {strides = array<i32>} : memref<128x128xf32, #tpu.memory_space<vmem>>, vector<16xf32>,
        %get3A_221 = arith.index_cast %scan3A_208 : i32 to index
        %get3A_222 = arith.constant 16 : index
        %get3A_223 = tpu.vector_load %arg10[%get3A_221, %get3A_222] {strides = array<i32>} : memref<128x64xi32, #tpu.memory_space<vmem>>, vector<16xi32>,
        %shift_left3A_224 = arith.constant 16 : i32
        %shift_left3A_225 = vector.broadcast %shift_left3A_224 : i32 to vector<16xi32>
        %shift_left3A_226 = arith.shli %get3A_223, %shift_left3A_225 : vector<16xi32>
        %bitcast3A_227 = vector.bitcast %shift_left3A_226 : vector<16xi32> to vector<16xf32>
        %and3A_228 = arith.constant -65536 : i32
        %and3A_229 = vector.broadcast %and3A_228 : i32 to vector<16xi32>
        %and3A_230 = arith.andi %get3A_223, %and3A_229 : vector<16xi32>
        %bitcast3A_231 = vector.bitcast %and3A_230 : vector<16xi32> to vector<16xf32>
        %swap3A_232 = arith.index_cast %scan3A_208 : i32 to index
        %swap3A_233 = arith.constant 16 : index
        %swap3A_234 = tpu.vector_load %arg12[%swap3A_232, %swap3A_233] {strides = array<i32>} : memref<128x128xf32, #tpu.memory_space<vmem>>, vector<16xf32>,
        tpu.vector_store %arg12[%swap3A_232, %swap3A_233], %bitcast3A_227 {strides = array<i32>} : memref<128x128xf32, #tpu.memory_space<vmem>>, vector<16xf32>,
        %swap3A_235 = arith.index_cast %scan3A_208 : i32 to index
        %swap3A_236 = arith.constant 80 : index
        %swap3A_237 = tpu.vector_load %arg12[%swap3A_235, %swap3A_236] {strides = array<i32>} : memref<128x128xf32, #tpu.memory_space<vmem>>, vector<16xf32>,
        tpu.vector_store %arg12[%swap3A_235, %swap3A_236], %bitcast3A_231 {strides = array<i32>} : memref<128x128xf32, #tpu.memory_space<vmem>>, vector<16xf32>,
        %get3A_238 = arith.index_cast %scan3A_208 : i32 to index
        %get3A_239 = arith.constant 32 : index
        %get3A_240 = tpu.vector_load %arg10[%get3A_238, %get3A_239] {strides = array<i32>} : memref<128x64xi32, #tpu.memory_space<vmem>>, vector<16xi32>,
        %shift_left3A_241 = arith.constant 16 : i32
        %shift_left3A_242 = vector.broadcast %shift_left3A_241 : i32 to vector<16xi32>
        %shift_left3A_243 = arith.shli %get3A_240, %shift_left3A_242 : vector<16xi32>
        %bitcast3A_244 = vector.bitcast %shift_left3A_243 : vector<16xi32> to vector<16xf32>
        %and3A_245 = arith.constant -65536 : i32
        %and3A_246 = vector.broadcast %and3A_245 : i32 to vector<16xi32>
        %and3A_247 = arith.andi %get3A_240, %and3A_246 : vector<16xi32>
        %bitcast3A_248 = vector.bitcast %and3A_247 : vector<16xi32> to vector<16xf32>
        %swap3A_249 = arith.index_cast %scan3A_208 : i32 to index
        %swap3A_250 = arith.constant 32 : index
        %swap3A_251 = tpu.vector_load %arg12[%swap3A_249, %swap3A_250] {strides = array<i32>} : memref<128x128xf32, #tpu.memory_space<vmem>>, vector<16xf32>,
        tpu.vector_store %arg12[%swap3A_249, %swap3A_250], %bitcast3A_244 {strides = array<i32>} : memref<128x128xf32, #tpu.memory_space<vmem>>, vector<16xf32>,
        %swap3A_252 = arith.index_cast %scan3A_208 : i32 to index
        %swap3A_253 = arith.constant 96 : index
        %swap3A_254 = tpu.vector_load %arg12[%swap3A_252, %swap3A_253] {strides = array<i32>} : memref<128x128xf32, #tpu.memory_space<vmem>>, vector<16xf32>,
        tpu.vector_store %arg12[%swap3A_252, %swap3A_253], %bitcast3A_248 {strides = array<i32>} : memref<128x128xf32, #tpu.memory_space<vmem>>, vector<16xf32>,
        %get3A_255 = arith.index_cast %scan3A_208 : i32 to index
        %get3A_256 = arith.constant 48 : index
        %get3A_257 = tpu.vector_load %arg10[%get3A_255, %get3A_256] {strides = array<i32>} : memref<128x64xi32, #tpu.memory_space<vmem>>, vector<16xi32>,
        %shift_left3A_258 = arith.constant 16 : i32
        %shift_left3A_259 = vector.broadcast %shift_left3A_258 : i32 to vector<16xi32>
        %shift_left3A_260 = arith.shli %get3A_257, %shift_left3A_259 : vector<16xi32>
        %bitcast3A_261 = vector.bitcast %shift_left3A_260 : vector<16xi32> to vector<16xf32>
        %and3A_262 = arith.constant -65536 : i32
        %and3A_263 = vector.broadcast %and3A_262 : i32 to vector<16xi32>
        %and3A_264 = arith.andi %get3A_257, %and3A_263 : vector<16xi32>
        %bitcast3A_265 = vector.bitcast %and3A_264 : vector<16xi32> to vector<16xf32>
        %swap3A_266 = arith.index_cast %scan3A_208 : i32 to index
        %swap3A_267 = arith.constant 48 : index
        %swap3A_268 = tpu.vector_load %arg12[%swap3A_266, %swap3A_267] {strides = array<i32>} : memref<128x128xf32, #tpu.memory_space<vmem>>, vector<16xf32>,
        tpu.vector_store %arg12[%swap3A_266, %swap3A_267], %bitcast3A_261 {strides = array<i32>} : memref<128x128xf32, #tpu.memory_space<vmem>>, vector<16xf32>,
        %swap3A_269 = arith.index_cast %scan3A_208 : i32 to index
        %swap3A_270 = arith.constant 112 : index
        %swap3A_271 = tpu.vector_load %arg12[%swap3A_269, %swap3A_270] {strides = array<i32>} : memref<128x128xf32, #tpu.memory_space<vmem>>, vector<16xf32>,
        tpu.vector_store %arg12[%swap3A_269, %swap3A_270], %bitcast3A_265 {strides = array<i32>} : memref<128x128xf32, #tpu.memory_space<vmem>>, vector<16xf32>,
      }
      %scan3A_135 = arith.constant 128 : i32
      %add3A_136 = arith.constant 2 : i32
      %add3A_137 = arith.addi %add3A_111, %add3A_136 : i32
      %dma_start3A_138 = arith.constant 0 : i32
      %dma_start3A_139 = tpu.memref_slice %arg8[%add3A_137, %dma_start3A_138] : memref<80x128xi32, #tpu.memory_space<vmem>> -> memref<1x128xi32, #tpu.memory_space<vmem>>
      %dma_start3A_140 = tpu.memref_squeeze %dma_start3A_139 : memref<1x128xi32, #tpu.memory_space<vmem>> -> memref<128xi32, #tpu.memory_space<vmem>>
      %dma_start3A_141 = arith.constant 0 : i32
      %dma_start3A_142 = arith.constant 0 : i32
      %dma_start3A_143 = tpu.memref_slice %arg2[%dma_start3A_141, %dma_start3A_142] : memref<10000x64xi32, #tpu.memory_space<hbm>> -> memref<10000x64xi32, #tpu.memory_space<hbm>>
      tpu.enqueue_indirect_dma source(%dma_start3A_143 : memref<10000x64xi32, #tpu.memory_space<hbm>>) target(%arg10 : memref<128x64xi32, #tpu.memory_space<vmem>>) offsets(%dma_start3A_140 : memref<128xi32, #tpu.memory_space<vmem>>) semaphore(%arg13 : memref<!tpu.dma_semaphore, #tpu.memory_space<semaphore_mem>>)
      %dma_start3A_144 = arith.constant 0 : i32
      %dma_start3A_145 = arith.constant 0 : i32
      %dma_start3A_146 = tpu.memref_slice %arg9[%dma_start3A_144, %dma_start3A_145] : memref<2x128xi32, #tpu.memory_space<vmem>> -> memref<1x128xi32, #tpu.memory_space<vmem>>
      %dma_start3A_147 = tpu.memref_squeeze %dma_start3A_146 : memref<1x128xi32, #tpu.memory_space<vmem>> -> memref<128xi32, #tpu.memory_space<vmem>>
      %dma_start3A_148 = arith.constant 0 : i32
      %dma_start3A_149 = tpu.memref_slice %arg4[%add3A, %add3A_137, %dma_start3A_148] : memref<32x80x128xi32, #tpu.memory_space<hbm>> -> memref<1x1x128xi32, #tpu.memory_space<hbm>>
      %dma_start3A_150 = tpu.memref_squeeze %dma_start3A_149 : memref<1x1x128xi32, #tpu.memory_space<hbm>> -> memref<128xi32, #tpu.memory_space<hbm>>
      %dma_start3A_151 = arith.constant 0 : i32
      %dma_start3A_152 = tpu.memref_slice %arg9[%dma_start3A_144, %dma_start3A_151] : memref<2x128xi32, #tpu.memory_space<vmem>> -> memref<1x128xi32, #tpu.memory_space<vmem>>
      %dma_start3A_153 = tpu.memref_squeeze %dma_start3A_152 : memref<1x128xi32, #tpu.memory_space<vmem>> -> memref<128xi32, #tpu.memory_space<vmem>>
      %dma_start3A_154 = arith.constant 0 : i32
      %dma_start3A_155 = tpu.memref_slice %arg4[%add3A, %add3A_137, %dma_start3A_154] : memref<32x80x128xi32, #tpu.memory_space<hbm>> -> memref<1x1x128xi32, #tpu.memory_space<hbm>>
      %dma_start3A_156 = tpu.memref_squeeze %dma_start3A_155 : memref<1x1x128xi32, #tpu.memory_space<hbm>> -> memref<128xi32, #tpu.memory_space<hbm>>
      tpu.enqueue_dma source(%dma_start3A_156 : memref<128xi32, #tpu.memory_space<hbm>>) target(%dma_start3A_153 : memref<128xi32, #tpu.memory_space<vmem>>) target_semaphore(%arg15 : memref<!tpu.dma_semaphore, #tpu.memory_space<semaphore_mem>>)
      %run_scoped3A_157 = arith.constant 0 : i32
      "tpu.region"() ({
        %run_scoped3A_208 = tpu.sem_alloc : memref<!tpu.dma_semaphore, #tpu.memory_space<semaphore_mem>>
        %dma_start3A_209 = arith.constant 0 : i32
        %dma_start3A_210 = tpu.memref_slice %arg9[%run_scoped3A_157, %dma_start3A_209] : memref<2x128xi32, #tpu.memory_space<vmem>> -> memref<1x128xi32, #tpu.memory_space<vmem>>
        %dma_start3A_211 = tpu.memref_squeeze %dma_start3A_210 : memref<1x128xi32, #tpu.memory_space<vmem>> -> memref<128xi32, #tpu.memory_space<vmem>>
        %dma_start3A_212 = arith.constant 0 : i32
        %dma_start3A_213 = arith.constant 0 : i32
        %dma_start3A_214 = tpu.memref_slice %arg7[%dma_start3A_212, %dma_start3A_213] : memref<10112x128xf32, #tpu.memory_space<vmem_shared>> -> memref<10112x128xf32, #tpu.memory_space<vmem_shared>>
        tpu.enqueue_indirect_dma source(%arg12 : memref<128x128xf32, #tpu.memory_space<vmem>>) target(%dma_start3A_214 : memref<10112x128xf32, #tpu.memory_space<vmem_shared>>) offsets(%dma_start3A_211 : memref<128xi32, #tpu.memory_space<vmem>>) semaphore(%run_scoped3A_208 : memref<!tpu.dma_semaphore, #tpu.memory_space<semaphore_mem>>) {add = true}
        %dma_wait3A_215 = arith.constant 0 : i32
        %dma_wait3A_216 = tpu.memref_slice %arg9[%run_scoped3A_157, %dma_wait3A_215] : memref<2x128xi32, #tpu.memory_space<vmem>> -> memref<1x128xi32, #tpu.memory_space<vmem>>
        %dma_wait3A_217 = tpu.memref_squeeze %dma_wait3A_216 : memref<1x128xi32, #tpu.memory_space<vmem>> -> memref<128xi32, #tpu.memory_space<vmem>>
        %dma_wait3A_218 = arith.constant 0 : i32
        %dma_wait3A_219 = arith.constant 0 : i32
        %dma_wait3A_220 = tpu.memref_slice %arg7[%dma_wait3A_218, %dma_wait3A_219] : memref<10112x128xf32, #tpu.memory_space<vmem_shared>> -> memref<10112x128xf32, #tpu.memory_space<vmem_shared>>
        tpu.wait_indirect_dma semaphore(%run_scoped3A_208 : memref<!tpu.dma_semaphore, #tpu.memory_space<semaphore_mem>>) src(%arg12 : memref<128x128xf32, #tpu.memory_space<vmem>>) dst(%dma_wait3A_220 : memref<10112x128xf32, #tpu.memory_space<vmem_shared>>)
        tpu.yield
      }) : () -> ()
      %mul3A_158 = arith.constant 2 : i32
      %mul3A_159 = arith.muli %scan3A_107, %mul3A_158 : i32
      %add3A_160 = arith.constant 1 : i32
      %add3A_161 = arith.addi %mul3A_159, %add3A_160 : i32
      %dma_wait3A_162 = arith.constant 0 : i32
      %dma_wait3A_163 = tpu.memref_slice %arg8[%add3A_161, %dma_wait3A_162] : memref<80x128xi32, #tpu.memory_space<vmem>> -> memref<1x128xi32, #tpu.memory_space<vmem>>
      %dma_wait3A_164 = tpu.memref_squeeze %dma_wait3A_163 : memref<1x128xi32, #tpu.memory_space<vmem>> -> memref<128xi32, #tpu.memory_space<vmem>>
      %dma_wait3A_165 = arith.constant 0 : i32
      %dma_wait3A_166 = arith.constant 0 : i32
      %dma_wait3A_167 = tpu.memref_slice %arg2[%dma_wait3A_165, %dma_wait3A_166] : memref<10000x64xi32, #tpu.memory_space<hbm>> -> memref<10000x64xi32, #tpu.memory_space<hbm>>
      tpu.wait_indirect_dma semaphore(%arg14 : memref<!tpu.dma_semaphore, #tpu.memory_space<semaphore_mem>>) src(%dma_wait3A_167 : memref<10000x64xi32, #tpu.memory_space<hbm>>) dst(%arg11 : memref<128x64xi32, #tpu.memory_space<vmem>>)
      %dma_wait3A_168 = arith.constant 1 : i32
      %dma_wait3A_169 = arith.constant 0 : i32
      %dma_wait3A_170 = tpu.memref_slice %arg9[%dma_wait3A_168, %dma_wait3A_169] : memref<2x128xi32, #tpu.memory_space<vmem>> -> memref<1x128xi32, #tpu.memory_space<vmem>>
      %dma_wait3A_171 = tpu.memref_squeeze %dma_wait3A_170 : memref<1x128xi32, #tpu.memory_space<vmem>> -> memref<128xi32, #tpu.memory_space<vmem>>
      %dma_wait3A_172 = arith.constant 0 : i32
      %dma_wait3A_173 = tpu.memref_slice %arg4[%add3A, %add3A_161, %dma_wait3A_172] : memref<32x80x128xi32, #tpu.memory_space<hbm>> -> memref<1x1x128xi32, #tpu.memory_space<hbm>>
      %dma_wait3A_174 = tpu.memref_squeeze %dma_wait3A_173 : memref<1x1x128xi32, #tpu.memory_space<hbm>> -> memref<128xi32, #tpu.memory_space<hbm>>
      %dma_wait3A_175 = arith.constant 0 : i32
      %dma_wait3A_176 = tpu.memref_slice %arg9[%dma_wait3A_168, %dma_wait3A_175] : memref<2x128xi32, #tpu.memory_space<vmem>> -> memref<1x128xi32, #tpu.memory_space<vmem>>
      %dma_wait3A_177 = tpu.memref_squeeze %dma_wait3A_176 : memref<1x128xi32, #tpu.memory_space<vmem>> -> memref<128xi32, #tpu.memory_space<vmem>>
      %dma_wait3A_178 = arith.constant 0 : i32
      %dma_wait3A_179 = tpu.memref_slice %arg4[%add3A, %add3A_161, %dma_wait3A_178] : memref<32x80x128xi32, #tpu.memory_space<hbm>> -> memref<1x1x128xi32, #tpu.memory_space<hbm>>
      %dma_wait3A_180 = tpu.memref_squeeze %dma_wait3A_179 : memref<1x1x128xi32, #tpu.memory_space<hbm>> -> memref<128xi32, #tpu.memory_space<hbm>>
      tpu.wait_dma2 semaphore(%arg16 : memref<!tpu.dma_semaphore, #tpu.memory_space<semaphore_mem>>) src(%dma_wait3A_180 : memref<128xi32, #tpu.memory_space<hbm>>) dst(%dma_wait3A_177 : memref<128xi32, #tpu.memory_space<vmem>>)
      %scan3A_181 = arith.constant 0 : i32
      %scan3A_182 = arith.constant 128 : i32
      %scan3A_183 = arith.addi %scan3A_181, %scan3A_182 : i32
      %scan3A_184 = arith.constant 1 : i32
      scf.for %scan3A_208 = %scan3A_181 to %scan3A_183 step %scan3A_184  : i32 {
        %get3A = arith.index_cast %scan3A_208 : i32 to index
        %get3A_209 = arith.constant 0 : index
        %get3A_210 = tpu.vector_load %arg11[%get3A, %get3A_209] {strides = array<i32>} : memref<128x64xi32, #tpu.memory_space<vmem>>, vector<16xi32>,
        %shift_left3A = arith.constant 16 : i32
        %shift_left3A_211 = vector.broadcast %shift_left3A : i32 to vector<16xi32>
        %shift_left3A_212 = arith.shli %get3A_210, %shift_left3A_211 : vector<16xi32>
        %bitcast3A = vector.bitcast %shift_left3A_212 : vector<16xi32> to vector<16xf32>
        %and3A = arith.constant -65536 : i32
        %and3A_213 = vector.broadcast %and3A : i32 to vector<16xi32>
        %and3A_214 = arith.andi %get3A_210, %and3A_213 : vector<16xi32>
        %bitcast3A_215 = vector.bitcast %and3A_214 : vector<16xi32> to vector<16xf32>
        %swap3A = arith.index_cast %scan3A_208 : i32 to index
        %swap3A_216 = arith.constant 0 : index
        %swap3A_217 = tpu.vector_load %arg12[%swap3A, %swap3A_216] {strides = array<i32>} : memref<128x128xf32, #tpu.memory_space<vmem>>, vector<16xf32>,
        tpu.vector_store %arg12[%swap3A, %swap3A_216], %bitcast3A {strides = array<i32>} : memref<128x128xf32, #tpu.memory_space<vmem>>, vector<16xf32>,
        %swap3A_218 = arith.index_cast %scan3A_208 : i32 to index
        %swap3A_219 = arith.constant 64 : index
        %swap3A_220 = tpu.vector_load %arg12[%swap3A_218, %swap3A_219] {strides = array<i32>} : memref<128x128xf32, #tpu.memory_space<vmem>>, vector<16xf32>,
        tpu.vector_store %arg12[%swap3A_218, %swap3A_219], %bitcast3A_215 {strides = array<i32>} : memref<128x128xf32, #tpu.memory_space<vmem>>, vector<16xf32>,
        %get3A_221 = arith.index_cast %scan3A_208 : i32 to index
        %get3A_222 = arith.constant 16 : index
        %get3A_223 = tpu.vector_load %arg11[%get3A_221, %get3A_222] {strides = array<i32>} : memref<128x64xi32, #tpu.memory_space<vmem>>, vector<16xi32>,
        %shift_left3A_224 = arith.constant 16 : i32
        %shift_left3A_225 = vector.broadcast %shift_left3A_224 : i32 to vector<16xi32>
        %shift_left3A_226 = arith.shli %get3A_223, %shift_left3A_225 : vector<16xi32>
        %bitcast3A_227 = vector.bitcast %shift_left3A_226 : vector<16xi32> to vector<16xf32>
        %and3A_228 = arith.constant -65536 : i32
        %and3A_229 = vector.broadcast %and3A_228 : i32 to vector<16xi32>
        %and3A_230 = arith.andi %get3A_223, %and3A_229 : vector<16xi32>
        %bitcast3A_231 = vector.bitcast %and3A_230 : vector<16xi32> to vector<16xf32>
        %swap3A_232 = arith.index_cast %scan3A_208 : i32 to index
        %swap3A_233 = arith.constant 16 : index
        %swap3A_234 = tpu.vector_load %arg12[%swap3A_232, %swap3A_233] {strides = array<i32>} : memref<128x128xf32, #tpu.memory_space<vmem>>, vector<16xf32>,
        tpu.vector_store %arg12[%swap3A_232, %swap3A_233], %bitcast3A_227 {strides = array<i32>} : memref<128x128xf32, #tpu.memory_space<vmem>>, vector<16xf32>,
        %swap3A_235 = arith.index_cast %scan3A_208 : i32 to index
        %swap3A_236 = arith.constant 80 : index
        %swap3A_237 = tpu.vector_load %arg12[%swap3A_235, %swap3A_236] {strides = array<i32>} : memref<128x128xf32, #tpu.memory_space<vmem>>, vector<16xf32>,
        tpu.vector_store %arg12[%swap3A_235, %swap3A_236], %bitcast3A_231 {strides = array<i32>} : memref<128x128xf32, #tpu.memory_space<vmem>>, vector<16xf32>,
        %get3A_238 = arith.index_cast %scan3A_208 : i32 to index
        %get3A_239 = arith.constant 32 : index
        %get3A_240 = tpu.vector_load %arg11[%get3A_238, %get3A_239] {strides = array<i32>} : memref<128x64xi32, #tpu.memory_space<vmem>>, vector<16xi32>,
        %shift_left3A_241 = arith.constant 16 : i32
        %shift_left3A_242 = vector.broadcast %shift_left3A_241 : i32 to vector<16xi32>
        %shift_left3A_243 = arith.shli %get3A_240, %shift_left3A_242 : vector<16xi32>
        %bitcast3A_244 = vector.bitcast %shift_left3A_243 : vector<16xi32> to vector<16xf32>
        %and3A_245 = arith.constant -65536 : i32
        %and3A_246 = vector.broadcast %and3A_245 : i32 to vector<16xi32>
        %and3A_247 = arith.andi %get3A_240, %and3A_246 : vector<16xi32>
        %bitcast3A_248 = vector.bitcast %and3A_247 : vector<16xi32> to vector<16xf32>
        %swap3A_249 = arith.index_cast %scan3A_208 : i32 to index
        %swap3A_250 = arith.constant 32 : index
        %swap3A_251 = tpu.vector_load %arg12[%swap3A_249, %swap3A_250] {strides = array<i32>} : memref<128x128xf32, #tpu.memory_space<vmem>>, vector<16xf32>,
        tpu.vector_store %arg12[%swap3A_249, %swap3A_250], %bitcast3A_244 {strides = array<i32>} : memref<128x128xf32, #tpu.memory_space<vmem>>, vector<16xf32>,
        %swap3A_252 = arith.index_cast %scan3A_208 : i32 to index
        %swap3A_253 = arith.constant 96 : index
        %swap3A_254 = tpu.vector_load %arg12[%swap3A_252, %swap3A_253] {strides = array<i32>} : memref<128x128xf32, #tpu.memory_space<vmem>>, vector<16xf32>,
        tpu.vector_store %arg12[%swap3A_252, %swap3A_253], %bitcast3A_248 {strides = array<i32>} : memref<128x128xf32, #tpu.memory_space<vmem>>, vector<16xf32>,
        %get3A_255 = arith.index_cast %scan3A_208 : i32 to index
        %get3A_256 = arith.constant 48 : index
        %get3A_257 = tpu.vector_load %arg11[%get3A_255, %get3A_256] {strides = array<i32>} : memref<128x64xi32, #tpu.memory_space<vmem>>, vector<16xi32>,
        %shift_left3A_258 = arith.constant 16 : i32
        %shift_left3A_259 = vector.broadcast %shift_left3A_258 : i32 to vector<16xi32>
        %shift_left3A_260 = arith.shli %get3A_257, %shift_left3A_259 : vector<16xi32>
        %bitcast3A_261 = vector.bitcast %shift_left3A_260 : vector<16xi32> to vector<16xf32>
        %and3A_262 = arith.constant -65536 : i32
        %and3A_263 = vector.broadcast %and3A_262 : i32 to vector<16xi32>
        %and3A_264 = arith.andi %get3A_257, %and3A_263 : vector<16xi32>
        %bitcast3A_265 = vector.bitcast %and3A_264 : vector<16xi32> to vector<16xf32>
        %swap3A_266 = arith.index_cast %scan3A_208 : i32 to index
        %swap3A_267 = arith.constant 48 : index
        %swap3A_268 = tpu.vector_load %arg12[%swap3A_266, %swap3A_267] {strides = array<i32>} : memref<128x128xf32, #tpu.memory_space<vmem>>, vector<16xf32>,
        tpu.vector_store %arg12[%swap3A_266, %swap3A_267], %bitcast3A_261 {strides = array<i32>} : memref<128x128xf32, #tpu.memory_space<vmem>>, vector<16xf32>,
        %swap3A_269 = arith.index_cast %scan3A_208 : i32 to index
        %swap3A_270 = arith.constant 112 : index
        %swap3A_271 = tpu.vector_load %arg12[%swap3A_269, %swap3A_270] {strides = array<i32>} : memref<128x128xf32, #tpu.memory_space<vmem>>, vector<16xf32>,
        tpu.vector_store %arg12[%swap3A_269, %swap3A_270], %bitcast3A_265 {strides = array<i32>} : memref<128x128xf32, #tpu.memory_space<vmem>>, vector<16xf32>,
      }
      %scan3A_185 = arith.constant 128 : i32
      %add3A_186 = arith.constant 2 : i32
      %add3A_187 = arith.addi %add3A_161, %add3A_186 : i32
      %dma_start3A_188 = arith.constant 0 : i32
      %dma_start3A_189 = tpu.memref_slice %arg8[%add3A_187, %dma_start3A_188] : memref<80x128xi32, #tpu.memory_space<vmem>> -> memref<1x128xi32, #tpu.memory_space<vmem>>
      %dma_start3A_190 = tpu.memref_squeeze %dma_start3A_189 : memref<1x128xi32, #tpu.memory_space<vmem>> -> memref<128xi32, #tpu.memory_space<vmem>>
      %dma_start3A_191 = arith.constant 0 : i32
      %dma_start3A_192 = arith.constant 0 : i32
      %dma_start3A_193 = tpu.memref_slice %arg2[%dma_start3A_191, %dma_start3A_192] : memref<10000x64xi32, #tpu.memory_space<hbm>> -> memref<10000x64xi32, #tpu.memory_space<hbm>>
      tpu.enqueue_indirect_dma source(%dma_start3A_193 : memref<10000x64xi32, #tpu.memory_space<hbm>>) target(%arg11 : memref<128x64xi32, #tpu.memory_space<vmem>>) offsets(%dma_start3A_190 : memref<128xi32, #tpu.memory_space<vmem>>) semaphore(%arg14 : memref<!tpu.dma_semaphore, #tpu.memory_space<semaphore_mem>>)
      %dma_start3A_194 = arith.constant 1 : i32
      %dma_start3A_195 = arith.constant 0 : i32
      %dma_start3A_196 = tpu.memref_slice %arg9[%dma_start3A_194, %dma_start3A_195] : memref<2x128xi32, #tpu.memory_space<vmem>> -> memref<1x128xi32, #tpu.memory_space<vmem>>
      %dma_start3A_197 = tpu.memref_squeeze %dma_start3A_196 : memref<1x128xi32, #tpu.memory_space<vmem>> -> memref<128xi32, #tpu.memory_space<vmem>>
      %dma_start3A_198 = arith.constant 0 : i32
      %dma_start3A_199 = tpu.memref_slice %arg4[%add3A, %add3A_187, %dma_start3A_198] : memref<32x80x128xi32, #tpu.memory_space<hbm>> -> memref<1x1x128xi32, #tpu.memory_space<hbm>>
      %dma_start3A_200 = tpu.memref_squeeze %dma_start3A_199 : memref<1x1x128xi32, #tpu.memory_space<hbm>> -> memref<128xi32, #tpu.memory_space<hbm>>
      %dma_start3A_201 = arith.constant 0 : i32
      %dma_start3A_202 = tpu.memref_slice %arg9[%dma_start3A_194, %dma_start3A_201] : memref<2x128xi32, #tpu.memory_space<vmem>> -> memref<1x128xi32, #tpu.memory_space<vmem>>
      %dma_start3A_203 = tpu.memref_squeeze %dma_start3A_202 : memref<1x128xi32, #tpu.memory_space<vmem>> -> memref<128xi32, #tpu.memory_space<vmem>>
      %dma_start3A_204 = arith.constant 0 : i32
      %dma_start3A_205 = tpu.memref_slice %arg4[%add3A, %add3A_187, %dma_start3A_204] : memref<32x80x128xi32, #tpu.memory_space<hbm>> -> memref<1x1x128xi32, #tpu.memory_space<hbm>>
      %dma_start3A_206 = tpu.memref_squeeze %dma_start3A_205 : memref<1x1x128xi32, #tpu.memory_space<hbm>> -> memref<128xi32, #tpu.memory_space<hbm>>
      tpu.enqueue_dma source(%dma_start3A_206 : memref<128xi32, #tpu.memory_space<hbm>>) target(%dma_start3A_203 : memref<128xi32, #tpu.memory_space<vmem>>) target_semaphore(%arg16 : memref<!tpu.dma_semaphore, #tpu.memory_space<semaphore_mem>>)
      %run_scoped3A_207 = arith.constant 1 : i32
      "tpu.region"() ({
        %run_scoped3A_208 = tpu.sem_alloc : memref<!tpu.dma_semaphore, #tpu.memory_space<semaphore_mem>>
        %dma_start3A_209 = arith.constant 0 : i32
        %dma_start3A_210 = tpu.memref_slice %arg9[%run_scoped3A_207, %dma_start3A_209] : memref<2x128xi32, #tpu.memory_space<vmem>> -> memref<1x128xi32, #tpu.memory_space<vmem>>
        %dma_start3A_211 = tpu.memref_squeeze %dma_start3A_210 : memref<1x128xi32, #tpu.memory_space<vmem>> -> memref<128xi32, #tpu.memory_space<vmem>>
        %dma_start3A_212 = arith.constant 0 : i32
        %dma_start3A_213 = arith.constant 0 : i32
        %dma_start3A_214 = tpu.memref_slice %arg7[%dma_start3A_212, %dma_start3A_213] : memref<10112x128xf32, #tpu.memory_space<vmem_shared>> -> memref<10112x128xf32, #tpu.memory_space<vmem_shared>>
        tpu.enqueue_indirect_dma source(%arg12 : memref<128x128xf32, #tpu.memory_space<vmem>>) target(%dma_start3A_214 : memref<10112x128xf32, #tpu.memory_space<vmem_shared>>) offsets(%dma_start3A_211 : memref<128xi32, #tpu.memory_space<vmem>>) semaphore(%run_scoped3A_208 : memref<!tpu.dma_semaphore, #tpu.memory_space<semaphore_mem>>) {add = true}
        %dma_wait3A_215 = arith.constant 0 : i32
        %dma_wait3A_216 = tpu.memref_slice %arg9[%run_scoped3A_207, %dma_wait3A_215] : memref<2x128xi32, #tpu.memory_space<vmem>> -> memref<1x128xi32, #tpu.memory_space<vmem>>
        %dma_wait3A_217 = tpu.memref_squeeze %dma_wait3A_216 : memref<1x128xi32, #tpu.memory_space<vmem>> -> memref<128xi32, #tpu.memory_space<vmem>>
        %dma_wait3A_218 = arith.constant 0 : i32
        %dma_wait3A_219 = arith.constant 0 : i32
        %dma_wait3A_220 = tpu.memref_slice %arg7[%dma_wait3A_218, %dma_wait3A_219] : memref<10112x128xf32, #tpu.memory_space<vmem_shared>> -> memref<10112x128xf32, #tpu.memory_space<vmem_shared>>
        tpu.wait_indirect_dma semaphore(%run_scoped3A_208 : memref<!tpu.dma_semaphore, #tpu.memory_space<semaphore_mem>>) src(%arg12 : memref<128x128xf32, #tpu.memory_space<vmem>>) dst(%dma_wait3A_220 : memref<10112x128xf32, #tpu.memory_space<vmem_shared>>)
        tpu.yield
      }) : () -> ()
    }
    %scan3A_49 = arith.constant 39 : i32
    %dma_wait3A = arith.constant 78 : i32
    %dma_wait3A_50 = arith.constant 0 : i32
    %dma_wait3A_51 = tpu.memref_slice %arg8[%dma_wait3A, %dma_wait3A_50] : memref<80x128xi32, #tpu.memory_space<vmem>> -> memref<1x128xi32, #tpu.memory_space<vmem>>
    %dma_wait3A_52 = tpu.memref_squeeze %dma_wait3A_51 : memref<1x128xi32, #tpu.memory_space<vmem>> -> memref<128xi32, #tpu.memory_space<vmem>>
    %dma_wait3A_53 = arith.constant 0 : i32
    %dma_wait3A_54 = arith.constant 0 : i32
    %dma_wait3A_55 = tpu.memref_slice %arg2[%dma_wait3A_53, %dma_wait3A_54] : memref<10000x64xi32, #tpu.memory_space<hbm>> -> memref<10000x64xi32, #tpu.memory_space<hbm>>
    tpu.wait_indirect_dma semaphore(%arg13 : memref<!tpu.dma_semaphore, #tpu.memory_space<semaphore_mem>>) src(%dma_wait3A_55 : memref<10000x64xi32, #tpu.memory_space<hbm>>) dst(%arg10 : memref<128x64xi32, #tpu.memory_space<vmem>>)
    %dma_wait3A_56 = arith.constant 78 : i32
    %dma_wait3A_57 = arith.constant 0 : i32
    %dma_wait3A_58 = arith.constant 0 : i32
    %dma_wait3A_59 = tpu.memref_slice %arg9[%dma_wait3A_57, %dma_wait3A_58] : memref<2x128xi32, #tpu.memory_space<vmem>> -> memref<1x128xi32, #tpu.memory_space<vmem>>
    %dma_wait3A_60 = tpu.memref_squeeze %dma_wait3A_59 : memref<1x128xi32, #tpu.memory_space<vmem>> -> memref<128xi32, #tpu.memory_space<vmem>>
    %dma_wait3A_61 = arith.constant 0 : i32
    %dma_wait3A_62 = tpu.memref_slice %arg4[%add3A, %dma_wait3A_56, %dma_wait3A_61] : memref<32x80x128xi32, #tpu.memory_space<hbm>> -> memref<1x1x128xi32, #tpu.memory_space<hbm>>
    %dma_wait3A_63 = tpu.memref_squeeze %dma_wait3A_62 : memref<1x1x128xi32, #tpu.memory_space<hbm>> -> memref<128xi32, #tpu.memory_space<hbm>>
    %dma_wait3A_64 = arith.constant 0 : i32
    %dma_wait3A_65 = tpu.memref_slice %arg9[%dma_wait3A_57, %dma_wait3A_64] : memref<2x128xi32, #tpu.memory_space<vmem>> -> memref<1x128xi32, #tpu.memory_space<vmem>>
    %dma_wait3A_66 = tpu.memref_squeeze %dma_wait3A_65 : memref<1x128xi32, #tpu.memory_space<vmem>> -> memref<128xi32, #tpu.memory_space<vmem>>
    %dma_wait3A_67 = arith.constant 0 : i32
    %dma_wait3A_68 = tpu.memref_slice %arg4[%add3A, %dma_wait3A_56, %dma_wait3A_67] : memref<32x80x128xi32, #tpu.memory_space<hbm>> -> memref<1x1x128xi32, #tpu.memory_space<hbm>>
    %dma_wait3A_69 = tpu.memref_squeeze %dma_wait3A_68 : memref<1x1x128xi32, #tpu.memory_space<hbm>> -> memref<128xi32, #tpu.memory_space<hbm>>
    tpu.wait_dma2 semaphore(%arg15 : memref<!tpu.dma_semaphore, #tpu.memory_space<semaphore_mem>>) src(%dma_wait3A_69 : memref<128xi32, #tpu.memory_space<hbm>>) dst(%dma_wait3A_66 : memref<128xi32, #tpu.memory_space<vmem>>)
    %scan3A_70 = arith.constant 0 : i32
    %scan3A_71 = arith.constant 128 : i32
    %scan3A_72 = arith.addi %scan3A_70, %scan3A_71 : i32
    %scan3A_73 = arith.constant 1 : i32
    scf.for %scan3A_107 = %scan3A_70 to %scan3A_72 step %scan3A_73  : i32 {
      %get3A = arith.index_cast %scan3A_107 : i32 to index
      %get3A_108 = arith.constant 0 : index
      %get3A_109 = tpu.vector_load %arg10[%get3A, %get3A_108] {strides = array<i32>} : memref<128x64xi32, #tpu.memory_space<vmem>>, vector<16xi32>,
      %shift_left3A = arith.constant 16 : i32
      %shift_left3A_110 = vector.broadcast %shift_left3A : i32 to vector<16xi32>
      %shift_left3A_111 = arith.shli %get3A_109, %shift_left3A_110 : vector<16xi32>
      %bitcast3A = vector.bitcast %shift_left3A_111 : vector<16xi32> to vector<16xf32>
      %and3A = arith.constant -65536 : i32
      %and3A_112 = vector.broadcast %and3A : i32 to vector<16xi32>
      %and3A_113 = arith.andi %get3A_109, %and3A_112 : vector<16xi32>
      %bitcast3A_114 = vector.bitcast %and3A_113 : vector<16xi32> to vector<16xf32>
      %swap3A = arith.index_cast %scan3A_107 : i32 to index
      %swap3A_115 = arith.constant 0 : index
      %swap3A_116 = tpu.vector_load %arg12[%swap3A, %swap3A_115] {strides = array<i32>} : memref<128x128xf32, #tpu.memory_space<vmem>>, vector<16xf32>,
      tpu.vector_store %arg12[%swap3A, %swap3A_115], %bitcast3A {strides = array<i32>} : memref<128x128xf32, #tpu.memory_space<vmem>>, vector<16xf32>,
      %swap3A_117 = arith.index_cast %scan3A_107 : i32 to index
      %swap3A_118 = arith.constant 64 : index
      %swap3A_119 = tpu.vector_load %arg12[%swap3A_117, %swap3A_118] {strides = array<i32>} : memref<128x128xf32, #tpu.memory_space<vmem>>, vector<16xf32>,
      tpu.vector_store %arg12[%swap3A_117, %swap3A_118], %bitcast3A_114 {strides = array<i32>} : memref<128x128xf32, #tpu.memory_space<vmem>>, vector<16xf32>,
      %get3A_120 = arith.index_cast %scan3A_107 : i32 to index
      %get3A_121 = arith.constant 16 : index
      %get3A_122 = tpu.vector_load %arg10[%get3A_120, %get3A_121] {strides = array<i32>} : memref<128x64xi32, #tpu.memory_space<vmem>>, vector<16xi32>,
      %shift_left3A_123 = arith.constant 16 : i32
      %shift_left3A_124 = vector.broadcast %shift_left3A_123 : i32 to vector<16xi32>
      %shift_left3A_125 = arith.shli %get3A_122, %shift_left3A_124 : vector<16xi32>
      %bitcast3A_126 = vector.bitcast %shift_left3A_125 : vector<16xi32> to vector<16xf32>
      %and3A_127 = arith.constant -65536 : i32
      %and3A_128 = vector.broadcast %and3A_127 : i32 to vector<16xi32>
      %and3A_129 = arith.andi %get3A_122, %and3A_128 : vector<16xi32>
      %bitcast3A_130 = vector.bitcast %and3A_129 : vector<16xi32> to vector<16xf32>
      %swap3A_131 = arith.index_cast %scan3A_107 : i32 to index
      %swap3A_132 = arith.constant 16 : index
      %swap3A_133 = tpu.vector_load %arg12[%swap3A_131, %swap3A_132] {strides = array<i32>} : memref<128x128xf32, #tpu.memory_space<vmem>>, vector<16xf32>,
      tpu.vector_store %arg12[%swap3A_131, %swap3A_132], %bitcast3A_126 {strides = array<i32>} : memref<128x128xf32, #tpu.memory_space<vmem>>, vector<16xf32>,
      %swap3A_134 = arith.index_cast %scan3A_107 : i32 to index
      %swap3A_135 = arith.constant 80 : index
      %swap3A_136 = tpu.vector_load %arg12[%swap3A_134, %swap3A_135] {strides = array<i32>} : memref<128x128xf32, #tpu.memory_space<vmem>>, vector<16xf32>,
      tpu.vector_store %arg12[%swap3A_134, %swap3A_135], %bitcast3A_130 {strides = array<i32>} : memref<128x128xf32, #tpu.memory_space<vmem>>, vector<16xf32>,
      %get3A_137 = arith.index_cast %scan3A_107 : i32 to index
      %get3A_138 = arith.constant 32 : index
      %get3A_139 = tpu.vector_load %arg10[%get3A_137, %get3A_138] {strides = array<i32>} : memref<128x64xi32, #tpu.memory_space<vmem>>, vector<16xi32>,
      %shift_left3A_140 = arith.constant 16 : i32
      %shift_left3A_141 = vector.broadcast %shift_left3A_140 : i32 to vector<16xi32>
      %shift_left3A_142 = arith.shli %get3A_139, %shift_left3A_141 : vector<16xi32>
      %bitcast3A_143 = vector.bitcast %shift_left3A_142 : vector<16xi32> to vector<16xf32>
      %and3A_144 = arith.constant -65536 : i32
      %and3A_145 = vector.broadcast %and3A_144 : i32 to vector<16xi32>
      %and3A_146 = arith.andi %get3A_139, %and3A_145 : vector<16xi32>
      %bitcast3A_147 = vector.bitcast %and3A_146 : vector<16xi32> to vector<16xf32>
      %swap3A_148 = arith.index_cast %scan3A_107 : i32 to index
      %swap3A_149 = arith.constant 32 : index
      %swap3A_150 = tpu.vector_load %arg12[%swap3A_148, %swap3A_149] {strides = array<i32>} : memref<128x128xf32, #tpu.memory_space<vmem>>, vector<16xf32>,
      tpu.vector_store %arg12[%swap3A_148, %swap3A_149], %bitcast3A_143 {strides = array<i32>} : memref<128x128xf32, #tpu.memory_space<vmem>>, vector<16xf32>,
      %swap3A_151 = arith.index_cast %scan3A_107 : i32 to index
      %swap3A_152 = arith.constant 96 : index
      %swap3A_153 = tpu.vector_load %arg12[%swap3A_151, %swap3A_152] {strides = array<i32>} : memref<128x128xf32, #tpu.memory_space<vmem>>, vector<16xf32>,
      tpu.vector_store %arg12[%swap3A_151, %swap3A_152], %bitcast3A_147 {strides = array<i32>} : memref<128x128xf32, #tpu.memory_space<vmem>>, vector<16xf32>,
      %get3A_154 = arith.index_cast %scan3A_107 : i32 to index
      %get3A_155 = arith.constant 48 : index
      %get3A_156 = tpu.vector_load %arg10[%get3A_154, %get3A_155] {strides = array<i32>} : memref<128x64xi32, #tpu.memory_space<vmem>>, vector<16xi32>,
      %shift_left3A_157 = arith.constant 16 : i32
      %shift_left3A_158 = vector.broadcast %shift_left3A_157 : i32 to vector<16xi32>
      %shift_left3A_159 = arith.shli %get3A_156, %shift_left3A_158 : vector<16xi32>
      %bitcast3A_160 = vector.bitcast %shift_left3A_159 : vector<16xi32> to vector<16xf32>
      %and3A_161 = arith.constant -65536 : i32
      %and3A_162 = vector.broadcast %and3A_161 : i32 to vector<16xi32>
      %and3A_163 = arith.andi %get3A_156, %and3A_162 : vector<16xi32>
      %bitcast3A_164 = vector.bitcast %and3A_163 : vector<16xi32> to vector<16xf32>
      %swap3A_165 = arith.index_cast %scan3A_107 : i32 to index
      %swap3A_166 = arith.constant 48 : index
      %swap3A_167 = tpu.vector_load %arg12[%swap3A_165, %swap3A_166] {strides = array<i32>} : memref<128x128xf32, #tpu.memory_space<vmem>>, vector<16xf32>,
      tpu.vector_store %arg12[%swap3A_165, %swap3A_166], %bitcast3A_160 {strides = array<i32>} : memref<128x128xf32, #tpu.memory_space<vmem>>, vector<16xf32>,
      %swap3A_168 = arith.index_cast %scan3A_107 : i32 to index
      %swap3A_169 = arith.constant 112 : index
      %swap3A_170 = tpu.vector_load %arg12[%swap3A_168, %swap3A_169] {strides = array<i32>} : memref<128x128xf32, #tpu.memory_space<vmem>>, vector<16xf32>,
      tpu.vector_store %arg12[%swap3A_168, %swap3A_169], %bitcast3A_164 {strides = array<i32>} : memref<128x128xf32, #tpu.memory_space<vmem>>, vector<16xf32>,
    }
    %scan3A_74 = arith.constant 128 : i32
    %run_scoped3A = arith.constant 0 : i32
    "tpu.region"() ({
      %run_scoped3A_107 = tpu.sem_alloc : memref<!tpu.dma_semaphore, #tpu.memory_space<semaphore_mem>>
      %dma_start3A_108 = arith.constant 0 : i32
      %dma_start3A_109 = tpu.memref_slice %arg9[%run_scoped3A, %dma_start3A_108] : memref<2x128xi32, #tpu.memory_space<vmem>> -> memref<1x128xi32, #tpu.memory_space<vmem>>
      %dma_start3A_110 = tpu.memref_squeeze %dma_start3A_109 : memref<1x128xi32, #tpu.memory_space<vmem>> -> memref<128xi32, #tpu.memory_space<vmem>>
      %dma_start3A_111 = arith.constant 0 : i32
      %dma_start3A_112 = arith.constant 0 : i32
      %dma_start3A_113 = tpu.memref_slice %arg7[%dma_start3A_111, %dma_start3A_112] : memref<10112x128xf32, #tpu.memory_space<vmem_shared>> -> memref<10112x128xf32, #tpu.memory_space<vmem_shared>>
      tpu.enqueue_indirect_dma source(%arg12 : memref<128x128xf32, #tpu.memory_space<vmem>>) target(%dma_start3A_113 : memref<10112x128xf32, #tpu.memory_space<vmem_shared>>) offsets(%dma_start3A_110 : memref<128xi32, #tpu.memory_space<vmem>>) semaphore(%run_scoped3A_107 : memref<!tpu.dma_semaphore, #tpu.memory_space<semaphore_mem>>) {add = true}
      %dma_wait3A_114 = arith.constant 0 : i32
      %dma_wait3A_115 = tpu.memref_slice %arg9[%run_scoped3A, %dma_wait3A_114] : memref<2x128xi32, #tpu.memory_space<vmem>> -> memref<1x128xi32, #tpu.memory_space<vmem>>
      %dma_wait3A_116 = tpu.memref_squeeze %dma_wait3A_115 : memref<1x128xi32, #tpu.memory_space<vmem>> -> memref<128xi32, #tpu.memory_space<vmem>>
      %dma_wait3A_117 = arith.constant 0 : i32
      %dma_wait3A_118 = arith.constant 0 : i32
      %dma_wait3A_119 = tpu.memref_slice %arg7[%dma_wait3A_117, %dma_wait3A_118] : memref<10112x128xf32, #tpu.memory_space<vmem_shared>> -> memref<10112x128xf32, #tpu.memory_space<vmem_shared>>
      tpu.wait_indirect_dma semaphore(%run_scoped3A_107 : memref<!tpu.dma_semaphore, #tpu.memory_space<semaphore_mem>>) src(%arg12 : memref<128x128xf32, #tpu.memory_space<vmem>>) dst(%dma_wait3A_119 : memref<10112x128xf32, #tpu.memory_space<vmem_shared>>)
      tpu.yield
    }) : () -> ()
    %dma_wait3A_75 = arith.constant 79 : i32
    %dma_wait3A_76 = arith.constant 0 : i32
    %dma_wait3A_77 = tpu.memref_slice %arg8[%dma_wait3A_75, %dma_wait3A_76] : memref<80x128xi32, #tpu.memory_space<vmem>> -> memref<1x128xi32, #tpu.memory_space<vmem>>
    %dma_wait3A_78 = tpu.memref_squeeze %dma_wait3A_77 : memref<1x128xi32, #tpu.memory_space<vmem>> -> memref<128xi32, #tpu.memory_space<vmem>>
    %dma_wait3A_79 = arith.constant 0 : i32
    %dma_wait3A_80 = arith.constant 0 : i32
    %dma_wait3A_81 = tpu.memref_slice %arg2[%dma_wait3A_79, %dma_wait3A_80] : memref<10000x64xi32, #tpu.memory_space<hbm>> -> memref<10000x64xi32, #tpu.memory_space<hbm>>
    tpu.wait_indirect_dma semaphore(%arg14 : memref<!tpu.dma_semaphore, #tpu.memory_space<semaphore_mem>>) src(%dma_wait3A_81 : memref<10000x64xi32, #tpu.memory_space<hbm>>) dst(%arg11 : memref<128x64xi32, #tpu.memory_space<vmem>>)
    %dma_wait3A_82 = arith.constant 79 : i32
    %dma_wait3A_83 = arith.constant 1 : i32
    %dma_wait3A_84 = arith.constant 0 : i32
    %dma_wait3A_85 = tpu.memref_slice %arg9[%dma_wait3A_83, %dma_wait3A_84] : memref<2x128xi32, #tpu.memory_space<vmem>> -> memref<1x128xi32, #tpu.memory_space<vmem>>
    %dma_wait3A_86 = tpu.memref_squeeze %dma_wait3A_85 : memref<1x128xi32, #tpu.memory_space<vmem>> -> memref<128xi32, #tpu.memory_space<vmem>>
    %dma_wait3A_87 = arith.constant 0 : i32
    %dma_wait3A_88 = tpu.memref_slice %arg4[%add3A, %dma_wait3A_82, %dma_wait3A_87] : memref<32x80x128xi32, #tpu.memory_space<hbm>> -> memref<1x1x128xi32, #tpu.memory_space<hbm>>
    %dma_wait3A_89 = tpu.memref_squeeze %dma_wait3A_88 : memref<1x1x128xi32, #tpu.memory_space<hbm>> -> memref<128xi32, #tpu.memory_space<hbm>>
    %dma_wait3A_90 = arith.constant 0 : i32
    %dma_wait3A_91 = tpu.memref_slice %arg9[%dma_wait3A_83, %dma_wait3A_90] : memref<2x128xi32, #tpu.memory_space<vmem>> -> memref<1x128xi32, #tpu.memory_space<vmem>>
    %dma_wait3A_92 = tpu.memref_squeeze %dma_wait3A_91 : memref<1x128xi32, #tpu.memory_space<vmem>> -> memref<128xi32, #tpu.memory_space<vmem>>
    %dma_wait3A_93 = arith.constant 0 : i32
    %dma_wait3A_94 = tpu.memref_slice %arg4[%add3A, %dma_wait3A_82, %dma_wait3A_93] : memref<32x80x128xi32, #tpu.memory_space<hbm>> -> memref<1x1x128xi32, #tpu.memory_space<hbm>>
    %dma_wait3A_95 = tpu.memref_squeeze %dma_wait3A_94 : memref<1x1x128xi32, #tpu.memory_space<hbm>> -> memref<128xi32, #tpu.memory_space<hbm>>
    tpu.wait_dma2 semaphore(%arg16 : memref<!tpu.dma_semaphore, #tpu.memory_space<semaphore_mem>>) src(%dma_wait3A_95 : memref<128xi32, #tpu.memory_space<hbm>>) dst(%dma_wait3A_92 : memref<128xi32, #tpu.memory_space<vmem>>)
    %scan3A_96 = arith.constant 0 : i32
    %scan3A_97 = arith.constant 128 : i32
    %scan3A_98 = arith.addi %scan3A_96, %scan3A_97 : i32
    %scan3A_99 = arith.constant 1 : i32
    scf.for %scan3A_107 = %scan3A_96 to %scan3A_98 step %scan3A_99  : i32 {
      %get3A = arith.index_cast %scan3A_107 : i32 to index
      %get3A_108 = arith.constant 0 : index
      %get3A_109 = tpu.vector_load %arg11[%get3A, %get3A_108] {strides = array<i32>} : memref<128x64xi32, #tpu.memory_space<vmem>>, vector<16xi32>,
      %shift_left3A = arith.constant 16 : i32
      %shift_left3A_110 = vector.broadcast %shift_left3A : i32 to vector<16xi32>
      %shift_left3A_111 = arith.shli %get3A_109, %shift_left3A_110 : vector<16xi32>
      %bitcast3A = vector.bitcast %shift_left3A_111 : vector<16xi32> to vector<16xf32>
      %and3A = arith.constant -65536 : i32
      %and3A_112 = vector.broadcast %and3A : i32 to vector<16xi32>
      %and3A_113 = arith.andi %get3A_109, %and3A_112 : vector<16xi32>
      %bitcast3A_114 = vector.bitcast %and3A_113 : vector<16xi32> to vector<16xf32>
      %swap3A = arith.index_cast %scan3A_107 : i32 to index
      %swap3A_115 = arith.constant 0 : index
      %swap3A_116 = tpu.vector_load %arg12[%swap3A, %swap3A_115] {strides = array<i32>} : memref<128x128xf32, #tpu.memory_space<vmem>>, vector<16xf32>,
      tpu.vector_store %arg12[%swap3A, %swap3A_115], %bitcast3A {strides = array<i32>} : memref<128x128xf32, #tpu.memory_space<vmem>>, vector<16xf32>,
      %swap3A_117 = arith.index_cast %scan3A_107 : i32 to index
      %swap3A_118 = arith.constant 64 : index
      %swap3A_119 = tpu.vector_load %arg12[%swap3A_117, %swap3A_118] {strides = array<i32>} : memref<128x128xf32, #tpu.memory_space<vmem>>, vector<16xf32>,
      tpu.vector_store %arg12[%swap3A_117, %swap3A_118], %bitcast3A_114 {strides = array<i32>} : memref<128x128xf32, #tpu.memory_space<vmem>>, vector<16xf32>,
      %get3A_120 = arith.index_cast %scan3A_107 : i32 to index
      %get3A_121 = arith.constant 16 : index
      %get3A_122 = tpu.vector_load %arg11[%get3A_120, %get3A_121] {strides = array<i32>} : memref<128x64xi32, #tpu.memory_space<vmem>>, vector<16xi32>,
      %shift_left3A_123 = arith.constant 16 : i32
      %shift_left3A_124 = vector.broadcast %shift_left3A_123 : i32 to vector<16xi32>
      %shift_left3A_125 = arith.shli %get3A_122, %shift_left3A_124 : vector<16xi32>
      %bitcast3A_126 = vector.bitcast %shift_left3A_125 : vector<16xi32> to vector<16xf32>
      %and3A_127 = arith.constant -65536 : i32
      %and3A_128 = vector.broadcast %and3A_127 : i32 to vector<16xi32>
      %and3A_129 = arith.andi %get3A_122, %and3A_128 : vector<16xi32>
      %bitcast3A_130 = vector.bitcast %and3A_129 : vector<16xi32> to vector<16xf32>
      %swap3A_131 = arith.index_cast %scan3A_107 : i32 to index
      %swap3A_132 = arith.constant 16 : index
      %swap3A_133 = tpu.vector_load %arg12[%swap3A_131, %swap3A_132] {strides = array<i32>} : memref<128x128xf32, #tpu.memory_space<vmem>>, vector<16xf32>,
      tpu.vector_store %arg12[%swap3A_131, %swap3A_132], %bitcast3A_126 {strides = array<i32>} : memref<128x128xf32, #tpu.memory_space<vmem>>, vector<16xf32>,
      %swap3A_134 = arith.index_cast %scan3A_107 : i32 to index
      %swap3A_135 = arith.constant 80 : index
      %swap3A_136 = tpu.vector_load %arg12[%swap3A_134, %swap3A_135] {strides = array<i32>} : memref<128x128xf32, #tpu.memory_space<vmem>>, vector<16xf32>,
      tpu.vector_store %arg12[%swap3A_134, %swap3A_135], %bitcast3A_130 {strides = array<i32>} : memref<128x128xf32, #tpu.memory_space<vmem>>, vector<16xf32>,
      %get3A_137 = arith.index_cast %scan3A_107 : i32 to index
      %get3A_138 = arith.constant 32 : index
      %get3A_139 = tpu.vector_load %arg11[%get3A_137, %get3A_138] {strides = array<i32>} : memref<128x64xi32, #tpu.memory_space<vmem>>, vector<16xi32>,
      %shift_left3A_140 = arith.constant 16 : i32
      %shift_left3A_141 = vector.broadcast %shift_left3A_140 : i32 to vector<16xi32>
      %shift_left3A_142 = arith.shli %get3A_139, %shift_left3A_141 : vector<16xi32>
      %bitcast3A_143 = vector.bitcast %shift_left3A_142 : vector<16xi32> to vector<16xf32>
      %and3A_144 = arith.constant -65536 : i32
      %and3A_145 = vector.broadcast %and3A_144 : i32 to vector<16xi32>
      %and3A_146 = arith.andi %get3A_139, %and3A_145 : vector<16xi32>
      %bitcast3A_147 = vector.bitcast %and3A_146 : vector<16xi32> to vector<16xf32>
      %swap3A_148 = arith.index_cast %scan3A_107 : i32 to index
      %swap3A_149 = arith.constant 32 : index
      %swap3A_150 = tpu.vector_load %arg12[%swap3A_148, %swap3A_149] {strides = array<i32>} : memref<128x128xf32, #tpu.memory_space<vmem>>, vector<16xf32>,
      tpu.vector_store %arg12[%swap3A_148, %swap3A_149], %bitcast3A_143 {strides = array<i32>} : memref<128x128xf32, #tpu.memory_space<vmem>>, vector<16xf32>,
      %swap3A_151 = arith.index_cast %scan3A_107 : i32 to index
      %swap3A_152 = arith.constant 96 : index
      %swap3A_153 = tpu.vector_load %arg12[%swap3A_151, %swap3A_152] {strides = array<i32>} : memref<128x128xf32, #tpu.memory_space<vmem>>, vector<16xf32>,
      tpu.vector_store %arg12[%swap3A_151, %swap3A_152], %bitcast3A_147 {strides = array<i32>} : memref<128x128xf32, #tpu.memory_space<vmem>>, vector<16xf32>,
      %get3A_154 = arith.index_cast %scan3A_107 : i32 to index
      %get3A_155 = arith.constant 48 : index
      %get3A_156 = tpu.vector_load %arg11[%get3A_154, %get3A_155] {strides = array<i32>} : memref<128x64xi32, #tpu.memory_space<vmem>>, vector<16xi32>,
      %shift_left3A_157 = arith.constant 16 : i32
      %shift_left3A_158 = vector.broadcast %shift_left3A_157 : i32 to vector<16xi32>
      %shift_left3A_159 = arith.shli %get3A_156, %shift_left3A_158 : vector<16xi32>
      %bitcast3A_160 = vector.bitcast %shift_left3A_159 : vector<16xi32> to vector<16xf32>
      %and3A_161 = arith.constant -65536 : i32
      %and3A_162 = vector.broadcast %and3A_161 : i32 to vector<16xi32>
      %and3A_163 = arith.andi %get3A_156, %and3A_162 : vector<16xi32>
      %bitcast3A_164 = vector.bitcast %and3A_163 : vector<16xi32> to vector<16xf32>
      %swap3A_165 = arith.index_cast %scan3A_107 : i32 to index
      %swap3A_166 = arith.constant 48 : index
      %swap3A_167 = tpu.vector_load %arg12[%swap3A_165, %swap3A_166] {strides = array<i32>} : memref<128x128xf32, #tpu.memory_space<vmem>>, vector<16xf32>,
      tpu.vector_store %arg12[%swap3A_165, %swap3A_166], %bitcast3A_160 {strides = array<i32>} : memref<128x128xf32, #tpu.memory_space<vmem>>, vector<16xf32>,
      %swap3A_168 = arith.index_cast %scan3A_107 : i32 to index
      %swap3A_169 = arith.constant 112 : index
      %swap3A_170 = tpu.vector_load %arg12[%swap3A_168, %swap3A_169] {strides = array<i32>} : memref<128x128xf32, #tpu.memory_space<vmem>>, vector<16xf32>,
      tpu.vector_store %arg12[%swap3A_168, %swap3A_169], %bitcast3A_164 {strides = array<i32>} : memref<128x128xf32, #tpu.memory_space<vmem>>, vector<16xf32>,
    }
    %scan3A_100 = arith.constant 128 : i32
    %run_scoped3A_101 = arith.constant 1 : i32
    "tpu.region"() ({
      %run_scoped3A_107 = tpu.sem_alloc : memref<!tpu.dma_semaphore, #tpu.memory_space<semaphore_mem>>
      %dma_start3A_108 = arith.constant 0 : i32
      %dma_start3A_109 = tpu.memref_slice %arg9[%run_scoped3A_101, %dma_start3A_108] : memref<2x128xi32, #tpu.memory_space<vmem>> -> memref<1x128xi32, #tpu.memory_space<vmem>>
      %dma_start3A_110 = tpu.memref_squeeze %dma_start3A_109 : memref<1x128xi32, #tpu.memory_space<vmem>> -> memref<128xi32, #tpu.memory_space<vmem>>
      %dma_start3A_111 = arith.constant 0 : i32
      %dma_start3A_112 = arith.constant 0 : i32
      %dma_start3A_113 = tpu.memref_slice %arg7[%dma_start3A_111, %dma_start3A_112] : memref<10112x128xf32, #tpu.memory_space<vmem_shared>> -> memref<10112x128xf32, #tpu.memory_space<vmem_shared>>
      tpu.enqueue_indirect_dma source(%arg12 : memref<128x128xf32, #tpu.memory_space<vmem>>) target(%dma_start3A_113 : memref<10112x128xf32, #tpu.memory_space<vmem_shared>>) offsets(%dma_start3A_110 : memref<128xi32, #tpu.memory_space<vmem>>) semaphore(%run_scoped3A_107 : memref<!tpu.dma_semaphore, #tpu.memory_space<semaphore_mem>>) {add = true}
      %dma_wait3A_114 = arith.constant 0 : i32
      %dma_wait3A_115 = tpu.memref_slice %arg9[%run_scoped3A_101, %dma_wait3A_114] : memref<2x128xi32, #tpu.memory_space<vmem>> -> memref<1x128xi32, #tpu.memory_space<vmem>>
      %dma_wait3A_116 = tpu.memref_squeeze %dma_wait3A_115 : memref<1x128xi32, #tpu.memory_space<vmem>> -> memref<128xi32, #tpu.memory_space<vmem>>
      %dma_wait3A_117 = arith.constant 0 : i32
      %dma_wait3A_118 = arith.constant 0 : i32
      %dma_wait3A_119 = tpu.memref_slice %arg7[%dma_wait3A_117, %dma_wait3A_118] : memref<10112x128xf32, #tpu.memory_space<vmem_shared>> -> memref<10112x128xf32, #tpu.memory_space<vmem_shared>>
      tpu.wait_indirect_dma semaphore(%run_scoped3A_107 : memref<!tpu.dma_semaphore, #tpu.memory_space<semaphore_mem>>) src(%arg12 : memref<128x128xf32, #tpu.memory_space<vmem>>) dst(%dma_wait3A_119 : memref<10112x128xf32, #tpu.memory_space<vmem_shared>>)
      tpu.yield
    }) : () -> ()
    %barrier3A_102 = arith.constant 0 : index
    tpu.barrier barrier_id(%barrier3A_102)
    %mul3A_103 = arith.constant 632 : i32
    %mul3A_104 = arith.muli %arg1, %mul3A_103 : i32
    %mul3A_105 = arith.constant 632 : i32
    %mul3A_106 = arith.muli %arg1, %mul3A_105 : i32
    "tpu.region"() ({
      %run_scoped3A_107 = tpu.sem_alloc : memref<!tpu.dma_semaphore, #tpu.memory_space<semaphore_mem>>
      %dma_start3A_108 = arith.constant 0 : i32
      %dma_start3A_109 = tpu.memref_slice %arg6[%arg0, %mul3A_106, %dma_start3A_108] : memref<2x10112x128xf32, #tpu.memory_space<hbm>> -> memref<1x632x128xf32, #tpu.memory_space<hbm>>
      %dma_start3A_110 = tpu.memref_squeeze %dma_start3A_109 : memref<1x632x128xf32, #tpu.memory_space<hbm>> -> memref<632x128xf32, #tpu.memory_space<hbm>>
      %dma_start3A_111 = arith.constant 0 : i32
      %dma_start3A_112 = tpu.memref_slice %arg7[%mul3A_104, %dma_start3A_111] : memref<10112x128xf32, #tpu.memory_space<vmem_shared>> -> memref<632x128xf32, #tpu.memory_space<vmem_shared>>
      tpu.enqueue_dma source(%dma_start3A_112 : memref<632x128xf32, #tpu.memory_space<vmem_shared>>) target(%dma_start3A_110 : memref<632x128xf32, #tpu.memory_space<hbm>>) target_semaphore(%run_scoped3A_107 : memref<!tpu.dma_semaphore, #tpu.memory_space<semaphore_mem>>)
      %dma_wait3A_113 = arith.constant 0 : i32
      %dma_wait3A_114 = tpu.memref_slice %arg6[%arg0, %mul3A_106, %dma_wait3A_113] : memref<2x10112x128xf32, #tpu.memory_space<hbm>> -> memref<1x632x128xf32, #tpu.memory_space<hbm>>
      %dma_wait3A_115 = tpu.memref_squeeze %dma_wait3A_114 : memref<1x632x128xf32, #tpu.memory_space<hbm>> -> memref<632x128xf32, #tpu.memory_space<hbm>>
      %dma_wait3A_116 = arith.constant 0 : i32
      %dma_wait3A_117 = tpu.memref_slice %arg7[%mul3A_104, %dma_wait3A_116] : memref<10112x128xf32, #tpu.memory_space<vmem_shared>> -> memref<632x128xf32, #tpu.memory_space<vmem_shared>>
      tpu.wait_dma2 semaphore(%run_scoped3A_107 : memref<!tpu.dma_semaphore, #tpu.memory_space<semaphore_mem>>) src(%dma_wait3A_117 : memref<632x128xf32, #tpu.memory_space<vmem_shared>>) dst(%dma_wait3A_115 : memref<632x128xf32, #tpu.memory_space<hbm>>)
      tpu.yield
    }) : () -> ()
    return
  }
}

#map = affine_map<(d0, d1) -> (0, 0)>
#map1 = affine_map<(d0, d1) -> (0, 0, 0)>
module attributes {stable_mosaic.version = 14 : i64} {
  func.func @body(%arg0: i32, %arg1: i32, %arg2: memref<10000x64xi32, #tpu.memory_space<hbm>>, %arg3: memref<32x80x128xi32, #tpu.memory_space<hbm>>, %arg4: memref<32x80x128xi32, #tpu.memory_space<hbm>>, %arg5: memref<10112x128xf32, #tpu.memory_space<hbm>>, %arg6: memref<2x10112x128xf32, #tpu.memory_space<hbm>>, %arg7: memref<10112x128xf32, #tpu.memory_space<vmem_shared>>, %arg8: memref<80x128xi32, #tpu.memory_space<vmem>>, %arg9: memref<2x128xi32, #tpu.memory_space<vmem>>, %arg10: memref<128x64xi32, #tpu.memory_space<vmem>>, %arg11: memref<128x64xi32, #tpu.memory_space<vmem>>, %arg12: memref<128x128xf32, #tpu.memory_space<vmem>>, %arg13: memref<!tpu.dma_semaphore, #tpu.memory_space<semaphore_mem>>, %arg14: memref<!tpu.dma_semaphore, #tpu.memory_space<semaphore_mem>>, %arg15: memref<!tpu.dma_semaphore, #tpu.memory_space<semaphore_mem>>, %arg16: memref<!tpu.dma_semaphore, #tpu.memory_space<semaphore_mem>>) attributes {dimension_semantics = [#tpu.dimension_semantics<core_parallel>, #tpu.dimension_semantics<subcore_parallel>], iteration_bounds = array<i64: 2, 16>, scalar_prefetch = 0 : i64, scratch_operands = 10 : i64, tpu.core_type = #tpu.core_type<sc_vector_subcore>, window_params = [{transform_indices = #map}, {transform_indices = #map1}, {transform_indices = #map1}, {transform_indices = #map}, {transform_indices = #map1}]} {
    %mul3A = arith.constant 16 : i32
    %mul3A_0 = arith.muli %arg0, %mul3A : i32
    %add3A = arith.addi %mul3A_0, %arg1 : i32
    %mul3A_1 = arith.constant 632 : i32
    %mul3A_2 = arith.muli %arg1, %mul3A_1 : i32
    %mul3A_3 = arith.constant 632 : i32
    %mul3A_4 = arith.muli %arg1, %mul3A_3 : i32
    "tpu.region"() ({
      %run_scoped3A_107 = tpu.sem_alloc : memref<!tpu.dma_semaphore, #tpu.memory_space<semaphore_mem>>
      %dma_start3A_108 = arith.constant 0 : i32
      %dma_start3A_109 = tpu.memref_slice %arg7[%mul3A_4, %dma_start3A_108] : memref<10112x128xf32, #tpu.memory_space<vmem_shared>> -> memref<632x128xf32, #tpu.memory_space<vmem_shared>>
      %dma_start3A_110 = arith.constant 0 : i32
      %dma_start3A_111 = tpu.memref_slice %arg5[%mul3A_2, %dma_start3A_110] : memref<10112x128xf32, #tpu.memory_space<hbm>> -> memref<632x128xf32, #tpu.memory_space<hbm>>
      tpu.enqueue_dma source(%dma_start3A_111 : memref<632x128xf32, #tpu.memory_space<hbm>>) target(%dma_start3A_109 : memref<632x128xf32, #tpu.memory_space<vmem_shared>>) target_semaphore(%run_scoped3A_107 : memref<!tpu.dma_semaphore, #tpu.memory_space<semaphore_mem>>)
      %dma_wait3A_112 = arith.constant 0 : i32
      %dma_wait3A_113 = tpu.memref_slice %arg7[%mul3A_4, %dma_wait3A_112] : memref<10112x128xf32, #tpu.memory_space<vmem_shared>> -> memref<632x128xf32, #tpu.memory_space<vmem_shared>>
      %dma_wait3A_114 = arith.constant 0 : i32
      %dma_wait3A_115 = tpu.memref_slice %arg5[%mul3A_2, %dma_wait3A_114] : memref<10112x128xf32, #tpu.memory_space<hbm>> -> memref<632x128xf32, #tpu.memory_space<hbm>>
      tpu.wait_dma2 semaphore(%run_scoped3A_107 : memref<!tpu.dma_semaphore, #tpu.memory_space<semaphore_mem>>) src(%dma_wait3A_115 : memref<632x128xf32, #tpu.memory_space<hbm>>) dst(%dma_wait3A_113 : memref<632x128xf32, #tpu.memory_space<vmem_shared>>)
      tpu.yield
    }) : () -> ()
    "tpu.region"() ({
      %run_scoped3A_107 = tpu.sem_alloc : memref<!tpu.dma_semaphore, #tpu.memory_space<semaphore_mem>>
      %dma_start3A_108 = arith.constant 0 : i32
      %dma_start3A_109 = arith.constant 0 : i32
      %dma_start3A_110 = tpu.memref_slice %arg3[%add3A, %dma_start3A_108, %dma_start3A_109] : memref<32x80x128xi32, #tpu.memory_space<hbm>> -> memref<1x80x128xi32, #tpu.memory_space<hbm>>
      %dma_start3A_111 = tpu.memref_squeeze %dma_start3A_110 : memref<1x80x128xi32, #tpu.memory_space<hbm>> -> memref<80x128xi32, #tpu.memory_space<hbm>>
      %dma_start3A_112 = arith.constant 0 : i32
      %dma_start3A_113 = arith.constant 0 : i32
      %dma_start3A_114 = tpu.memref_slice %arg3[%add3A, %dma_start3A_112, %dma_start3A_113] : memref<32x80x128xi32, #tpu.memory_space<hbm>> -> memref<1x80x128xi32, #tpu.memory_space<hbm>>
      %dma_start3A_115 = tpu.memref_squeeze %dma_start3A_114 : memref<1x80x128xi32, #tpu.memory_space<hbm>> -> memref<80x128xi32, #tpu.memory_space<hbm>>
      tpu.enqueue_dma source(%dma_start3A_115 : memref<80x128xi32, #tpu.memory_space<hbm>>) target(%arg8 : memref<80x128xi32, #tpu.memory_space<vmem>>) target_semaphore(%run_scoped3A_107 : memref<!tpu.dma_semaphore, #tpu.memory_space<semaphore_mem>>)
      %dma_wait3A_116 = arith.constant 0 : i32
      %dma_wait3A_117 = arith.constant 0 : i32
      %dma_wait3A_118 = tpu.memref_slice %arg3[%add3A, %dma_wait3A_116, %dma_wait3A_117] : memref<32x80x128xi32, #tpu.memory_space<hbm>> -> memref<1x80x128xi32, #tpu.memory_space<hbm>>
      %dma_wait3A_119 = tpu.memref_squeeze %dma_wait3A_118 : memref<1x80x128xi32, #tpu.memory_space<hbm>> -> memref<80x128xi32, #tpu.memory_space<hbm>>
      %dma_wait3A_120 = arith.constant 0 : i32
      %dma_wait3A_121 = arith.constant 0 : i32
      %dma_wait3A_122 = tpu.memref_slice %arg3[%add3A, %dma_wait3A_120, %dma_wait3A_121] : memref<32x80x128xi32, #tpu.memory_space<hbm>> -> memref<1x80x128xi32, #tpu.memory_space<hbm>>
      %dma_wait3A_123 = tpu.memref_squeeze %dma_wait3A_122 : memref<1x80x128xi32, #tpu.memory_space<hbm>> -> memref<80x128xi32, #tpu.memory_space<hbm>>
      tpu.wait_dma2 semaphore(%run_scoped3A_107 : memref<!tpu.dma_semaphore, #tpu.memory_space<semaphore_mem>>) src(%dma_wait3A_123 : memref<80x128xi32, #tpu.memory_space<hbm>>) dst(%arg8 : memref<80x128xi32, #tpu.memory_space<vmem>>)
      tpu.yield
    }) : () -> ()
    %barrier3A = arith.constant 0 : index
    tpu.barrier barrier_id(%barrier3A)
    %dma_start3A = arith.constant 0 : i32
    %dma_start3A_5 = arith.constant 0 : i32
    %dma_start3A_6 = tpu.memref_slice %arg8[%dma_start3A, %dma_start3A_5] : memref<80x128xi32, #tpu.memory_space<vmem>> -> memref<1x128xi32, #tpu.memory_space<vmem>>
    %dma_start3A_7 = tpu.memref_squeeze %dma_start3A_6 : memref<1x128xi32, #tpu.memory_space<vmem>> -> memref<128xi32, #tpu.memory_space<vmem>>
    %dma_start3A_8 = arith.constant 0 : i32
    %dma_start3A_9 = arith.constant 0 : i32
    %dma_start3A_10 = tpu.memref_slice %arg2[%dma_start3A_8, %dma_start3A_9] : memref<10000x64xi32, #tpu.memory_space<hbm>> -> memref<10000x64xi32, #tpu.memory_space<hbm>>
    tpu.enqueue_indirect_dma source(%dma_start3A_10 : memref<10000x64xi32, #tpu.memory_space<hbm>>) target(%arg10 : memref<128x64xi32, #tpu.memory_space<vmem>>) offsets(%dma_start3A_7 : memref<128xi32, #tpu.memory_space<vmem>>) semaphore(%arg13 : memref<!tpu.dma_semaphore, #tpu.memory_space<semaphore_mem>>)
    %dma_start3A_11 = arith.constant 0 : i32
    %dma_start3A_12 = arith.constant 0 : i32
    %dma_start3A_13 = arith.constant 0 : i32
    %dma_start3A_14 = tpu.memref_slice %arg9[%dma_start3A_12, %dma_start3A_13] : memref<2x128xi32, #tpu.memory_space<vmem>> -> memref<1x128xi32, #tpu.memory_space<vmem>>
    %dma_start3A_15 = tpu.memref_squeeze %dma_start3A_14 : memref<1x128xi32, #tpu.memory_space<vmem>> -> memref<128xi32, #tpu.memory_space<vmem>>
    %dma_start3A_16 = arith.constant 0 : i32
    %dma_start3A_17 = tpu.memref_slice %arg4[%add3A, %dma_start3A_11, %dma_start3A_16] : memref<32x80x128xi32, #tpu.memory_space<hbm>> -> memref<1x1x128xi32, #tpu.memory_space<hbm>>
    %dma_start3A_18 = tpu.memref_squeeze %dma_start3A_17 : memref<1x1x128xi32, #tpu.memory_space<hbm>> -> memref<128xi32, #tpu.memory_space<hbm>>
    %dma_start3A_19 = arith.constant 0 : i32
    %dma_start3A_20 = tpu.memref_slice %arg9[%dma_start3A_12, %dma_start3A_19] : memref<2x128xi32, #tpu.memory_space<vmem>> -> memref<1x128xi32, #tpu.memory_space<vmem>>
    %dma_start3A_21 = tpu.memref_squeeze %dma_start3A_20 : memref<1x128xi32, #tpu.memory_space<vmem>> -> memref<128xi32, #tpu.memory_space<vmem>>
    %dma_start3A_22 = arith.constant 0 : i32
    %dma_start3A_23 = tpu.memref_slice %arg4[%add3A, %dma_start3A_11, %dma_start3A_22] : memref<32x80x128xi32, #tpu.memory_space<hbm>> -> memref<1x1x128xi32, #tpu.memory_space<hbm>>
    %dma_start3A_24 = tpu.memref_squeeze %dma_start3A_23 : memref<1x1x128xi32, #tpu.memory_space<hbm>> -> memref<128xi32, #tpu.memory_space<hbm>>
    tpu.enqueue_dma source(%dma_start3A_24 : memref<128xi32, #tpu.memory_space<hbm>>) target(%dma_start3A_21 : memref<128xi32, #tpu.memory_space<vmem>>) target_semaphore(%arg15 : memref<!tpu.dma_semaphore, #tpu.memory_space<semaphore_mem>>)
    %dma_start3A_25 = arith.constant 1 : i32
    %dma_start3A_26 = arith.constant 0 : i32
    %dma_start3A_27 = tpu.memref_slice %arg8[%dma_start3A_25, %dma_start3A_26] : memref<80x128xi32, #tpu.memory_space<vmem>> -> memref<1x128xi32, #tpu.memory_space<vmem>>
    %dma_start3A_28 = tpu.memref_squeeze %dma_start3A_27 : memref<1x128xi32, #tpu.memory_space<vmem>> -> memref<128xi32, #tpu.memory_space<vmem>>
    %dma_start3A_29 = arith.constant 0 : i32
    %dma_start3A_30 = arith.constant 0 : i32
    %dma_start3A_31 = tpu.memref_slice %arg2[%dma_start3A_29, %dma_start3A_30] : memref<10000x64xi32, #tpu.memory_space<hbm>> -> memref<10000x64xi32, #tpu.memory_space<hbm>>
    tpu.enqueue_indirect_dma source(%dma_start3A_31 : memref<10000x64xi32, #tpu.memory_space<hbm>>) target(%arg11 : memref<128x64xi32, #tpu.memory_space<vmem>>) offsets(%dma_start3A_28 : memref<128xi32, #tpu.memory_space<vmem>>) semaphore(%arg14 : memref<!tpu.dma_semaphore, #tpu.memory_space<semaphore_mem>>)
    %dma_start3A_32 = arith.constant 1 : i32
    %dma_start3A_33 = arith.constant 1 : i32
    %dma_start3A_34 = arith.constant 0 : i32
    %dma_start3A_35 = tpu.memref_slice %arg9[%dma_start3A_33, %dma_start3A_34] : memref<2x128xi32, #tpu.memory_space<vmem>> -> memref<1x128xi32, #tpu.memory_space<vmem>>
    %dma_start3A_36 = tpu.memref_squeeze %dma_start3A_35 : memref<1x128xi32, #tpu.memory_space<vmem>> -> memref<128xi32, #tpu.memory_space<vmem>>
    %dma_start3A_37 = arith.constant 0 : i32
    %dma_start3A_38 = tpu.memref_slice %arg4[%add3A, %dma_start3A_32, %dma_start3A_37] : memref<32x80x128xi32, #tpu.memory_space<hbm>> -> memref<1x1x128xi32, #tpu.memory_space<hbm>>
    %dma_start3A_39 = tpu.memref_squeeze %dma_start3A_38 : memref<1x1x128xi32, #tpu.memory_space<hbm>> -> memref<128xi32, #tpu.memory_space<hbm>>
    %dma_start3A_40 = arith.constant 0 : i32
    %dma_start3A_41 = tpu.memref_slice %arg9[%dma_start3A_33, %dma_start3A_40] : memref<2x128xi32, #tpu.memory_space<vmem>> -> memref<1x128xi32, #tpu.memory_space<vmem>>
    %dma_start3A_42 = tpu.memref_squeeze %dma_start3A_41 : memref<1x128xi32, #tpu.memory_space<vmem>> -> memref<128xi32, #tpu.memory_space<vmem>>
    %dma_start3A_43 = arith.constant 0 : i32
    %dma_start3A_44 = tpu.memref_slice %arg4[%add3A, %dma_start3A_32, %dma_start3A_43] : memref<32x80x128xi32, #tpu.memory_space<hbm>> -> memref<1x1x128xi32, #tpu.memory_space<hbm>>
    %dma_start3A_45 = tpu.memref_squeeze %dma_start3A_44 : memref<1x1x128xi32, #tpu.memory_space<hbm>> -> memref<128xi32, #tpu.memory_space<hbm>>
    tpu.enqueue_dma source(%dma_start3A_45 : memref<128xi32, #tpu.memory_space<hbm>>) target(%dma_start3A_42 : memref<128xi32, #tpu.memory_space<vmem>>) target_semaphore(%arg16 : memref<!tpu.dma_semaphore, #tpu.memory_space<semaphore_mem>>)
    %scan3A = arith.constant 0 : i32
    %scan3A_46 = arith.constant 39 : i32
    %scan3A_47 = arith.addi %scan3A, %scan3A_46 : i32
    %scan3A_48 = arith.constant 1 : i32
    scf.for %scan3A_107 = %scan3A to %scan3A_47 step %scan3A_48  : i32 {
      %mul3A_108 = arith.constant 2 : i32
      %mul3A_109 = arith.muli %scan3A_107, %mul3A_108 : i32
      %add3A_110 = arith.constant 0 : i32
      %add3A_111 = arith.addi %mul3A_109, %add3A_110 : i32
      %dma_wait3A_112 = arith.constant 0 : i32
      %dma_wait3A_113 = tpu.memref_slice %arg8[%add3A_111, %dma_wait3A_112] : memref<80x128xi32, #tpu.memory_space<vmem>> -> memref<1x128xi32, #tpu.memory_space<vmem>>
      %dma_wait3A_114 = tpu.memref_squeeze %dma_wait3A_113 : memref<1x128xi32, #tpu.memory_space<vmem>> -> memref<128xi32, #tpu.memory_space<vmem>>
      %dma_wait3A_115 = arith.constant 0 : i32
      %dma_wait3A_116 = arith.constant 0 : i32
      %dma_wait3A_117 = tpu.memref_slice %arg2[%dma_wait3A_115, %dma_wait3A_116] : memref<10000x64xi32, #tpu.memory_space<hbm>> -> memref<10000x64xi32, #tpu.memory_space<hbm>>
      tpu.wait_indirect_dma semaphore(%arg13 : memref<!tpu.dma_semaphore, #tpu.memory_space<semaphore_mem>>) src(%dma_wait3A_117 : memref<10000x64xi32, #tpu.memory_space<hbm>>) dst(%arg10 : memref<128x64xi32, #tpu.memory_space<vmem>>)
      %dma_wait3A_118 = arith.constant 0 : i32
      %dma_wait3A_119 = arith.constant 0 : i32
      %dma_wait3A_120 = tpu.memref_slice %arg9[%dma_wait3A_118, %dma_wait3A_119] : memref<2x128xi32, #tpu.memory_space<vmem>> -> memref<1x128xi32, #tpu.memory_space<vmem>>
      %dma_wait3A_121 = tpu.memref_squeeze %dma_wait3A_120 : memref<1x128xi32, #tpu.memory_space<vmem>> -> memref<128xi32, #tpu.memory_space<vmem>>
      %dma_wait3A_122 = arith.constant 0 : i32
      %dma_wait3A_123 = tpu.memref_slice %arg4[%add3A, %add3A_111, %dma_wait3A_122] : memref<32x80x128xi32, #tpu.memory_space<hbm>> -> memref<1x1x128xi32, #tpu.memory_space<hbm>>
      %dma_wait3A_124 = tpu.memref_squeeze %dma_wait3A_123 : memref<1x1x128xi32, #tpu.memory_space<hbm>> -> memref<128xi32, #tpu.memory_space<hbm>>
      %dma_wait3A_125 = arith.constant 0 : i32
      %dma_wait3A_126 = tpu.memref_slice %arg9[%dma_wait3A_118, %dma_wait3A_125] : memref<2x128xi32, #tpu.memory_space<vmem>> -> memref<1x128xi32, #tpu.memory_space<vmem>>
      %dma_wait3A_127 = tpu.memref_squeeze %dma_wait3A_126 : memref<1x128xi32, #tpu.memory_space<vmem>> -> memref<128xi32, #tpu.memory_space<vmem>>
      %dma_wait3A_128 = arith.constant 0 : i32
      %dma_wait3A_129 = tpu.memref_slice %arg4[%add3A, %add3A_111, %dma_wait3A_128] : memref<32x80x128xi32, #tpu.memory_space<hbm>> -> memref<1x1x128xi32, #tpu.memory_space<hbm>>
      %dma_wait3A_130 = tpu.memref_squeeze %dma_wait3A_129 : memref<1x1x128xi32, #tpu.memory_space<hbm>> -> memref<128xi32, #tpu.memory_space<hbm>>
      tpu.wait_dma2 semaphore(%arg15 : memref<!tpu.dma_semaphore, #tpu.memory_space<semaphore_mem>>) src(%dma_wait3A_130 : memref<128xi32, #tpu.memory_space<hbm>>) dst(%dma_wait3A_127 : memref<128xi32, #tpu.memory_space<vmem>>)
      %scan3A_131 = arith.constant 0 : i32
      %scan3A_132 = arith.constant 128 : i32
      %scan3A_133 = arith.addi %scan3A_131, %scan3A_132 : i32
      %scan3A_134 = arith.constant 1 : i32
      scf.for %scan3A_208 = %scan3A_131 to %scan3A_133 step %scan3A_134  : i32 {
        %get3A = arith.index_cast %scan3A_208 : i32 to index
        %get3A_209 = arith.constant 0 : index
        %get3A_210 = tpu.vector_load %arg10[%get3A, %get3A_209] {strides = array<i32>} : memref<128x64xi32, #tpu.memory_space<vmem>>, vector<16xi32>,
        %shift_left3A = arith.constant 16 : i32
        %shift_left3A_211 = vector.broadcast %shift_left3A : i32 to vector<16xi32>
        %shift_left3A_212 = arith.shli %get3A_210, %shift_left3A_211 : vector<16xi32>
        %bitcast3A = vector.bitcast %shift_left3A_212 : vector<16xi32> to vector<16xf32>
        %and3A = arith.constant -65536 : i32
        %and3A_213 = vector.broadcast %and3A : i32 to vector<16xi32>
        %and3A_214 = arith.andi %get3A_210, %and3A_213 : vector<16xi32>
        %bitcast3A_215 = vector.bitcast %and3A_214 : vector<16xi32> to vector<16xf32>
        %swap3A = arith.index_cast %scan3A_208 : i32 to index
        %swap3A_216 = arith.constant 0 : index
        %swap3A_217 = tpu.vector_load %arg12[%swap3A, %swap3A_216] {strides = array<i32>} : memref<128x128xf32, #tpu.memory_space<vmem>>, vector<16xf32>,
        tpu.vector_store %arg12[%swap3A, %swap3A_216], %bitcast3A {strides = array<i32>} : memref<128x128xf32, #tpu.memory_space<vmem>>, vector<16xf32>,
        %swap3A_218 = arith.index_cast %scan3A_208 : i32 to index
        %swap3A_219 = arith.constant 64 : index
        %swap3A_220 = tpu.vector_load %arg12[%swap3A_218, %swap3A_219] {strides = array<i32>} : memref<128x128xf32, #tpu.memory_space<vmem>>, vector<16xf32>,
        tpu.vector_store %arg12[%swap3A_218, %swap3A_219], %bitcast3A_215 {strides = array<i32>} : memref<128x128xf32, #tpu.memory_space<vmem>>, vector<16xf32>,
        %get3A_221 = arith.index_cast %scan3A_208 : i32 to index
        %get3A_222 = arith.constant 16 : index
        %get3A_223 = tpu.vector_load %arg10[%get3A_221, %get3A_222] {strides = array<i32>} : memref<128x64xi32, #tpu.memory_space<vmem>>, vector<16xi32>,
        %shift_left3A_224 = arith.constant 16 : i32
        %shift_left3A_225 = vector.broadcast %shift_left3A_224 : i32 to vector<16xi32>
        %shift_left3A_226 = arith.shli %get3A_223, %shift_left3A_225 : vector<16xi32>
        %bitcast3A_227 = vector.bitcast %shift_left3A_226 : vector<16xi32> to vector<16xf32>
        %and3A_228 = arith.constant -65536 : i32
        %and3A_229 = vector.broadcast %and3A_228 : i32 to vector<16xi32>
        %and3A_230 = arith.andi %get3A_223, %and3A_229 : vector<16xi32>
        %bitcast3A_231 = vector.bitcast %and3A_230 : vector<16xi32> to vector<16xf32>
        %swap3A_232 = arith.index_cast %scan3A_208 : i32 to index
        %swap3A_233 = arith.constant 16 : index
        %swap3A_234 = tpu.vector_load %arg12[%swap3A_232, %swap3A_233] {strides = array<i32>} : memref<128x128xf32, #tpu.memory_space<vmem>>, vector<16xf32>,
        tpu.vector_store %arg12[%swap3A_232, %swap3A_233], %bitcast3A_227 {strides = array<i32>} : memref<128x128xf32, #tpu.memory_space<vmem>>, vector<16xf32>,
        %swap3A_235 = arith.index_cast %scan3A_208 : i32 to index
        %swap3A_236 = arith.constant 80 : index
        %swap3A_237 = tpu.vector_load %arg12[%swap3A_235, %swap3A_236] {strides = array<i32>} : memref<128x128xf32, #tpu.memory_space<vmem>>, vector<16xf32>,
        tpu.vector_store %arg12[%swap3A_235, %swap3A_236], %bitcast3A_231 {strides = array<i32>} : memref<128x128xf32, #tpu.memory_space<vmem>>, vector<16xf32>,
        %get3A_238 = arith.index_cast %scan3A_208 : i32 to index
        %get3A_239 = arith.constant 32 : index
        %get3A_240 = tpu.vector_load %arg10[%get3A_238, %get3A_239] {strides = array<i32>} : memref<128x64xi32, #tpu.memory_space<vmem>>, vector<16xi32>,
        %shift_left3A_241 = arith.constant 16 : i32
        %shift_left3A_242 = vector.broadcast %shift_left3A_241 : i32 to vector<16xi32>
        %shift_left3A_243 = arith.shli %get3A_240, %shift_left3A_242 : vector<16xi32>
        %bitcast3A_244 = vector.bitcast %shift_left3A_243 : vector<16xi32> to vector<16xf32>
        %and3A_245 = arith.constant -65536 : i32
        %and3A_246 = vector.broadcast %and3A_245 : i32 to vector<16xi32>
        %and3A_247 = arith.andi %get3A_240, %and3A_246 : vector<16xi32>
        %bitcast3A_248 = vector.bitcast %and3A_247 : vector<16xi32> to vector<16xf32>
        %swap3A_249 = arith.index_cast %scan3A_208 : i32 to index
        %swap3A_250 = arith.constant 32 : index
        %swap3A_251 = tpu.vector_load %arg12[%swap3A_249, %swap3A_250] {strides = array<i32>} : memref<128x128xf32, #tpu.memory_space<vmem>>, vector<16xf32>,
        tpu.vector_store %arg12[%swap3A_249, %swap3A_250], %bitcast3A_244 {strides = array<i32>} : memref<128x128xf32, #tpu.memory_space<vmem>>, vector<16xf32>,
        %swap3A_252 = arith.index_cast %scan3A_208 : i32 to index
        %swap3A_253 = arith.constant 96 : index
        %swap3A_254 = tpu.vector_load %arg12[%swap3A_252, %swap3A_253] {strides = array<i32>} : memref<128x128xf32, #tpu.memory_space<vmem>>, vector<16xf32>,
        tpu.vector_store %arg12[%swap3A_252, %swap3A_253], %bitcast3A_248 {strides = array<i32>} : memref<128x128xf32, #tpu.memory_space<vmem>>, vector<16xf32>,
        %get3A_255 = arith.index_cast %scan3A_208 : i32 to index
        %get3A_256 = arith.constant 48 : index
        %get3A_257 = tpu.vector_load %arg10[%get3A_255, %get3A_256] {strides = array<i32>} : memref<128x64xi32, #tpu.memory_space<vmem>>, vector<16xi32>,
        %shift_left3A_258 = arith.constant 16 : i32
        %shift_left3A_259 = vector.broadcast %shift_left3A_258 : i32 to vector<16xi32>
        %shift_left3A_260 = arith.shli %get3A_257, %shift_left3A_259 : vector<16xi32>
        %bitcast3A_261 = vector.bitcast %shift_left3A_260 : vector<16xi32> to vector<16xf32>
        %and3A_262 = arith.constant -65536 : i32
        %and3A_263 = vector.broadcast %and3A_262 : i32 to vector<16xi32>
        %and3A_264 = arith.andi %get3A_257, %and3A_263 : vector<16xi32>
        %bitcast3A_265 = vector.bitcast %and3A_264 : vector<16xi32> to vector<16xf32>
        %swap3A_266 = arith.index_cast %scan3A_208 : i32 to index
        %swap3A_267 = arith.constant 48 : index
        %swap3A_268 = tpu.vector_load %arg12[%swap3A_266, %swap3A_267] {strides = array<i32>} : memref<128x128xf32, #tpu.memory_space<vmem>>, vector<16xf32>,
        tpu.vector_store %arg12[%swap3A_266, %swap3A_267], %bitcast3A_261 {strides = array<i32>} : memref<128x128xf32, #tpu.memory_space<vmem>>, vector<16xf32>,
        %swap3A_269 = arith.index_cast %scan3A_208 : i32 to index
        %swap3A_270 = arith.constant 112 : index
        %swap3A_271 = tpu.vector_load %arg12[%swap3A_269, %swap3A_270] {strides = array<i32>} : memref<128x128xf32, #tpu.memory_space<vmem>>, vector<16xf32>,
        tpu.vector_store %arg12[%swap3A_269, %swap3A_270], %bitcast3A_265 {strides = array<i32>} : memref<128x128xf32, #tpu.memory_space<vmem>>, vector<16xf32>,
      }
      %scan3A_135 = arith.constant 128 : i32
      %add3A_136 = arith.constant 2 : i32
      %add3A_137 = arith.addi %add3A_111, %add3A_136 : i32
      %dma_start3A_138 = arith.constant 0 : i32
      %dma_start3A_139 = tpu.memref_slice %arg8[%add3A_137, %dma_start3A_138] : memref<80x128xi32, #tpu.memory_space<vmem>> -> memref<1x128xi32, #tpu.memory_space<vmem>>
      %dma_start3A_140 = tpu.memref_squeeze %dma_start3A_139 : memref<1x128xi32, #tpu.memory_space<vmem>> -> memref<128xi32, #tpu.memory_space<vmem>>
      %dma_start3A_141 = arith.constant 0 : i32
      %dma_start3A_142 = arith.constant 0 : i32
      %dma_start3A_143 = tpu.memref_slice %arg2[%dma_start3A_141, %dma_start3A_142] : memref<10000x64xi32, #tpu.memory_space<hbm>> -> memref<10000x64xi32, #tpu.memory_space<hbm>>
      tpu.enqueue_indirect_dma source(%dma_start3A_143 : memref<10000x64xi32, #tpu.memory_space<hbm>>) target(%arg10 : memref<128x64xi32, #tpu.memory_space<vmem>>) offsets(%dma_start3A_140 : memref<128xi32, #tpu.memory_space<vmem>>) semaphore(%arg13 : memref<!tpu.dma_semaphore, #tpu.memory_space<semaphore_mem>>)
      %dma_start3A_144 = arith.constant 0 : i32
      %dma_start3A_145 = arith.constant 0 : i32
      %dma_start3A_146 = tpu.memref_slice %arg9[%dma_start3A_144, %dma_start3A_145] : memref<2x128xi32, #tpu.memory_space<vmem>> -> memref<1x128xi32, #tpu.memory_space<vmem>>
      %dma_start3A_147 = tpu.memref_squeeze %dma_start3A_146 : memref<1x128xi32, #tpu.memory_space<vmem>> -> memref<128xi32, #tpu.memory_space<vmem>>
      %dma_start3A_148 = arith.constant 0 : i32
      %dma_start3A_149 = tpu.memref_slice %arg4[%add3A, %add3A_137, %dma_start3A_148] : memref<32x80x128xi32, #tpu.memory_space<hbm>> -> memref<1x1x128xi32, #tpu.memory_space<hbm>>
      %dma_start3A_150 = tpu.memref_squeeze %dma_start3A_149 : memref<1x1x128xi32, #tpu.memory_space<hbm>> -> memref<128xi32, #tpu.memory_space<hbm>>
      %dma_start3A_151 = arith.constant 0 : i32
      %dma_start3A_152 = tpu.memref_slice %arg9[%dma_start3A_144, %dma_start3A_151] : memref<2x128xi32, #tpu.memory_space<vmem>> -> memref<1x128xi32, #tpu.memory_space<vmem>>
      %dma_start3A_153 = tpu.memref_squeeze %dma_start3A_152 : memref<1x128xi32, #tpu.memory_space<vmem>> -> memref<128xi32, #tpu.memory_space<vmem>>
      %dma_start3A_154 = arith.constant 0 : i32
      %dma_start3A_155 = tpu.memref_slice %arg4[%add3A, %add3A_137, %dma_start3A_154] : memref<32x80x128xi32, #tpu.memory_space<hbm>> -> memref<1x1x128xi32, #tpu.memory_space<hbm>>
      %dma_start3A_156 = tpu.memref_squeeze %dma_start3A_155 : memref<1x1x128xi32, #tpu.memory_space<hbm>> -> memref<128xi32, #tpu.memory_space<hbm>>
      tpu.enqueue_dma source(%dma_start3A_156 : memref<128xi32, #tpu.memory_space<hbm>>) target(%dma_start3A_153 : memref<128xi32, #tpu.memory_space<vmem>>) target_semaphore(%arg15 : memref<!tpu.dma_semaphore, #tpu.memory_space<semaphore_mem>>)
      %run_scoped3A_157 = arith.constant 0 : i32
      "tpu.region"() ({
        %run_scoped3A_208 = tpu.sem_alloc : memref<!tpu.dma_semaphore, #tpu.memory_space<semaphore_mem>>
        %dma_start3A_209 = arith.constant 0 : i32
        %dma_start3A_210 = tpu.memref_slice %arg9[%run_scoped3A_157, %dma_start3A_209] : memref<2x128xi32, #tpu.memory_space<vmem>> -> memref<1x128xi32, #tpu.memory_space<vmem>>
        %dma_start3A_211 = tpu.memref_squeeze %dma_start3A_210 : memref<1x128xi32, #tpu.memory_space<vmem>> -> memref<128xi32, #tpu.memory_space<vmem>>
        %dma_start3A_212 = arith.constant 0 : i32
        %dma_start3A_213 = arith.constant 0 : i32
        %dma_start3A_214 = tpu.memref_slice %arg7[%dma_start3A_212, %dma_start3A_213] : memref<10112x128xf32, #tpu.memory_space<vmem_shared>> -> memref<10112x128xf32, #tpu.memory_space<vmem_shared>>
        tpu.enqueue_indirect_dma source(%arg12 : memref<128x128xf32, #tpu.memory_space<vmem>>) target(%dma_start3A_214 : memref<10112x128xf32, #tpu.memory_space<vmem_shared>>) offsets(%dma_start3A_211 : memref<128xi32, #tpu.memory_space<vmem>>) semaphore(%run_scoped3A_208 : memref<!tpu.dma_semaphore, #tpu.memory_space<semaphore_mem>>) {add = true}
        %dma_wait3A_215 = arith.constant 0 : i32
        %dma_wait3A_216 = tpu.memref_slice %arg9[%run_scoped3A_157, %dma_wait3A_215] : memref<2x128xi32, #tpu.memory_space<vmem>> -> memref<1x128xi32, #tpu.memory_space<vmem>>
        %dma_wait3A_217 = tpu.memref_squeeze %dma_wait3A_216 : memref<1x128xi32, #tpu.memory_space<vmem>> -> memref<128xi32, #tpu.memory_space<vmem>>
        %dma_wait3A_218 = arith.constant 0 : i32
        %dma_wait3A_219 = arith.constant 0 : i32
        %dma_wait3A_220 = tpu.memref_slice %arg7[%dma_wait3A_218, %dma_wait3A_219] : memref<10112x128xf32, #tpu.memory_space<vmem_shared>> -> memref<10112x128xf32, #tpu.memory_space<vmem_shared>>
        tpu.wait_indirect_dma semaphore(%run_scoped3A_208 : memref<!tpu.dma_semaphore, #tpu.memory_space<semaphore_mem>>) src(%arg12 : memref<128x128xf32, #tpu.memory_space<vmem>>) dst(%dma_wait3A_220 : memref<10112x128xf32, #tpu.memory_space<vmem_shared>>)
        tpu.yield
      }) : () -> ()
      %mul3A_158 = arith.constant 2 : i32
      %mul3A_159 = arith.muli %scan3A_107, %mul3A_158 : i32
      %add3A_160 = arith.constant 1 : i32
      %add3A_161 = arith.addi %mul3A_159, %add3A_160 : i32
      %dma_wait3A_162 = arith.constant 0 : i32
      %dma_wait3A_163 = tpu.memref_slice %arg8[%add3A_161, %dma_wait3A_162] : memref<80x128xi32, #tpu.memory_space<vmem>> -> memref<1x128xi32, #tpu.memory_space<vmem>>
      %dma_wait3A_164 = tpu.memref_squeeze %dma_wait3A_163 : memref<1x128xi32, #tpu.memory_space<vmem>> -> memref<128xi32, #tpu.memory_space<vmem>>
      %dma_wait3A_165 = arith.constant 0 : i32
      %dma_wait3A_166 = arith.constant 0 : i32
      %dma_wait3A_167 = tpu.memref_slice %arg2[%dma_wait3A_165, %dma_wait3A_166] : memref<10000x64xi32, #tpu.memory_space<hbm>> -> memref<10000x64xi32, #tpu.memory_space<hbm>>
      tpu.wait_indirect_dma semaphore(%arg14 : memref<!tpu.dma_semaphore, #tpu.memory_space<semaphore_mem>>) src(%dma_wait3A_167 : memref<10000x64xi32, #tpu.memory_space<hbm>>) dst(%arg11 : memref<128x64xi32, #tpu.memory_space<vmem>>)
      %dma_wait3A_168 = arith.constant 1 : i32
      %dma_wait3A_169 = arith.constant 0 : i32
      %dma_wait3A_170 = tpu.memref_slice %arg9[%dma_wait3A_168, %dma_wait3A_169] : memref<2x128xi32, #tpu.memory_space<vmem>> -> memref<1x128xi32, #tpu.memory_space<vmem>>
      %dma_wait3A_171 = tpu.memref_squeeze %dma_wait3A_170 : memref<1x128xi32, #tpu.memory_space<vmem>> -> memref<128xi32, #tpu.memory_space<vmem>>
      %dma_wait3A_172 = arith.constant 0 : i32
      %dma_wait3A_173 = tpu.memref_slice %arg4[%add3A, %add3A_161, %dma_wait3A_172] : memref<32x80x128xi32, #tpu.memory_space<hbm>> -> memref<1x1x128xi32, #tpu.memory_space<hbm>>
      %dma_wait3A_174 = tpu.memref_squeeze %dma_wait3A_173 : memref<1x1x128xi32, #tpu.memory_space<hbm>> -> memref<128xi32, #tpu.memory_space<hbm>>
      %dma_wait3A_175 = arith.constant 0 : i32
      %dma_wait3A_176 = tpu.memref_slice %arg9[%dma_wait3A_168, %dma_wait3A_175] : memref<2x128xi32, #tpu.memory_space<vmem>> -> memref<1x128xi32, #tpu.memory_space<vmem>>
      %dma_wait3A_177 = tpu.memref_squeeze %dma_wait3A_176 : memref<1x128xi32, #tpu.memory_space<vmem>> -> memref<128xi32, #tpu.memory_space<vmem>>
      %dma_wait3A_178 = arith.constant 0 : i32
      %dma_wait3A_179 = tpu.memref_slice %arg4[%add3A, %add3A_161, %dma_wait3A_178] : memref<32x80x128xi32, #tpu.memory_space<hbm>> -> memref<1x1x128xi32, #tpu.memory_space<hbm>>
      %dma_wait3A_180 = tpu.memref_squeeze %dma_wait3A_179 : memref<1x1x128xi32, #tpu.memory_space<hbm>> -> memref<128xi32, #tpu.memory_space<hbm>>
      tpu.wait_dma2 semaphore(%arg16 : memref<!tpu.dma_semaphore, #tpu.memory_space<semaphore_mem>>) src(%dma_wait3A_180 : memref<128xi32, #tpu.memory_space<hbm>>) dst(%dma_wait3A_177 : memref<128xi32, #tpu.memory_space<vmem>>)
      %scan3A_181 = arith.constant 0 : i32
      %scan3A_182 = arith.constant 128 : i32
      %scan3A_183 = arith.addi %scan3A_181, %scan3A_182 : i32
      %scan3A_184 = arith.constant 1 : i32
      scf.for %scan3A_208 = %scan3A_181 to %scan3A_183 step %scan3A_184  : i32 {
        %get3A = arith.index_cast %scan3A_208 : i32 to index
        %get3A_209 = arith.constant 0 : index
        %get3A_210 = tpu.vector_load %arg11[%get3A, %get3A_209] {strides = array<i32>} : memref<128x64xi32, #tpu.memory_space<vmem>>, vector<16xi32>,
        %shift_left3A = arith.constant 16 : i32
        %shift_left3A_211 = vector.broadcast %shift_left3A : i32 to vector<16xi32>
        %shift_left3A_212 = arith.shli %get3A_210, %shift_left3A_211 : vector<16xi32>
        %bitcast3A = vector.bitcast %shift_left3A_212 : vector<16xi32> to vector<16xf32>
        %and3A = arith.constant -65536 : i32
        %and3A_213 = vector.broadcast %and3A : i32 to vector<16xi32>
        %and3A_214 = arith.andi %get3A_210, %and3A_213 : vector<16xi32>
        %bitcast3A_215 = vector.bitcast %and3A_214 : vector<16xi32> to vector<16xf32>
        %swap3A = arith.index_cast %scan3A_208 : i32 to index
        %swap3A_216 = arith.constant 0 : index
        %swap3A_217 = tpu.vector_load %arg12[%swap3A, %swap3A_216] {strides = array<i32>} : memref<128x128xf32, #tpu.memory_space<vmem>>, vector<16xf32>,
        tpu.vector_store %arg12[%swap3A, %swap3A_216], %bitcast3A {strides = array<i32>} : memref<128x128xf32, #tpu.memory_space<vmem>>, vector<16xf32>,
        %swap3A_218 = arith.index_cast %scan3A_208 : i32 to index
        %swap3A_219 = arith.constant 64 : index
        %swap3A_220 = tpu.vector_load %arg12[%swap3A_218, %swap3A_219] {strides = array<i32>} : memref<128x128xf32, #tpu.memory_space<vmem>>, vector<16xf32>,
        tpu.vector_store %arg12[%swap3A_218, %swap3A_219], %bitcast3A_215 {strides = array<i32>} : memref<128x128xf32, #tpu.memory_space<vmem>>, vector<16xf32>,
        %get3A_221 = arith.index_cast %scan3A_208 : i32 to index
        %get3A_222 = arith.constant 16 : index
        %get3A_223 = tpu.vector_load %arg11[%get3A_221, %get3A_222] {strides = array<i32>} : memref<128x64xi32, #tpu.memory_space<vmem>>, vector<16xi32>,
        %shift_left3A_224 = arith.constant 16 : i32
        %shift_left3A_225 = vector.broadcast %shift_left3A_224 : i32 to vector<16xi32>
        %shift_left3A_226 = arith.shli %get3A_223, %shift_left3A_225 : vector<16xi32>
        %bitcast3A_227 = vector.bitcast %shift_left3A_226 : vector<16xi32> to vector<16xf32>
        %and3A_228 = arith.constant -65536 : i32
        %and3A_229 = vector.broadcast %and3A_228 : i32 to vector<16xi32>
        %and3A_230 = arith.andi %get3A_223, %and3A_229 : vector<16xi32>
        %bitcast3A_231 = vector.bitcast %and3A_230 : vector<16xi32> to vector<16xf32>
        %swap3A_232 = arith.index_cast %scan3A_208 : i32 to index
        %swap3A_233 = arith.constant 16 : index
        %swap3A_234 = tpu.vector_load %arg12[%swap3A_232, %swap3A_233] {strides = array<i32>} : memref<128x128xf32, #tpu.memory_space<vmem>>, vector<16xf32>,
        tpu.vector_store %arg12[%swap3A_232, %swap3A_233], %bitcast3A_227 {strides = array<i32>} : memref<128x128xf32, #tpu.memory_space<vmem>>, vector<16xf32>,
        %swap3A_235 = arith.index_cast %scan3A_208 : i32 to index
        %swap3A_236 = arith.constant 80 : index
        %swap3A_237 = tpu.vector_load %arg12[%swap3A_235, %swap3A_236] {strides = array<i32>} : memref<128x128xf32, #tpu.memory_space<vmem>>, vector<16xf32>,
        tpu.vector_store %arg12[%swap3A_235, %swap3A_236], %bitcast3A_231 {strides = array<i32>} : memref<128x128xf32, #tpu.memory_space<vmem>>, vector<16xf32>,
        %get3A_238 = arith.index_cast %scan3A_208 : i32 to index
        %get3A_239 = arith.constant 32 : index
        %get3A_240 = tpu.vector_load %arg11[%get3A_238, %get3A_239] {strides = array<i32>} : memref<128x64xi32, #tpu.memory_space<vmem>>, vector<16xi32>,
        %shift_left3A_241 = arith.constant 16 : i32
        %shift_left3A_242 = vector.broadcast %shift_left3A_241 : i32 to vector<16xi32>
        %shift_left3A_243 = arith.shli %get3A_240, %shift_left3A_242 : vector<16xi32>
        %bitcast3A_244 = vector.bitcast %shift_left3A_243 : vector<16xi32> to vector<16xf32>
        %and3A_245 = arith.constant -65536 : i32
        %and3A_246 = vector.broadcast %and3A_245 : i32 to vector<16xi32>
        %and3A_247 = arith.andi %get3A_240, %and3A_246 : vector<16xi32>
        %bitcast3A_248 = vector.bitcast %and3A_247 : vector<16xi32> to vector<16xf32>
        %swap3A_249 = arith.index_cast %scan3A_208 : i32 to index
        %swap3A_250 = arith.constant 32 : index
        %swap3A_251 = tpu.vector_load %arg12[%swap3A_249, %swap3A_250] {strides = array<i32>} : memref<128x128xf32, #tpu.memory_space<vmem>>, vector<16xf32>,
        tpu.vector_store %arg12[%swap3A_249, %swap3A_250], %bitcast3A_244 {strides = array<i32>} : memref<128x128xf32, #tpu.memory_space<vmem>>, vector<16xf32>,
        %swap3A_252 = arith.index_cast %scan3A_208 : i32 to index
        %swap3A_253 = arith.constant 96 : index
        %swap3A_254 = tpu.vector_load %arg12[%swap3A_252, %swap3A_253] {strides = array<i32>} : memref<128x128xf32, #tpu.memory_space<vmem>>, vector<16xf32>,
        tpu.vector_store %arg12[%swap3A_252, %swap3A_253], %bitcast3A_248 {strides = array<i32>} : memref<128x128xf32, #tpu.memory_space<vmem>>, vector<16xf32>,
        %get3A_255 = arith.index_cast %scan3A_208 : i32 to index
        %get3A_256 = arith.constant 48 : index
        %get3A_257 = tpu.vector_load %arg11[%get3A_255, %get3A_256] {strides = array<i32>} : memref<128x64xi32, #tpu.memory_space<vmem>>, vector<16xi32>,
        %shift_left3A_258 = arith.constant 16 : i32
        %shift_left3A_259 = vector.broadcast %shift_left3A_258 : i32 to vector<16xi32>
        %shift_left3A_260 = arith.shli %get3A_257, %shift_left3A_259 : vector<16xi32>
        %bitcast3A_261 = vector.bitcast %shift_left3A_260 : vector<16xi32> to vector<16xf32>
        %and3A_262 = arith.constant -65536 : i32
        %and3A_263 = vector.broadcast %and3A_262 : i32 to vector<16xi32>
        %and3A_264 = arith.andi %get3A_257, %and3A_263 : vector<16xi32>
        %bitcast3A_265 = vector.bitcast %and3A_264 : vector<16xi32> to vector<16xf32>
        %swap3A_266 = arith.index_cast %scan3A_208 : i32 to index
        %swap3A_267 = arith.constant 48 : index
        %swap3A_268 = tpu.vector_load %arg12[%swap3A_266, %swap3A_267] {strides = array<i32>} : memref<128x128xf32, #tpu.memory_space<vmem>>, vector<16xf32>,
        tpu.vector_store %arg12[%swap3A_266, %swap3A_267], %bitcast3A_261 {strides = array<i32>} : memref<128x128xf32, #tpu.memory_space<vmem>>, vector<16xf32>,
        %swap3A_269 = arith.index_cast %scan3A_208 : i32 to index
        %swap3A_270 = arith.constant 112 : index
        %swap3A_271 = tpu.vector_load %arg12[%swap3A_269, %swap3A_270] {strides = array<i32>} : memref<128x128xf32, #tpu.memory_space<vmem>>, vector<16xf32>,
        tpu.vector_store %arg12[%swap3A_269, %swap3A_270], %bitcast3A_265 {strides = array<i32>} : memref<128x128xf32, #tpu.memory_space<vmem>>, vector<16xf32>,
      }
      %scan3A_185 = arith.constant 128 : i32
      %add3A_186 = arith.constant 2 : i32
      %add3A_187 = arith.addi %add3A_161, %add3A_186 : i32
      %dma_start3A_188 = arith.constant 0 : i32
      %dma_start3A_189 = tpu.memref_slice %arg8[%add3A_187, %dma_start3A_188] : memref<80x128xi32, #tpu.memory_space<vmem>> -> memref<1x128xi32, #tpu.memory_space<vmem>>
      %dma_start3A_190 = tpu.memref_squeeze %dma_start3A_189 : memref<1x128xi32, #tpu.memory_space<vmem>> -> memref<128xi32, #tpu.memory_space<vmem>>
      %dma_start3A_191 = arith.constant 0 : i32
      %dma_start3A_192 = arith.constant 0 : i32
      %dma_start3A_193 = tpu.memref_slice %arg2[%dma_start3A_191, %dma_start3A_192] : memref<10000x64xi32, #tpu.memory_space<hbm>> -> memref<10000x64xi32, #tpu.memory_space<hbm>>
      tpu.enqueue_indirect_dma source(%dma_start3A_193 : memref<10000x64xi32, #tpu.memory_space<hbm>>) target(%arg11 : memref<128x64xi32, #tpu.memory_space<vmem>>) offsets(%dma_start3A_190 : memref<128xi32, #tpu.memory_space<vmem>>) semaphore(%arg14 : memref<!tpu.dma_semaphore, #tpu.memory_space<semaphore_mem>>)
      %dma_start3A_194 = arith.constant 1 : i32
      %dma_start3A_195 = arith.constant 0 : i32
      %dma_start3A_196 = tpu.memref_slice %arg9[%dma_start3A_194, %dma_start3A_195] : memref<2x128xi32, #tpu.memory_space<vmem>> -> memref<1x128xi32, #tpu.memory_space<vmem>>
      %dma_start3A_197 = tpu.memref_squeeze %dma_start3A_196 : memref<1x128xi32, #tpu.memory_space<vmem>> -> memref<128xi32, #tpu.memory_space<vmem>>
      %dma_start3A_198 = arith.constant 0 : i32
      %dma_start3A_199 = tpu.memref_slice %arg4[%add3A, %add3A_187, %dma_start3A_198] : memref<32x80x128xi32, #tpu.memory_space<hbm>> -> memref<1x1x128xi32, #tpu.memory_space<hbm>>
      %dma_start3A_200 = tpu.memref_squeeze %dma_start3A_199 : memref<1x1x128xi32, #tpu.memory_space<hbm>> -> memref<128xi32, #tpu.memory_space<hbm>>
      %dma_start3A_201 = arith.constant 0 : i32
      %dma_start3A_202 = tpu.memref_slice %arg9[%dma_start3A_194, %dma_start3A_201] : memref<2x128xi32, #tpu.memory_space<vmem>> -> memref<1x128xi32, #tpu.memory_space<vmem>>
      %dma_start3A_203 = tpu.memref_squeeze %dma_start3A_202 : memref<1x128xi32, #tpu.memory_space<vmem>> -> memref<128xi32, #tpu.memory_space<vmem>>
      %dma_start3A_204 = arith.constant 0 : i32
      %dma_start3A_205 = tpu.memref_slice %arg4[%add3A, %add3A_187, %dma_start3A_204] : memref<32x80x128xi32, #tpu.memory_space<hbm>> -> memref<1x1x128xi32, #tpu.memory_space<hbm>>
      %dma_start3A_206 = tpu.memref_squeeze %dma_start3A_205 : memref<1x1x128xi32, #tpu.memory_space<hbm>> -> memref<128xi32, #tpu.memory_space<hbm>>
      tpu.enqueue_dma source(%dma_start3A_206 : memref<128xi32, #tpu.memory_space<hbm>>) target(%dma_start3A_203 : memref<128xi32, #tpu.memory_space<vmem>>) target_semaphore(%arg16 : memref<!tpu.dma_semaphore, #tpu.memory_space<semaphore_mem>>)
      %run_scoped3A_207 = arith.constant 1 : i32
      "tpu.region"() ({
        %run_scoped3A_208 = tpu.sem_alloc : memref<!tpu.dma_semaphore, #tpu.memory_space<semaphore_mem>>
        %dma_start3A_209 = arith.constant 0 : i32
        %dma_start3A_210 = tpu.memref_slice %arg9[%run_scoped3A_207, %dma_start3A_209] : memref<2x128xi32, #tpu.memory_space<vmem>> -> memref<1x128xi32, #tpu.memory_space<vmem>>
        %dma_start3A_211 = tpu.memref_squeeze %dma_start3A_210 : memref<1x128xi32, #tpu.memory_space<vmem>> -> memref<128xi32, #tpu.memory_space<vmem>>
        %dma_start3A_212 = arith.constant 0 : i32
        %dma_start3A_213 = arith.constant 0 : i32
        %dma_start3A_214 = tpu.memref_slice %arg7[%dma_start3A_212, %dma_start3A_213] : memref<10112x128xf32, #tpu.memory_space<vmem_shared>> -> memref<10112x128xf32, #tpu.memory_space<vmem_shared>>
        tpu.enqueue_indirect_dma source(%arg12 : memref<128x128xf32, #tpu.memory_space<vmem>>) target(%dma_start3A_214 : memref<10112x128xf32, #tpu.memory_space<vmem_shared>>) offsets(%dma_start3A_211 : memref<128xi32, #tpu.memory_space<vmem>>) semaphore(%run_scoped3A_208 : memref<!tpu.dma_semaphore, #tpu.memory_space<semaphore_mem>>) {add = true}
        %dma_wait3A_215 = arith.constant 0 : i32
        %dma_wait3A_216 = tpu.memref_slice %arg9[%run_scoped3A_207, %dma_wait3A_215] : memref<2x128xi32, #tpu.memory_space<vmem>> -> memref<1x128xi32, #tpu.memory_space<vmem>>
        %dma_wait3A_217 = tpu.memref_squeeze %dma_wait3A_216 : memref<1x128xi32, #tpu.memory_space<vmem>> -> memref<128xi32, #tpu.memory_space<vmem>>
        %dma_wait3A_218 = arith.constant 0 : i32
        %dma_wait3A_219 = arith.constant 0 : i32
        %dma_wait3A_220 = tpu.memref_slice %arg7[%dma_wait3A_218, %dma_wait3A_219] : memref<10112x128xf32, #tpu.memory_space<vmem_shared>> -> memref<10112x128xf32, #tpu.memory_space<vmem_shared>>
        tpu.wait_indirect_dma semaphore(%run_scoped3A_208 : memref<!tpu.dma_semaphore, #tpu.memory_space<semaphore_mem>>) src(%arg12 : memref<128x128xf32, #tpu.memory_space<vmem>>) dst(%dma_wait3A_220 : memref<10112x128xf32, #tpu.memory_space<vmem_shared>>)
        tpu.yield
      }) : () -> ()
    }
    %scan3A_49 = arith.constant 39 : i32
    %dma_wait3A = arith.constant 78 : i32
    %dma_wait3A_50 = arith.constant 0 : i32
    %dma_wait3A_51 = tpu.memref_slice %arg8[%dma_wait3A, %dma_wait3A_50] : memref<80x128xi32, #tpu.memory_space<vmem>> -> memref<1x128xi32, #tpu.memory_space<vmem>>
    %dma_wait3A_52 = tpu.memref_squeeze %dma_wait3A_51 : memref<1x128xi32, #tpu.memory_space<vmem>> -> memref<128xi32, #tpu.memory_space<vmem>>
    %dma_wait3A_53 = arith.constant 0 : i32
    %dma_wait3A_54 = arith.constant 0 : i32
    %dma_wait3A_55 = tpu.memref_slice %arg2[%dma_wait3A_53, %dma_wait3A_54] : memref<10000x64xi32, #tpu.memory_space<hbm>> -> memref<10000x64xi32, #tpu.memory_space<hbm>>
    tpu.wait_indirect_dma semaphore(%arg13 : memref<!tpu.dma_semaphore, #tpu.memory_space<semaphore_mem>>) src(%dma_wait3A_55 : memref<10000x64xi32, #tpu.memory_space<hbm>>) dst(%arg10 : memref<128x64xi32, #tpu.memory_space<vmem>>)
    %dma_wait3A_56 = arith.constant 78 : i32
    %dma_wait3A_57 = arith.constant 0 : i32
    %dma_wait3A_58 = arith.constant 0 : i32
    %dma_wait3A_59 = tpu.memref_slice %arg9[%dma_wait3A_57, %dma_wait3A_58] : memref<2x128xi32, #tpu.memory_space<vmem>> -> memref<1x128xi32, #tpu.memory_space<vmem>>
    %dma_wait3A_60 = tpu.memref_squeeze %dma_wait3A_59 : memref<1x128xi32, #tpu.memory_space<vmem>> -> memref<128xi32, #tpu.memory_space<vmem>>
    %dma_wait3A_61 = arith.constant 0 : i32
    %dma_wait3A_62 = tpu.memref_slice %arg4[%add3A, %dma_wait3A_56, %dma_wait3A_61] : memref<32x80x128xi32, #tpu.memory_space<hbm>> -> memref<1x1x128xi32, #tpu.memory_space<hbm>>
    %dma_wait3A_63 = tpu.memref_squeeze %dma_wait3A_62 : memref<1x1x128xi32, #tpu.memory_space<hbm>> -> memref<128xi32, #tpu.memory_space<hbm>>
    %dma_wait3A_64 = arith.constant 0 : i32
    %dma_wait3A_65 = tpu.memref_slice %arg9[%dma_wait3A_57, %dma_wait3A_64] : memref<2x128xi32, #tpu.memory_space<vmem>> -> memref<1x128xi32, #tpu.memory_space<vmem>>
    %dma_wait3A_66 = tpu.memref_squeeze %dma_wait3A_65 : memref<1x128xi32, #tpu.memory_space<vmem>> -> memref<128xi32, #tpu.memory_space<vmem>>
    %dma_wait3A_67 = arith.constant 0 : i32
    %dma_wait3A_68 = tpu.memref_slice %arg4[%add3A, %dma_wait3A_56, %dma_wait3A_67] : memref<32x80x128xi32, #tpu.memory_space<hbm>> -> memref<1x1x128xi32, #tpu.memory_space<hbm>>
    %dma_wait3A_69 = tpu.memref_squeeze %dma_wait3A_68 : memref<1x1x128xi32, #tpu.memory_space<hbm>> -> memref<128xi32, #tpu.memory_space<hbm>>
    tpu.wait_dma2 semaphore(%arg15 : memref<!tpu.dma_semaphore, #tpu.memory_space<semaphore_mem>>) src(%dma_wait3A_69 : memref<128xi32, #tpu.memory_space<hbm>>) dst(%dma_wait3A_66 : memref<128xi32, #tpu.memory_space<vmem>>)
    %scan3A_70 = arith.constant 0 : i32
    %scan3A_71 = arith.constant 128 : i32
    %scan3A_72 = arith.addi %scan3A_70, %scan3A_71 : i32
    %scan3A_73 = arith.constant 1 : i32
    scf.for %scan3A_107 = %scan3A_70 to %scan3A_72 step %scan3A_73  : i32 {
      %get3A = arith.index_cast %scan3A_107 : i32 to index
      %get3A_108 = arith.constant 0 : index
      %get3A_109 = tpu.vector_load %arg10[%get3A, %get3A_108] {strides = array<i32>} : memref<128x64xi32, #tpu.memory_space<vmem>>, vector<16xi32>,
      %shift_left3A = arith.constant 16 : i32
      %shift_left3A_110 = vector.broadcast %shift_left3A : i32 to vector<16xi32>
      %shift_left3A_111 = arith.shli %get3A_109, %shift_left3A_110 : vector<16xi32>
      %bitcast3A = vector.bitcast %shift_left3A_111 : vector<16xi32> to vector<16xf32>
      %and3A = arith.constant -65536 : i32
      %and3A_112 = vector.broadcast %and3A : i32 to vector<16xi32>
      %and3A_113 = arith.andi %get3A_109, %and3A_112 : vector<16xi32>
      %bitcast3A_114 = vector.bitcast %and3A_113 : vector<16xi32> to vector<16xf32>
      %swap3A = arith.index_cast %scan3A_107 : i32 to index
      %swap3A_115 = arith.constant 0 : index
      %swap3A_116 = tpu.vector_load %arg12[%swap3A, %swap3A_115] {strides = array<i32>} : memref<128x128xf32, #tpu.memory_space<vmem>>, vector<16xf32>,
      tpu.vector_store %arg12[%swap3A, %swap3A_115], %bitcast3A {strides = array<i32>} : memref<128x128xf32, #tpu.memory_space<vmem>>, vector<16xf32>,
      %swap3A_117 = arith.index_cast %scan3A_107 : i32 to index
      %swap3A_118 = arith.constant 64 : index
      %swap3A_119 = tpu.vector_load %arg12[%swap3A_117, %swap3A_118] {strides = array<i32>} : memref<128x128xf32, #tpu.memory_space<vmem>>, vector<16xf32>,
      tpu.vector_store %arg12[%swap3A_117, %swap3A_118], %bitcast3A_114 {strides = array<i32>} : memref<128x128xf32, #tpu.memory_space<vmem>>, vector<16xf32>,
      %get3A_120 = arith.index_cast %scan3A_107 : i32 to index
      %get3A_121 = arith.constant 16 : index
      %get3A_122 = tpu.vector_load %arg10[%get3A_120, %get3A_121] {strides = array<i32>} : memref<128x64xi32, #tpu.memory_space<vmem>>, vector<16xi32>,
      %shift_left3A_123 = arith.constant 16 : i32
      %shift_left3A_124 = vector.broadcast %shift_left3A_123 : i32 to vector<16xi32>
      %shift_left3A_125 = arith.shli %get3A_122, %shift_left3A_124 : vector<16xi32>
      %bitcast3A_126 = vector.bitcast %shift_left3A_125 : vector<16xi32> to vector<16xf32>
      %and3A_127 = arith.constant -65536 : i32
      %and3A_128 = vector.broadcast %and3A_127 : i32 to vector<16xi32>
      %and3A_129 = arith.andi %get3A_122, %and3A_128 : vector<16xi32>
      %bitcast3A_130 = vector.bitcast %and3A_129 : vector<16xi32> to vector<16xf32>
      %swap3A_131 = arith.index_cast %scan3A_107 : i32 to index
      %swap3A_132 = arith.constant 16 : index
      %swap3A_133 = tpu.vector_load %arg12[%swap3A_131, %swap3A_132] {strides = array<i32>} : memref<128x128xf32, #tpu.memory_space<vmem>>, vector<16xf32>,
      tpu.vector_store %arg12[%swap3A_131, %swap3A_132], %bitcast3A_126 {strides = array<i32>} : memref<128x128xf32, #tpu.memory_space<vmem>>, vector<16xf32>,
      %swap3A_134 = arith.index_cast %scan3A_107 : i32 to index
      %swap3A_135 = arith.constant 80 : index
      %swap3A_136 = tpu.vector_load %arg12[%swap3A_134, %swap3A_135] {strides = array<i32>} : memref<128x128xf32, #tpu.memory_space<vmem>>, vector<16xf32>,
      tpu.vector_store %arg12[%swap3A_134, %swap3A_135], %bitcast3A_130 {strides = array<i32>} : memref<128x128xf32, #tpu.memory_space<vmem>>, vector<16xf32>,
      %get3A_137 = arith.index_cast %scan3A_107 : i32 to index
      %get3A_138 = arith.constant 32 : index
      %get3A_139 = tpu.vector_load %arg10[%get3A_137, %get3A_138] {strides = array<i32>} : memref<128x64xi32, #tpu.memory_space<vmem>>, vector<16xi32>,
      %shift_left3A_140 = arith.constant 16 : i32
      %shift_left3A_141 = vector.broadcast %shift_left3A_140 : i32 to vector<16xi32>
      %shift_left3A_142 = arith.shli %get3A_139, %shift_left3A_141 : vector<16xi32>
      %bitcast3A_143 = vector.bitcast %shift_left3A_142 : vector<16xi32> to vector<16xf32>
      %and3A_144 = arith.constant -65536 : i32
      %and3A_145 = vector.broadcast %and3A_144 : i32 to vector<16xi32>
      %and3A_146 = arith.andi %get3A_139, %and3A_145 : vector<16xi32>
      %bitcast3A_147 = vector.bitcast %and3A_146 : vector<16xi32> to vector<16xf32>
      %swap3A_148 = arith.index_cast %scan3A_107 : i32 to index
      %swap3A_149 = arith.constant 32 : index
      %swap3A_150 = tpu.vector_load %arg12[%swap3A_148, %swap3A_149] {strides = array<i32>} : memref<128x128xf32, #tpu.memory_space<vmem>>, vector<16xf32>,
      tpu.vector_store %arg12[%swap3A_148, %swap3A_149], %bitcast3A_143 {strides = array<i32>} : memref<128x128xf32, #tpu.memory_space<vmem>>, vector<16xf32>,
      %swap3A_151 = arith.index_cast %scan3A_107 : i32 to index
      %swap3A_152 = arith.constant 96 : index
      %swap3A_153 = tpu.vector_load %arg12[%swap3A_151, %swap3A_152] {strides = array<i32>} : memref<128x128xf32, #tpu.memory_space<vmem>>, vector<16xf32>,
      tpu.vector_store %arg12[%swap3A_151, %swap3A_152], %bitcast3A_147 {strides = array<i32>} : memref<128x128xf32, #tpu.memory_space<vmem>>, vector<16xf32>,
      %get3A_154 = arith.index_cast %scan3A_107 : i32 to index
      %get3A_155 = arith.constant 48 : index
      %get3A_156 = tpu.vector_load %arg10[%get3A_154, %get3A_155] {strides = array<i32>} : memref<128x64xi32, #tpu.memory_space<vmem>>, vector<16xi32>,
      %shift_left3A_157 = arith.constant 16 : i32
      %shift_left3A_158 = vector.broadcast %shift_left3A_157 : i32 to vector<16xi32>
      %shift_left3A_159 = arith.shli %get3A_156, %shift_left3A_158 : vector<16xi32>
      %bitcast3A_160 = vector.bitcast %shift_left3A_159 : vector<16xi32> to vector<16xf32>
      %and3A_161 = arith.constant -65536 : i32
      %and3A_162 = vector.broadcast %and3A_161 : i32 to vector<16xi32>
      %and3A_163 = arith.andi %get3A_156, %and3A_162 : vector<16xi32>
      %bitcast3A_164 = vector.bitcast %and3A_163 : vector<16xi32> to vector<16xf32>
      %swap3A_165 = arith.index_cast %scan3A_107 : i32 to index
      %swap3A_166 = arith.constant 48 : index
      %swap3A_167 = tpu.vector_load %arg12[%swap3A_165, %swap3A_166] {strides = array<i32>} : memref<128x128xf32, #tpu.memory_space<vmem>>, vector<16xf32>,
      tpu.vector_store %arg12[%swap3A_165, %swap3A_166], %bitcast3A_160 {strides = array<i32>} : memref<128x128xf32, #tpu.memory_space<vmem>>, vector<16xf32>,
      %swap3A_168 = arith.index_cast %scan3A_107 : i32 to index
      %swap3A_169 = arith.constant 112 : index
      %swap3A_170 = tpu.vector_load %arg12[%swap3A_168, %swap3A_169] {strides = array<i32>} : memref<128x128xf32, #tpu.memory_space<vmem>>, vector<16xf32>,
      tpu.vector_store %arg12[%swap3A_168, %swap3A_169], %bitcast3A_164 {strides = array<i32>} : memref<128x128xf32, #tpu.memory_space<vmem>>, vector<16xf32>,
    }
    %scan3A_74 = arith.constant 128 : i32
    %run_scoped3A = arith.constant 0 : i32
    "tpu.region"() ({
      %run_scoped3A_107 = tpu.sem_alloc : memref<!tpu.dma_semaphore, #tpu.memory_space<semaphore_mem>>
      %dma_start3A_108 = arith.constant 0 : i32
      %dma_start3A_109 = tpu.memref_slice %arg9[%run_scoped3A, %dma_start3A_108] : memref<2x128xi32, #tpu.memory_space<vmem>> -> memref<1x128xi32, #tpu.memory_space<vmem>>
      %dma_start3A_110 = tpu.memref_squeeze %dma_start3A_109 : memref<1x128xi32, #tpu.memory_space<vmem>> -> memref<128xi32, #tpu.memory_space<vmem>>
      %dma_start3A_111 = arith.constant 0 : i32
      %dma_start3A_112 = arith.constant 0 : i32
      %dma_start3A_113 = tpu.memref_slice %arg7[%dma_start3A_111, %dma_start3A_112] : memref<10112x128xf32, #tpu.memory_space<vmem_shared>> -> memref<10112x128xf32, #tpu.memory_space<vmem_shared>>
      tpu.enqueue_indirect_dma source(%arg12 : memref<128x128xf32, #tpu.memory_space<vmem>>) target(%dma_start3A_113 : memref<10112x128xf32, #tpu.memory_space<vmem_shared>>) offsets(%dma_start3A_110 : memref<128xi32, #tpu.memory_space<vmem>>) semaphore(%run_scoped3A_107 : memref<!tpu.dma_semaphore, #tpu.memory_space<semaphore_mem>>) {add = true}
      %dma_wait3A_114 = arith.constant 0 : i32
      %dma_wait3A_115 = tpu.memref_slice %arg9[%run_scoped3A, %dma_wait3A_114] : memref<2x128xi32, #tpu.memory_space<vmem>> -> memref<1x128xi32, #tpu.memory_space<vmem>>
      %dma_wait3A_116 = tpu.memref_squeeze %dma_wait3A_115 : memref<1x128xi32, #tpu.memory_space<vmem>> -> memref<128xi32, #tpu.memory_space<vmem>>
      %dma_wait3A_117 = arith.constant 0 : i32
      %dma_wait3A_118 = arith.constant 0 : i32
      %dma_wait3A_119 = tpu.memref_slice %arg7[%dma_wait3A_117, %dma_wait3A_118] : memref<10112x128xf32, #tpu.memory_space<vmem_shared>> -> memref<10112x128xf32, #tpu.memory_space<vmem_shared>>
      tpu.wait_indirect_dma semaphore(%run_scoped3A_107 : memref<!tpu.dma_semaphore, #tpu.memory_space<semaphore_mem>>) src(%arg12 : memref<128x128xf32, #tpu.memory_space<vmem>>) dst(%dma_wait3A_119 : memref<10112x128xf32, #tpu.memory_space<vmem_shared>>)
      tpu.yield
    }) : () -> ()
    %dma_wait3A_75 = arith.constant 79 : i32
    %dma_wait3A_76 = arith.constant 0 : i32
    %dma_wait3A_77 = tpu.memref_slice %arg8[%dma_wait3A_75, %dma_wait3A_76] : memref<80x128xi32, #tpu.memory_space<vmem>> -> memref<1x128xi32, #tpu.memory_space<vmem>>
    %dma_wait3A_78 = tpu.memref_squeeze %dma_wait3A_77 : memref<1x128xi32, #tpu.memory_space<vmem>> -> memref<128xi32, #tpu.memory_space<vmem>>
    %dma_wait3A_79 = arith.constant 0 : i32
    %dma_wait3A_80 = arith.constant 0 : i32
    %dma_wait3A_81 = tpu.memref_slice %arg2[%dma_wait3A_79, %dma_wait3A_80] : memref<10000x64xi32, #tpu.memory_space<hbm>> -> memref<10000x64xi32, #tpu.memory_space<hbm>>
    tpu.wait_indirect_dma semaphore(%arg14 : memref<!tpu.dma_semaphore, #tpu.memory_space<semaphore_mem>>) src(%dma_wait3A_81 : memref<10000x64xi32, #tpu.memory_space<hbm>>) dst(%arg11 : memref<128x64xi32, #tpu.memory_space<vmem>>)
    %dma_wait3A_82 = arith.constant 79 : i32
    %dma_wait3A_83 = arith.constant 1 : i32
    %dma_wait3A_84 = arith.constant 0 : i32
    %dma_wait3A_85 = tpu.memref_slice %arg9[%dma_wait3A_83, %dma_wait3A_84] : memref<2x128xi32, #tpu.memory_space<vmem>> -> memref<1x128xi32, #tpu.memory_space<vmem>>
    %dma_wait3A_86 = tpu.memref_squeeze %dma_wait3A_85 : memref<1x128xi32, #tpu.memory_space<vmem>> -> memref<128xi32, #tpu.memory_space<vmem>>
    %dma_wait3A_87 = arith.constant 0 : i32
    %dma_wait3A_88 = tpu.memref_slice %arg4[%add3A, %dma_wait3A_82, %dma_wait3A_87] : memref<32x80x128xi32, #tpu.memory_space<hbm>> -> memref<1x1x128xi32, #tpu.memory_space<hbm>>
    %dma_wait3A_89 = tpu.memref_squeeze %dma_wait3A_88 : memref<1x1x128xi32, #tpu.memory_space<hbm>> -> memref<128xi32, #tpu.memory_space<hbm>>
    %dma_wait3A_90 = arith.constant 0 : i32
    %dma_wait3A_91 = tpu.memref_slice %arg9[%dma_wait3A_83, %dma_wait3A_90] : memref<2x128xi32, #tpu.memory_space<vmem>> -> memref<1x128xi32, #tpu.memory_space<vmem>>
    %dma_wait3A_92 = tpu.memref_squeeze %dma_wait3A_91 : memref<1x128xi32, #tpu.memory_space<vmem>> -> memref<128xi32, #tpu.memory_space<vmem>>
    %dma_wait3A_93 = arith.constant 0 : i32
    %dma_wait3A_94 = tpu.memref_slice %arg4[%add3A, %dma_wait3A_82, %dma_wait3A_93] : memref<32x80x128xi32, #tpu.memory_space<hbm>> -> memref<1x1x128xi32, #tpu.memory_space<hbm>>
    %dma_wait3A_95 = tpu.memref_squeeze %dma_wait3A_94 : memref<1x1x128xi32, #tpu.memory_space<hbm>> -> memref<128xi32, #tpu.memory_space<hbm>>
    tpu.wait_dma2 semaphore(%arg16 : memref<!tpu.dma_semaphore, #tpu.memory_space<semaphore_mem>>) src(%dma_wait3A_95 : memref<128xi32, #tpu.memory_space<hbm>>) dst(%dma_wait3A_92 : memref<128xi32, #tpu.memory_space<vmem>>)
    %scan3A_96 = arith.constant 0 : i32
    %scan3A_97 = arith.constant 128 : i32
    %scan3A_98 = arith.addi %scan3A_96, %scan3A_97 : i32
    %scan3A_99 = arith.constant 1 : i32
    scf.for %scan3A_107 = %scan3A_96 to %scan3A_98 step %scan3A_99  : i32 {
      %get3A = arith.index_cast %scan3A_107 : i32 to index
      %get3A_108 = arith.constant 0 : index
      %get3A_109 = tpu.vector_load %arg11[%get3A, %get3A_108] {strides = array<i32>} : memref<128x64xi32, #tpu.memory_space<vmem>>, vector<16xi32>,
      %shift_left3A = arith.constant 16 : i32
      %shift_left3A_110 = vector.broadcast %shift_left3A : i32 to vector<16xi32>
      %shift_left3A_111 = arith.shli %get3A_109, %shift_left3A_110 : vector<16xi32>
      %bitcast3A = vector.bitcast %shift_left3A_111 : vector<16xi32> to vector<16xf32>
      %and3A = arith.constant -65536 : i32
      %and3A_112 = vector.broadcast %and3A : i32 to vector<16xi32>
      %and3A_113 = arith.andi %get3A_109, %and3A_112 : vector<16xi32>
      %bitcast3A_114 = vector.bitcast %and3A_113 : vector<16xi32> to vector<16xf32>
      %swap3A = arith.index_cast %scan3A_107 : i32 to index
      %swap3A_115 = arith.constant 0 : index
      %swap3A_116 = tpu.vector_load %arg12[%swap3A, %swap3A_115] {strides = array<i32>} : memref<128x128xf32, #tpu.memory_space<vmem>>, vector<16xf32>,
      tpu.vector_store %arg12[%swap3A, %swap3A_115], %bitcast3A {strides = array<i32>} : memref<128x128xf32, #tpu.memory_space<vmem>>, vector<16xf32>,
      %swap3A_117 = arith.index_cast %scan3A_107 : i32 to index
      %swap3A_118 = arith.constant 64 : index
      %swap3A_119 = tpu.vector_load %arg12[%swap3A_117, %swap3A_118] {strides = array<i32>} : memref<128x128xf32, #tpu.memory_space<vmem>>, vector<16xf32>,
      tpu.vector_store %arg12[%swap3A_117, %swap3A_118], %bitcast3A_114 {strides = array<i32>} : memref<128x128xf32, #tpu.memory_space<vmem>>, vector<16xf32>,
      %get3A_120 = arith.index_cast %scan3A_107 : i32 to index
      %get3A_121 = arith.constant 16 : index
      %get3A_122 = tpu.vector_load %arg11[%get3A_120, %get3A_121] {strides = array<i32>} : memref<128x64xi32, #tpu.memory_space<vmem>>, vector<16xi32>,
      %shift_left3A_123 = arith.constant 16 : i32
      %shift_left3A_124 = vector.broadcast %shift_left3A_123 : i32 to vector<16xi32>
      %shift_left3A_125 = arith.shli %get3A_122, %shift_left3A_124 : vector<16xi32>
      %bitcast3A_126 = vector.bitcast %shift_left3A_125 : vector<16xi32> to vector<16xf32>
      %and3A_127 = arith.constant -65536 : i32
      %and3A_128 = vector.broadcast %and3A_127 : i32 to vector<16xi32>
      %and3A_129 = arith.andi %get3A_122, %and3A_128 : vector<16xi32>
      %bitcast3A_130 = vector.bitcast %and3A_129 : vector<16xi32> to vector<16xf32>
      %swap3A_131 = arith.index_cast %scan3A_107 : i32 to index
      %swap3A_132 = arith.constant 16 : index
      %swap3A_133 = tpu.vector_load %arg12[%swap3A_131, %swap3A_132] {strides = array<i32>} : memref<128x128xf32, #tpu.memory_space<vmem>>, vector<16xf32>,
      tpu.vector_store %arg12[%swap3A_131, %swap3A_132], %bitcast3A_126 {strides = array<i32>} : memref<128x128xf32, #tpu.memory_space<vmem>>, vector<16xf32>,
      %swap3A_134 = arith.index_cast %scan3A_107 : i32 to index
      %swap3A_135 = arith.constant 80 : index
      %swap3A_136 = tpu.vector_load %arg12[%swap3A_134, %swap3A_135] {strides = array<i32>} : memref<128x128xf32, #tpu.memory_space<vmem>>, vector<16xf32>,
      tpu.vector_store %arg12[%swap3A_134, %swap3A_135], %bitcast3A_130 {strides = array<i32>} : memref<128x128xf32, #tpu.memory_space<vmem>>, vector<16xf32>,
      %get3A_137 = arith.index_cast %scan3A_107 : i32 to index
      %get3A_138 = arith.constant 32 : index
      %get3A_139 = tpu.vector_load %arg11[%get3A_137, %get3A_138] {strides = array<i32>} : memref<128x64xi32, #tpu.memory_space<vmem>>, vector<16xi32>,
      %shift_left3A_140 = arith.constant 16 : i32
      %shift_left3A_141 = vector.broadcast %shift_left3A_140 : i32 to vector<16xi32>
      %shift_left3A_142 = arith.shli %get3A_139, %shift_left3A_141 : vector<16xi32>
      %bitcast3A_143 = vector.bitcast %shift_left3A_142 : vector<16xi32> to vector<16xf32>
      %and3A_144 = arith.constant -65536 : i32
      %and3A_145 = vector.broadcast %and3A_144 : i32 to vector<16xi32>
      %and3A_146 = arith.andi %get3A_139, %and3A_145 : vector<16xi32>
      %bitcast3A_147 = vector.bitcast %and3A_146 : vector<16xi32> to vector<16xf32>
      %swap3A_148 = arith.index_cast %scan3A_107 : i32 to index
      %swap3A_149 = arith.constant 32 : index
      %swap3A_150 = tpu.vector_load %arg12[%swap3A_148, %swap3A_149] {strides = array<i32>} : memref<128x128xf32, #tpu.memory_space<vmem>>, vector<16xf32>,
      tpu.vector_store %arg12[%swap3A_148, %swap3A_149], %bitcast3A_143 {strides = array<i32>} : memref<128x128xf32, #tpu.memory_space<vmem>>, vector<16xf32>,
      %swap3A_151 = arith.index_cast %scan3A_107 : i32 to index
      %swap3A_152 = arith.constant 96 : index
      %swap3A_153 = tpu.vector_load %arg12[%swap3A_151, %swap3A_152] {strides = array<i32>} : memref<128x128xf32, #tpu.memory_space<vmem>>, vector<16xf32>,
      tpu.vector_store %arg12[%swap3A_151, %swap3A_152], %bitcast3A_147 {strides = array<i32>} : memref<128x128xf32, #tpu.memory_space<vmem>>, vector<16xf32>,
      %get3A_154 = arith.index_cast %scan3A_107 : i32 to index
      %get3A_155 = arith.constant 48 : index
      %get3A_156 = tpu.vector_load %arg11[%get3A_154, %get3A_155] {strides = array<i32>} : memref<128x64xi32, #tpu.memory_space<vmem>>, vector<16xi32>,
      %shift_left3A_157 = arith.constant 16 : i32
      %shift_left3A_158 = vector.broadcast %shift_left3A_157 : i32 to vector<16xi32>
      %shift_left3A_159 = arith.shli %get3A_156, %shift_left3A_158 : vector<16xi32>
      %bitcast3A_160 = vector.bitcast %shift_left3A_159 : vector<16xi32> to vector<16xf32>
      %and3A_161 = arith.constant -65536 : i32
      %and3A_162 = vector.broadcast %and3A_161 : i32 to vector<16xi32>
      %and3A_163 = arith.andi %get3A_156, %and3A_162 : vector<16xi32>
      %bitcast3A_164 = vector.bitcast %and3A_163 : vector<16xi32> to vector<16xf32>
      %swap3A_165 = arith.index_cast %scan3A_107 : i32 to index
      %swap3A_166 = arith.constant 48 : index
      %swap3A_167 = tpu.vector_load %arg12[%swap3A_165, %swap3A_166] {strides = array<i32>} : memref<128x128xf32, #tpu.memory_space<vmem>>, vector<16xf32>,
      tpu.vector_store %arg12[%swap3A_165, %swap3A_166], %bitcast3A_160 {strides = array<i32>} : memref<128x128xf32, #tpu.memory_space<vmem>>, vector<16xf32>,
      %swap3A_168 = arith.index_cast %scan3A_107 : i32 to index
      %swap3A_169 = arith.constant 112 : index
      %swap3A_170 = tpu.vector_load %arg12[%swap3A_168, %swap3A_169] {strides = array<i32>} : memref<128x128xf32, #tpu.memory_space<vmem>>, vector<16xf32>,
      tpu.vector_store %arg12[%swap3A_168, %swap3A_169], %bitcast3A_164 {strides = array<i32>} : memref<128x128xf32, #tpu.memory_space<vmem>>, vector<16xf32>,
    }
    %scan3A_100 = arith.constant 128 : i32
    %run_scoped3A_101 = arith.constant 1 : i32
    "tpu.region"() ({
      %run_scoped3A_107 = tpu.sem_alloc : memref<!tpu.dma_semaphore, #tpu.memory_space<semaphore_mem>>
      %dma_start3A_108 = arith.constant 0 : i32
      %dma_start3A_109 = tpu.memref_slice %arg9[%run_scoped3A_101, %dma_start3A_108] : memref<2x128xi32, #tpu.memory_space<vmem>> -> memref<1x128xi32, #tpu.memory_space<vmem>>
      %dma_start3A_110 = tpu.memref_squeeze %dma_start3A_109 : memref<1x128xi32, #tpu.memory_space<vmem>> -> memref<128xi32, #tpu.memory_space<vmem>>
      %dma_start3A_111 = arith.constant 0 : i32
      %dma_start3A_112 = arith.constant 0 : i32
      %dma_start3A_113 = tpu.memref_slice %arg7[%dma_start3A_111, %dma_start3A_112] : memref<10112x128xf32, #tpu.memory_space<vmem_shared>> -> memref<10112x128xf32, #tpu.memory_space<vmem_shared>>
      tpu.enqueue_indirect_dma source(%arg12 : memref<128x128xf32, #tpu.memory_space<vmem>>) target(%dma_start3A_113 : memref<10112x128xf32, #tpu.memory_space<vmem_shared>>) offsets(%dma_start3A_110 : memref<128xi32, #tpu.memory_space<vmem>>) semaphore(%run_scoped3A_107 : memref<!tpu.dma_semaphore, #tpu.memory_space<semaphore_mem>>) {add = true}
      %dma_wait3A_114 = arith.constant 0 : i32
      %dma_wait3A_115 = tpu.memref_slice %arg9[%run_scoped3A_101, %dma_wait3A_114] : memref<2x128xi32, #tpu.memory_space<vmem>> -> memref<1x128xi32, #tpu.memory_space<vmem>>
      %dma_wait3A_116 = tpu.memref_squeeze %dma_wait3A_115 : memref<1x128xi32, #tpu.memory_space<vmem>> -> memref<128xi32, #tpu.memory_space<vmem>>
      %dma_wait3A_117 = arith.constant 0 : i32
      %dma_wait3A_118 = arith.constant 0 : i32
      %dma_wait3A_119 = tpu.memref_slice %arg7[%dma_wait3A_117, %dma_wait3A_118] : memref<10112x128xf32, #tpu.memory_space<vmem_shared>> -> memref<10112x128xf32, #tpu.memory_space<vmem_shared>>
      tpu.wait_indirect_dma semaphore(%run_scoped3A_107 : memref<!tpu.dma_semaphore, #tpu.memory_space<semaphore_mem>>) src(%arg12 : memref<128x128xf32, #tpu.memory_space<vmem>>) dst(%dma_wait3A_119 : memref<10112x128xf32, #tpu.memory_space<vmem_shared>>)
      tpu.yield
    }) : () -> ()
    %barrier3A_102 = arith.constant 0 : index
    tpu.barrier barrier_id(%barrier3A_102)
    %mul3A_103 = arith.constant 632 : i32
    %mul3A_104 = arith.muli %arg1, %mul3A_103 : i32
    %mul3A_105 = arith.constant 632 : i32
    %mul3A_106 = arith.muli %arg1, %mul3A_105 : i32
    "tpu.region"() ({
      %run_scoped3A_107 = tpu.sem_alloc : memref<!tpu.dma_semaphore, #tpu.memory_space<semaphore_mem>>
      %dma_start3A_108 = arith.constant 0 : i32
      %dma_start3A_109 = tpu.memref_slice %arg6[%arg0, %mul3A_106, %dma_start3A_108] : memref<2x10112x128xf32, #tpu.memory_space<hbm>> -> memref<1x632x128xf32, #tpu.memory_space<hbm>>
      %dma_start3A_110 = tpu.memref_squeeze %dma_start3A_109 : memref<1x632x128xf32, #tpu.memory_space<hbm>> -> memref<632x128xf32, #tpu.memory_space<hbm>>
      %dma_start3A_111 = arith.constant 0 : i32
      %dma_start3A_112 = tpu.memref_slice %arg7[%mul3A_104, %dma_start3A_111] : memref<10112x128xf32, #tpu.memory_space<vmem_shared>> -> memref<632x128xf32, #tpu.memory_space<vmem_shared>>
      tpu.enqueue_dma source(%dma_start3A_112 : memref<632x128xf32, #tpu.memory_space<vmem_shared>>) target(%dma_start3A_110 : memref<632x128xf32, #tpu.memory_space<hbm>>) target_semaphore(%run_scoped3A_107 : memref<!tpu.dma_semaphore, #tpu.memory_space<semaphore_mem>>)
      %dma_wait3A_113 = arith.constant 0 : i32
      %dma_wait3A_114 = tpu.memref_slice %arg6[%arg0, %mul3A_106, %dma_wait3A_113] : memref<2x10112x128xf32, #tpu.memory_space<hbm>> -> memref<1x632x128xf32, #tpu.memory_space<hbm>>
      %dma_wait3A_115 = tpu.memref_squeeze %dma_wait3A_114 : memref<1x632x128xf32, #tpu.memory_space<hbm>> -> memref<632x128xf32, #tpu.memory_space<hbm>>
      %dma_wait3A_116 = arith.constant 0 : i32
      %dma_wait3A_117 = tpu.memref_slice %arg7[%mul3A_104, %dma_wait3A_116] : memref<10112x128xf32, #tpu.memory_space<vmem_shared>> -> memref<632x128xf32, #tpu.memory_space<vmem_shared>>
      tpu.wait_dma2 semaphore(%run_scoped3A_107 : memref<!tpu.dma_semaphore, #tpu.memory_space<semaphore_mem>>) src(%dma_wait3A_117 : memref<632x128xf32, #tpu.memory_space<vmem_shared>>) dst(%dma_wait3A_115 : memref<632x128xf32, #tpu.memory_space<hbm>>)
      tpu.yield
    }) : () -> ()
    return
  }
}

#map = affine_map<(d0, d1) -> (0, 0, 0)>
#map1 = affine_map<(d0, d1) -> (0, 0)>
module attributes {stable_mosaic.version = 14 : i64} {
  func.func @body(%arg0: i32, %arg1: i32, %arg2: memref<32x80x128xi32, #tpu.memory_space<hbm>>, %arg3: memref<10112x16xf32, #tpu.memory_space<hbm>>, %arg4: memref<128x16xf32, #tpu.memory_space<hbm>>, %arg5: memref<2x10112x16xf32, #tpu.memory_space<hbm>>, %arg6: memref<10112x16xf32, #tpu.memory_space<vmem_shared>>, %arg7: memref<80x128xi32, #tpu.memory_space<vmem>>, %arg8: memref<128x16xf32, #tpu.memory_space<vmem>>) attributes {dimension_semantics = [#tpu.dimension_semantics<core_parallel>, #tpu.dimension_semantics<subcore_parallel>], iteration_bounds = array<i64: 2, 16>, scalar_prefetch = 0 : i64, scratch_operands = 3 : i64, tpu.core_type = #tpu.core_type<sc_vector_subcore>, window_params = [{transform_indices = #map}, {transform_indices = #map1}, {transform_indices = #map1}, {transform_indices = #map}]} {
    %mul3A = arith.constant 16 : i32
    %mul3A_0 = arith.muli %arg0, %mul3A : i32
    %add3A = arith.addi %mul3A_0, %arg1 : i32
    %mul3A_1 = arith.constant 632 : i32
    %mul3A_2 = arith.muli %arg1, %mul3A_1 : i32
    %mul3A_3 = arith.constant 632 : i32
    %mul3A_4 = arith.muli %arg1, %mul3A_3 : i32
    "tpu.region"() ({
      %run_scoped3A = tpu.sem_alloc : memref<!tpu.dma_semaphore, #tpu.memory_space<semaphore_mem>>
      %dma_start3A = arith.constant 0 : i32
      %dma_start3A_14 = tpu.memref_slice %arg6[%mul3A_4, %dma_start3A] : memref<10112x16xf32, #tpu.memory_space<vmem_shared>> -> memref<632x16xf32, #tpu.memory_space<vmem_shared>>
      %dma_start3A_15 = arith.constant 0 : i32
      %dma_start3A_16 = tpu.memref_slice %arg3[%mul3A_2, %dma_start3A_15] : memref<10112x16xf32, #tpu.memory_space<hbm>> -> memref<632x16xf32, #tpu.memory_space<hbm>>
      tpu.enqueue_dma source(%dma_start3A_16 : memref<632x16xf32, #tpu.memory_space<hbm>>) target(%dma_start3A_14 : memref<632x16xf32, #tpu.memory_space<vmem_shared>>) target_semaphore(%run_scoped3A : memref<!tpu.dma_semaphore, #tpu.memory_space<semaphore_mem>>)
      %dma_wait3A = arith.constant 0 : i32
      %dma_wait3A_17 = tpu.memref_slice %arg6[%mul3A_4, %dma_wait3A] : memref<10112x16xf32, #tpu.memory_space<vmem_shared>> -> memref<632x16xf32, #tpu.memory_space<vmem_shared>>
      %dma_wait3A_18 = arith.constant 0 : i32
      %dma_wait3A_19 = tpu.memref_slice %arg3[%mul3A_2, %dma_wait3A_18] : memref<10112x16xf32, #tpu.memory_space<hbm>> -> memref<632x16xf32, #tpu.memory_space<hbm>>
      tpu.wait_dma2 semaphore(%run_scoped3A : memref<!tpu.dma_semaphore, #tpu.memory_space<semaphore_mem>>) src(%dma_wait3A_19 : memref<632x16xf32, #tpu.memory_space<hbm>>) dst(%dma_wait3A_17 : memref<632x16xf32, #tpu.memory_space<vmem_shared>>)
      tpu.yield
    }) : () -> ()
    "tpu.region"() ({
      %run_scoped3A = tpu.sem_alloc : memref<!tpu.dma_semaphore, #tpu.memory_space<semaphore_mem>>
      %dma_start3A = arith.constant 0 : i32
      %dma_start3A_14 = arith.constant 0 : i32
      %dma_start3A_15 = tpu.memref_slice %arg2[%add3A, %dma_start3A, %dma_start3A_14] : memref<32x80x128xi32, #tpu.memory_space<hbm>> -> memref<1x80x128xi32, #tpu.memory_space<hbm>>
      %dma_start3A_16 = tpu.memref_squeeze %dma_start3A_15 : memref<1x80x128xi32, #tpu.memory_space<hbm>> -> memref<80x128xi32, #tpu.memory_space<hbm>>
      %dma_start3A_17 = arith.constant 0 : i32
      %dma_start3A_18 = arith.constant 0 : i32
      %dma_start3A_19 = tpu.memref_slice %arg2[%add3A, %dma_start3A_17, %dma_start3A_18] : memref<32x80x128xi32, #tpu.memory_space<hbm>> -> memref<1x80x128xi32, #tpu.memory_space<hbm>>
      %dma_start3A_20 = tpu.memref_squeeze %dma_start3A_19 : memref<1x80x128xi32, #tpu.memory_space<hbm>> -> memref<80x128xi32, #tpu.memory_space<hbm>>
      tpu.enqueue_dma source(%dma_start3A_20 : memref<80x128xi32, #tpu.memory_space<hbm>>) target(%arg7 : memref<80x128xi32, #tpu.memory_space<vmem>>) target_semaphore(%run_scoped3A : memref<!tpu.dma_semaphore, #tpu.memory_space<semaphore_mem>>)
      %dma_wait3A = arith.constant 0 : i32
      %dma_wait3A_21 = arith.constant 0 : i32
      %dma_wait3A_22 = tpu.memref_slice %arg2[%add3A, %dma_wait3A, %dma_wait3A_21] : memref<32x80x128xi32, #tpu.memory_space<hbm>> -> memref<1x80x128xi32, #tpu.memory_space<hbm>>
      %dma_wait3A_23 = tpu.memref_squeeze %dma_wait3A_22 : memref<1x80x128xi32, #tpu.memory_space<hbm>> -> memref<80x128xi32, #tpu.memory_space<hbm>>
      %dma_wait3A_24 = arith.constant 0 : i32
      %dma_wait3A_25 = arith.constant 0 : i32
      %dma_wait3A_26 = tpu.memref_slice %arg2[%add3A, %dma_wait3A_24, %dma_wait3A_25] : memref<32x80x128xi32, #tpu.memory_space<hbm>> -> memref<1x80x128xi32, #tpu.memory_space<hbm>>
      %dma_wait3A_27 = tpu.memref_squeeze %dma_wait3A_26 : memref<1x80x128xi32, #tpu.memory_space<hbm>> -> memref<80x128xi32, #tpu.memory_space<hbm>>
      tpu.wait_dma2 semaphore(%run_scoped3A : memref<!tpu.dma_semaphore, #tpu.memory_space<semaphore_mem>>) src(%dma_wait3A_27 : memref<80x128xi32, #tpu.memory_space<hbm>>) dst(%arg7 : memref<80x128xi32, #tpu.memory_space<vmem>>)
      tpu.yield
    }) : () -> ()
    "tpu.region"() ({
      %run_scoped3A = tpu.sem_alloc : memref<!tpu.dma_semaphore, #tpu.memory_space<semaphore_mem>>
      tpu.enqueue_dma source(%arg4 : memref<128x16xf32, #tpu.memory_space<hbm>>) target(%arg8 : memref<128x16xf32, #tpu.memory_space<vmem>>) target_semaphore(%run_scoped3A : memref<!tpu.dma_semaphore, #tpu.memory_space<semaphore_mem>>)
      tpu.wait_dma2 semaphore(%run_scoped3A : memref<!tpu.dma_semaphore, #tpu.memory_space<semaphore_mem>>) src(%arg4 : memref<128x16xf32, #tpu.memory_space<hbm>>) dst(%arg8 : memref<128x16xf32, #tpu.memory_space<vmem>>)
      tpu.yield
    }) : () -> ()
    %barrier3A = arith.constant 0 : index
    tpu.barrier barrier_id(%barrier3A)
    %scan3A = arith.constant 0 : i32
    %scan3A_5 = arith.constant 80 : i32
    %scan3A_6 = arith.addi %scan3A, %scan3A_5 : i32
    %scan3A_7 = arith.constant 1 : i32
    scf.for %scan3A_14 = %scan3A to %scan3A_6 step %scan3A_7  : i32 {
      "tpu.region"() ({
        %run_scoped3A = tpu.sem_alloc : memref<!tpu.dma_semaphore, #tpu.memory_space<semaphore_mem>>
        %dma_start3A = arith.constant 0 : i32
        %dma_start3A_15 = tpu.memref_slice %arg7[%scan3A_14, %dma_start3A] : memref<80x128xi32, #tpu.memory_space<vmem>> -> memref<1x128xi32, #tpu.memory_space<vmem>>
        %dma_start3A_16 = tpu.memref_squeeze %dma_start3A_15 : memref<1x128xi32, #tpu.memory_space<vmem>> -> memref<128xi32, #tpu.memory_space<vmem>>
        %dma_start3A_17 = arith.constant 0 : i32
        %dma_start3A_18 = arith.constant 0 : i32
        %dma_start3A_19 = tpu.memref_slice %arg6[%dma_start3A_17, %dma_start3A_18] : memref<10112x16xf32, #tpu.memory_space<vmem_shared>> -> memref<10112x16xf32, #tpu.memory_space<vmem_shared>>
        tpu.enqueue_indirect_dma source(%arg8 : memref<128x16xf32, #tpu.memory_space<vmem>>) target(%dma_start3A_19 : memref<10112x16xf32, #tpu.memory_space<vmem_shared>>) offsets(%dma_start3A_16 : memref<128xi32, #tpu.memory_space<vmem>>) semaphore(%run_scoped3A : memref<!tpu.dma_semaphore, #tpu.memory_space<semaphore_mem>>) {add = true}
        %dma_wait3A = arith.constant 0 : i32
        %dma_wait3A_20 = tpu.memref_slice %arg7[%scan3A_14, %dma_wait3A] : memref<80x128xi32, #tpu.memory_space<vmem>> -> memref<1x128xi32, #tpu.memory_space<vmem>>
        %dma_wait3A_21 = tpu.memref_squeeze %dma_wait3A_20 : memref<1x128xi32, #tpu.memory_space<vmem>> -> memref<128xi32, #tpu.memory_space<vmem>>
        %dma_wait3A_22 = arith.constant 0 : i32
        %dma_wait3A_23 = arith.constant 0 : i32
        %dma_wait3A_24 = tpu.memref_slice %arg6[%dma_wait3A_22, %dma_wait3A_23] : memref<10112x16xf32, #tpu.memory_space<vmem_shared>> -> memref<10112x16xf32, #tpu.memory_space<vmem_shared>>
        tpu.wait_indirect_dma semaphore(%run_scoped3A : memref<!tpu.dma_semaphore, #tpu.memory_space<semaphore_mem>>) src(%arg8 : memref<128x16xf32, #tpu.memory_space<vmem>>) dst(%dma_wait3A_24 : memref<10112x16xf32, #tpu.memory_space<vmem_shared>>)
        tpu.yield
      }) : () -> ()
    }
    %scan3A_8 = arith.constant 80 : i32
    %barrier3A_9 = arith.constant 0 : index
    tpu.barrier barrier_id(%barrier3A_9)
    %mul3A_10 = arith.constant 632 : i32
    %mul3A_11 = arith.muli %arg1, %mul3A_10 : i32
    %mul3A_12 = arith.constant 632 : i32
    %mul3A_13 = arith.muli %arg1, %mul3A_12 : i32
    "tpu.region"() ({
      %run_scoped3A = tpu.sem_alloc : memref<!tpu.dma_semaphore, #tpu.memory_space<semaphore_mem>>
      %dma_start3A = arith.constant 0 : i32
      %dma_start3A_14 = tpu.memref_slice %arg5[%arg0, %mul3A_13, %dma_start3A] : memref<2x10112x16xf32, #tpu.memory_space<hbm>> -> memref<1x632x16xf32, #tpu.memory_space<hbm>>
      %dma_start3A_15 = tpu.memref_squeeze %dma_start3A_14 : memref<1x632x16xf32, #tpu.memory_space<hbm>> -> memref<632x16xf32, #tpu.memory_space<hbm>>
      %dma_start3A_16 = arith.constant 0 : i32
      %dma_start3A_17 = tpu.memref_slice %arg6[%mul3A_11, %dma_start3A_16] : memref<10112x16xf32, #tpu.memory_space<vmem_shared>> -> memref<632x16xf32, #tpu.memory_space<vmem_shared>>
      tpu.enqueue_dma source(%dma_start3A_17 : memref<632x16xf32, #tpu.memory_space<vmem_shared>>) target(%dma_start3A_15 : memref<632x16xf32, #tpu.memory_space<hbm>>) target_semaphore(%run_scoped3A : memref<!tpu.dma_semaphore, #tpu.memory_space<semaphore_mem>>)
      %dma_wait3A = arith.constant 0 : i32
      %dma_wait3A_18 = tpu.memref_slice %arg5[%arg0, %mul3A_13, %dma_wait3A] : memref<2x10112x16xf32, #tpu.memory_space<hbm>> -> memref<1x632x16xf32, #tpu.memory_space<hbm>>
      %dma_wait3A_19 = tpu.memref_squeeze %dma_wait3A_18 : memref<1x632x16xf32, #tpu.memory_space<hbm>> -> memref<632x16xf32, #tpu.memory_space<hbm>>
      %dma_wait3A_20 = arith.constant 0 : i32
      %dma_wait3A_21 = tpu.memref_slice %arg6[%mul3A_11, %dma_wait3A_20] : memref<10112x16xf32, #tpu.memory_space<vmem_shared>> -> memref<632x16xf32, #tpu.memory_space<vmem_shared>>
      tpu.wait_dma2 semaphore(%run_scoped3A : memref<!tpu.dma_semaphore, #tpu.memory_space<semaphore_mem>>) src(%dma_wait3A_21 : memref<632x16xf32, #tpu.memory_space<vmem_shared>>) dst(%dma_wait3A_19 : memref<632x16xf32, #tpu.memory_space<hbm>>)
      tpu.yield
    }) : () -> ()
    return
  }
}

module attributes {stable_mosaic.version = 14 : i64} {
  func.func @_sage_dense_body(%arg0: i32, %arg1: memref<1000x128xf32, #tpu.memory_space<vmem>>, %arg2: memref<1000x128xf32, #tpu.memory_space<vmem>>, %arg3: memref<1000x1xf32, #tpu.memory_space<vmem>>, %arg4: memref<1000x1xf32, #tpu.memory_space<vmem>>, %arg5: memref<1000x128xf32, #tpu.memory_space<vmem>>, %arg6: memref<128x128xf32, #tpu.memory_space<vmem>>, %arg7: memref<1x128xf32, #tpu.memory_space<vmem>>, %arg8: memref<128x128xf32, #tpu.memory_space<vmem>>, %arg9: memref<1000x128xf32, #tpu.memory_space<vmem>>) attributes {dimension_semantics = [#tpu.dimension_semantics<arbitrary>], iteration_bounds = array<i64: 10>, scalar_prefetch = 0 : i64, scratch_operands = 0 : i64, tpu.core_type = #tpu.core_type<tc>, window_params = [{transform_indices = @transform_0, window_bounds = array<i64: 1000, 128>}, {transform_indices = @transform_1, window_bounds = array<i64: 1000, 128>}, {transform_indices = @transform_2, window_bounds = array<i64: 1000, 1>}, {transform_indices = @transform_3, window_bounds = array<i64: 1000, 1>}, {transform_indices = @transform_4, window_bounds = array<i64: 1000, 128>}, {pipeline_mode = #tpu.pipeline_mode<synchronous>, transform_indices = @transform_5, window_bounds = array<i64: 128, 128>}, {pipeline_mode = #tpu.pipeline_mode<synchronous>, transform_indices = @transform_6, window_bounds = array<i64: 1, 128>}, {pipeline_mode = #tpu.pipeline_mode<synchronous>, transform_indices = @transform_7, window_bounds = array<i64: 128, 128>}, {transform_indices = @transform_8, window_bounds = array<i64: 1000, 128>}]} {
    %get3A = arith.constant 0 : index
    %get3A_0 = arith.constant 0 : index
    %get3A_1 = vector.load %arg3[%get3A, %get3A_0] : memref<1000x1xf32, #tpu.memory_space<vmem>>, vector<1000x1xf32>
    %get3A_2 = arith.constant 0 : index
    %get3A_3 = arith.constant 0 : index
    %get3A_4 = vector.load %arg4[%get3A_2, %get3A_3] : memref<1000x1xf32, #tpu.memory_space<vmem>>, vector<1000x1xf32>
    %add3A = arith.addf %get3A_1, %get3A_4 : vector<1000x1xf32>
    %max3A = arith.constant 1.000000e+00 : f32
    %max3A_5 = vector.broadcast %max3A : f32 to vector<1000x1xf32>
    %max3A_6 = arith.maximumf %add3A, %max3A_5 : vector<1000x1xf32>
    %get3A_7 = arith.constant 0 : index
    %get3A_8 = arith.constant 0 : index
    %get3A_9 = vector.load %arg1[%get3A_7, %get3A_8] : memref<1000x128xf32, #tpu.memory_space<vmem>>, vector<1000x128xf32>
    %get3A_10 = arith.constant 0 : index
    %get3A_11 = arith.constant 0 : index
    %get3A_12 = vector.load %arg2[%get3A_10, %get3A_11] : memref<1000x128xf32, #tpu.memory_space<vmem>>, vector<1000x128xf32>
    %add3A_13 = arith.addf %get3A_9, %get3A_12 : vector<1000x128xf32>
    %div3A = vector.broadcast %max3A_6 : vector<1000x1xf32> to vector<1000x128xf32>
    %div3A_14 = arith.divf %add3A_13, %div3A : vector<1000x128xf32>
    %get3A_15 = arith.constant 0 : index
    %get3A_16 = arith.constant 0 : index
    %get3A_17 = vector.load %arg6[%get3A_15, %get3A_16] : memref<128x128xf32, #tpu.memory_space<vmem>>, vector<128x128xf32>
    %dot_general3A = arith.constant dense<0.000000e+00> : vector<1000x128xf32>
    %dot_general3A_18 = tpu.matmul %div3A_14, %get3A_17, %dot_general3A {dimension_numbers = #tpu.dot_dimension_numbers<[1], [0], [0], [1], [0, 0, 1, 1], [], []>, transpose_lhs_hint = false} : vector<1000x128xf32>, vector<128x128xf32>, vector<1000x128xf32> -> vector<1000x128xf32>
    %get3A_19 = arith.constant 0 : index
    %get3A_20 = arith.constant 0 : index
    %get3A_21 = vector.load %arg7[%get3A_19, %get3A_20] : memref<1x128xf32, #tpu.memory_space<vmem>>, vector<1x128xf32>
    %add3A_22 = vector.broadcast %get3A_21 : vector<1x128xf32> to vector<1000x128xf32>
    %add3A_23 = arith.addf %dot_general3A_18, %add3A_22 : vector<1000x128xf32>
    %get3A_24 = arith.constant 0 : index
    %get3A_25 = arith.constant 0 : index
    %get3A_26 = vector.load %arg5[%get3A_24, %get3A_25] : memref<1000x128xf32, #tpu.memory_space<vmem>>, vector<1000x128xf32>
    %get3A_27 = arith.constant 0 : index
    %get3A_28 = arith.constant 0 : index
    %get3A_29 = vector.load %arg8[%get3A_27, %get3A_28] : memref<128x128xf32, #tpu.memory_space<vmem>>, vector<128x128xf32>
    %dot_general3A_30 = arith.constant dense<0.000000e+00> : vector<1000x128xf32>
    %dot_general3A_31 = tpu.matmul %get3A_26, %get3A_29, %dot_general3A_30 {dimension_numbers = #tpu.dot_dimension_numbers<[1], [0], [0], [1], [0, 0, 1, 1], [], []>, transpose_lhs_hint = false} : vector<1000x128xf32>, vector<128x128xf32>, vector<1000x128xf32> -> vector<1000x128xf32>
    %add3A_32 = arith.addf %add3A_23, %dot_general3A_31 : vector<1000x128xf32>
    %mul3A = arith.mulf %add3A_32, %add3A_32 : vector<1000x128xf32>
    %reduce_sum3A = arith.constant dense<0.000000e+00> : vector<1000xf32>
    %reduce_sum3A_33 = vector.multi_reduction <add>, %mul3A, %reduce_sum3A [1] : vector<1000x128xf32> to vector<1000xf32>
    %broadcast_in_dim3A = vector.shape_cast %reduce_sum3A_33 : vector<1000xf32> to vector<1000x1xf32>
    %sqrt3A = math.sqrt %broadcast_in_dim3A : vector<1000x1xf32>
    %max3A_34 = arith.constant 9.99999996E-13 : f32
    %max3A_35 = vector.broadcast %max3A_34 : f32 to vector<1000x1xf32>
    %max3A_36 = arith.maximumf %sqrt3A, %max3A_35 : vector<1000x1xf32>
    %div3A_37 = vector.broadcast %max3A_36 : vector<1000x1xf32> to vector<1000x128xf32>
    %div3A_38 = arith.divf %add3A_32, %div3A_37 : vector<1000x128xf32>
    %max3A_39 = arith.constant 0.000000e+00 : f32
    %max3A_40 = vector.broadcast %max3A_39 : f32 to vector<1000x128xf32>
    %max3A_41 = arith.maximumf %div3A_38, %max3A_40 : vector<1000x128xf32>
    %swap3A = arith.constant 0 : index
    %swap3A_42 = arith.constant 0 : index
    %swap3A_43 = vector.load %arg9[%swap3A, %swap3A_42] : memref<1000x128xf32, #tpu.memory_space<vmem>>, vector<1000x128xf32>
    tpu.vector_store %arg9[%swap3A, %swap3A_42], %max3A_41 {strides = array<i32>} : memref<1000x128xf32, #tpu.memory_space<vmem>>, vector<1000x128xf32>,
    return
  }
  func.func @transform_0(%arg0: i32) -> (i32, i32) {
    %c0_i32 = arith.constant 0 : i32
    %c0_i32_0 = arith.constant 0 : i32
    return %arg0, %c0_i32 : i32, i32
  }
  func.func @transform_1(%arg0: i32) -> (i32, i32) {
    %c0_i32 = arith.constant 0 : i32
    %c0_i32_0 = arith.constant 0 : i32
    return %arg0, %c0_i32 : i32, i32
  }
  func.func @transform_2(%arg0: i32) -> (i32, i32) {
    %c0_i32 = arith.constant 0 : i32
    %c0_i32_0 = arith.constant 0 : i32
    return %arg0, %c0_i32 : i32, i32
  }
  func.func @transform_3(%arg0: i32) -> (i32, i32) {
    %c0_i32 = arith.constant 0 : i32
    %c0_i32_0 = arith.constant 0 : i32
    return %arg0, %c0_i32 : i32, i32
  }
  func.func @transform_4(%arg0: i32) -> (i32, i32) {
    %c0_i32 = arith.constant 0 : i32
    %c0_i32_0 = arith.constant 0 : i32
    return %arg0, %c0_i32 : i32, i32
  }
  func.func @transform_5(%arg0: i32) -> (i32, i32) {
    %c0_i32 = arith.constant 0 : i32
    %c0_i32_0 = arith.constant 0 : i32
    %c0_i32_1 = arith.constant 0 : i32
    return %c0_i32, %c0_i32_0 : i32, i32
  }
  func.func @transform_6(%arg0: i32) -> (i32, i32) {
    %c0_i32 = arith.constant 0 : i32
    %c0_i32_0 = arith.constant 0 : i32
    %c0_i32_1 = arith.constant 0 : i32
    return %c0_i32, %c0_i32_0 : i32, i32
  }
  func.func @transform_7(%arg0: i32) -> (i32, i32) {
    %c0_i32 = arith.constant 0 : i32
    %c0_i32_0 = arith.constant 0 : i32
    %c0_i32_1 = arith.constant 0 : i32
    return %c0_i32, %c0_i32_0 : i32, i32
  }
  func.func @transform_8(%arg0: i32) -> (i32, i32) {
    %c0_i32 = arith.constant 0 : i32
    %c0_i32_0 = arith.constant 0 : i32
    return %arg0, %c0_i32 : i32, i32
  }
}

module attributes {stable_mosaic.version = 14 : i64} {
  func.func @_final_body(%arg0: i32, %arg1: memref<1000x128xf32, #tpu.memory_space<vmem>>, %arg2: memref<1000x128xf32, #tpu.memory_space<vmem>>, %arg3: memref<1000x1xf32, #tpu.memory_space<vmem>>, %arg4: memref<1000x1xf32, #tpu.memory_space<vmem>>, %arg5: memref<1000x128xf32, #tpu.memory_space<vmem>>, %arg6: memref<128x128xf32, #tpu.memory_space<vmem>>, %arg7: memref<1x128xf32, #tpu.memory_space<vmem>>, %arg8: memref<128x128xf32, #tpu.memory_space<vmem>>, %arg9: memref<128x128xf32, #tpu.memory_space<vmem>>, %arg10: memref<1x128xf32, #tpu.memory_space<vmem>>, %arg11: memref<1000x128xf32, #tpu.memory_space<vmem>>) attributes {dimension_semantics = [#tpu.dimension_semantics<arbitrary>], iteration_bounds = array<i64: 10>, scalar_prefetch = 0 : i64, scratch_operands = 0 : i64, tpu.core_type = #tpu.core_type<tc>, window_params = [{transform_indices = @transform_0, window_bounds = array<i64: 1000, 128>}, {transform_indices = @transform_1, window_bounds = array<i64: 1000, 128>}, {transform_indices = @transform_2, window_bounds = array<i64: 1000, 1>}, {transform_indices = @transform_3, window_bounds = array<i64: 1000, 1>}, {transform_indices = @transform_4, window_bounds = array<i64: 1000, 128>}, {pipeline_mode = #tpu.pipeline_mode<synchronous>, transform_indices = @transform_5, window_bounds = array<i64: 128, 128>}, {pipeline_mode = #tpu.pipeline_mode<synchronous>, transform_indices = @transform_6, window_bounds = array<i64: 1, 128>}, {pipeline_mode = #tpu.pipeline_mode<synchronous>, transform_indices = @transform_7, window_bounds = array<i64: 128, 128>}, {pipeline_mode = #tpu.pipeline_mode<synchronous>, transform_indices = @transform_8, window_bounds = array<i64: 128, 128>}, {pipeline_mode = #tpu.pipeline_mode<synchronous>, transform_indices = @transform_9, window_bounds = array<i64: 1, 128>}, {transform_indices = @transform_10, window_bounds = array<i64: 1000, 128>}]} {
    %get3A = arith.constant 0 : index
    %get3A_0 = arith.constant 0 : index
    %get3A_1 = vector.load %arg3[%get3A, %get3A_0] : memref<1000x1xf32, #tpu.memory_space<vmem>>, vector<1000x1xf32>
    %get3A_2 = arith.constant 0 : index
    %get3A_3 = arith.constant 0 : index
    %get3A_4 = vector.load %arg4[%get3A_2, %get3A_3] : memref<1000x1xf32, #tpu.memory_space<vmem>>, vector<1000x1xf32>
    %add3A = arith.addf %get3A_1, %get3A_4 : vector<1000x1xf32>
    %max3A = arith.constant 1.000000e+00 : f32
    %max3A_5 = vector.broadcast %max3A : f32 to vector<1000x1xf32>
    %max3A_6 = arith.maximumf %add3A, %max3A_5 : vector<1000x1xf32>
    %get3A_7 = arith.constant 0 : index
    %get3A_8 = arith.constant 0 : index
    %get3A_9 = vector.load %arg1[%get3A_7, %get3A_8] : memref<1000x128xf32, #tpu.memory_space<vmem>>, vector<1000x128xf32>
    %get3A_10 = arith.constant 0 : index
    %get3A_11 = arith.constant 0 : index
    %get3A_12 = vector.load %arg2[%get3A_10, %get3A_11] : memref<1000x128xf32, #tpu.memory_space<vmem>>, vector<1000x128xf32>
    %add3A_13 = arith.addf %get3A_9, %get3A_12 : vector<1000x128xf32>
    %div3A = vector.broadcast %max3A_6 : vector<1000x1xf32> to vector<1000x128xf32>
    %div3A_14 = arith.divf %add3A_13, %div3A : vector<1000x128xf32>
    %get3A_15 = arith.constant 0 : index
    %get3A_16 = arith.constant 0 : index
    %get3A_17 = vector.load %arg6[%get3A_15, %get3A_16] : memref<128x128xf32, #tpu.memory_space<vmem>>, vector<128x128xf32>
    %dot_general3A = arith.constant dense<0.000000e+00> : vector<1000x128xf32>
    %dot_general3A_18 = tpu.matmul %div3A_14, %get3A_17, %dot_general3A {dimension_numbers = #tpu.dot_dimension_numbers<[1], [0], [0], [1], [0, 0, 1, 1], [], []>, transpose_lhs_hint = false} : vector<1000x128xf32>, vector<128x128xf32>, vector<1000x128xf32> -> vector<1000x128xf32>
    %get3A_19 = arith.constant 0 : index
    %get3A_20 = arith.constant 0 : index
    %get3A_21 = vector.load %arg7[%get3A_19, %get3A_20] : memref<1x128xf32, #tpu.memory_space<vmem>>, vector<1x128xf32>
    %add3A_22 = vector.broadcast %get3A_21 : vector<1x128xf32> to vector<1000x128xf32>
    %add3A_23 = arith.addf %dot_general3A_18, %add3A_22 : vector<1000x128xf32>
    %get3A_24 = arith.constant 0 : index
    %get3A_25 = arith.constant 0 : index
    %get3A_26 = vector.load %arg5[%get3A_24, %get3A_25] : memref<1000x128xf32, #tpu.memory_space<vmem>>, vector<1000x128xf32>
    %get3A_27 = arith.constant 0 : index
    %get3A_28 = arith.constant 0 : index
    %get3A_29 = vector.load %arg8[%get3A_27, %get3A_28] : memref<128x128xf32, #tpu.memory_space<vmem>>, vector<128x128xf32>
    %dot_general3A_30 = arith.constant dense<0.000000e+00> : vector<1000x128xf32>
    %dot_general3A_31 = tpu.matmul %get3A_26, %get3A_29, %dot_general3A_30 {dimension_numbers = #tpu.dot_dimension_numbers<[1], [0], [0], [1], [0, 0, 1, 1], [], []>, transpose_lhs_hint = false} : vector<1000x128xf32>, vector<128x128xf32>, vector<1000x128xf32> -> vector<1000x128xf32>
    %add3A_32 = arith.addf %add3A_23, %dot_general3A_31 : vector<1000x128xf32>
    %mul3A = arith.mulf %add3A_32, %add3A_32 : vector<1000x128xf32>
    %reduce_sum3A = arith.constant dense<0.000000e+00> : vector<1000xf32>
    %reduce_sum3A_33 = vector.multi_reduction <add>, %mul3A, %reduce_sum3A [1] : vector<1000x128xf32> to vector<1000xf32>
    %broadcast_in_dim3A = vector.shape_cast %reduce_sum3A_33 : vector<1000xf32> to vector<1000x1xf32>
    %sqrt3A = math.sqrt %broadcast_in_dim3A : vector<1000x1xf32>
    %max3A_34 = arith.constant 9.99999996E-13 : f32
    %max3A_35 = vector.broadcast %max3A_34 : f32 to vector<1000x1xf32>
    %max3A_36 = arith.maximumf %sqrt3A, %max3A_35 : vector<1000x1xf32>
    %div3A_37 = vector.broadcast %max3A_36 : vector<1000x1xf32> to vector<1000x128xf32>
    %div3A_38 = arith.divf %add3A_32, %div3A_37 : vector<1000x128xf32>
    %get3A_39 = arith.constant 0 : index
    %get3A_40 = arith.constant 0 : index
    %get3A_41 = vector.load %arg9[%get3A_39, %get3A_40] : memref<128x128xf32, #tpu.memory_space<vmem>>, vector<128x128xf32>
    %dot_general3A_42 = arith.constant dense<0.000000e+00> : vector<1000x128xf32>
    %dot_general3A_43 = tpu.matmul %div3A_38, %get3A_41, %dot_general3A_42 {dimension_numbers = #tpu.dot_dimension_numbers<[1], [0], [0], [1], [0, 0, 1, 1], [], []>, transpose_lhs_hint = false} : vector<1000x128xf32>, vector<128x128xf32>, vector<1000x128xf32> -> vector<1000x128xf32>
    %get3A_44 = arith.constant 0 : index
    %get3A_45 = arith.constant 0 : index
    %get3A_46 = vector.load %arg10[%get3A_44, %get3A_45] : memref<1x128xf32, #tpu.memory_space<vmem>>, vector<1x128xf32>
    %add3A_47 = vector.broadcast %get3A_46 : vector<1x128xf32> to vector<1000x128xf32>
    %add3A_48 = arith.addf %dot_general3A_43, %add3A_47 : vector<1000x128xf32>
    %reduce_max3A = arith.constant dense<0xFF800000> : vector<1000xf32>
    %reduce_max3A_49 = vector.multi_reduction <maximumf>, %add3A_48, %reduce_max3A [1] : vector<1000x128xf32> to vector<1000xf32>
    %broadcast_in_dim3A_50 = vector.shape_cast %reduce_max3A_49 : vector<1000xf32> to vector<1000x1xf32>
    %sub3A = vector.broadcast %broadcast_in_dim3A_50 : vector<1000x1xf32> to vector<1000x128xf32>
    %sub3A_51 = arith.subf %add3A_48, %sub3A : vector<1000x128xf32>
    %exp3A = math.exp %sub3A_51 : vector<1000x128xf32>
    %reduce_sum3A_52 = arith.constant dense<0.000000e+00> : vector<1000xf32>
    %reduce_sum3A_53 = vector.multi_reduction <add>, %exp3A, %reduce_sum3A_52 [1] : vector<1000x128xf32> to vector<1000xf32>
    %broadcast_in_dim3A_54 = vector.shape_cast %reduce_sum3A_53 : vector<1000xf32> to vector<1000x1xf32>
    %div3A_55 = vector.broadcast %broadcast_in_dim3A_54 : vector<1000x1xf32> to vector<1000x128xf32>
    %div3A_56 = arith.divf %exp3A, %div3A_55 : vector<1000x128xf32>
    %swap3A = arith.constant 0 : index
    %swap3A_57 = arith.constant 0 : index
    %swap3A_58 = vector.load %arg11[%swap3A, %swap3A_57] : memref<1000x128xf32, #tpu.memory_space<vmem>>, vector<1000x128xf32>
    tpu.vector_store %arg11[%swap3A, %swap3A_57], %div3A_56 {strides = array<i32>} : memref<1000x128xf32, #tpu.memory_space<vmem>>, vector<1000x128xf32>,
    return
  }
  func.func @transform_0(%arg0: i32) -> (i32, i32) {
    %c0_i32 = arith.constant 0 : i32
    %c0_i32_0 = arith.constant 0 : i32
    return %arg0, %c0_i32 : i32, i32
  }
  func.func @transform_1(%arg0: i32) -> (i32, i32) {
    %c0_i32 = arith.constant 0 : i32
    %c0_i32_0 = arith.constant 0 : i32
    return %arg0, %c0_i32 : i32, i32
  }
  func.func @transform_2(%arg0: i32) -> (i32, i32) {
    %c0_i32 = arith.constant 0 : i32
    %c0_i32_0 = arith.constant 0 : i32
    return %arg0, %c0_i32 : i32, i32
  }
  func.func @transform_3(%arg0: i32) -> (i32, i32) {
    %c0_i32 = arith.constant 0 : i32
    %c0_i32_0 = arith.constant 0 : i32
    return %arg0, %c0_i32 : i32, i32
  }
  func.func @transform_4(%arg0: i32) -> (i32, i32) {
    %c0_i32 = arith.constant 0 : i32
    %c0_i32_0 = arith.constant 0 : i32
    return %arg0, %c0_i32 : i32, i32
  }
  func.func @transform_5(%arg0: i32) -> (i32, i32) {
    %c0_i32 = arith.constant 0 : i32
    %c0_i32_0 = arith.constant 0 : i32
    %c0_i32_1 = arith.constant 0 : i32
    return %c0_i32, %c0_i32_0 : i32, i32
  }
  func.func @transform_6(%arg0: i32) -> (i32, i32) {
    %c0_i32 = arith.constant 0 : i32
    %c0_i32_0 = arith.constant 0 : i32
    %c0_i32_1 = arith.constant 0 : i32
    return %c0_i32, %c0_i32_0 : i32, i32
  }
  func.func @transform_7(%arg0: i32) -> (i32, i32) {
    %c0_i32 = arith.constant 0 : i32
    %c0_i32_0 = arith.constant 0 : i32
    %c0_i32_1 = arith.constant 0 : i32
    return %c0_i32, %c0_i32_0 : i32, i32
  }
  func.func @transform_8(%arg0: i32) -> (i32, i32) {
    %c0_i32 = arith.constant 0 : i32
    %c0_i32_0 = arith.constant 0 : i32
    %c0_i32_1 = arith.constant 0 : i32
    return %c0_i32, %c0_i32_0 : i32, i32
  }
  func.func @transform_9(%arg0: i32) -> (i32, i32) {
    %c0_i32 = arith.constant 0 : i32
    %c0_i32_0 = arith.constant 0 : i32
    %c0_i32_1 = arith.constant 0 : i32
    return %c0_i32, %c0_i32_0 : i32, i32
  }
  func.func @transform_10(%arg0: i32) -> (i32, i32) {
    %c0_i32 = arith.constant 0 : i32
    %c0_i32_0 = arith.constant 0 : i32
    return %arg0, %c0_i32 : i32, i32
  }
}

</mosaic_0001>

<sc_bundles>
// kernel: kernel.12.cloned.1.call-start
scs
__scs_entry_jumppad:
0x0: {  	(pc) =	sbr.rel $0x88, $3  }
0x1: {  	(tag) =	ssettag $0x0;
	lr =	simm.s32 $0x1  }
0x2: {  	[smem:$0x3F94] =	sst lr;
	_ =	strace $0xD0000000  }
0x3: {  	_ = 	snop  }
0x4: {  	_ = 	snop  }
0x5: {  	_ = 	snop  }
0x6: {  	_ = 	snop  }
0x7: {  	_ = 	snop  }
__scs_overlays_trampoline_lowered:
0x8: {  	[smem:$0x3FA3] =	sst s0  }
0x9: {  	[smem:$0x3FA4] =	sst s1  }
0xa: {  	[smem:$0x3FA5] =	sst s2  }
0xb: {  	[smem:$0x3FA6] =	sst s3  }
0xc: {  	[smem:$0x3FA7] =	sst s4  }
0xd: {  	[smem:$0x3FA8] =	sst s5  }
0xe: {  	[smem:$0x3FA9] =	sst s6  }
0xf: {  	[smem:$0x3FAA] =	sst s7  }
0x10: {  	[smem:$0x3FAB] =	sst s8  }
0x11: {  	[smem:$0x3FAC] =	sst s9;
	s0 =	simm.s32 @!p0 $0x0  }
0x12: {  	s1 =	sld [smem:$0x3F92];
	s0 =	simm.s32 @p0 $0x1  }
0x13: {  	[smem:$0x3FAD] =	sst s0;
	s0 =	simm.s32 @!p1 $0x0  }
0x14: {  	s2 =	sld [smem:$0x3F91];
	s0 =	simm.s32 @p1 $0x1  }
0x15: {  	[smem:$0x3FAE] =	sst s0;
	s0 =	simm.s32 @!p2 $0x0  }
0x16: {  	s3 =	sld [smem:$0x3FDB];
	s0 =	simm.s32 @p2 $0x1  }
0x17: {  	s4 =	simm.s32 $0x1BF5;
	[smem:$0x3FB0] =	sst s0  }
0x18: {  	s0 =	sld [smem:$0x3F93];
	_ =	swait.ge [sflag:s4], $0x0  }
0x19: {  	s7 =	sld [smem:$0x3F94]  }
0x1a: {  	s8 =	sadd.s32 $0xFFFFE003, lr  }
0x1b: {  	s9 =	sadd.s32 $0xFFFFFEF7, lr;
	s5 =	simm.s32 $0xFFFFFFFF;
	p2 =	slt.u32 s8, $0xFFFFF086  }
0x1c: {  	p1 =	slt.u32 s9, $0xF7A;
	s5 =	simm.s32 @!p2 $0x0  }
0x1d: {  	s5 =	simm.s32 @p1 $0x1;
	p0 =	seq.s32 s7, s2  }
0x1e: {  	s7 =	smul.u32 @!p0 $0xF7A, s2;
	p2 =	seq.s32 @!p0 s5, $0x0  }
0x1f: {  	s9 =	smul.u32 $0xF7A, s1;
	s8 =	simm.s32 @!p0 $0x1BF5;
	p2 =	por !p2, p0  }
0x20: {  	[sflag:s8] =	ssyncset.s32 @!p0 $0xFFFFF086;
	s6 =	sadd.s32 @!p0 s3, s7;
	s7 =	simm.s32 @!p0 $0x108  }
0x21: {  	s3 =	sadd.s32 s3, s9;
	s6 =	sadd.s32 @!p0 $0x88, s6;
	s7 =	simm.s32 @p2 $0x1082  }
0x22: {  	[simem:s7], [sflag:s8] =	dma.local @!p0 [hbm:s6], $0xF7A  }
0x23: {  	s9 =	sor.u32 $0xD0000000, s2;
	s6 =	simm.s32 $0x108;
	_ =	swait.ge @!p0 [sflag:s8], $0x0  }
0x24: {  	s3 =	sadd.s32 $0x88, s3;
	s6 =	simm.s32 @!p1 $0x1082;
	[sflag:s4] =	ssyncset.s32 $0xFFFFF086  }
0x25: {  	[simem:s6], [sflag:s4] =	dma.local [hbm:s3], $0xF7A  }
0x26: {  	[smem:$0x3F94] =	sst s1;
	(tag) =	ssettag s2;
	_ =	strace s9  }
0x27: {  	s1 =	sld [smem:$0x3FA4]  }
0x28: {  	s2 =	sld [smem:$0x3FA5]  }
0x29: {  	s4 =	sld [smem:$0x3FA7]  }
0x2a: {  	p0 =	seq.s32 s5, $0x0;
	s5 =	sld [smem:$0x3FA8]  }
0x2b: {  	s6 =	sld [smem:$0x3FA9]  }
0x2c: {  	s7 =	sld [smem:$0x3FAA]  }
0x2d: {  	s3 =	simm.s32 $0x108;
	s8 =	sld [smem:$0x3FAB]  }
0x2e: {  	s3 =	simm.s32 @!p0 $0x1082;
	s9 =	sld [smem:$0x3FAC]  }
0x2f: {  	lr =	sadd.s32 s0, s3;
	s0 =	sld [smem:$0x3FA3]  }
0x30: {  	s3 =	sld [smem:$0x3FA6]  }
0x31: {  	[smem:$0x3FAF] =	sst s10  }
0x32: {  	s10 =	sld [smem:$0x3FAD];
	_ =	sdelay $0x3  }
0x33: {  	p0 =	seq.s32 s10, $0x1;
	s10 =	sld [smem:$0x3FAF];
	_ =	sdelay $0x3  }
0x34: {  	[smem:$0x3FAF] =	sst s10  }
0x35: {  	s10 =	sld [smem:$0x3FAE];
	_ =	sdelay $0x3  }
0x36: {  	p1 =	seq.s32 s10, $0x1;
	s10 =	sld [smem:$0x3FAF];
	_ =	sdelay $0x3  }
0x37: {  	[smem:$0x3FAF] =	sst s10  }
0x38: {  	s10 =	sld [smem:$0x3FB0]  }
0x39: {  	_ = 	snop;
	(pc) =	sbr.ind lr, $3  }
0x3a: {  	_ = 	snop  }
0x3b: {  	_ = 	snop  }
0x3c: {  	p2 =	seq.s32 s10, $0x1;
	s10 =	sld [smem:$0x3FAF]  }
0x3d: {  	_ =	shalt  }
0x3e: {  	_ =	shalt  }
0x3f: {  	_ =	shalt  }
0x40: {  	_ =	shalt  }
0x41: {  	_ =	shalt  }
0x42: {  	_ =	shalt  }
0x43: {  	_ =	shalt  }
0x44: {  	_ =	shalt  }
0x45: {  	_ =	shalt  }
0x46: {  	_ =	shalt  }
0x47: {  	_ =	shalt  }
0x48: {  	_ =	shalt  }
0x49: {  	_ =	shalt  }
0x4a: {  	_ =	shalt  }
0x4b: {  	_ =	shalt  }
0x4c: {  	_ =	shalt  }
0x4d: {  	_ =	shalt  }
0x4e: {  	_ =	shalt  }
0x4f: {  	_ =	shalt  }
0x50: {  	_ =	shalt  }
0x51: {  	_ =	shalt  }
0x52: {  	_ =	shalt  }
0x53: {  	_ =	shalt  }
0x54: {  	_ =	shalt  }
0x55: {  	_ =	shalt  }
0x56: {  	_ =	shalt  }
0x57: {  	_ =	shalt  }
0x58: {  	_ =	shalt  }
0x59: {  	_ =	shalt  }
0x5a: {  	_ =	shalt  }
0x5b: {  	_ =	shalt  }
0x5c: {  	_ =	shalt  }
0x5d: {  	_ =	shalt  }
0x5e: {  	_ =	shalt  }
0x5f: {  	_ =	shalt  }
0x60: {  	_ =	shalt  }
0x61: {  	_ =	shalt  }
0x62: {  	_ =	shalt  }
0x63: {  	_ =	shalt  }
0x64: {  	_ =	shalt  }
0x65: {  	_ =	shalt  }
0x66: {  	_ =	shalt  }
0x67: {  	_ =	shalt  }
0x68: {  	_ =	shalt  }
0x69: {  	_ =	shalt  }
0x6a: {  	_ =	shalt  }
0x6b: {  	_ =	shalt  }
0x6c: {  	_ =	shalt  }
0x6d: {  	_ =	shalt  }
0x6e: {  	_ =	shalt  }
0x6f: {  	_ =	shalt  }
0x70: {  	_ =	shalt  }
0x71: {  	_ =	shalt  }
0x72: {  	_ =	shalt  }
0x73: {  	_ =	shalt  }
0x74: {  	_ =	shalt  }
0x75: {  	_ =	shalt  }
0x76: {  	_ =	shalt  }
0x77: {  	_ =	shalt  }
0x78: {  	_ =	shalt  }
0x79: {  	_ =	shalt  }
0x7a: {  	_ =	shalt  }
0x7b: {  	_ =	shalt  }
0x7c: {  	_ =	shalt  }
0x7d: {  	_ =	shalt  }
0x7e: {  	_ =	shalt  }
0x7f: {  	_ =	shalt  }
0x80: {  	_ =	shalt  }
0x81: {  	_ =	shalt  }
0x82: {  	_ =	shalt  }
0x83: {  	_ =	shalt  }
0x84: {  	_ =	shalt  }
0x85: {  	_ =	shalt  }
0x86: {  	_ =	shalt  }
0x87: {  	_ =	shalt  }
.Lfunc_end0:
.L_simem_size_0:
called_computation.1_lowered:
.L_overlay_start_0:
0x88: {  	s2 =	sld [smem:$0x3FD9]  }
0x89: {  	s3 =	sld [smem:$0x3FFE];
	_ =	sdelay $0x1  }
0x8a: {  	s1 =	srdreg.scid  }
0x8b: {  	s0 =	sand.u32 $0x1, s1  }
0x8c: {  	s17 =	sshll.u32 s0, $0xA;
	s2 =	sadd.s32 s3, s2  }
0x8d: {  	s2 =	sadd.s32 s2, s17  }
0x8e: {  	[smem:$0x3FBB] =	sst s2  }
0x8f: {  	_ = 	snop  }
0x90: {  	s2 =	sld [smem:$0x3FD0];
	(tm) =	ssettm $0x1  }
0x91: {  	s18 =	sld [smem:$0x3FFB];
	_ =	sdelay $0x3  }
0x92: {  	_ =	strace s18  }
0x93: {  	s3 =	sld [smem:$0x3FFC];
	_ =	sdelay $0x3  }
0x94: {  	_ =	strace s3  }
0x95: {  	s3 =	sld [smem:$0x3FFD];
	_ =	sdelay $0x3  }
0x96: {  	_ =	strace s3  }
0x97: {  	_ =	strace $0x8FFFFFFF  }
0x98: {  	s19 =	sld [smem:$0x3FDB];
	_ =	sdelay $0x1  }
0x99: {  	s4 =	simm.s32 $_scs_section_size  }
0x9a: {  	s5 =	simm.s32 $_size__tile_overlayer_lowered;
	s6 =	simm.s32 $_tile_overlayer_lowered  }
0x9b: {  	s22 =	simm.s32 $0x1BFF;
	s21 =	sshll.u32 s6, $0x1;
	s3 =	sadd.s32 s4, s19  }
0x9c: {  	s7 =	simm.s32 $0x0;
	s20 =	sshll.u32 s5, $0x1;
	s5 =	sadd.s32 s21, s3  }
0x9d: {  	[timem:s7], [sflag:s22] =	dma.local [hbm:s5], s20  }
0x9e: {  	_ =	swait.ge [sflag:s22], s20  }
0x9f: {  	s4 =	ssub.s32 $0x0, s20;
	[sflag:s22] =	ssyncset.done $0x0  }
0xa0: {  	[sflag:s22] =	ssyncadd.s32 s4;
	_ =	sdelay $0x1  }
0xa1: {  	s23 =	simm.s32 $0x1B8B  }
0xa2: {  	_ =	swait.ge [sflag:s23], $0x1  }
0xa3: {  	[sflag:s23] =	ssyncset.done $0x0  }
0xa4: {  	s25 =	simm.s32 $0x1B8E;
	s24 =	sld [smem:$0x3FFE];
	[sflag:s23] =	ssyncadd.s32 $0xFFFFFFFF  }
0xa5: {  	s26 =	simm.s32 $execute0_lowered;
	[smem:$0x3FD2] =	sst s25  }
0xa6: {  	s5 =	sshll.u32 s26, $0x1;
	_ =	strace $0x80000046;
	[dreg:$0x1] =	wrdreg $0xFFFFFFFF  }
0xa7: {  	s28 =	simm.s32 $_size_execute0_lowered;
	s3 =	sadd.s32 s3, s5;
	[dreg:$0x0] =	wrdreg $0x0  }
0xa8: {  	s5 =	sshll.u32 s28, $0x1;
	[dreg:$0x2] =	wrdreg s3  }
0xa9: {  	[dreg:$0x3] =	wrdreg s5  }
0xaa: {  	[dreg:$0x4] =	wrdreg $0xC0  }
0xab: {  	_ =	task [dreg:s7], $0x5FFFF  }
0xac: {  	[dreg:$0x1] =	wrdreg $0xFFFFFFFF  }
0xad: {  	[dreg:$0x0] =	wrdreg $0x60  }
0xae: {  	[dreg:$0x2] =	wrdreg s24  }
0xaf: {  	[dreg:$0x3] =	wrdreg s2  }
0xb0: {  	[dreg:$0x4] =	wrdreg $0x0  }
0xb1: {  	[dreg:$0x5] =	wrdreg $0xA  }
0xb2: {  	_ =	task.clear_ibuf [dreg:s7], $0x6FFFF;
	_ =	strace $0x90000046  }
0xb3: {  	s29 =	simm.s32 $0xA;
	_ =	strace $0x80000048  }
0xb4: {  	_ =	swait.ge [sflag:s29], $0x1  }
0xb5: {  	[sflag:s29] =	ssyncadd.s32 $0xFFFFFFFF  }
0xb6: {  	_ =	strace $0x90000048  }
0xb7: {  	_ =	sfence  }
0xb8: {  	s30 =	sld [smem:$0x0];
	_ =	sdelay $0x2  }
0xb9: {  	s31 =	sshll.u32 s1, $0xD;
	s1 =	sshrl.u32 s1, $0x2  }
0xba: {  	s3 =	sand.u32 $0x4000, s31;
	s1 =	sadd.s32 s1, s30  }
0xbb: {  	s0 =	sor.u32 s3, s0;
	s1 =	sshll.u32 s1, $0x11  }
0xbc: {  	s0 =	sor.u32 s1, s0  }
0xbd: {  	s0 =	sadd.s32 $0x8F2B, s0  }
0xbe: {  	[sflag:s0] =	ssyncadd.remote.s32 $0x1  }
0xbf: {  	_ =	sfence.sel $0xFFFF  }
0xc0: {  	[dreg:$0x0] =	wrdreg $0xFFFFFFFF;
	(pc) =	sbr.abs _section_cstart, $3  }
0xc1: {  	[dreg:$0x1] =	wrdreg $0xFFFFFFFF  }
0xc2: {  	_ =	task.clear_ibuf [dreg:s7], $0x2FFFF;
	_ =	strace $0x9FFFFFFF  }
0xc3: {  	(tm) =	ssettm $0x7FFFFFFF  }
tec
execute0_lowered:
.L_overlay_start_1:
0x0: {  	(tag) =	ssettag $0x1  }
0x1: {  	s0 =	rddreg [dreg:$0x0]  }
0x2: {  	s1 =	rddreg [dreg:$0x1]  }
0x3: {  	s2 =	rddreg [dreg:$0x2];
	s3 =	simm.s32 $0x0  }
0x4: {  	s12 =	stileid.u32;
	s4 =	srdreg.scid;
	s15 =	simm.s32 $0x5  }
0x5: {  	s16 =	simm.s32 $0x13C00;
	s17 =	simm.s32 $0x80;
	s18 =	simm.s32 $0x16500  }
0x6: {  	s19 =	simm.s32 $0x16400;
	s21 =	simm.s32 $0x18500;
	s22 =	simm.s32 $0x16480  }
0x7: {  	s23 =	simm.s32 $0x1;
	s24 =	simm.s32 $0x3;
	s28 =	simm.s32 $0x4  }
0x8: {  	s29 =	simm.s32 $0x0;
	[smem:$0x7FF] =	sst s3;
	s7 =	smul.u32 $0x13C00, s12  }
0x9: {  	s6 =	sand.u32 $0x1, s4;
	s4 =	sadd.s32 $0x2600, s0;
	s5 =	sadd.s32 $0x16000, s0  }
0xa: {  	s30 =	sshll.u32 s12, $0x6;
	_ =	strace $0x80000047;
	s9 =	smul.u32 $0x13C000, s6  }
0xb: {  	s10 =	sshll.u32 s6, $0x4;
	s11 =	ssub.s32 $0x2, s6;
	s8 =	sshrl.u32 s7, $0x3  }
0xc: {  	s25 =	sor.u32 s12, s10;
	s26 =	sshrl.u32 s11, $0x1;
	s8 =	sadd.s32 s8, s0  }
0xd: {  	s9 =	sadd.s32 s7, s9;
	s6 =	smul.u32 $0x2800, s25;
	s13 =	ssub.s32 s11, s26  }
0xe: {  	s7 =	sadd.s32 s7, s2;
	s25 =	simm.s32 $0x1A500;
	s26 =	simm.s32 $0x2  }
0xf: {  	s9 =	sshrl.u32 s9, $0x3;
	s8 =	sadd.s32 $0x20000, s8;
	s13 =	smax.u32 s13, $0x1  }
0x10: {  	s14 =	sshrl.u32 s7, $0x3;
	s0 =	sadd.s32 s9, s0;
	s31 =	sshrl.u32 s6, $0x3  }
0x11: {  	[dreg:$0x4] =	wrdreg s8;
	s8 =	sor.u32 $0x1C05, s30;
	s10 =	sadd.s32 s5, s31  }
0x12: {  	s9 =	sadd.s32 s1, s31;
	s12 =	sadd.s32 $0x47800, s0;
	s11 =	sadd.s32 $0x10, s10  }
.LBB2_1:
0x13: {  	s0 =	rddreg [dreg:$0x4]  }
0x14: {  	[spmem:s14], [sflag:s8] =	dma.local [hbm:s0], $0x2780  }
0x15: {  	_ =	swait.ge [sflag:s15], $0x2780  }
0x16: {  	[sflag:s15] =	ssyncset.done $0x0  }
0x17: {  	[sflag:s15] =	ssyncadd.s32 $0xFFFFD880  }
0x18: {  	[tilespmem:s16], [sflag:$0x5] =	stream.linear.gather [hbm4b:s9+s3], $0x2800, $0x38;
	[tilespmem:$0x1E500] =	vst v63  }
0x19: {  	_ =	swait.ge [sflag:s15], $0x2800  }
0x1a: {  	[sflag:s15] =	ssyncset.done $0x0  }
0x1b: {  	[sflag:s15] =	ssyncadd.s32 $0xFFFFD800  }
0x1c: {  	[bflag:$0x0] =	sbarrier.arrive $0xFFFF  }
0x1d: {  	[tilespmem:s18], [sflag:$0x1] =	stream.indirect.gather [hbm4b:s4+s17], $0x40, s16, s17, $0xb8;
	[tilespmem:$0x1E500] =	vst v63  }
0x1e: {  	_ = 	snop  }
0x1f: {  	[tilespmem:s19], [sflag:$0x3] =	stream.linear.gather [hbm4b:s10+s3], $0x80, $0x38;
	[tilespmem:$0x1E500] =	vst v63  }
0x20: {  	s31 =	simm.s32 $0x13C80  }
0x21: {  	[tilespmem:s21], [sflag:$0x2] =	stream.indirect.gather [hbm4b:s4+s17], $0x40, s31, s17, $0xb8;
	[tilespmem:$0x1E500] =	vst v63  }
0x22: {  	s30 =	simm.s32 $0x0  }
0x23: {  	[tilespmem:s22], [sflag:$0x4] =	stream.linear.gather [hbm4b:s11+s3], $0x80, $0x38;
	[tilespmem:$0x1E500] =	vst v63  }
.LBB2_2:
0x24: {  	_ =	swait.ge [sflag:s23], $0x2000  }
0x25: {  	[sflag:s23] =	ssyncset.done $0x0  }
0x26: {  	[sflag:s23] =	ssyncadd.s32 $0xFFFFE000  }
0x27: {  	_ =	swait.ge [sflag:s24], $0x80  }
0x28: {  	[sflag:s24] =	ssyncset.done $0x0  }
0x29: {  	s1 =	simm.s32 $0x0;
	[sflag:s24] =	ssyncadd.s32 $0xFFFFFF80  }
0x2a: {  	v0 =	vld [tilespmem:s1+$0x16500];
	_ =	sdelay $0x4  }
0x2b: {  	s0 =	simm.s32 $0x1A540;
	v1 =	vshll.u32 v0, $0x10  }
0x2c: {  	v0 =	vand.u32 $0xFFFF0000, v0;
	[tilespmem:s0+$0xFFFFFFC0] =	vst v1  }
0x2d: {  	[tilespmem:s0+$0x0] =	vst v0  }
0x2e: {  	v0 =	vld [tilespmem:s1+$0x16510];
	_ =	sdelay $0x4  }
0x2f: {  	v1 =	vshll.u32 v0, $0x10  }
0x30: {  	v0 =	vand.u32 $0xFFFF0000, v0;
	[tilespmem:s0+$0xFFFFFFD0] =	vst v1  }
0x31: {  	[tilespmem:s0+$0x10] =	vst v0  }
0x32: {  	v0 =	vld [tilespmem:s1+$0x16520];
	_ =	sdelay $0x4  }
0x33: {  	v1 =	vand.u32 $0xFFFF0000, v0  }
0x34: {  	v0 =	vshll.u32 v0, $0x10;
	[tilespmem:s0+$0x20] =	vst v1  }
0x35: {  	[tilespmem:s0+$0xFFFFFFE0] =	vst v0  }
0x36: {  	v0 =	vld [tilespmem:s1+$0x16530];
	_ =	sdelay $0x4  }
0x37: {  	v1 =	vshll.u32 v0, $0x10  }
0x38: {  	v0 =	vand.u32 $0xFFFF0000, v0;
	[tilespmem:s0+$0xFFFFFFF0] =	vst v1  }
0x39: {  	s1 =	simm.s32 $0x40;
	[tilespmem:s0+$0x30] =	vst v0  }
0x3a: {  	v0 =	vld [tilespmem:s1+$0x16500]  }
0x3b: {  	s20 =	simm.s32 $0x200  }
.LBB2_3:
0x3c: {  	p0 =	sne.s32 s20, $0x7F00;
	_ =	sdelay $0x2  }
0x3d: {  	s0 =	sadd.s32 $0x80, s0;
	v1 =	vshll.u32 v0, $0x10  }
0x3e: {  	v0 =	vand.u32 $0xFFFF0000, v0;
	[tilespmem:s0+$0xFFFFFFC0] =	vst v1  }
0x3f: {  	[tilespmem:s0+$0x0] =	vst v0  }
0x40: {  	v0 =	vld [tilespmem:s1+$0x16510];
	_ =	sdelay $0x4  }
0x41: {  	v1 =	vshll.u32 v0, $0x10  }
0x42: {  	v0 =	vand.u32 $0xFFFF0000, v0;
	[tilespmem:s0+$0xFFFFFFD0] =	vst v1  }
0x43: {  	[tilespmem:s0+$0x10] =	vst v0  }
0x44: {  	v0 =	vld [tilespmem:s1+$0x16520];
	_ =	sdelay $0x4  }
0x45: {  	v1 =	vshll.u32 v0, $0x10;
	v0 =	vand.u32 $0xFFFF0000, v0  }
0x46: {  	[tilespmem:s0+$0x20] =	vst v0  }
0x47: {  	[tilespmem:s0+$0xFFFFFFE0] =	vst v1  }
0x48: {  	v0 =	vld [tilespmem:s1+$0x16530];
	_ =	sdelay $0x4  }
.Ltmp0:
0x49: {  	v1 =	vshll.u32 v0, $0x10;
	v0 =	vand.u32 $0xFFFF0000, v0;
	(pc) =	sbr.rel @p0 .LBB2_3-.Ltmp0, $4  }
0x4a: {  	[tilespmem:s0+$0xFFFFFFF0] =	vst v1  }
0x4b: {  	s1 =	sshra.s32 s20, $0x2;
	[tilespmem:s0+$0x30] =	vst v0  }
0x4c: {  	v0 =	vld [tilespmem:s1+$0x16500]  }
0x4d: {  	s20 =	sadd.s32 $0x100, s20  }
0x4e: {  	_ =	sdelay $0x2  }
0x4f: {  	s0 =	sadd.s32 $0x80, s0;
	v1 =	vshll.u32 v0, $0x10  }
0x50: {  	v0 =	vand.u32 $0xFFFF0000, v0;
	[tilespmem:s0+$0xFFFFFFC0] =	vst v1  }
0x51: {  	[tilespmem:s0+$0x0] =	vst v0  }
0x52: {  	v0 =	vld [tilespmem:s1+$0x16510];
	_ =	sdelay $0x4  }
0x53: {  	v1 =	vshll.u32 v0, $0x10  }
0x54: {  	v0 =	vand.u32 $0xFFFF0000, v0;
	[tilespmem:s0+$0xFFFFFFD0] =	vst v1  }
0x55: {  	[tilespmem:s0+$0x10] =	vst v0  }
0x56: {  	v0 =	vld [tilespmem:s1+$0x16520];
	_ =	sdelay $0x4  }
0x57: {  	v1 =	vand.u32 $0xFFFF0000, v0  }
0x58: {  	v0 =	vshll.u32 v0, $0x10;
	[tilespmem:s0+$0x20] =	vst v1  }
0x59: {  	[tilespmem:s0+$0xFFFFFFE0] =	vst v0  }
0x5a: {  	v0 =	vld [tilespmem:s1+$0x16530];
	_ =	sdelay $0x4  }
0x5b: {  	s31 =	sshll.u32 s30, $0x8;
	v1 =	vshll.u32 v0, $0x10  }
0x5c: {  	s20 =	sadd.s32 s6, s31;
	v0 =	vand.u32 $0xFFFF0000, v0;
	[tilespmem:s0+$0xFFFFFFF0] =	vst v1  }
0x5d: {  	s7 =	sadd.s32 $0x13D00, s31;
	[tilespmem:s0+$0x30] =	vst v0;
	s0 =	sshrl.u32 s20, $0x3  }
0x5e: {  	[tilespmem:s18], [sflag:$0x1] =	stream.indirect.gather [hbm4b:s4+s17], $0x40, s7, s17, $0xb8;
	[tilespmem:$0x1E500] =	vst v63  }
0x5f: {  	s0 =	sadd.s32 s5, s0  }
0x60: {  	s7 =	simm.s32 $0x0;
	s20 =	sadd.s32 $0x20, s0  }
0x61: {  	[tilespmem:s19], [sflag:$0x3] =	stream.linear.gather [hbm4b:s20+s7], $0x80, $0x38;
	[tilespmem:$0x1E500] =	vst v63  }
0x62: {  	_ = 	snop  }
0x63: {  	[spmem:s2] =	stream.indirect.scatter.add.f32 [tilespmem:s25], [sflag:$0x5], $0x80, s19, s17, $0xb8;
	[tilespmem:$0x1E500] =	vst v63  }
0x64: {  	_ =	swait.ge [sflag:s15], $0x4000  }
0x65: {  	[sflag:s15] =	ssyncset.done $0x0  }
0x66: {  	[sflag:s15] =	ssyncadd.s32 $0xFFFFC000  }
0x67: {  	_ =	swait.ge [sflag:s26], $0x2000  }
0x68: {  	[sflag:s26] =	ssyncset.done $0x0  }
0x69: {  	[sflag:s26] =	ssyncadd.s32 $0xFFFFE000  }
0x6a: {  	_ =	swait.ge [sflag:s28], $0x80  }
0x6b: {  	[sflag:s28] =	ssyncset.done $0x0  }
0x6c: {  	s20 =	simm.s32 $0x0;
	[sflag:s28] =	ssyncadd.s32 $0xFFFFFF80  }
0x6d: {  	v0 =	vld [tilespmem:s20+$0x18500];
	_ =	sdelay $0x4  }
0x6e: {  	s1 =	simm.s32 $0x1A540;
	v1 =	vshll.u32 v0, $0x10  }
0x6f: {  	v0 =	vand.u32 $0xFFFF0000, v0;
	[tilespmem:s1+$0xFFFFFFC0] =	vst v1  }
0x70: {  	[tilespmem:s1+$0x0] =	vst v0  }
0x71: {  	v0 =	vld [tilespmem:s20+$0x18510];
	_ =	sdelay $0x4  }
0x72: {  	v1 =	vshll.u32 v0, $0x10  }
0x73: {  	v0 =	vand.u32 $0xFFFF0000, v0;
	[tilespmem:s1+$0xFFFFFFD0] =	vst v1  }
0x74: {  	[tilespmem:s1+$0x10] =	vst v0  }
0x75: {  	v0 =	vld [tilespmem:s20+$0x18520];
	_ =	sdelay $0x4  }
0x76: {  	v1 =	vand.u32 $0xFFFF0000, v0  }
0x77: {  	v0 =	vshll.u32 v0, $0x10;
	[tilespmem:s1+$0x20] =	vst v1  }
0x78: {  	[tilespmem:s1+$0xFFFFFFE0] =	vst v0  }
0x79: {  	v0 =	vld [tilespmem:s20+$0x18530];
	_ =	sdelay $0x4  }
0x7a: {  	v1 =	vshll.u32 v0, $0x10  }
0x7b: {  	v0 =	vand.u32 $0xFFFF0000, v0;
	[tilespmem:s1+$0xFFFFFFF0] =	vst v1  }
0x7c: {  	s20 =	simm.s32 $0x40;
	[tilespmem:s1+$0x30] =	vst v0  }
0x7d: {  	v0 =	vld [tilespmem:s20+$0x18500]  }
0x7e: {  	s7 =	simm.s32 $0x200  }
.LBB2_5:
0x7f: {  	p0 =	sne.s32 s7, $0x7F00;
	_ =	sdelay $0x2  }
0x80: {  	s1 =	sadd.s32 $0x80, s1;
	v1 =	vshll.u32 v0, $0x10  }
0x81: {  	v0 =	vand.u32 $0xFFFF0000, v0;
	[tilespmem:s1+$0xFFFFFFC0] =	vst v1  }
0x82: {  	[tilespmem:s1+$0x0] =	vst v0  }
0x83: {  	v0 =	vld [tilespmem:s20+$0x18510];
	_ =	sdelay $0x4  }
0x84: {  	v1 =	vshll.u32 v0, $0x10  }
0x85: {  	v0 =	vand.u32 $0xFFFF0000, v0;
	[tilespmem:s1+$0xFFFFFFD0] =	vst v1  }
0x86: {  	[tilespmem:s1+$0x10] =	vst v0  }
0x87: {  	v0 =	vld [tilespmem:s20+$0x18520];
	_ =	sdelay $0x4  }
0x88: {  	v1 =	vshll.u32 v0, $0x10;
	v0 =	vand.u32 $0xFFFF0000, v0  }
0x89: {  	[tilespmem:s1+$0x20] =	vst v0  }
0x8a: {  	[tilespmem:s1+$0xFFFFFFE0] =	vst v1  }
0x8b: {  	v0 =	vld [tilespmem:s20+$0x18530];
	_ =	sdelay $0x4  }
.Ltmp1:
0x8c: {  	v1 =	vshll.u32 v0, $0x10;
	v0 =	vand.u32 $0xFFFF0000, v0;
	(pc) =	sbr.rel @p0 .LBB2_5-.Ltmp1, $4  }
0x8d: {  	[tilespmem:s1+$0xFFFFFFF0] =	vst v1  }
0x8e: {  	s20 =	sshra.s32 s7, $0x2;
	[tilespmem:s1+$0x30] =	vst v0  }
0x8f: {  	v0 =	vld [tilespmem:s20+$0x18500]  }
0x90: {  	s7 =	sadd.s32 $0x100, s7  }
0x91: {  	_ =	sdelay $0x2  }
0x92: {  	s1 =	sadd.s32 $0x80, s1;
	v1 =	vshll.u32 v0, $0x10  }
0x93: {  	v60 =	vand.u32 $0xFFFF0000, v0;
	[tilespmem:s1+$0xFFFFFFC0] =	vst v1  }
0x94: {  	[tilespmem:s1+$0x0] =	vst v60  }
0x95: {  	v0 =	vld [tilespmem:s20+$0x18510];
	_ =	sdelay $0x4  }
0x96: {  	v61 =	vshll.u32 v0, $0x10  }
0x97: {  	v0 =	vand.u32 $0xFFFF0000, v0;
	[tilespmem:s1+$0xFFFFFFD0] =	vst v61  }
0x98: {  	[tilespmem:s1+$0x10] =	vst v0  }
0x99: {  	v0 =	vld [tilespmem:s20+$0x18520];
	_ =	sdelay $0x4  }
0x9a: {  	v62 =	vand.u32 $0xFFFF0000, v0  }
0x9b: {  	v0 =	vshll.u32 v0, $0x10;
	[tilespmem:s1+$0x20] =	vst v62  }
0x9c: {  	[tilespmem:s1+$0xFFFFFFE0] =	vst v0  }
0x9d: {  	v0 =	vld [tilespmem:s20+$0x18530];
	_ =	sdelay $0x4  }
0x9e: {  	v63 =	vshll.u32 v0, $0x10  }
0x9f: {  	v0 =	vand.u32 $0xFFFF0000, v0;
	[tilespmem:s1+$0xFFFFFFF0] =	vst v63  }
0xa0: {  	s31 =	sadd.s32 $0x13D80, s31;
	s30 =	sadd.s32 $0x1, s30;
	[tilespmem:s1+$0x30] =	vst v0  }
0xa1: {  	[tilespmem:s21], [sflag:$0x2] =	stream.indirect.gather [hbm4b:s4+s17], $0x40, s31, s17, $0xb8;
	[tilespmem:$0x1E500] =	vst v63  }
0xa2: {  	s0 =	sadd.s32 $0x30, s0;
	p0 =	sne.s32 s30, $0x27  }
0xa3: {  	[tilespmem:s22], [sflag:$0x4] =	stream.linear.gather [hbm4b:s0+s3], $0x80, $0x38;
	[tilespmem:$0x1E500] =	vst v63  }
.Ltmp2:
0xa4: {  	_ = 	snop;
	(pc) =	sbr.rel @p0 .LBB2_2-.Ltmp2, $4  }
0xa5: {  	[spmem:s2] =	stream.indirect.scatter.add.f32 [tilespmem:s25], [sflag:$0x5], $0x80, s22, s17, $0xb8;
	[tilespmem:$0x1E500] =	vst v63  }
0xa6: {  	_ =	swait.ge [sflag:s15], $0x4000  }
0xa7: {  	[sflag:s15] =	ssyncset.done $0x0  }
0xa8: {  	[sflag:s15] =	ssyncadd.s32 $0xFFFFC000  }
0xa9: {  	_ =	swait.ge [sflag:s23], $0x2000  }
0xaa: {  	[sflag:s23] =	ssyncset.done $0x0  }
0xab: {  	[sflag:s23] =	ssyncadd.s32 $0xFFFFE000  }
0xac: {  	_ =	swait.ge [sflag:s24], $0x80  }
0xad: {  	[sflag:s24] =	ssyncset.done $0x0  }
0xae: {  	s1 =	simm.s32 $0x0;
	[sflag:s24] =	ssyncadd.s32 $0xFFFFFF80  }
0xaf: {  	v0 =	vld [tilespmem:s1+$0x16500];
	_ =	sdelay $0x4  }
0xb0: {  	s0 =	simm.s32 $0x1A540;
	v1 =	vshll.u32 v0, $0x10  }
0xb1: {  	v0 =	vand.u32 $0xFFFF0000, v0;
	[tilespmem:s0+$0xFFFFFFC0] =	vst v1  }
0xb2: {  	[tilespmem:s0+$0x0] =	vst v0  }
0xb3: {  	v0 =	vld [tilespmem:s1+$0x16510];
	_ =	sdelay $0x4  }
0xb4: {  	v1 =	vshll.u32 v0, $0x10  }
0xb5: {  	v0 =	vand.u32 $0xFFFF0000, v0;
	[tilespmem:s0+$0xFFFFFFD0] =	vst v1  }
0xb6: {  	[tilespmem:s0+$0x10] =	vst v0  }
0xb7: {  	v0 =	vld [tilespmem:s1+$0x16520];
	_ =	sdelay $0x4  }
0xb8: {  	v1 =	vand.u32 $0xFFFF0000, v0  }
0xb9: {  	v0 =	vshll.u32 v0, $0x10;
	[tilespmem:s0+$0x20] =	vst v1  }
0xba: {  	[tilespmem:s0+$0xFFFFFFE0] =	vst v0  }
0xbb: {  	v0 =	vld [tilespmem:s1+$0x16530];
	_ =	sdelay $0x4  }
0xbc: {  	v1 =	vshll.u32 v0, $0x10  }
0xbd: {  	v0 =	vand.u32 $0xFFFF0000, v0;
	[tilespmem:s0+$0xFFFFFFF0] =	vst v1  }
0xbe: {  	s1 =	simm.s32 $0x40;
	[tilespmem:s0+$0x30] =	vst v0  }
0xbf: {  	v0 =	vld [tilespmem:s1+$0x16500]  }
0xc0: {  	s7 =	simm.s32 $0x200  }
.LBB2_8:
0xc1: {  	p0 =	sne.s32 s7, $0x7F00;
	_ =	sdelay $0x2  }
0xc2: {  	s0 =	sadd.s32 $0x80, s0;
	v1 =	vshll.u32 v0, $0x10  }
0xc3: {  	v0 =	vand.u32 $0xFFFF0000, v0;
	[tilespmem:s0+$0xFFFFFFC0] =	vst v1  }
0xc4: {  	[tilespmem:s0+$0x0] =	vst v0  }
0xc5: {  	v0 =	vld [tilespmem:s1+$0x16510];
	_ =	sdelay $0x4  }
0xc6: {  	v1 =	vshll.u32 v0, $0x10  }
0xc7: {  	v0 =	vand.u32 $0xFFFF0000, v0;
	[tilespmem:s0+$0xFFFFFFD0] =	vst v1  }
0xc8: {  	[tilespmem:s0+$0x10] =	vst v0  }
0xc9: {  	v0 =	vld [tilespmem:s1+$0x16520];
	_ =	sdelay $0x4  }
0xca: {  	v1 =	vshll.u32 v0, $0x10;
	v0 =	vand.u32 $0xFFFF0000, v0  }
0xcb: {  	[tilespmem:s0+$0x20] =	vst v0  }
0xcc: {  	[tilespmem:s0+$0xFFFFFFE0] =	vst v1  }
0xcd: {  	v0 =	vld [tilespmem:s1+$0x16530];
	_ =	sdelay $0x4  }
.Ltmp3:
0xce: {  	v1 =	vshll.u32 v0, $0x10;
	v0 =	vand.u32 $0xFFFF0000, v0;
	(pc) =	sbr.rel @p0 .LBB2_8-.Ltmp3, $4  }
0xcf: {  	[tilespmem:s0+$0xFFFFFFF0] =	vst v1  }
0xd0: {  	s1 =	sshra.s32 s7, $0x2;
	[tilespmem:s0+$0x30] =	vst v0  }
0xd1: {  	v0 =	vld [tilespmem:s1+$0x16500]  }
0xd2: {  	s7 =	sadd.s32 $0x100, s7  }
0xd3: {  	_ =	sdelay $0x2  }
0xd4: {  	s0 =	sadd.s32 $0x80, s0;
	v1 =	vshll.u32 v0, $0x10  }
0xd5: {  	v0 =	vand.u32 $0xFFFF0000, v0;
	[tilespmem:s0+$0xFFFFFFC0] =	vst v1  }
0xd6: {  	[tilespmem:s0+$0x0] =	vst v0  }
0xd7: {  	v0 =	vld [tilespmem:s1+$0x16510];
	_ =	sdelay $0x4  }
0xd8: {  	v1 =	vshll.u32 v0, $0x10  }
0xd9: {  	v0 =	vand.u32 $0xFFFF0000, v0;
	[tilespmem:s0+$0xFFFFFFD0] =	vst v1  }
0xda: {  	[tilespmem:s0+$0x10] =	vst v0  }
0xdb: {  	v0 =	vld [tilespmem:s1+$0x16520];
	_ =	sdelay $0x4  }
0xdc: {  	v1 =	vand.u32 $0xFFFF0000, v0  }
0xdd: {  	v0 =	vshll.u32 v0, $0x10;
	[tilespmem:s0+$0x20] =	vst v1  }
0xde: {  	[tilespmem:s0+$0xFFFFFFE0] =	vst v0  }
0xdf: {  	v0 =	vld [tilespmem:s1+$0x16530];
	_ =	sdelay $0x4  }
0xe0: {  	v1 =	vshll.u32 v0, $0x10  }
0xe1: {  	v0 =	vand.u32 $0xFFFF0000, v0;
	[tilespmem:s0+$0xFFFFFFF0] =	vst v1  }
0xe2: {  	[tilespmem:s0+$0x30] =	vst v0  }
0xe3: {  	[spmem:s2] =	stream.indirect.scatter.add.f32 [tilespmem:s25], [sflag:$0x5], $0x80, s19, s17, $0xb8;
	[tilespmem:$0x1E500] =	vst v63  }
0xe4: {  	_ =	swait.ge [sflag:s15], $0x4000  }
0xe5: {  	[sflag:s15] =	ssyncset.done $0x0  }
0xe6: {  	[sflag:s15] =	ssyncadd.s32 $0xFFFFC000  }
0xe7: {  	_ =	swait.ge [sflag:s26], $0x2000  }
0xe8: {  	[sflag:s26] =	ssyncset.done $0x0  }
0xe9: {  	[sflag:s26] =	ssyncadd.s32 $0xFFFFE000  }
0xea: {  	_ =	swait.ge [sflag:s28], $0x80  }
0xeb: {  	[sflag:s28] =	ssyncset.done $0x0  }
0xec: {  	s31 =	simm.s32 $0x0;
	[sflag:s28] =	ssyncadd.s32 $0xFFFFFF80  }
0xed: {  	v0 =	vld [tilespmem:s31+$0x18500];
	_ =	sdelay $0x4  }
0xee: {  	s0 =	simm.s32 $0x1A540;
	v1 =	vshll.u32 v0, $0x10  }
0xef: {  	v0 =	vand.u32 $0xFFFF0000, v0;
	[tilespmem:s0+$0xFFFFFFC0] =	vst v1  }
0xf0: {  	[tilespmem:s0+$0x0] =	vst v0  }
0xf1: {  	v0 =	vld [tilespmem:s31+$0x18510];
	_ =	sdelay $0x4  }
0xf2: {  	v1 =	vshll.u32 v0, $0x10  }
0xf3: {  	v0 =	vand.u32 $0xFFFF0000, v0;
	[tilespmem:s0+$0xFFFFFFD0] =	vst v1  }
0xf4: {  	[tilespmem:s0+$0x10] =	vst v0  }
0xf5: {  	v0 =	vld [tilespmem:s31+$0x18520];
	_ =	sdelay $0x4  }
0xf6: {  	v1 =	vand.u32 $0xFFFF0000, v0  }
0xf7: {  	v0 =	vshll.u32 v0, $0x10;
	[tilespmem:s0+$0x20] =	vst v1  }
0xf8: {  	[tilespmem:s0+$0xFFFFFFE0] =	vst v0  }
0xf9: {  	v0 =	vld [tilespmem:s31+$0x18530];
	_ =	sdelay $0x4  }
0xfa: {  	v1 =	vshll.u32 v0, $0x10  }
0xfb: {  	v0 =	vand.u32 $0xFFFF0000, v0;
	[tilespmem:s0+$0xFFFFFFF0] =	vst v1  }
0xfc: {  	s1 =	simm.s32 $0x40;
	[tilespmem:s0+$0x30] =	vst v0  }
0xfd: {  	v0 =	vld [tilespmem:s1+$0x18500]  }
0xfe: {  	s7 =	simm.s32 $0x200  }
.LBB2_10:
0xff: {  	p0 =	sne.s32 s7, $0x7F00;
	_ =	sdelay $0x2  }
0x100: {  	s0 =	sadd.s32 $0x80, s0;
	v1 =	vshll.u32 v0, $0x10  }
0x101: {  	v0 =	vand.u32 $0xFFFF0000, v0;
	[tilespmem:s0+$0xFFFFFFC0] =	vst v1  }
0x102: {  	[tilespmem:s0+$0x0] =	vst v0  }
0x103: {  	v0 =	vld [tilespmem:s1+$0x18510];
	_ =	sdelay $0x4  }
0x104: {  	v1 =	vshll.u32 v0, $0x10  }
0x105: {  	v0 =	vand.u32 $0xFFFF0000, v0;
	[tilespmem:s0+$0xFFFFFFD0] =	vst v1  }
0x106: {  	[tilespmem:s0+$0x10] =	vst v0  }
0x107: {  	v0 =	vld [tilespmem:s1+$0x18520];
	_ =	sdelay $0x4  }
0x108: {  	v1 =	vshll.u32 v0, $0x10;
	v0 =	vand.u32 $0xFFFF0000, v0  }
0x109: {  	[tilespmem:s0+$0x20] =	vst v0  }
0x10a: {  	[tilespmem:s0+$0xFFFFFFE0] =	vst v1  }
0x10b: {  	v0 =	vld [tilespmem:s1+$0x18530];
	_ =	sdelay $0x4  }
.Ltmp4:
0x10c: {  	v1 =	vshll.u32 v0, $0x10;
	v0 =	vand.u32 $0xFFFF0000, v0;
	(pc) =	sbr.rel @p0 .LBB2_10-.Ltmp4, $4  }
0x10d: {  	[tilespmem:s0+$0xFFFFFFF0] =	vst v1  }
0x10e: {  	s1 =	sshra.s32 s7, $0x2;
	[tilespmem:s0+$0x30] =	vst v0  }
0x10f: {  	v0 =	vld [tilespmem:s1+$0x18500]  }
0x110: {  	s7 =	sadd.s32 $0x100, s7  }
0x111: {  	_ =	sdelay $0x2  }
0x112: {  	s0 =	sadd.s32 $0x80, s0;
	v1 =	vshll.u32 v0, $0x10  }
0x113: {  	v60 =	vand.u32 $0xFFFF0000, v0;
	[tilespmem:s0+$0xFFFFFFC0] =	vst v1  }
0x114: {  	[tilespmem:s0+$0x0] =	vst v60  }
0x115: {  	v0 =	vld [tilespmem:s1+$0x18510];
	_ =	sdelay $0x4  }
0x116: {  	v61 =	vshll.u32 v0, $0x10  }
0x117: {  	v0 =	vand.u32 $0xFFFF0000, v0;
	[tilespmem:s0+$0xFFFFFFD0] =	vst v61  }
0x118: {  	[tilespmem:s0+$0x10] =	vst v0  }
0x119: {  	v0 =	vld [tilespmem:s1+$0x18520];
	_ =	sdelay $0x4  }
0x11a: {  	v62 =	vand.u32 $0xFFFF0000, v0  }
0x11b: {  	v0 =	vshll.u32 v0, $0x10;
	[tilespmem:s0+$0x20] =	vst v62  }
0x11c: {  	[tilespmem:s0+$0xFFFFFFE0] =	vst v0  }
0x11d: {  	v0 =	vld [tilespmem:s1+$0x18530];
	_ =	sdelay $0x4  }
0x11e: {  	v63 =	vshll.u32 v0, $0x10  }
0x11f: {  	v0 =	vand.u32 $0xFFFF0000, v0;
	[tilespmem:s0+$0xFFFFFFF0] =	vst v63  }
0x120: {  	[tilespmem:s0+$0x30] =	vst v0  }
0x121: {  	[spmem:s2] =	stream.indirect.scatter.add.f32 [tilespmem:s25], [sflag:$0x5], $0x80, s22, s17, $0xb8;
	[tilespmem:$0x1E500] =	vst v63  }
0x122: {  	_ =	swait.ge [sflag:s15], $0x4000  }
0x123: {  	s29 =	sadd.s32 $0x1, s29;
	[sflag:s15] =	ssyncset.done $0x0  }
0x124: {  	p0 =	sne.s32 s29, s13;
	[sflag:s15] =	ssyncadd.s32 $0xFFFFC000  }
.Ltmp5:
0x125: {  	[bflag:$0x0] =	sbarrier.arrive $0xFFFF;
	(pc) =	sbr.rel @p0 .LBB2_1-.Ltmp5, $4  }
0x126: {  	[hbm:s12], [sflag:s8] =	dma.local [spmem:s14], $0x2780  }
0x127: {  	_ =	swait.ge [sflag:s15], $0x2780  }
0x128: {  	[sflag:s15] =	ssyncset.done $0x0  }
0x129: {  	[sflag:s15] =	ssyncadd.s32 $0xFFFFD880  }
0x12a: {  	_ =	sfence.sel $0x180000  }
0x12b: {  	[bflag:$0x0] =	sbarrier.arrive $0xFFFF  }
0x12c: {  	_ =	strace $0x90000047  }
0x12d: {  	s0 =	stileid.u32;
	[bflag:$0x2] =	sbarrier.arrive $0xFFFF  }
0x12e: {  	p0 =	sne.s32 s0, $0x0;
	s0 =	rddreg [dreg:$0x3]  }
0x12f: {  	s0 =	sadd.s32 @!p0 $0x100000, s0  }
0x130: {  	[sflag:s0] =	ssyncadd.tile.s32 @!p0 $0x1;
	_ =	shalt  }
.Lfunc_end2:
_tile_overlayer_lowered:
.L_overlay_start_2:
0x131: {  	(tag) =	ssettag $0x2  }
0x132: {  	s0 =	rddreg [dreg:$0x0];
	s2 =	stileid.u32  }
0x133: {  	s1 =	rddreg [dreg:$0x1];
	p0 =	sne.s32 s2, $0x0  }
0x134: {  	s3 =	rddreg [dreg:$0x2];
	[bflag:$0x3] =	sbarrier.arrive $0xFFFF;
	s2 =	simm.s32 @!p0 $0x1C05  }
0x135: {  	[timem:s3], [sflag:s2] =	dma.local @!p0 [hbm:s0], s1  }
0x136: {  	s0 =	simm.s32 @!p0 $0x5  }
0x137: {  	_ =	swait.ge @!p0 [sflag:s0], s1  }
0x138: {  	s1 =	ssub.s32 @!p0 $0x0, s1;
	[sflag:s0] =	ssyncset.done @!p0 $0x0  }
0x139: {  	[sflag:s0] =	ssyncadd.s32 @!p0 s1  }
0x13a: {  	[bflag:$0x3] =	sbarrier.arrive $0xFFFF  }
0x13b: {  	_ =	shalt  }

// kernel: kernel.15.cloned.1.call-start
scs
__scs_entry_jumppad:
0x0: {  	(pc) =	sbr.rel $0x88, $3  }
0x1: {  	(tag) =	ssettag $0x0;
	lr =	simm.s32 $0x1  }
0x2: {  	[smem:$0x3F94] =	sst lr;
	_ =	strace $0xD0000000  }
0x3: {  	_ = 	snop  }
0x4: {  	_ = 	snop  }
0x5: {  	_ = 	snop  }
0x6: {  	_ = 	snop  }
0x7: {  	_ = 	snop  }
__scs_overlays_trampoline_lowered:
0x8: {  	[smem:$0x3FA3] =	sst s0  }
0x9: {  	[smem:$0x3FA4] =	sst s1  }
0xa: {  	[smem:$0x3FA5] =	sst s2  }
0xb: {  	[smem:$0x3FA6] =	sst s3  }
0xc: {  	[smem:$0x3FA7] =	sst s4  }
0xd: {  	[smem:$0x3FA8] =	sst s5  }
0xe: {  	[smem:$0x3FA9] =	sst s6  }
0xf: {  	[smem:$0x3FAA] =	sst s7  }
0x10: {  	[smem:$0x3FAB] =	sst s8  }
0x11: {  	[smem:$0x3FAC] =	sst s9;
	s0 =	simm.s32 @!p0 $0x0  }
0x12: {  	s1 =	sld [smem:$0x3F92];
	s0 =	simm.s32 @p0 $0x1  }
0x13: {  	[smem:$0x3FAD] =	sst s0;
	s0 =	simm.s32 @!p1 $0x0  }
0x14: {  	s2 =	sld [smem:$0x3F91];
	s0 =	simm.s32 @p1 $0x1  }
0x15: {  	[smem:$0x3FAE] =	sst s0;
	s0 =	simm.s32 @!p2 $0x0  }
0x16: {  	s3 =	sld [smem:$0x3FDB];
	s0 =	simm.s32 @p2 $0x1  }
0x17: {  	s4 =	simm.s32 $0x1BF5;
	[smem:$0x3FB0] =	sst s0  }
0x18: {  	s0 =	sld [smem:$0x3F93];
	_ =	swait.ge [sflag:s4], $0x0  }
0x19: {  	s7 =	sld [smem:$0x3F94]  }
0x1a: {  	s8 =	sadd.s32 $0xFFFFE003, lr  }
0x1b: {  	s9 =	sadd.s32 $0xFFFFFEF7, lr;
	s5 =	simm.s32 $0xFFFFFFFF;
	p2 =	slt.u32 s8, $0xFFFFF086  }
0x1c: {  	p1 =	slt.u32 s9, $0xF7A;
	s5 =	simm.s32 @!p2 $0x0  }
0x1d: {  	s5 =	simm.s32 @p1 $0x1;
	p0 =	seq.s32 s7, s2  }
0x1e: {  	s7 =	smul.u32 @!p0 $0xF7A, s2;
	p2 =	seq.s32 @!p0 s5, $0x0  }
0x1f: {  	s9 =	smul.u32 $0xF7A, s1;
	s8 =	simm.s32 @!p0 $0x1BF5;
	p2 =	por !p2, p0  }
0x20: {  	[sflag:s8] =	ssyncset.s32 @!p0 $0xFFFFF086;
	s6 =	sadd.s32 @!p0 s3, s7;
	s7 =	simm.s32 @!p0 $0x108  }
0x21: {  	s3 =	sadd.s32 s3, s9;
	s6 =	sadd.s32 @!p0 $0x88, s6;
	s7 =	simm.s32 @p2 $0x1082  }
0x22: {  	[simem:s7], [sflag:s8] =	dma.local @!p0 [hbm:s6], $0xF7A  }
0x23: {  	s9 =	sor.u32 $0xD0000000, s2;
	s6 =	simm.s32 $0x108;
	_ =	swait.ge @!p0 [sflag:s8], $0x0  }
0x24: {  	s3 =	sadd.s32 $0x88, s3;
	s6 =	simm.s32 @!p1 $0x1082;
	[sflag:s4] =	ssyncset.s32 $0xFFFFF086  }
0x25: {  	[simem:s6], [sflag:s4] =	dma.local [hbm:s3], $0xF7A  }
0x26: {  	[smem:$0x3F94] =	sst s1;
	(tag) =	ssettag s2;
	_ =	strace s9  }
0x27: {  	s1 =	sld [smem:$0x3FA4]  }
0x28: {  	s2 =	sld [smem:$0x3FA5]  }
0x29: {  	s4 =	sld [smem:$0x3FA7]  }
0x2a: {  	p0 =	seq.s32 s5, $0x0;
	s5 =	sld [smem:$0x3FA8]  }
0x2b: {  	s6 =	sld [smem:$0x3FA9]  }
0x2c: {  	s7 =	sld [smem:$0x3FAA]  }
0x2d: {  	s3 =	simm.s32 $0x108;
	s8 =	sld [smem:$0x3FAB]  }
0x2e: {  	s3 =	simm.s32 @!p0 $0x1082;
	s9 =	sld [smem:$0x3FAC]  }
0x2f: {  	lr =	sadd.s32 s0, s3;
	s0 =	sld [smem:$0x3FA3]  }
0x30: {  	s3 =	sld [smem:$0x3FA6]  }
0x31: {  	[smem:$0x3FAF] =	sst s10  }
0x32: {  	s10 =	sld [smem:$0x3FAD];
	_ =	sdelay $0x3  }
0x33: {  	p0 =	seq.s32 s10, $0x1;
	s10 =	sld [smem:$0x3FAF];
	_ =	sdelay $0x3  }
0x34: {  	[smem:$0x3FAF] =	sst s10  }
0x35: {  	s10 =	sld [smem:$0x3FAE];
	_ =	sdelay $0x3  }
0x36: {  	p1 =	seq.s32 s10, $0x1;
	s10 =	sld [smem:$0x3FAF];
	_ =	sdelay $0x3  }
0x37: {  	[smem:$0x3FAF] =	sst s10  }
0x38: {  	s10 =	sld [smem:$0x3FB0]  }
0x39: {  	_ = 	snop;
	(pc) =	sbr.ind lr, $3  }
0x3a: {  	_ = 	snop  }
0x3b: {  	_ = 	snop  }
0x3c: {  	p2 =	seq.s32 s10, $0x1;
	s10 =	sld [smem:$0x3FAF]  }
0x3d: {  	_ =	shalt  }
0x3e: {  	_ =	shalt  }
0x3f: {  	_ =	shalt  }
0x40: {  	_ =	shalt  }
0x41: {  	_ =	shalt  }
0x42: {  	_ =	shalt  }
0x43: {  	_ =	shalt  }
0x44: {  	_ =	shalt  }
0x45: {  	_ =	shalt  }
0x46: {  	_ =	shalt  }
0x47: {  	_ =	shalt  }
0x48: {  	_ =	shalt  }
0x49: {  	_ =	shalt  }
0x4a: {  	_ =	shalt  }
0x4b: {  	_ =	shalt  }
0x4c: {  	_ =	shalt  }
0x4d: {  	_ =	shalt  }
0x4e: {  	_ =	shalt  }
0x4f: {  	_ =	shalt  }
0x50: {  	_ =	shalt  }
0x51: {  	_ =	shalt  }
0x52: {  	_ =	shalt  }
0x53: {  	_ =	shalt  }
0x54: {  	_ =	shalt  }
0x55: {  	_ =	shalt  }
0x56: {  	_ =	shalt  }
0x57: {  	_ =	shalt  }
0x58: {  	_ =	shalt  }
0x59: {  	_ =	shalt  }
0x5a: {  	_ =	shalt  }
0x5b: {  	_ =	shalt  }
0x5c: {  	_ =	shalt  }
0x5d: {  	_ =	shalt  }
0x5e: {  	_ =	shalt  }
0x5f: {  	_ =	shalt  }
0x60: {  	_ =	shalt  }
0x61: {  	_ =	shalt  }
0x62: {  	_ =	shalt  }
0x63: {  	_ =	shalt  }
0x64: {  	_ =	shalt  }
0x65: {  	_ =	shalt  }
0x66: {  	_ =	shalt  }
0x67: {  	_ =	shalt  }
0x68: {  	_ =	shalt  }
0x69: {  	_ =	shalt  }
0x6a: {  	_ =	shalt  }
0x6b: {  	_ =	shalt  }
0x6c: {  	_ =	shalt  }
0x6d: {  	_ =	shalt  }
0x6e: {  	_ =	shalt  }
0x6f: {  	_ =	shalt  }
0x70: {  	_ =	shalt  }
0x71: {  	_ =	shalt  }
0x72: {  	_ =	shalt  }
0x73: {  	_ =	shalt  }
0x74: {  	_ =	shalt  }
0x75: {  	_ =	shalt  }
0x76: {  	_ =	shalt  }
0x77: {  	_ =	shalt  }
0x78: {  	_ =	shalt  }
0x79: {  	_ =	shalt  }
0x7a: {  	_ =	shalt  }
0x7b: {  	_ =	shalt  }
0x7c: {  	_ =	shalt  }
0x7d: {  	_ =	shalt  }
0x7e: {  	_ =	shalt  }
0x7f: {  	_ =	shalt  }
0x80: {  	_ =	shalt  }
0x81: {  	_ =	shalt  }
0x82: {  	_ =	shalt  }
0x83: {  	_ =	shalt  }
0x84: {  	_ =	shalt  }
0x85: {  	_ =	shalt  }
0x86: {  	_ =	shalt  }
0x87: {  	_ =	shalt  }
.Lfunc_end0:
.L_simem_size_0:
called_computation.2_lowered:
.L_overlay_start_0:
0x88: {  	s2 =	sld [smem:$0x3FD9]  }
0x89: {  	s3 =	sld [smem:$0x3FFE];
	_ =	sdelay $0x1  }
0x8a: {  	s1 =	srdreg.scid  }
0x8b: {  	s0 =	sand.u32 $0x1, s1  }
0x8c: {  	s17 =	sshll.u32 s0, $0xA;
	s2 =	sadd.s32 s3, s2  }
0x8d: {  	s2 =	sadd.s32 s2, s17  }
0x8e: {  	[smem:$0x3FBB] =	sst s2  }
0x8f: {  	_ = 	snop  }
0x90: {  	s2 =	sld [smem:$0x3FD0];
	(tm) =	ssettm $0x1  }
0x91: {  	s18 =	sld [smem:$0x3FFB];
	_ =	sdelay $0x3  }
0x92: {  	_ =	strace s18  }
0x93: {  	s3 =	sld [smem:$0x3FFC];
	_ =	sdelay $0x3  }
0x94: {  	_ =	strace s3  }
0x95: {  	s3 =	sld [smem:$0x3FFD];
	_ =	sdelay $0x3  }
0x96: {  	_ =	strace s3  }
0x97: {  	_ =	strace $0x8FFFFFFF  }
0x98: {  	s19 =	sld [smem:$0x3FDB];
	_ =	sdelay $0x1  }
0x99: {  	s4 =	simm.s32 $_scs_section_size  }
0x9a: {  	s5 =	simm.s32 $_size__tile_overlayer_lowered;
	s6 =	simm.s32 $_tile_overlayer_lowered  }
0x9b: {  	s22 =	simm.s32 $0x1BFF;
	s21 =	sshll.u32 s6, $0x1;
	s3 =	sadd.s32 s4, s19  }
0x9c: {  	s7 =	simm.s32 $0x0;
	s20 =	sshll.u32 s5, $0x1;
	s5 =	sadd.s32 s21, s3  }
0x9d: {  	[timem:s7], [sflag:s22] =	dma.local [hbm:s5], s20  }
0x9e: {  	_ =	swait.ge [sflag:s22], s20  }
0x9f: {  	s4 =	ssub.s32 $0x0, s20;
	[sflag:s22] =	ssyncset.done $0x0  }
0xa0: {  	[sflag:s22] =	ssyncadd.s32 s4;
	_ =	sdelay $0x1  }
0xa1: {  	s23 =	simm.s32 $0x1B8B  }
0xa2: {  	_ =	swait.ge [sflag:s23], $0x1  }
0xa3: {  	[sflag:s23] =	ssyncset.done $0x0  }
0xa4: {  	s25 =	simm.s32 $0x1B8E;
	s24 =	sld [smem:$0x3FFE];
	[sflag:s23] =	ssyncadd.s32 $0xFFFFFFFF  }
0xa5: {  	s26 =	simm.s32 $execute0_lowered;
	[smem:$0x3FD2] =	sst s25  }
0xa6: {  	s5 =	sshll.u32 s26, $0x1;
	_ =	strace $0x8000004C;
	[dreg:$0x1] =	wrdreg $0xFFFFFFFF  }
0xa7: {  	s28 =	simm.s32 $_size_execute0_lowered;
	s3 =	sadd.s32 s3, s5;
	[dreg:$0x0] =	wrdreg $0x0  }
0xa8: {  	s5 =	sshll.u32 s28, $0x1;
	[dreg:$0x2] =	wrdreg s3  }
0xa9: {  	[dreg:$0x3] =	wrdreg s5  }
0xaa: {  	[dreg:$0x4] =	wrdreg $0xC0  }
0xab: {  	_ =	task [dreg:s7], $0x5FFFF  }
0xac: {  	[dreg:$0x1] =	wrdreg $0xFFFFFFFF  }
0xad: {  	[dreg:$0x0] =	wrdreg $0x60  }
0xae: {  	[dreg:$0x2] =	wrdreg s24  }
0xaf: {  	[dreg:$0x3] =	wrdreg s2  }
0xb0: {  	[dreg:$0x4] =	wrdreg $0x0  }
0xb1: {  	[dreg:$0x5] =	wrdreg $0x9  }
0xb2: {  	_ =	task.clear_ibuf [dreg:s7], $0x6FFFF;
	_ =	strace $0x9000004C  }
0xb3: {  	s29 =	simm.s32 $0x9;
	_ =	strace $0x8000004E  }
0xb4: {  	_ =	swait.ge [sflag:s29], $0x1  }
0xb5: {  	[sflag:s29] =	ssyncadd.s32 $0xFFFFFFFF  }
0xb6: {  	_ =	strace $0x9000004E  }
0xb7: {  	_ =	sfence  }
0xb8: {  	s30 =	sld [smem:$0x0];
	_ =	sdelay $0x2  }
0xb9: {  	s31 =	sshll.u32 s1, $0xD;
	s1 =	sshrl.u32 s1, $0x2  }
0xba: {  	s3 =	sand.u32 $0x4000, s31;
	s1 =	sadd.s32 s1, s30  }
0xbb: {  	s0 =	sor.u32 s3, s0;
	s1 =	sshll.u32 s1, $0x11  }
0xbc: {  	s0 =	sor.u32 s1, s0  }
0xbd: {  	s0 =	sadd.s32 $0x8F2B, s0  }
0xbe: {  	[sflag:s0] =	ssyncadd.remote.s32 $0x1  }
0xbf: {  	_ =	sfence.sel $0xFFFF  }
0xc0: {  	[dreg:$0x0] =	wrdreg $0xFFFFFFFF;
	(pc) =	sbr.abs _section_cstart, $3  }
0xc1: {  	[dreg:$0x1] =	wrdreg $0xFFFFFFFF  }
0xc2: {  	_ =	task.clear_ibuf [dreg:s7], $0x2FFFF;
	_ =	strace $0x9FFFFFFF  }
0xc3: {  	(tm) =	ssettm $0x7FFFFFFF  }
tec
execute0_lowered:
.L_overlay_start_1:
0x0: {  	(tag) =	ssettag $0x1  }
0x1: {  	s0 =	rddreg [dreg:$0x0]  }
0x2: {  	s1 =	rddreg [dreg:$0x1]  }
0x3: {  	s2 =	rddreg [dreg:$0x2];
	s3 =	simm.s32 $0x0  }
0x4: {  	s12 =	stileid.u32;
	s4 =	srdreg.scid;
	s15 =	simm.s32 $0x5  }
0x5: {  	s16 =	simm.s32 $0x13C00;
	s17 =	simm.s32 $0x80;
	s18 =	simm.s32 $0x16500  }
0x6: {  	s19 =	simm.s32 $0x16400;
	s21 =	simm.s32 $0x18500;
	s22 =	simm.s32 $0x16480  }
0x7: {  	s23 =	simm.s32 $0x1;
	s24 =	simm.s32 $0x3;
	s28 =	simm.s32 $0x4  }
0x8: {  	s29 =	simm.s32 $0x0;
	[smem:$0x7FF] =	sst s3;
	s7 =	smul.u32 $0x13C00, s12  }
0x9: {  	s6 =	sand.u32 $0x1, s4;
	s4 =	sadd.s32 $0x2600, s0;
	s5 =	sadd.s32 $0x16000, s0  }
0xa: {  	s30 =	sshll.u32 s12, $0x6;
	_ =	strace $0x8000004D;
	s9 =	smul.u32 $0x13C000, s6  }
0xb: {  	s10 =	sshll.u32 s6, $0x4;
	s11 =	ssub.s32 $0x2, s6;
	s8 =	sshrl.u32 s7, $0x3  }
0xc: {  	s25 =	sor.u32 s12, s10;
	s26 =	sshrl.u32 s11, $0x1;
	s8 =	sadd.s32 s8, s0  }
0xd: {  	s9 =	sadd.s32 s7, s9;
	s6 =	smul.u32 $0x2800, s25;
	s13 =	ssub.s32 s11, s26  }
0xe: {  	s7 =	sadd.s32 s7, s2;
	s25 =	simm.s32 $0x1A500;
	s26 =	simm.s32 $0x2  }
0xf: {  	s9 =	sshrl.u32 s9, $0x3;
	s8 =	sadd.s32 $0x20000, s8;
	s13 =	smax.u32 s13, $0x1  }
0x10: {  	s14 =	sshrl.u32 s7, $0x3;
	s0 =	sadd.s32 s9, s0;
	s31 =	sshrl.u32 s6, $0x3  }
0x11: {  	[dreg:$0x4] =	wrdreg s8;
	s8 =	sor.u32 $0x1C05, s30;
	s10 =	sadd.s32 s5, s31  }
0x12: {  	s9 =	sadd.s32 s1, s31;
	s12 =	sadd.s32 $0x95C00, s0;
	s11 =	sadd.s32 $0x10, s10  }
.LBB2_1:
0x13: {  	s0 =	rddreg [dreg:$0x4]  }
0x14: {  	[spmem:s14], [sflag:s8] =	dma.local [hbm:s0], $0x2780  }
0x15: {  	_ =	swait.ge [sflag:s15], $0x2780  }
0x16: {  	[sflag:s15] =	ssyncset.done $0x0  }
0x17: {  	[sflag:s15] =	ssyncadd.s32 $0xFFFFD880  }
0x18: {  	[tilespmem:s16], [sflag:$0x5] =	stream.linear.gather [hbm4b:s9+s3], $0x2800, $0x38;
	[tilespmem:$0x1E500] =	vst v63  }
0x19: {  	_ =	swait.ge [sflag:s15], $0x2800  }
0x1a: {  	[sflag:s15] =	ssyncset.done $0x0  }
0x1b: {  	[sflag:s15] =	ssyncadd.s32 $0xFFFFD800  }
0x1c: {  	[bflag:$0x0] =	sbarrier.arrive $0xFFFF  }
0x1d: {  	[tilespmem:s18], [sflag:$0x1] =	stream.indirect.gather [hbm4b:s4+s17], $0x40, s16, s17, $0xb8;
	[tilespmem:$0x1E500] =	vst v63  }
0x1e: {  	_ = 	snop  }
0x1f: {  	[tilespmem:s19], [sflag:$0x3] =	stream.linear.gather [hbm4b:s10+s3], $0x80, $0x38;
	[tilespmem:$0x1E500] =	vst v63  }
0x20: {  	s31 =	simm.s32 $0x13C80  }
0x21: {  	[tilespmem:s21], [sflag:$0x2] =	stream.indirect.gather [hbm4b:s4+s17], $0x40, s31, s17, $0xb8;
	[tilespmem:$0x1E500] =	vst v63  }
0x22: {  	s30 =	simm.s32 $0x0  }
0x23: {  	[tilespmem:s22], [sflag:$0x4] =	stream.linear.gather [hbm4b:s11+s3], $0x80, $0x38;
	[tilespmem:$0x1E500] =	vst v63  }
.LBB2_2:
0x24: {  	_ =	swait.ge [sflag:s23], $0x2000  }
0x25: {  	[sflag:s23] =	ssyncset.done $0x0  }
0x26: {  	[sflag:s23] =	ssyncadd.s32 $0xFFFFE000  }
0x27: {  	_ =	swait.ge [sflag:s24], $0x80  }
0x28: {  	[sflag:s24] =	ssyncset.done $0x0  }
0x29: {  	s1 =	simm.s32 $0x0;
	[sflag:s24] =	ssyncadd.s32 $0xFFFFFF80  }
0x2a: {  	v0 =	vld [tilespmem:s1+$0x16500];
	_ =	sdelay $0x4  }
0x2b: {  	s0 =	simm.s32 $0x1A540;
	v1 =	vshll.u32 v0, $0x10  }
0x2c: {  	v0 =	vand.u32 $0xFFFF0000, v0;
	[tilespmem:s0+$0xFFFFFFC0] =	vst v1  }
0x2d: {  	[tilespmem:s0+$0x0] =	vst v0  }
0x2e: {  	v0 =	vld [tilespmem:s1+$0x16510];
	_ =	sdelay $0x4  }
0x2f: {  	v1 =	vshll.u32 v0, $0x10  }
0x30: {  	v0 =	vand.u32 $0xFFFF0000, v0;
	[tilespmem:s0+$0xFFFFFFD0] =	vst v1  }
0x31: {  	[tilespmem:s0+$0x10] =	vst v0  }
0x32: {  	v0 =	vld [tilespmem:s1+$0x16520];
	_ =	sdelay $0x4  }
0x33: {  	v1 =	vand.u32 $0xFFFF0000, v0  }
0x34: {  	v0 =	vshll.u32 v0, $0x10;
	[tilespmem:s0+$0x20] =	vst v1  }
0x35: {  	[tilespmem:s0+$0xFFFFFFE0] =	vst v0  }
0x36: {  	v0 =	vld [tilespmem:s1+$0x16530];
	_ =	sdelay $0x4  }
0x37: {  	v1 =	vshll.u32 v0, $0x10  }
0x38: {  	v0 =	vand.u32 $0xFFFF0000, v0;
	[tilespmem:s0+$0xFFFFFFF0] =	vst v1  }
0x39: {  	s1 =	simm.s32 $0x40;
	[tilespmem:s0+$0x30] =	vst v0  }
0x3a: {  	v0 =	vld [tilespmem:s1+$0x16500]  }
0x3b: {  	s20 =	simm.s32 $0x200  }
.LBB2_3:
0x3c: {  	p0 =	sne.s32 s20, $0x7F00;
	_ =	sdelay $0x2  }
0x3d: {  	s0 =	sadd.s32 $0x80, s0;
	v1 =	vshll.u32 v0, $0x10  }
0x3e: {  	v0 =	vand.u32 $0xFFFF0000, v0;
	[tilespmem:s0+$0xFFFFFFC0] =	vst v1  }
0x3f: {  	[tilespmem:s0+$0x0] =	vst v0  }
0x40: {  	v0 =	vld [tilespmem:s1+$0x16510];
	_ =	sdelay $0x4  }
0x41: {  	v1 =	vshll.u32 v0, $0x10  }
0x42: {  	v0 =	vand.u32 $0xFFFF0000, v0;
	[tilespmem:s0+$0xFFFFFFD0] =	vst v1  }
0x43: {  	[tilespmem:s0+$0x10] =	vst v0  }
0x44: {  	v0 =	vld [tilespmem:s1+$0x16520];
	_ =	sdelay $0x4  }
0x45: {  	v1 =	vshll.u32 v0, $0x10;
	v0 =	vand.u32 $0xFFFF0000, v0  }
0x46: {  	[tilespmem:s0+$0x20] =	vst v0  }
0x47: {  	[tilespmem:s0+$0xFFFFFFE0] =	vst v1  }
0x48: {  	v0 =	vld [tilespmem:s1+$0x16530];
	_ =	sdelay $0x4  }
.Ltmp0:
0x49: {  	v1 =	vshll.u32 v0, $0x10;
	v0 =	vand.u32 $0xFFFF0000, v0;
	(pc) =	sbr.rel @p0 .LBB2_3-.Ltmp0, $4  }
0x4a: {  	[tilespmem:s0+$0xFFFFFFF0] =	vst v1  }
0x4b: {  	s1 =	sshra.s32 s20, $0x2;
	[tilespmem:s0+$0x30] =	vst v0  }
0x4c: {  	v0 =	vld [tilespmem:s1+$0x16500]  }
0x4d: {  	s20 =	sadd.s32 $0x100, s20  }
0x4e: {  	_ =	sdelay $0x2  }
0x4f: {  	s0 =	sadd.s32 $0x80, s0;
	v1 =	vshll.u32 v0, $0x10  }
0x50: {  	v0 =	vand.u32 $0xFFFF0000, v0;
	[tilespmem:s0+$0xFFFFFFC0] =	vst v1  }
0x51: {  	[tilespmem:s0+$0x0] =	vst v0  }
0x52: {  	v0 =	vld [tilespmem:s1+$0x16510];
	_ =	sdelay $0x4  }
0x53: {  	v1 =	vshll.u32 v0, $0x10  }
0x54: {  	v0 =	vand.u32 $0xFFFF0000, v0;
	[tilespmem:s0+$0xFFFFFFD0] =	vst v1  }
0x55: {  	[tilespmem:s0+$0x10] =	vst v0  }
0x56: {  	v0 =	vld [tilespmem:s1+$0x16520];
	_ =	sdelay $0x4  }
0x57: {  	v1 =	vand.u32 $0xFFFF0000, v0  }
0x58: {  	v0 =	vshll.u32 v0, $0x10;
	[tilespmem:s0+$0x20] =	vst v1  }
0x59: {  	[tilespmem:s0+$0xFFFFFFE0] =	vst v0  }
0x5a: {  	v0 =	vld [tilespmem:s1+$0x16530];
	_ =	sdelay $0x4  }
0x5b: {  	s31 =	sshll.u32 s30, $0x8;
	v1 =	vshll.u32 v0, $0x10  }
0x5c: {  	s20 =	sadd.s32 s6, s31;
	v0 =	vand.u32 $0xFFFF0000, v0;
	[tilespmem:s0+$0xFFFFFFF0] =	vst v1  }
0x5d: {  	s7 =	sadd.s32 $0x13D00, s31;
	[tilespmem:s0+$0x30] =	vst v0;
	s0 =	sshrl.u32 s20, $0x3  }
0x5e: {  	[tilespmem:s18], [sflag:$0x1] =	stream.indirect.gather [hbm4b:s4+s17], $0x40, s7, s17, $0xb8;
	[tilespmem:$0x1E500] =	vst v63  }
0x5f: {  	s0 =	sadd.s32 s5, s0  }
0x60: {  	s7 =	simm.s32 $0x0;
	s20 =	sadd.s32 $0x20, s0  }
0x61: {  	[tilespmem:s19], [sflag:$0x3] =	stream.linear.gather [hbm4b:s20+s7], $0x80, $0x38;
	[tilespmem:$0x1E500] =	vst v63  }
0x62: {  	_ = 	snop  }
0x63: {  	[spmem:s2] =	stream.indirect.scatter.add.f32 [tilespmem:s25], [sflag:$0x5], $0x80, s19, s17, $0xb8;
	[tilespmem:$0x1E500] =	vst v63  }
0x64: {  	_ =	swait.ge [sflag:s15], $0x4000  }
0x65: {  	[sflag:s15] =	ssyncset.done $0x0  }
0x66: {  	[sflag:s15] =	ssyncadd.s32 $0xFFFFC000  }
0x67: {  	_ =	swait.ge [sflag:s26], $0x2000  }
0x68: {  	[sflag:s26] =	ssyncset.done $0x0  }
0x69: {  	[sflag:s26] =	ssyncadd.s32 $0xFFFFE000  }
0x6a: {  	_ =	swait.ge [sflag:s28], $0x80  }
0x6b: {  	[sflag:s28] =	ssyncset.done $0x0  }
0x6c: {  	s20 =	simm.s32 $0x0;
	[sflag:s28] =	ssyncadd.s32 $0xFFFFFF80  }
0x6d: {  	v0 =	vld [tilespmem:s20+$0x18500];
	_ =	sdelay $0x4  }
0x6e: {  	s1 =	simm.s32 $0x1A540;
	v1 =	vshll.u32 v0, $0x10  }
0x6f: {  	v0 =	vand.u32 $0xFFFF0000, v0;
	[tilespmem:s1+$0xFFFFFFC0] =	vst v1  }
0x70: {  	[tilespmem:s1+$0x0] =	vst v0  }
0x71: {  	v0 =	vld [tilespmem:s20+$0x18510];
	_ =	sdelay $0x4  }
0x72: {  	v1 =	vshll.u32 v0, $0x10  }
0x73: {  	v0 =	vand.u32 $0xFFFF0000, v0;
	[tilespmem:s1+$0xFFFFFFD0] =	vst v1  }
0x74: {  	[tilespmem:s1+$0x10] =	vst v0  }
0x75: {  	v0 =	vld [tilespmem:s20+$0x18520];
	_ =	sdelay $0x4  }
0x76: {  	v1 =	vand.u32 $0xFFFF0000, v0  }
0x77: {  	v0 =	vshll.u32 v0, $0x10;
	[tilespmem:s1+$0x20] =	vst v1  }
0x78: {  	[tilespmem:s1+$0xFFFFFFE0] =	vst v0  }
0x79: {  	v0 =	vld [tilespmem:s20+$0x18530];
	_ =	sdelay $0x4  }
0x7a: {  	v1 =	vshll.u32 v0, $0x10  }
0x7b: {  	v0 =	vand.u32 $0xFFFF0000, v0;
	[tilespmem:s1+$0xFFFFFFF0] =	vst v1  }
0x7c: {  	s20 =	simm.s32 $0x40;
	[tilespmem:s1+$0x30] =	vst v0  }
0x7d: {  	v0 =	vld [tilespmem:s20+$0x18500]  }
0x7e: {  	s7 =	simm.s32 $0x200  }
.LBB2_5:
0x7f: {  	p0 =	sne.s32 s7, $0x7F00;
	_ =	sdelay $0x2  }
0x80: {  	s1 =	sadd.s32 $0x80, s1;
	v1 =	vshll.u32 v0, $0x10  }
0x81: {  	v0 =	vand.u32 $0xFFFF0000, v0;
	[tilespmem:s1+$0xFFFFFFC0] =	vst v1  }
0x82: {  	[tilespmem:s1+$0x0] =	vst v0  }
0x83: {  	v0 =	vld [tilespmem:s20+$0x18510];
	_ =	sdelay $0x4  }
0x84: {  	v1 =	vshll.u32 v0, $0x10  }
0x85: {  	v0 =	vand.u32 $0xFFFF0000, v0;
	[tilespmem:s1+$0xFFFFFFD0] =	vst v1  }
0x86: {  	[tilespmem:s1+$0x10] =	vst v0  }
0x87: {  	v0 =	vld [tilespmem:s20+$0x18520];
	_ =	sdelay $0x4  }
0x88: {  	v1 =	vshll.u32 v0, $0x10;
	v0 =	vand.u32 $0xFFFF0000, v0  }
0x89: {  	[tilespmem:s1+$0x20] =	vst v0  }
0x8a: {  	[tilespmem:s1+$0xFFFFFFE0] =	vst v1  }
0x8b: {  	v0 =	vld [tilespmem:s20+$0x18530];
	_ =	sdelay $0x4  }
.Ltmp1:
0x8c: {  	v1 =	vshll.u32 v0, $0x10;
	v0 =	vand.u32 $0xFFFF0000, v0;
	(pc) =	sbr.rel @p0 .LBB2_5-.Ltmp1, $4  }
0x8d: {  	[tilespmem:s1+$0xFFFFFFF0] =	vst v1  }
0x8e: {  	s20 =	sshra.s32 s7, $0x2;
	[tilespmem:s1+$0x30] =	vst v0  }
0x8f: {  	v0 =	vld [tilespmem:s20+$0x18500]  }
0x90: {  	s7 =	sadd.s32 $0x100, s7  }
0x91: {  	_ =	sdelay $0x2  }
0x92: {  	s1 =	sadd.s32 $0x80, s1;
	v1 =	vshll.u32 v0, $0x10  }
0x93: {  	v60 =	vand.u32 $0xFFFF0000, v0;
	[tilespmem:s1+$0xFFFFFFC0] =	vst v1  }
0x94: {  	[tilespmem:s1+$0x0] =	vst v60  }
0x95: {  	v0 =	vld [tilespmem:s20+$0x18510];
	_ =	sdelay $0x4  }
0x96: {  	v61 =	vshll.u32 v0, $0x10  }
0x97: {  	v0 =	vand.u32 $0xFFFF0000, v0;
	[tilespmem:s1+$0xFFFFFFD0] =	vst v61  }
0x98: {  	[tilespmem:s1+$0x10] =	vst v0  }
0x99: {  	v0 =	vld [tilespmem:s20+$0x18520];
	_ =	sdelay $0x4  }
0x9a: {  	v62 =	vand.u32 $0xFFFF0000, v0  }
0x9b: {  	v0 =	vshll.u32 v0, $0x10;
	[tilespmem:s1+$0x20] =	vst v62  }
0x9c: {  	[tilespmem:s1+$0xFFFFFFE0] =	vst v0  }
0x9d: {  	v0 =	vld [tilespmem:s20+$0x18530];
	_ =	sdelay $0x4  }
0x9e: {  	v63 =	vshll.u32 v0, $0x10  }
0x9f: {  	v0 =	vand.u32 $0xFFFF0000, v0;
	[tilespmem:s1+$0xFFFFFFF0] =	vst v63  }
0xa0: {  	s31 =	sadd.s32 $0x13D80, s31;
	s30 =	sadd.s32 $0x1, s30;
	[tilespmem:s1+$0x30] =	vst v0  }
0xa1: {  	[tilespmem:s21], [sflag:$0x2] =	stream.indirect.gather [hbm4b:s4+s17], $0x40, s31, s17, $0xb8;
	[tilespmem:$0x1E500] =	vst v63  }
0xa2: {  	s0 =	sadd.s32 $0x30, s0;
	p0 =	sne.s32 s30, $0x27  }
0xa3: {  	[tilespmem:s22], [sflag:$0x4] =	stream.linear.gather [hbm4b:s0+s3], $0x80, $0x38;
	[tilespmem:$0x1E500] =	vst v63  }
.Ltmp2:
0xa4: {  	_ = 	snop;
	(pc) =	sbr.rel @p0 .LBB2_2-.Ltmp2, $4  }
0xa5: {  	[spmem:s2] =	stream.indirect.scatter.add.f32 [tilespmem:s25], [sflag:$0x5], $0x80, s22, s17, $0xb8;
	[tilespmem:$0x1E500] =	vst v63  }
0xa6: {  	_ =	swait.ge [sflag:s15], $0x4000  }
0xa7: {  	[sflag:s15] =	ssyncset.done $0x0  }
0xa8: {  	[sflag:s15] =	ssyncadd.s32 $0xFFFFC000  }
0xa9: {  	_ =	swait.ge [sflag:s23], $0x2000  }
0xaa: {  	[sflag:s23] =	ssyncset.done $0x0  }
0xab: {  	[sflag:s23] =	ssyncadd.s32 $0xFFFFE000  }
0xac: {  	_ =	swait.ge [sflag:s24], $0x80  }
0xad: {  	[sflag:s24] =	ssyncset.done $0x0  }
0xae: {  	s1 =	simm.s32 $0x0;
	[sflag:s24] =	ssyncadd.s32 $0xFFFFFF80  }
0xaf: {  	v0 =	vld [tilespmem:s1+$0x16500];
	_ =	sdelay $0x4  }
0xb0: {  	s0 =	simm.s32 $0x1A540;
	v1 =	vshll.u32 v0, $0x10  }
0xb1: {  	v0 =	vand.u32 $0xFFFF0000, v0;
	[tilespmem:s0+$0xFFFFFFC0] =	vst v1  }
0xb2: {  	[tilespmem:s0+$0x0] =	vst v0  }
0xb3: {  	v0 =	vld [tilespmem:s1+$0x16510];
	_ =	sdelay $0x4  }
0xb4: {  	v1 =	vshll.u32 v0, $0x10  }
0xb5: {  	v0 =	vand.u32 $0xFFFF0000, v0;
	[tilespmem:s0+$0xFFFFFFD0] =	vst v1  }
0xb6: {  	[tilespmem:s0+$0x10] =	vst v0  }
0xb7: {  	v0 =	vld [tilespmem:s1+$0x16520];
	_ =	sdelay $0x4  }
0xb8: {  	v1 =	vand.u32 $0xFFFF0000, v0  }
0xb9: {  	v0 =	vshll.u32 v0, $0x10;
	[tilespmem:s0+$0x20] =	vst v1  }
0xba: {  	[tilespmem:s0+$0xFFFFFFE0] =	vst v0  }
0xbb: {  	v0 =	vld [tilespmem:s1+$0x16530];
	_ =	sdelay $0x4  }
0xbc: {  	v1 =	vshll.u32 v0, $0x10  }
0xbd: {  	v0 =	vand.u32 $0xFFFF0000, v0;
	[tilespmem:s0+$0xFFFFFFF0] =	vst v1  }
0xbe: {  	s1 =	simm.s32 $0x40;
	[tilespmem:s0+$0x30] =	vst v0  }
0xbf: {  	v0 =	vld [tilespmem:s1+$0x16500]  }
0xc0: {  	s7 =	simm.s32 $0x200  }
.LBB2_8:
0xc1: {  	p0 =	sne.s32 s7, $0x7F00;
	_ =	sdelay $0x2  }
0xc2: {  	s0 =	sadd.s32 $0x80, s0;
	v1 =	vshll.u32 v0, $0x10  }
0xc3: {  	v0 =	vand.u32 $0xFFFF0000, v0;
	[tilespmem:s0+$0xFFFFFFC0] =	vst v1  }
0xc4: {  	[tilespmem:s0+$0x0] =	vst v0  }
0xc5: {  	v0 =	vld [tilespmem:s1+$0x16510];
	_ =	sdelay $0x4  }
0xc6: {  	v1 =	vshll.u32 v0, $0x10  }
0xc7: {  	v0 =	vand.u32 $0xFFFF0000, v0;
	[tilespmem:s0+$0xFFFFFFD0] =	vst v1  }
0xc8: {  	[tilespmem:s0+$0x10] =	vst v0  }
0xc9: {  	v0 =	vld [tilespmem:s1+$0x16520];
	_ =	sdelay $0x4  }
0xca: {  	v1 =	vshll.u32 v0, $0x10;
	v0 =	vand.u32 $0xFFFF0000, v0  }
0xcb: {  	[tilespmem:s0+$0x20] =	vst v0  }
0xcc: {  	[tilespmem:s0+$0xFFFFFFE0] =	vst v1  }
0xcd: {  	v0 =	vld [tilespmem:s1+$0x16530];
	_ =	sdelay $0x4  }
.Ltmp3:
0xce: {  	v1 =	vshll.u32 v0, $0x10;
	v0 =	vand.u32 $0xFFFF0000, v0;
	(pc) =	sbr.rel @p0 .LBB2_8-.Ltmp3, $4  }
0xcf: {  	[tilespmem:s0+$0xFFFFFFF0] =	vst v1  }
0xd0: {  	s1 =	sshra.s32 s7, $0x2;
	[tilespmem:s0+$0x30] =	vst v0  }
0xd1: {  	v0 =	vld [tilespmem:s1+$0x16500]  }
0xd2: {  	s7 =	sadd.s32 $0x100, s7  }
0xd3: {  	_ =	sdelay $0x2  }
0xd4: {  	s0 =	sadd.s32 $0x80, s0;
	v1 =	vshll.u32 v0, $0x10  }
0xd5: {  	v0 =	vand.u32 $0xFFFF0000, v0;
	[tilespmem:s0+$0xFFFFFFC0] =	vst v1  }
0xd6: {  	[tilespmem:s0+$0x0] =	vst v0  }
0xd7: {  	v0 =	vld [tilespmem:s1+$0x16510];
	_ =	sdelay $0x4  }
0xd8: {  	v1 =	vshll.u32 v0, $0x10  }
0xd9: {  	v0 =	vand.u32 $0xFFFF0000, v0;
	[tilespmem:s0+$0xFFFFFFD0] =	vst v1  }
0xda: {  	[tilespmem:s0+$0x10] =	vst v0  }
0xdb: {  	v0 =	vld [tilespmem:s1+$0x16520];
	_ =	sdelay $0x4  }
0xdc: {  	v1 =	vand.u32 $0xFFFF0000, v0  }
0xdd: {  	v0 =	vshll.u32 v0, $0x10;
	[tilespmem:s0+$0x20] =	vst v1  }
0xde: {  	[tilespmem:s0+$0xFFFFFFE0] =	vst v0  }
0xdf: {  	v0 =	vld [tilespmem:s1+$0x16530];
	_ =	sdelay $0x4  }
0xe0: {  	v1 =	vshll.u32 v0, $0x10  }
0xe1: {  	v0 =	vand.u32 $0xFFFF0000, v0;
	[tilespmem:s0+$0xFFFFFFF0] =	vst v1  }
0xe2: {  	[tilespmem:s0+$0x30] =	vst v0  }
0xe3: {  	[spmem:s2] =	stream.indirect.scatter.add.f32 [tilespmem:s25], [sflag:$0x5], $0x80, s19, s17, $0xb8;
	[tilespmem:$0x1E500] =	vst v63  }
0xe4: {  	_ =	swait.ge [sflag:s15], $0x4000  }
0xe5: {  	[sflag:s15] =	ssyncset.done $0x0  }
0xe6: {  	[sflag:s15] =	ssyncadd.s32 $0xFFFFC000  }
0xe7: {  	_ =	swait.ge [sflag:s26], $0x2000  }
0xe8: {  	[sflag:s26] =	ssyncset.done $0x0  }
0xe9: {  	[sflag:s26] =	ssyncadd.s32 $0xFFFFE000  }
0xea: {  	_ =	swait.ge [sflag:s28], $0x80  }
0xeb: {  	[sflag:s28] =	ssyncset.done $0x0  }
0xec: {  	s31 =	simm.s32 $0x0;
	[sflag:s28] =	ssyncadd.s32 $0xFFFFFF80  }
0xed: {  	v0 =	vld [tilespmem:s31+$0x18500];
	_ =	sdelay $0x4  }
0xee: {  	s0 =	simm.s32 $0x1A540;
	v1 =	vshll.u32 v0, $0x10  }
0xef: {  	v0 =	vand.u32 $0xFFFF0000, v0;
	[tilespmem:s0+$0xFFFFFFC0] =	vst v1  }
0xf0: {  	[tilespmem:s0+$0x0] =	vst v0  }
0xf1: {  	v0 =	vld [tilespmem:s31+$0x18510];
	_ =	sdelay $0x4  }
0xf2: {  	v1 =	vshll.u32 v0, $0x10  }
0xf3: {  	v0 =	vand.u32 $0xFFFF0000, v0;
	[tilespmem:s0+$0xFFFFFFD0] =	vst v1  }
0xf4: {  	[tilespmem:s0+$0x10] =	vst v0  }
0xf5: {  	v0 =	vld [tilespmem:s31+$0x18520];
	_ =	sdelay $0x4  }
0xf6: {  	v1 =	vand.u32 $0xFFFF0000, v0  }
0xf7: {  	v0 =	vshll.u32 v0, $0x10;
	[tilespmem:s0+$0x20] =	vst v1  }
0xf8: {  	[tilespmem:s0+$0xFFFFFFE0] =	vst v0  }
0xf9: {  	v0 =	vld [tilespmem:s31+$0x18530];
	_ =	sdelay $0x4  }
0xfa: {  	v1 =	vshll.u32 v0, $0x10  }
0xfb: {  	v0 =	vand.u32 $0xFFFF0000, v0;
	[tilespmem:s0+$0xFFFFFFF0] =	vst v1  }
0xfc: {  	s1 =	simm.s32 $0x40;
	[tilespmem:s0+$0x30] =	vst v0  }
0xfd: {  	v0 =	vld [tilespmem:s1+$0x18500]  }
0xfe: {  	s7 =	simm.s32 $0x200  }
.LBB2_10:
0xff: {  	p0 =	sne.s32 s7, $0x7F00;
	_ =	sdelay $0x2  }
0x100: {  	s0 =	sadd.s32 $0x80, s0;
	v1 =	vshll.u32 v0, $0x10  }
0x101: {  	v0 =	vand.u32 $0xFFFF0000, v0;
	[tilespmem:s0+$0xFFFFFFC0] =	vst v1  }
0x102: {  	[tilespmem:s0+$0x0] =	vst v0  }
0x103: {  	v0 =	vld [tilespmem:s1+$0x18510];
	_ =	sdelay $0x4  }
0x104: {  	v1 =	vshll.u32 v0, $0x10  }
0x105: {  	v0 =	vand.u32 $0xFFFF0000, v0;
	[tilespmem:s0+$0xFFFFFFD0] =	vst v1  }
0x106: {  	[tilespmem:s0+$0x10] =	vst v0  }
0x107: {  	v0 =	vld [tilespmem:s1+$0x18520];
	_ =	sdelay $0x4  }
0x108: {  	v1 =	vshll.u32 v0, $0x10;
	v0 =	vand.u32 $0xFFFF0000, v0  }
0x109: {  	[tilespmem:s0+$0x20] =	vst v0  }
0x10a: {  	[tilespmem:s0+$0xFFFFFFE0] =	vst v1  }
0x10b: {  	v0 =	vld [tilespmem:s1+$0x18530];
	_ =	sdelay $0x4  }
.Ltmp4:
0x10c: {  	v1 =	vshll.u32 v0, $0x10;
	v0 =	vand.u32 $0xFFFF0000, v0;
	(pc) =	sbr.rel @p0 .LBB2_10-.Ltmp4, $4  }
0x10d: {  	[tilespmem:s0+$0xFFFFFFF0] =	vst v1  }
0x10e: {  	s1 =	sshra.s32 s7, $0x2;
	[tilespmem:s0+$0x30] =	vst v0  }
0x10f: {  	v0 =	vld [tilespmem:s1+$0x18500]  }
0x110: {  	s7 =	sadd.s32 $0x100, s7  }
0x111: {  	_ =	sdelay $0x2  }
0x112: {  	s0 =	sadd.s32 $0x80, s0;
	v1 =	vshll.u32 v0, $0x10  }
0x113: {  	v60 =	vand.u32 $0xFFFF0000, v0;
	[tilespmem:s0+$0xFFFFFFC0] =	vst v1  }
0x114: {  	[tilespmem:s0+$0x0] =	vst v60  }
0x115: {  	v0 =	vld [tilespmem:s1+$0x18510];
	_ =	sdelay $0x4  }
0x116: {  	v61 =	vshll.u32 v0, $0x10  }
0x117: {  	v0 =	vand.u32 $0xFFFF0000, v0;
	[tilespmem:s0+$0xFFFFFFD0] =	vst v61  }
0x118: {  	[tilespmem:s0+$0x10] =	vst v0  }
0x119: {  	v0 =	vld [tilespmem:s1+$0x18520];
	_ =	sdelay $0x4  }
0x11a: {  	v62 =	vand.u32 $0xFFFF0000, v0  }
0x11b: {  	v0 =	vshll.u32 v0, $0x10;
	[tilespmem:s0+$0x20] =	vst v62  }
0x11c: {  	[tilespmem:s0+$0xFFFFFFE0] =	vst v0  }
0x11d: {  	v0 =	vld [tilespmem:s1+$0x18530];
	_ =	sdelay $0x4  }
0x11e: {  	v63 =	vshll.u32 v0, $0x10  }
0x11f: {  	v0 =	vand.u32 $0xFFFF0000, v0;
	[tilespmem:s0+$0xFFFFFFF0] =	vst v63  }
0x120: {  	[tilespmem:s0+$0x30] =	vst v0  }
0x121: {  	[spmem:s2] =	stream.indirect.scatter.add.f32 [tilespmem:s25], [sflag:$0x5], $0x80, s22, s17, $0xb8;
	[tilespmem:$0x1E500] =	vst v63  }
0x122: {  	_ =	swait.ge [sflag:s15], $0x4000  }
0x123: {  	s29 =	sadd.s32 $0x1, s29;
	[sflag:s15] =	ssyncset.done $0x0  }
0x124: {  	p0 =	sne.s32 s29, s13;
	[sflag:s15] =	ssyncadd.s32 $0xFFFFC000  }
.Ltmp5:
0x125: {  	[bflag:$0x0] =	sbarrier.arrive $0xFFFF;
	(pc) =	sbr.rel @p0 .LBB2_1-.Ltmp5, $4  }
0x126: {  	[hbm:s12], [sflag:s8] =	dma.local [spmem:s14], $0x2780  }
0x127: {  	_ =	swait.ge [sflag:s15], $0x2780  }
0x128: {  	[sflag:s15] =	ssyncset.done $0x0  }
0x129: {  	[sflag:s15] =	ssyncadd.s32 $0xFFFFD880  }
0x12a: {  	_ =	sfence.sel $0x180000  }
0x12b: {  	[bflag:$0x0] =	sbarrier.arrive $0xFFFF  }
0x12c: {  	_ =	strace $0x9000004D  }
0x12d: {  	s0 =	stileid.u32;
	[bflag:$0x2] =	sbarrier.arrive $0xFFFF  }
0x12e: {  	p0 =	sne.s32 s0, $0x0;
	s0 =	rddreg [dreg:$0x3]  }
0x12f: {  	s0 =	sadd.s32 @!p0 $0x100000, s0  }
0x130: {  	[sflag:s0] =	ssyncadd.tile.s32 @!p0 $0x1;
	_ =	shalt  }
.Lfunc_end2:
_tile_overlayer_lowered:
.L_overlay_start_2:
0x131: {  	(tag) =	ssettag $0x2  }
0x132: {  	s0 =	rddreg [dreg:$0x0];
	s2 =	stileid.u32  }
0x133: {  	s1 =	rddreg [dreg:$0x1];
	p0 =	sne.s32 s2, $0x0  }
0x134: {  	s3 =	rddreg [dreg:$0x2];
	[bflag:$0x3] =	sbarrier.arrive $0xFFFF;
	s2 =	simm.s32 @!p0 $0x1C05  }
0x135: {  	[timem:s3], [sflag:s2] =	dma.local @!p0 [hbm:s0], s1  }
0x136: {  	s0 =	simm.s32 @!p0 $0x5  }
0x137: {  	_ =	swait.ge @!p0 [sflag:s0], s1  }
0x138: {  	s1 =	ssub.s32 @!p0 $0x0, s1;
	[sflag:s0] =	ssyncset.done @!p0 $0x0  }
0x139: {  	[sflag:s0] =	ssyncadd.s32 @!p0 s1  }
0x13a: {  	[bflag:$0x3] =	sbarrier.arrive $0xFFFF  }
0x13b: {  	_ =	shalt  }

// kernel: kernel.18.cloned.1.call-start
scs
__scs_entry_jumppad:
0x0: {  	(pc) =	sbr.rel $0x88, $3  }
0x1: {  	(tag) =	ssettag $0x0;
	lr =	simm.s32 $0x1  }
0x2: {  	[smem:$0x3F94] =	sst lr;
	_ =	strace $0xD0000000  }
0x3: {  	_ = 	snop  }
0x4: {  	_ = 	snop  }
0x5: {  	_ = 	snop  }
0x6: {  	_ = 	snop  }
0x7: {  	_ = 	snop  }
__scs_overlays_trampoline_lowered:
0x8: {  	[smem:$0x3FA3] =	sst s0  }
0x9: {  	[smem:$0x3FA4] =	sst s1  }
0xa: {  	[smem:$0x3FA5] =	sst s2  }
0xb: {  	[smem:$0x3FA6] =	sst s3  }
0xc: {  	[smem:$0x3FA7] =	sst s4  }
0xd: {  	[smem:$0x3FA8] =	sst s5  }
0xe: {  	[smem:$0x3FA9] =	sst s6  }
0xf: {  	[smem:$0x3FAA] =	sst s7  }
0x10: {  	[smem:$0x3FAB] =	sst s8  }
0x11: {  	[smem:$0x3FAC] =	sst s9;
	s0 =	simm.s32 @!p0 $0x0  }
0x12: {  	s1 =	sld [smem:$0x3F92];
	s0 =	simm.s32 @p0 $0x1  }
0x13: {  	[smem:$0x3FAD] =	sst s0;
	s0 =	simm.s32 @!p1 $0x0  }
0x14: {  	s2 =	sld [smem:$0x3F91];
	s0 =	simm.s32 @p1 $0x1  }
0x15: {  	[smem:$0x3FAE] =	sst s0;
	s0 =	simm.s32 @!p2 $0x0  }
0x16: {  	s3 =	sld [smem:$0x3FDB];
	s0 =	simm.s32 @p2 $0x1  }
0x17: {  	s4 =	simm.s32 $0x1BF5;
	[smem:$0x3FB0] =	sst s0  }
0x18: {  	s0 =	sld [smem:$0x3F93];
	_ =	swait.ge [sflag:s4], $0x0  }
0x19: {  	s7 =	sld [smem:$0x3F94]  }
0x1a: {  	s8 =	sadd.s32 $0xFFFFE003, lr  }
0x1b: {  	s9 =	sadd.s32 $0xFFFFFEF7, lr;
	s5 =	simm.s32 $0xFFFFFFFF;
	p2 =	slt.u32 s8, $0xFFFFF086  }
0x1c: {  	p1 =	slt.u32 s9, $0xF7A;
	s5 =	simm.s32 @!p2 $0x0  }
0x1d: {  	s5 =	simm.s32 @p1 $0x1;
	p0 =	seq.s32 s7, s2  }
0x1e: {  	s7 =	smul.u32 @!p0 $0xF7A, s2;
	p2 =	seq.s32 @!p0 s5, $0x0  }
0x1f: {  	s9 =	smul.u32 $0xF7A, s1;
	s8 =	simm.s32 @!p0 $0x1BF5;
	p2 =	por !p2, p0  }
0x20: {  	[sflag:s8] =	ssyncset.s32 @!p0 $0xFFFFF086;
	s6 =	sadd.s32 @!p0 s3, s7;
	s7 =	simm.s32 @!p0 $0x108  }
0x21: {  	s3 =	sadd.s32 s3, s9;
	s6 =	sadd.s32 @!p0 $0x88, s6;
	s7 =	simm.s32 @p2 $0x1082  }
0x22: {  	[simem:s7], [sflag:s8] =	dma.local @!p0 [hbm:s6], $0xF7A  }
0x23: {  	s9 =	sor.u32 $0xD0000000, s2;
	s6 =	simm.s32 $0x108;
	_ =	swait.ge @!p0 [sflag:s8], $0x0  }
0x24: {  	s3 =	sadd.s32 $0x88, s3;
	s6 =	simm.s32 @!p1 $0x1082;
	[sflag:s4] =	ssyncset.s32 $0xFFFFF086  }
0x25: {  	[simem:s6], [sflag:s4] =	dma.local [hbm:s3], $0xF7A  }
0x26: {  	[smem:$0x3F94] =	sst s1;
	(tag) =	ssettag s2;
	_ =	strace s9  }
0x27: {  	s1 =	sld [smem:$0x3FA4]  }
0x28: {  	s2 =	sld [smem:$0x3FA5]  }
0x29: {  	s4 =	sld [smem:$0x3FA7]  }
0x2a: {  	p0 =	seq.s32 s5, $0x0;
	s5 =	sld [smem:$0x3FA8]  }
0x2b: {  	s6 =	sld [smem:$0x3FA9]  }
0x2c: {  	s7 =	sld [smem:$0x3FAA]  }
0x2d: {  	s3 =	simm.s32 $0x108;
	s8 =	sld [smem:$0x3FAB]  }
0x2e: {  	s3 =	simm.s32 @!p0 $0x1082;
	s9 =	sld [smem:$0x3FAC]  }
0x2f: {  	lr =	sadd.s32 s0, s3;
	s0 =	sld [smem:$0x3FA3]  }
0x30: {  	s3 =	sld [smem:$0x3FA6]  }
0x31: {  	[smem:$0x3FAF] =	sst s10  }
0x32: {  	s10 =	sld [smem:$0x3FAD];
	_ =	sdelay $0x3  }
0x33: {  	p0 =	seq.s32 s10, $0x1;
	s10 =	sld [smem:$0x3FAF];
	_ =	sdelay $0x3  }
0x34: {  	[smem:$0x3FAF] =	sst s10  }
0x35: {  	s10 =	sld [smem:$0x3FAE];
	_ =	sdelay $0x3  }
0x36: {  	p1 =	seq.s32 s10, $0x1;
	s10 =	sld [smem:$0x3FAF];
	_ =	sdelay $0x3  }
0x37: {  	[smem:$0x3FAF] =	sst s10  }
0x38: {  	s10 =	sld [smem:$0x3FB0]  }
0x39: {  	_ = 	snop;
	(pc) =	sbr.ind lr, $3  }
0x3a: {  	_ = 	snop  }
0x3b: {  	_ = 	snop  }
0x3c: {  	p2 =	seq.s32 s10, $0x1;
	s10 =	sld [smem:$0x3FAF]  }
0x3d: {  	_ =	shalt  }
0x3e: {  	_ =	shalt  }
0x3f: {  	_ =	shalt  }
0x40: {  	_ =	shalt  }
0x41: {  	_ =	shalt  }
0x42: {  	_ =	shalt  }
0x43: {  	_ =	shalt  }
0x44: {  	_ =	shalt  }
0x45: {  	_ =	shalt  }
0x46: {  	_ =	shalt  }
0x47: {  	_ =	shalt  }
0x48: {  	_ =	shalt  }
0x49: {  	_ =	shalt  }
0x4a: {  	_ =	shalt  }
0x4b: {  	_ =	shalt  }
0x4c: {  	_ =	shalt  }
0x4d: {  	_ =	shalt  }
0x4e: {  	_ =	shalt  }
0x4f: {  	_ =	shalt  }
0x50: {  	_ =	shalt  }
0x51: {  	_ =	shalt  }
0x52: {  	_ =	shalt  }
0x53: {  	_ =	shalt  }
0x54: {  	_ =	shalt  }
0x55: {  	_ =	shalt  }
0x56: {  	_ =	shalt  }
0x57: {  	_ =	shalt  }
0x58: {  	_ =	shalt  }
0x59: {  	_ =	shalt  }
0x5a: {  	_ =	shalt  }
0x5b: {  	_ =	shalt  }
0x5c: {  	_ =	shalt  }
0x5d: {  	_ =	shalt  }
0x5e: {  	_ =	shalt  }
0x5f: {  	_ =	shalt  }
0x60: {  	_ =	shalt  }
0x61: {  	_ =	shalt  }
0x62: {  	_ =	shalt  }
0x63: {  	_ =	shalt  }
0x64: {  	_ =	shalt  }
0x65: {  	_ =	shalt  }
0x66: {  	_ =	shalt  }
0x67: {  	_ =	shalt  }
0x68: {  	_ =	shalt  }
0x69: {  	_ =	shalt  }
0x6a: {  	_ =	shalt  }
0x6b: {  	_ =	shalt  }
0x6c: {  	_ =	shalt  }
0x6d: {  	_ =	shalt  }
0x6e: {  	_ =	shalt  }
0x6f: {  	_ =	shalt  }
0x70: {  	_ =	shalt  }
0x71: {  	_ =	shalt  }
0x72: {  	_ =	shalt  }
0x73: {  	_ =	shalt  }
0x74: {  	_ =	shalt  }
0x75: {  	_ =	shalt  }
0x76: {  	_ =	shalt  }
0x77: {  	_ =	shalt  }
0x78: {  	_ =	shalt  }
0x79: {  	_ =	shalt  }
0x7a: {  	_ =	shalt  }
0x7b: {  	_ =	shalt  }
0x7c: {  	_ =	shalt  }
0x7d: {  	_ =	shalt  }
0x7e: {  	_ =	shalt  }
0x7f: {  	_ =	shalt  }
0x80: {  	_ =	shalt  }
0x81: {  	_ =	shalt  }
0x82: {  	_ =	shalt  }
0x83: {  	_ =	shalt  }
0x84: {  	_ =	shalt  }
0x85: {  	_ =	shalt  }
0x86: {  	_ =	shalt  }
0x87: {  	_ =	shalt  }
.Lfunc_end0:
.L_simem_size_0:
called_computation.3_lowered:
.L_overlay_start_0:
0x88: {  	s2 =	sld [smem:$0x3FD9]  }
0x89: {  	s3 =	sld [smem:$0x3FFE];
	_ =	sdelay $0x1  }
0x8a: {  	s1 =	srdreg.scid  }
0x8b: {  	s0 =	sand.u32 $0x1, s1  }
0x8c: {  	s17 =	sshll.u32 s0, $0xA;
	s2 =	sadd.s32 s3, s2  }
0x8d: {  	s2 =	sadd.s32 s2, s17  }
0x8e: {  	[smem:$0x3FBB] =	sst s2  }
0x8f: {  	_ = 	snop  }
0x90: {  	s2 =	sld [smem:$0x3FD0];
	(tm) =	ssettm $0x1  }
0x91: {  	s18 =	sld [smem:$0x3FFB];
	_ =	sdelay $0x3  }
0x92: {  	_ =	strace s18  }
0x93: {  	s3 =	sld [smem:$0x3FFC];
	_ =	sdelay $0x3  }
0x94: {  	_ =	strace s3  }
0x95: {  	s3 =	sld [smem:$0x3FFD];
	_ =	sdelay $0x3  }
0x96: {  	_ =	strace s3  }
0x97: {  	_ =	strace $0x8FFFFFFF  }
0x98: {  	s19 =	sld [smem:$0x3FDB];
	_ =	sdelay $0x1  }
0x99: {  	s4 =	simm.s32 $_scs_section_size  }
0x9a: {  	s5 =	simm.s32 $_size__tile_overlayer_lowered;
	s6 =	simm.s32 $_tile_overlayer_lowered  }
0x9b: {  	s22 =	simm.s32 $0x1BFF;
	s21 =	sshll.u32 s6, $0x1;
	s3 =	sadd.s32 s4, s19  }
0x9c: {  	s7 =	simm.s32 $0x0;
	s20 =	sshll.u32 s5, $0x1;
	s5 =	sadd.s32 s21, s3  }
0x9d: {  	[timem:s7], [sflag:s22] =	dma.local [hbm:s5], s20  }
0x9e: {  	_ =	swait.ge [sflag:s22], s20  }
0x9f: {  	s4 =	ssub.s32 $0x0, s20;
	[sflag:s22] =	ssyncset.done $0x0  }
0xa0: {  	[sflag:s22] =	ssyncadd.s32 s4;
	_ =	sdelay $0x1  }
0xa1: {  	s23 =	simm.s32 $0x1B8B  }
0xa2: {  	_ =	swait.ge [sflag:s23], $0x1  }
0xa3: {  	[sflag:s23] =	ssyncset.done $0x0  }
0xa4: {  	s25 =	simm.s32 $0x1B8E;
	s24 =	sld [smem:$0x3FFE];
	[sflag:s23] =	ssyncadd.s32 $0xFFFFFFFF  }
0xa5: {  	s26 =	simm.s32 $execute0_lowered;
	[smem:$0x3FD2] =	sst s25  }
0xa6: {  	s5 =	sshll.u32 s26, $0x1;
	_ =	strace $0x8000004F;
	[dreg:$0x1] =	wrdreg $0xFFFFFFFF  }
0xa7: {  	s28 =	simm.s32 $_size_execute0_lowered;
	s3 =	sadd.s32 s3, s5;
	[dreg:$0x0] =	wrdreg $0x0  }
0xa8: {  	s5 =	sshll.u32 s28, $0x1;
	[dreg:$0x2] =	wrdreg s3  }
0xa9: {  	[dreg:$0x3] =	wrdreg s5  }
0xaa: {  	[dreg:$0x4] =	wrdreg $0xC0  }
0xab: {  	_ =	task [dreg:s7], $0x5FFFF  }
0xac: {  	[dreg:$0x1] =	wrdreg $0xFFFFFFFF  }
0xad: {  	[dreg:$0x0] =	wrdreg $0x60  }
0xae: {  	[dreg:$0x2] =	wrdreg s24  }
0xaf: {  	[dreg:$0x3] =	wrdreg s2  }
0xb0: {  	[dreg:$0x4] =	wrdreg $0x0  }
0xb1: {  	[dreg:$0x5] =	wrdreg $0x9  }
0xb2: {  	_ =	task.clear_ibuf [dreg:s7], $0x6FFFF;
	_ =	strace $0x9000004F  }
0xb3: {  	s29 =	simm.s32 $0x9;
	_ =	strace $0x80000051  }
0xb4: {  	_ =	swait.ge [sflag:s29], $0x1  }
0xb5: {  	[sflag:s29] =	ssyncadd.s32 $0xFFFFFFFF  }
0xb6: {  	_ =	strace $0x90000051  }
0xb7: {  	_ =	sfence  }
0xb8: {  	s30 =	sld [smem:$0x0];
	_ =	sdelay $0x2  }
0xb9: {  	s31 =	sshll.u32 s1, $0xD;
	s1 =	sshrl.u32 s1, $0x2  }
0xba: {  	s3 =	sand.u32 $0x4000, s31;
	s1 =	sadd.s32 s1, s30  }
0xbb: {  	s0 =	sor.u32 s3, s0;
	s1 =	sshll.u32 s1, $0x11  }
0xbc: {  	s0 =	sor.u32 s1, s0  }
0xbd: {  	s0 =	sadd.s32 $0x8F2B, s0  }
0xbe: {  	[sflag:s0] =	ssyncadd.remote.s32 $0x1  }
0xbf: {  	_ =	sfence.sel $0xFFFF  }
0xc0: {  	[dreg:$0x0] =	wrdreg $0xFFFFFFFF;
	(pc) =	sbr.abs _section_cstart, $3  }
0xc1: {  	[dreg:$0x1] =	wrdreg $0xFFFFFFFF  }
0xc2: {  	_ =	task.clear_ibuf [dreg:s7], $0x2FFFF;
	_ =	strace $0x9FFFFFFF  }
0xc3: {  	(tm) =	ssettm $0x7FFFFFFF  }
tec
execute0_lowered:
.L_overlay_start_1:
0x0: {  	(tag) =	ssettag $0x1  }
0x1: {  	s0 =	rddreg [dreg:$0x0]  }
0x2: {  	s1 =	rddreg [dreg:$0x1]  }
0x3: {  	s2 =	rddreg [dreg:$0x2];
	s3 =	simm.s32 $0x0  }
0x4: {  	s12 =	stileid.u32;
	s4 =	srdreg.scid;
	s15 =	simm.s32 $0x5  }
0x5: {  	s16 =	simm.s32 $0x13C00;
	s17 =	simm.s32 $0x80;
	s18 =	simm.s32 $0x16500  }
0x6: {  	s19 =	simm.s32 $0x16400;
	s21 =	simm.s32 $0x18500;
	s22 =	simm.s32 $0x16480  }
0x7: {  	s23 =	simm.s32 $0x1;
	s24 =	simm.s32 $0x3;
	s28 =	simm.s32 $0x4  }
0x8: {  	s29 =	simm.s32 $0x0;
	[smem:$0x7FF] =	sst s3;
	s7 =	smul.u32 $0x13C00, s12  }
0x9: {  	s6 =	sand.u32 $0x1, s4;
	s4 =	sadd.s32 $0x2600, s0;
	s5 =	sadd.s32 $0x16000, s0  }
0xa: {  	s30 =	sshll.u32 s12, $0x6;
	_ =	strace $0x80000050;
	s9 =	smul.u32 $0x13C000, s6  }
0xb: {  	s10 =	sshll.u32 s6, $0x4;
	s11 =	ssub.s32 $0x2, s6;
	s8 =	sshrl.u32 s7, $0x3  }
0xc: {  	s25 =	sor.u32 s12, s10;
	s26 =	sshrl.u32 s11, $0x1;
	s8 =	sadd.s32 s8, s0  }
0xd: {  	s9 =	sadd.s32 s7, s9;
	s6 =	smul.u32 $0x2800, s25;
	s13 =	ssub.s32 s11, s26  }
0xe: {  	s7 =	sadd.s32 s7, s2;
	s25 =	simm.s32 $0x1A500;
	s26 =	simm.s32 $0x2  }
0xf: {  	s9 =	sshrl.u32 s9, $0x3;
	s8 =	sadd.s32 $0x20000, s8;
	s13 =	smax.u32 s13, $0x1  }
0x10: {  	s14 =	sshrl.u32 s7, $0x3;
	s0 =	sadd.s32 s9, s0;
	s31 =	sshrl.u32 s6, $0x3  }
0x11: {  	[dreg:$0x4] =	wrdreg s8;
	s8 =	sor.u32 $0x1C05, s30;
	s10 =	sadd.s32 s5, s31  }
0x12: {  	s9 =	sadd.s32 s1, s31;
	s12 =	sadd.s32 $0x95C00, s0;
	s11 =	sadd.s32 $0x10, s10  }
.LBB2_1:
0x13: {  	s0 =	rddreg [dreg:$0x4]  }
0x14: {  	[spmem:s14], [sflag:s8] =	dma.local [hbm:s0], $0x2780  }
0x15: {  	_ =	swait.ge [sflag:s15], $0x2780  }
0x16: {  	[sflag:s15] =	ssyncset.done $0x0  }
0x17: {  	[sflag:s15] =	ssyncadd.s32 $0xFFFFD880  }
0x18: {  	[tilespmem:s16], [sflag:$0x5] =	stream.linear.gather [hbm4b:s9+s3], $0x2800, $0x38;
	[tilespmem:$0x1E500] =	vst v63  }
0x19: {  	_ =	swait.ge [sflag:s15], $0x2800  }
0x1a: {  	[sflag:s15] =	ssyncset.done $0x0  }
0x1b: {  	[sflag:s15] =	ssyncadd.s32 $0xFFFFD800  }
0x1c: {  	[bflag:$0x0] =	sbarrier.arrive $0xFFFF  }
0x1d: {  	[tilespmem:s18], [sflag:$0x1] =	stream.indirect.gather [hbm4b:s4+s17], $0x40, s16, s17, $0xb8;
	[tilespmem:$0x1E500] =	vst v63  }
0x1e: {  	_ = 	snop  }
0x1f: {  	[tilespmem:s19], [sflag:$0x3] =	stream.linear.gather [hbm4b:s10+s3], $0x80, $0x38;
	[tilespmem:$0x1E500] =	vst v63  }
0x20: {  	s31 =	simm.s32 $0x13C80  }
0x21: {  	[tilespmem:s21], [sflag:$0x2] =	stream.indirect.gather [hbm4b:s4+s17], $0x40, s31, s17, $0xb8;
	[tilespmem:$0x1E500] =	vst v63  }
0x22: {  	s30 =	simm.s32 $0x0  }
0x23: {  	[tilespmem:s22], [sflag:$0x4] =	stream.linear.gather [hbm4b:s11+s3], $0x80, $0x38;
	[tilespmem:$0x1E500] =	vst v63  }
.LBB2_2:
0x24: {  	_ =	swait.ge [sflag:s23], $0x2000  }
0x25: {  	[sflag:s23] =	ssyncset.done $0x0  }
0x26: {  	[sflag:s23] =	ssyncadd.s32 $0xFFFFE000  }
0x27: {  	_ =	swait.ge [sflag:s24], $0x80  }
0x28: {  	[sflag:s24] =	ssyncset.done $0x0  }
0x29: {  	s1 =	simm.s32 $0x0;
	[sflag:s24] =	ssyncadd.s32 $0xFFFFFF80  }
0x2a: {  	v0 =	vld [tilespmem:s1+$0x16500];
	_ =	sdelay $0x4  }
0x2b: {  	s0 =	simm.s32 $0x1A540;
	v1 =	vshll.u32 v0, $0x10  }
0x2c: {  	v0 =	vand.u32 $0xFFFF0000, v0;
	[tilespmem:s0+$0xFFFFFFC0] =	vst v1  }
0x2d: {  	[tilespmem:s0+$0x0] =	vst v0  }
0x2e: {  	v0 =	vld [tilespmem:s1+$0x16510];
	_ =	sdelay $0x4  }
0x2f: {  	v1 =	vshll.u32 v0, $0x10  }
0x30: {  	v0 =	vand.u32 $0xFFFF0000, v0;
	[tilespmem:s0+$0xFFFFFFD0] =	vst v1  }
0x31: {  	[tilespmem:s0+$0x10] =	vst v0  }
0x32: {  	v0 =	vld [tilespmem:s1+$0x16520];
	_ =	sdelay $0x4  }
0x33: {  	v1 =	vand.u32 $0xFFFF0000, v0  }
0x34: {  	v0 =	vshll.u32 v0, $0x10;
	[tilespmem:s0+$0x20] =	vst v1  }
0x35: {  	[tilespmem:s0+$0xFFFFFFE0] =	vst v0  }
0x36: {  	v0 =	vld [tilespmem:s1+$0x16530];
	_ =	sdelay $0x4  }
0x37: {  	v1 =	vshll.u32 v0, $0x10  }
0x38: {  	v0 =	vand.u32 $0xFFFF0000, v0;
	[tilespmem:s0+$0xFFFFFFF0] =	vst v1  }
0x39: {  	s1 =	simm.s32 $0x40;
	[tilespmem:s0+$0x30] =	vst v0  }
0x3a: {  	v0 =	vld [tilespmem:s1+$0x16500]  }
0x3b: {  	s20 =	simm.s32 $0x200  }
.LBB2_3:
0x3c: {  	p0 =	sne.s32 s20, $0x7F00;
	_ =	sdelay $0x2  }
0x3d: {  	s0 =	sadd.s32 $0x80, s0;
	v1 =	vshll.u32 v0, $0x10  }
0x3e: {  	v0 =	vand.u32 $0xFFFF0000, v0;
	[tilespmem:s0+$0xFFFFFFC0] =	vst v1  }
0x3f: {  	[tilespmem:s0+$0x0] =	vst v0  }
0x40: {  	v0 =	vld [tilespmem:s1+$0x16510];
	_ =	sdelay $0x4  }
0x41: {  	v1 =	vshll.u32 v0, $0x10  }
0x42: {  	v0 =	vand.u32 $0xFFFF0000, v0;
	[tilespmem:s0+$0xFFFFFFD0] =	vst v1  }
0x43: {  	[tilespmem:s0+$0x10] =	vst v0  }
0x44: {  	v0 =	vld [tilespmem:s1+$0x16520];
	_ =	sdelay $0x4  }
0x45: {  	v1 =	vshll.u32 v0, $0x10;
	v0 =	vand.u32 $0xFFFF0000, v0  }
0x46: {  	[tilespmem:s0+$0x20] =	vst v0  }
0x47: {  	[tilespmem:s0+$0xFFFFFFE0] =	vst v1  }
0x48: {  	v0 =	vld [tilespmem:s1+$0x16530];
	_ =	sdelay $0x4  }
.Ltmp0:
0x49: {  	v1 =	vshll.u32 v0, $0x10;
	v0 =	vand.u32 $0xFFFF0000, v0;
	(pc) =	sbr.rel @p0 .LBB2_3-.Ltmp0, $4  }
0x4a: {  	[tilespmem:s0+$0xFFFFFFF0] =	vst v1  }
0x4b: {  	s1 =	sshra.s32 s20, $0x2;
	[tilespmem:s0+$0x30] =	vst v0  }
0x4c: {  	v0 =	vld [tilespmem:s1+$0x16500]  }
0x4d: {  	s20 =	sadd.s32 $0x100, s20  }
0x4e: {  	_ =	sdelay $0x2  }
0x4f: {  	s0 =	sadd.s32 $0x80, s0;
	v1 =	vshll.u32 v0, $0x10  }
0x50: {  	v0 =	vand.u32 $0xFFFF0000, v0;
	[tilespmem:s0+$0xFFFFFFC0] =	vst v1  }
0x51: {  	[tilespmem:s0+$0x0] =	vst v0  }
0x52: {  	v0 =	vld [tilespmem:s1+$0x16510];
	_ =	sdelay $0x4  }
0x53: {  	v1 =	vshll.u32 v0, $0x10  }
0x54: {  	v0 =	vand.u32 $0xFFFF0000, v0;
	[tilespmem:s0+$0xFFFFFFD0] =	vst v1  }
0x55: {  	[tilespmem:s0+$0x10] =	vst v0  }
0x56: {  	v0 =	vld [tilespmem:s1+$0x16520];
	_ =	sdelay $0x4  }
0x57: {  	v1 =	vand.u32 $0xFFFF0000, v0  }
0x58: {  	v0 =	vshll.u32 v0, $0x10;
	[tilespmem:s0+$0x20] =	vst v1  }
0x59: {  	[tilespmem:s0+$0xFFFFFFE0] =	vst v0  }
0x5a: {  	v0 =	vld [tilespmem:s1+$0x16530];
	_ =	sdelay $0x4  }
0x5b: {  	s31 =	sshll.u32 s30, $0x8;
	v1 =	vshll.u32 v0, $0x10  }
0x5c: {  	s20 =	sadd.s32 s6, s31;
	v0 =	vand.u32 $0xFFFF0000, v0;
	[tilespmem:s0+$0xFFFFFFF0] =	vst v1  }
0x5d: {  	s7 =	sadd.s32 $0x13D00, s31;
	[tilespmem:s0+$0x30] =	vst v0;
	s0 =	sshrl.u32 s20, $0x3  }
0x5e: {  	[tilespmem:s18], [sflag:$0x1] =	stream.indirect.gather [hbm4b:s4+s17], $0x40, s7, s17, $0xb8;
	[tilespmem:$0x1E500] =	vst v63  }
0x5f: {  	s0 =	sadd.s32 s5, s0  }
0x60: {  	s7 =	simm.s32 $0x0;
	s20 =	sadd.s32 $0x20, s0  }
0x61: {  	[tilespmem:s19], [sflag:$0x3] =	stream.linear.gather [hbm4b:s20+s7], $0x80, $0x38;
	[tilespmem:$0x1E500] =	vst v63  }
0x62: {  	_ = 	snop  }
0x63: {  	[spmem:s2] =	stream.indirect.scatter.add.f32 [tilespmem:s25], [sflag:$0x5], $0x80, s19, s17, $0xb8;
	[tilespmem:$0x1E500] =	vst v63  }
0x64: {  	_ =	swait.ge [sflag:s15], $0x4000  }
0x65: {  	[sflag:s15] =	ssyncset.done $0x0  }
0x66: {  	[sflag:s15] =	ssyncadd.s32 $0xFFFFC000  }
0x67: {  	_ =	swait.ge [sflag:s26], $0x2000  }
0x68: {  	[sflag:s26] =	ssyncset.done $0x0  }
0x69: {  	[sflag:s26] =	ssyncadd.s32 $0xFFFFE000  }
0x6a: {  	_ =	swait.ge [sflag:s28], $0x80  }
0x6b: {  	[sflag:s28] =	ssyncset.done $0x0  }
0x6c: {  	s20 =	simm.s32 $0x0;
	[sflag:s28] =	ssyncadd.s32 $0xFFFFFF80  }
0x6d: {  	v0 =	vld [tilespmem:s20+$0x18500];
	_ =	sdelay $0x4  }
0x6e: {  	s1 =	simm.s32 $0x1A540;
	v1 =	vshll.u32 v0, $0x10  }
0x6f: {  	v0 =	vand.u32 $0xFFFF0000, v0;
	[tilespmem:s1+$0xFFFFFFC0] =	vst v1  }
0x70: {  	[tilespmem:s1+$0x0] =	vst v0  }
0x71: {  	v0 =	vld [tilespmem:s20+$0x18510];
	_ =	sdelay $0x4  }
0x72: {  	v1 =	vshll.u32 v0, $0x10  }
0x73: {  	v0 =	vand.u32 $0xFFFF0000, v0;
	[tilespmem:s1+$0xFFFFFFD0] =	vst v1  }
0x74: {  	[tilespmem:s1+$0x10] =	vst v0  }
0x75: {  	v0 =	vld [tilespmem:s20+$0x18520];
	_ =	sdelay $0x4  }
0x76: {  	v1 =	vand.u32 $0xFFFF0000, v0  }
0x77: {  	v0 =	vshll.u32 v0, $0x10;
	[tilespmem:s1+$0x20] =	vst v1  }
0x78: {  	[tilespmem:s1+$0xFFFFFFE0] =	vst v0  }
0x79: {  	v0 =	vld [tilespmem:s20+$0x18530];
	_ =	sdelay $0x4  }
0x7a: {  	v1 =	vshll.u32 v0, $0x10  }
0x7b: {  	v0 =	vand.u32 $0xFFFF0000, v0;
	[tilespmem:s1+$0xFFFFFFF0] =	vst v1  }
0x7c: {  	s20 =	simm.s32 $0x40;
	[tilespmem:s1+$0x30] =	vst v0  }
0x7d: {  	v0 =	vld [tilespmem:s20+$0x18500]  }
0x7e: {  	s7 =	simm.s32 $0x200  }
.LBB2_5:
0x7f: {  	p0 =	sne.s32 s7, $0x7F00;
	_ =	sdelay $0x2  }
0x80: {  	s1 =	sadd.s32 $0x80, s1;
	v1 =	vshll.u32 v0, $0x10  }
0x81: {  	v0 =	vand.u32 $0xFFFF0000, v0;
	[tilespmem:s1+$0xFFFFFFC0] =	vst v1  }
0x82: {  	[tilespmem:s1+$0x0] =	vst v0  }
0x83: {  	v0 =	vld [tilespmem:s20+$0x18510];
	_ =	sdelay $0x4  }
0x84: {  	v1 =	vshll.u32 v0, $0x10  }
0x85: {  	v0 =	vand.u32 $0xFFFF0000, v0;
	[tilespmem:s1+$0xFFFFFFD0] =	vst v1  }
0x86: {  	[tilespmem:s1+$0x10] =	vst v0  }
0x87: {  	v0 =	vld [tilespmem:s20+$0x18520];
	_ =	sdelay $0x4  }
0x88: {  	v1 =	vshll.u32 v0, $0x10;
	v0 =	vand.u32 $0xFFFF0000, v0  }
0x89: {  	[tilespmem:s1+$0x20] =	vst v0  }
0x8a: {  	[tilespmem:s1+$0xFFFFFFE0] =	vst v1  }
0x8b: {  	v0 =	vld [tilespmem:s20+$0x18530];
	_ =	sdelay $0x4  }
.Ltmp1:
0x8c: {  	v1 =	vshll.u32 v0, $0x10;
	v0 =	vand.u32 $0xFFFF0000, v0;
	(pc) =	sbr.rel @p0 .LBB2_5-.Ltmp1, $4  }
0x8d: {  	[tilespmem:s1+$0xFFFFFFF0] =	vst v1  }
0x8e: {  	s20 =	sshra.s32 s7, $0x2;
	[tilespmem:s1+$0x30] =	vst v0  }
0x8f: {  	v0 =	vld [tilespmem:s20+$0x18500]  }
0x90: {  	s7 =	sadd.s32 $0x100, s7  }
0x91: {  	_ =	sdelay $0x2  }
0x92: {  	s1 =	sadd.s32 $0x80, s1;
	v1 =	vshll.u32 v0, $0x10  }
0x93: {  	v60 =	vand.u32 $0xFFFF0000, v0;
	[tilespmem:s1+$0xFFFFFFC0] =	vst v1  }
0x94: {  	[tilespmem:s1+$0x0] =	vst v60  }
0x95: {  	v0 =	vld [tilespmem:s20+$0x18510];
	_ =	sdelay $0x4  }
0x96: {  	v61 =	vshll.u32 v0, $0x10  }
0x97: {  	v0 =	vand.u32 $0xFFFF0000, v0;
	[tilespmem:s1+$0xFFFFFFD0] =	vst v61  }
0x98: {  	[tilespmem:s1+$0x10] =	vst v0  }
0x99: {  	v0 =	vld [tilespmem:s20+$0x18520];
	_ =	sdelay $0x4  }
0x9a: {  	v62 =	vand.u32 $0xFFFF0000, v0  }
0x9b: {  	v0 =	vshll.u32 v0, $0x10;
	[tilespmem:s1+$0x20] =	vst v62  }
0x9c: {  	[tilespmem:s1+$0xFFFFFFE0] =	vst v0  }
0x9d: {  	v0 =	vld [tilespmem:s20+$0x18530];
	_ =	sdelay $0x4  }
0x9e: {  	v63 =	vshll.u32 v0, $0x10  }
0x9f: {  	v0 =	vand.u32 $0xFFFF0000, v0;
	[tilespmem:s1+$0xFFFFFFF0] =	vst v63  }
0xa0: {  	s31 =	sadd.s32 $0x13D80, s31;
	s30 =	sadd.s32 $0x1, s30;
	[tilespmem:s1+$0x30] =	vst v0  }
0xa1: {  	[tilespmem:s21], [sflag:$0x2] =	stream.indirect.gather [hbm4b:s4+s17], $0x40, s31, s17, $0xb8;
	[tilespmem:$0x1E500] =	vst v63  }
0xa2: {  	s0 =	sadd.s32 $0x30, s0;
	p0 =	sne.s32 s30, $0x27  }
0xa3: {  	[tilespmem:s22], [sflag:$0x4] =	stream.linear.gather [hbm4b:s0+s3], $0x80, $0x38;
	[tilespmem:$0x1E500] =	vst v63  }
.Ltmp2:
0xa4: {  	_ = 	snop;
	(pc) =	sbr.rel @p0 .LBB2_2-.Ltmp2, $4  }
0xa5: {  	[spmem:s2] =	stream.indirect.scatter.add.f32 [tilespmem:s25], [sflag:$0x5], $0x80, s22, s17, $0xb8;
	[tilespmem:$0x1E500] =	vst v63  }
0xa6: {  	_ =	swait.ge [sflag:s15], $0x4000  }
0xa7: {  	[sflag:s15] =	ssyncset.done $0x0  }
0xa8: {  	[sflag:s15] =	ssyncadd.s32 $0xFFFFC000  }
0xa9: {  	_ =	swait.ge [sflag:s23], $0x2000  }
0xaa: {  	[sflag:s23] =	ssyncset.done $0x0  }
0xab: {  	[sflag:s23] =	ssyncadd.s32 $0xFFFFE000  }
0xac: {  	_ =	swait.ge [sflag:s24], $0x80  }
0xad: {  	[sflag:s24] =	ssyncset.done $0x0  }
0xae: {  	s1 =	simm.s32 $0x0;
	[sflag:s24] =	ssyncadd.s32 $0xFFFFFF80  }
0xaf: {  	v0 =	vld [tilespmem:s1+$0x16500];
	_ =	sdelay $0x4  }
0xb0: {  	s0 =	simm.s32 $0x1A540;
	v1 =	vshll.u32 v0, $0x10  }
0xb1: {  	v0 =	vand.u32 $0xFFFF0000, v0;
	[tilespmem:s0+$0xFFFFFFC0] =	vst v1  }
0xb2: {  	[tilespmem:s0+$0x0] =	vst v0  }
0xb3: {  	v0 =	vld [tilespmem:s1+$0x16510];
	_ =	sdelay $0x4  }
0xb4: {  	v1 =	vshll.u32 v0, $0x10  }
0xb5: {  	v0 =	vand.u32 $0xFFFF0000, v0;
	[tilespmem:s0+$0xFFFFFFD0] =	vst v1  }
0xb6: {  	[tilespmem:s0+$0x10] =	vst v0  }
0xb7: {  	v0 =	vld [tilespmem:s1+$0x16520];
	_ =	sdelay $0x4  }
0xb8: {  	v1 =	vand.u32 $0xFFFF0000, v0  }
0xb9: {  	v0 =	vshll.u32 v0, $0x10;
	[tilespmem:s0+$0x20] =	vst v1  }
0xba: {  	[tilespmem:s0+$0xFFFFFFE0] =	vst v0  }
0xbb: {  	v0 =	vld [tilespmem:s1+$0x16530];
	_ =	sdelay $0x4  }
0xbc: {  	v1 =	vshll.u32 v0, $0x10  }
0xbd: {  	v0 =	vand.u32 $0xFFFF0000, v0;
	[tilespmem:s0+$0xFFFFFFF0] =	vst v1  }
0xbe: {  	s1 =	simm.s32 $0x40;
	[tilespmem:s0+$0x30] =	vst v0  }
0xbf: {  	v0 =	vld [tilespmem:s1+$0x16500]  }
0xc0: {  	s7 =	simm.s32 $0x200  }
.LBB2_8:
0xc1: {  	p0 =	sne.s32 s7, $0x7F00;
	_ =	sdelay $0x2  }
0xc2: {  	s0 =	sadd.s32 $0x80, s0;
	v1 =	vshll.u32 v0, $0x10  }
0xc3: {  	v0 =	vand.u32 $0xFFFF0000, v0;
	[tilespmem:s0+$0xFFFFFFC0] =	vst v1  }
0xc4: {  	[tilespmem:s0+$0x0] =	vst v0  }
0xc5: {  	v0 =	vld [tilespmem:s1+$0x16510];
	_ =	sdelay $0x4  }
0xc6: {  	v1 =	vshll.u32 v0, $0x10  }
0xc7: {  	v0 =	vand.u32 $0xFFFF0000, v0;
	[tilespmem:s0+$0xFFFFFFD0] =	vst v1  }
0xc8: {  	[tilespmem:s0+$0x10] =	vst v0  }
0xc9: {  	v0 =	vld [tilespmem:s1+$0x16520];
	_ =	sdelay $0x4  }
0xca: {  	v1 =	vshll.u32 v0, $0x10;
	v0 =	vand.u32 $0xFFFF0000, v0  }
0xcb: {  	[tilespmem:s0+$0x20] =	vst v0  }
0xcc: {  	[tilespmem:s0+$0xFFFFFFE0] =	vst v1  }
0xcd: {  	v0 =	vld [tilespmem:s1+$0x16530];
	_ =	sdelay $0x4  }
.Ltmp3:
0xce: {  	v1 =	vshll.u32 v0, $0x10;
	v0 =	vand.u32 $0xFFFF0000, v0;
	(pc) =	sbr.rel @p0 .LBB2_8-.Ltmp3, $4  }
0xcf: {  	[tilespmem:s0+$0xFFFFFFF0] =	vst v1  }
0xd0: {  	s1 =	sshra.s32 s7, $0x2;
	[tilespmem:s0+$0x30] =	vst v0  }
0xd1: {  	v0 =	vld [tilespmem:s1+$0x16500]  }
0xd2: {  	s7 =	sadd.s32 $0x100, s7  }
0xd3: {  	_ =	sdelay $0x2  }
0xd4: {  	s0 =	sadd.s32 $0x80, s0;
	v1 =	vshll.u32 v0, $0x10  }
0xd5: {  	v0 =	vand.u32 $0xFFFF0000, v0;
	[tilespmem:s0+$0xFFFFFFC0] =	vst v1  }
0xd6: {  	[tilespmem:s0+$0x0] =	vst v0  }
0xd7: {  	v0 =	vld [tilespmem:s1+$0x16510];
	_ =	sdelay $0x4  }
0xd8: {  	v1 =	vshll.u32 v0, $0x10  }
0xd9: {  	v0 =	vand.u32 $0xFFFF0000, v0;
	[tilespmem:s0+$0xFFFFFFD0] =	vst v1  }
0xda: {  	[tilespmem:s0+$0x10] =	vst v0  }
0xdb: {  	v0 =	vld [tilespmem:s1+$0x16520];
	_ =	sdelay $0x4  }
0xdc: {  	v1 =	vand.u32 $0xFFFF0000, v0  }
0xdd: {  	v0 =	vshll.u32 v0, $0x10;
	[tilespmem:s0+$0x20] =	vst v1  }
0xde: {  	[tilespmem:s0+$0xFFFFFFE0] =	vst v0  }
0xdf: {  	v0 =	vld [tilespmem:s1+$0x16530];
	_ =	sdelay $0x4  }
0xe0: {  	v1 =	vshll.u32 v0, $0x10  }
0xe1: {  	v0 =	vand.u32 $0xFFFF0000, v0;
	[tilespmem:s0+$0xFFFFFFF0] =	vst v1  }
0xe2: {  	[tilespmem:s0+$0x30] =	vst v0  }
0xe3: {  	[spmem:s2] =	stream.indirect.scatter.add.f32 [tilespmem:s25], [sflag:$0x5], $0x80, s19, s17, $0xb8;
	[tilespmem:$0x1E500] =	vst v63  }
0xe4: {  	_ =	swait.ge [sflag:s15], $0x4000  }
0xe5: {  	[sflag:s15] =	ssyncset.done $0x0  }
0xe6: {  	[sflag:s15] =	ssyncadd.s32 $0xFFFFC000  }
0xe7: {  	_ =	swait.ge [sflag:s26], $0x2000  }
0xe8: {  	[sflag:s26] =	ssyncset.done $0x0  }
0xe9: {  	[sflag:s26] =	ssyncadd.s32 $0xFFFFE000  }
0xea: {  	_ =	swait.ge [sflag:s28], $0x80  }
0xeb: {  	[sflag:s28] =	ssyncset.done $0x0  }
0xec: {  	s31 =	simm.s32 $0x0;
	[sflag:s28] =	ssyncadd.s32 $0xFFFFFF80  }
0xed: {  	v0 =	vld [tilespmem:s31+$0x18500];
	_ =	sdelay $0x4  }
0xee: {  	s0 =	simm.s32 $0x1A540;
	v1 =	vshll.u32 v0, $0x10  }
0xef: {  	v0 =	vand.u32 $0xFFFF0000, v0;
	[tilespmem:s0+$0xFFFFFFC0] =	vst v1  }
0xf0: {  	[tilespmem:s0+$0x0] =	vst v0  }
0xf1: {  	v0 =	vld [tilespmem:s31+$0x18510];
	_ =	sdelay $0x4  }
0xf2: {  	v1 =	vshll.u32 v0, $0x10  }
0xf3: {  	v0 =	vand.u32 $0xFFFF0000, v0;
	[tilespmem:s0+$0xFFFFFFD0] =	vst v1  }
0xf4: {  	[tilespmem:s0+$0x10] =	vst v0  }
0xf5: {  	v0 =	vld [tilespmem:s31+$0x18520];
	_ =	sdelay $0x4  }
0xf6: {  	v1 =	vand.u32 $0xFFFF0000, v0  }
0xf7: {  	v0 =	vshll.u32 v0, $0x10;
	[tilespmem:s0+$0x20] =	vst v1  }
0xf8: {  	[tilespmem:s0+$0xFFFFFFE0] =	vst v0  }
0xf9: {  	v0 =	vld [tilespmem:s31+$0x18530];
	_ =	sdelay $0x4  }
0xfa: {  	v1 =	vshll.u32 v0, $0x10  }
0xfb: {  	v0 =	vand.u32 $0xFFFF0000, v0;
	[tilespmem:s0+$0xFFFFFFF0] =	vst v1  }
0xfc: {  	s1 =	simm.s32 $0x40;
	[tilespmem:s0+$0x30] =	vst v0  }
0xfd: {  	v0 =	vld [tilespmem:s1+$0x18500]  }
0xfe: {  	s7 =	simm.s32 $0x200  }
.LBB2_10:
0xff: {  	p0 =	sne.s32 s7, $0x7F00;
	_ =	sdelay $0x2  }
0x100: {  	s0 =	sadd.s32 $0x80, s0;
	v1 =	vshll.u32 v0, $0x10  }
0x101: {  	v0 =	vand.u32 $0xFFFF0000, v0;
	[tilespmem:s0+$0xFFFFFFC0] =	vst v1  }
0x102: {  	[tilespmem:s0+$0x0] =	vst v0  }
0x103: {  	v0 =	vld [tilespmem:s1+$0x18510];
	_ =	sdelay $0x4  }
0x104: {  	v1 =	vshll.u32 v0, $0x10  }
0x105: {  	v0 =	vand.u32 $0xFFFF0000, v0;
	[tilespmem:s0+$0xFFFFFFD0] =	vst v1  }
0x106: {  	[tilespmem:s0+$0x10] =	vst v0  }
0x107: {  	v0 =	vld [tilespmem:s1+$0x18520];
	_ =	sdelay $0x4  }
0x108: {  	v1 =	vshll.u32 v0, $0x10;
	v0 =	vand.u32 $0xFFFF0000, v0  }
0x109: {  	[tilespmem:s0+$0x20] =	vst v0  }
0x10a: {  	[tilespmem:s0+$0xFFFFFFE0] =	vst v1  }
0x10b: {  	v0 =	vld [tilespmem:s1+$0x18530];
	_ =	sdelay $0x4  }
.Ltmp4:
0x10c: {  	v1 =	vshll.u32 v0, $0x10;
	v0 =	vand.u32 $0xFFFF0000, v0;
	(pc) =	sbr.rel @p0 .LBB2_10-.Ltmp4, $4  }
0x10d: {  	[tilespmem:s0+$0xFFFFFFF0] =	vst v1  }
0x10e: {  	s1 =	sshra.s32 s7, $0x2;
	[tilespmem:s0+$0x30] =	vst v0  }
0x10f: {  	v0 =	vld [tilespmem:s1+$0x18500]  }
0x110: {  	s7 =	sadd.s32 $0x100, s7  }
0x111: {  	_ =	sdelay $0x2  }
0x112: {  	s0 =	sadd.s32 $0x80, s0;
	v1 =	vshll.u32 v0, $0x10  }
0x113: {  	v60 =	vand.u32 $0xFFFF0000, v0;
	[tilespmem:s0+$0xFFFFFFC0] =	vst v1  }
0x114: {  	[tilespmem:s0+$0x0] =	vst v60  }
0x115: {  	v0 =	vld [tilespmem:s1+$0x18510];
	_ =	sdelay $0x4  }
0x116: {  	v61 =	vshll.u32 v0, $0x10  }
0x117: {  	v0 =	vand.u32 $0xFFFF0000, v0;
	[tilespmem:s0+$0xFFFFFFD0] =	vst v61  }
0x118: {  	[tilespmem:s0+$0x10] =	vst v0  }
0x119: {  	v0 =	vld [tilespmem:s1+$0x18520];
	_ =	sdelay $0x4  }
0x11a: {  	v62 =	vand.u32 $0xFFFF0000, v0  }
0x11b: {  	v0 =	vshll.u32 v0, $0x10;
	[tilespmem:s0+$0x20] =	vst v62  }
0x11c: {  	[tilespmem:s0+$0xFFFFFFE0] =	vst v0  }
0x11d: {  	v0 =	vld [tilespmem:s1+$0x18530];
	_ =	sdelay $0x4  }
0x11e: {  	v63 =	vshll.u32 v0, $0x10  }
0x11f: {  	v0 =	vand.u32 $0xFFFF0000, v0;
	[tilespmem:s0+$0xFFFFFFF0] =	vst v63  }
0x120: {  	[tilespmem:s0+$0x30] =	vst v0  }
0x121: {  	[spmem:s2] =	stream.indirect.scatter.add.f32 [tilespmem:s25], [sflag:$0x5], $0x80, s22, s17, $0xb8;
	[tilespmem:$0x1E500] =	vst v63  }
0x122: {  	_ =	swait.ge [sflag:s15], $0x4000  }
0x123: {  	s29 =	sadd.s32 $0x1, s29;
	[sflag:s15] =	ssyncset.done $0x0  }
0x124: {  	p0 =	sne.s32 s29, s13;
	[sflag:s15] =	ssyncadd.s32 $0xFFFFC000  }
.Ltmp5:
0x125: {  	[bflag:$0x0] =	sbarrier.arrive $0xFFFF;
	(pc) =	sbr.rel @p0 .LBB2_1-.Ltmp5, $4  }
0x126: {  	[hbm:s12], [sflag:s8] =	dma.local [spmem:s14], $0x2780  }
0x127: {  	_ =	swait.ge [sflag:s15], $0x2780  }
0x128: {  	[sflag:s15] =	ssyncset.done $0x0  }
0x129: {  	[sflag:s15] =	ssyncadd.s32 $0xFFFFD880  }
0x12a: {  	_ =	sfence.sel $0x180000  }
0x12b: {  	[bflag:$0x0] =	sbarrier.arrive $0xFFFF  }
0x12c: {  	_ =	strace $0x90000050  }
0x12d: {  	s0 =	stileid.u32;
	[bflag:$0x2] =	sbarrier.arrive $0xFFFF  }
0x12e: {  	p0 =	sne.s32 s0, $0x0;
	s0 =	rddreg [dreg:$0x3]  }
0x12f: {  	s0 =	sadd.s32 @!p0 $0x100000, s0  }
0x130: {  	[sflag:s0] =	ssyncadd.tile.s32 @!p0 $0x1;
	_ =	shalt  }
.Lfunc_end2:
_tile_overlayer_lowered:
.L_overlay_start_2:
0x131: {  	(tag) =	ssettag $0x2  }
0x132: {  	s0 =	rddreg [dreg:$0x0];
	s2 =	stileid.u32  }
0x133: {  	s1 =	rddreg [dreg:$0x1];
	p0 =	sne.s32 s2, $0x0  }
0x134: {  	s3 =	rddreg [dreg:$0x2];
	[bflag:$0x3] =	sbarrier.arrive $0xFFFF;
	s2 =	simm.s32 @!p0 $0x1C05  }
0x135: {  	[timem:s3], [sflag:s2] =	dma.local @!p0 [hbm:s0], s1  }
0x136: {  	s0 =	simm.s32 @!p0 $0x5  }
0x137: {  	_ =	swait.ge @!p0 [sflag:s0], s1  }
0x138: {  	s1 =	ssub.s32 @!p0 $0x0, s1;
	[sflag:s0] =	ssyncset.done @!p0 $0x0  }
0x139: {  	[sflag:s0] =	ssyncadd.s32 @!p0 s1  }
0x13a: {  	[bflag:$0x3] =	sbarrier.arrive $0xFFFF  }
0x13b: {  	_ =	shalt  }

// kernel: kernel.9.cloned.1.call-start
scs
__scs_entry_jumppad:
0x0: {  	(pc) =	sbr.rel $0x88, $3  }
0x1: {  	(tag) =	ssettag $0x0;
	lr =	simm.s32 $0x1  }
0x2: {  	[smem:$0x3F94] =	sst lr;
	_ =	strace $0xD0000000  }
0x3: {  	_ = 	snop  }
0x4: {  	_ = 	snop  }
0x5: {  	_ = 	snop  }
0x6: {  	_ = 	snop  }
0x7: {  	_ = 	snop  }
__scs_overlays_trampoline_lowered:
0x8: {  	[smem:$0x3FA3] =	sst s0  }
0x9: {  	[smem:$0x3FA4] =	sst s1  }
0xa: {  	[smem:$0x3FA5] =	sst s2  }
0xb: {  	[smem:$0x3FA6] =	sst s3  }
0xc: {  	[smem:$0x3FA7] =	sst s4  }
0xd: {  	[smem:$0x3FA8] =	sst s5  }
0xe: {  	[smem:$0x3FA9] =	sst s6  }
0xf: {  	[smem:$0x3FAA] =	sst s7  }
0x10: {  	[smem:$0x3FAB] =	sst s8  }
0x11: {  	[smem:$0x3FAC] =	sst s9;
	s0 =	simm.s32 @!p0 $0x0  }
0x12: {  	s1 =	sld [smem:$0x3F92];
	s0 =	simm.s32 @p0 $0x1  }
0x13: {  	[smem:$0x3FAD] =	sst s0;
	s0 =	simm.s32 @!p1 $0x0  }
0x14: {  	s2 =	sld [smem:$0x3F91];
	s0 =	simm.s32 @p1 $0x1  }
0x15: {  	[smem:$0x3FAE] =	sst s0;
	s0 =	simm.s32 @!p2 $0x0  }
0x16: {  	s3 =	sld [smem:$0x3FDB];
	s0 =	simm.s32 @p2 $0x1  }
0x17: {  	s4 =	simm.s32 $0x1BF5;
	[smem:$0x3FB0] =	sst s0  }
0x18: {  	s0 =	sld [smem:$0x3F93];
	_ =	swait.ge [sflag:s4], $0x0  }
0x19: {  	s7 =	sld [smem:$0x3F94]  }
0x1a: {  	s8 =	sadd.s32 $0xFFFFE003, lr  }
0x1b: {  	s9 =	sadd.s32 $0xFFFFFEF7, lr;
	s5 =	simm.s32 $0xFFFFFFFF;
	p2 =	slt.u32 s8, $0xFFFFF086  }
0x1c: {  	p1 =	slt.u32 s9, $0xF7A;
	s5 =	simm.s32 @!p2 $0x0  }
0x1d: {  	s5 =	simm.s32 @p1 $0x1;
	p0 =	seq.s32 s7, s2  }
0x1e: {  	s7 =	smul.u32 @!p0 $0xF7A, s2;
	p2 =	seq.s32 @!p0 s5, $0x0  }
0x1f: {  	s9 =	smul.u32 $0xF7A, s1;
	s8 =	simm.s32 @!p0 $0x1BF5;
	p2 =	por !p2, p0  }
0x20: {  	[sflag:s8] =	ssyncset.s32 @!p0 $0xFFFFF086;
	s6 =	sadd.s32 @!p0 s3, s7;
	s7 =	simm.s32 @!p0 $0x108  }
0x21: {  	s3 =	sadd.s32 s3, s9;
	s6 =	sadd.s32 @!p0 $0x88, s6;
	s7 =	simm.s32 @p2 $0x1082  }
0x22: {  	[simem:s7], [sflag:s8] =	dma.local @!p0 [hbm:s6], $0xF7A  }
0x23: {  	s9 =	sor.u32 $0xD0000000, s2;
	s6 =	simm.s32 $0x108;
	_ =	swait.ge @!p0 [sflag:s8], $0x0  }
0x24: {  	s3 =	sadd.s32 $0x88, s3;
	s6 =	simm.s32 @!p1 $0x1082;
	[sflag:s4] =	ssyncset.s32 $0xFFFFF086  }
0x25: {  	[simem:s6], [sflag:s4] =	dma.local [hbm:s3], $0xF7A  }
0x26: {  	[smem:$0x3F94] =	sst s1;
	(tag) =	ssettag s2;
	_ =	strace s9  }
0x27: {  	s1 =	sld [smem:$0x3FA4]  }
0x28: {  	s2 =	sld [smem:$0x3FA5]  }
0x29: {  	s4 =	sld [smem:$0x3FA7]  }
0x2a: {  	p0 =	seq.s32 s5, $0x0;
	s5 =	sld [smem:$0x3FA8]  }
0x2b: {  	s6 =	sld [smem:$0x3FA9]  }
0x2c: {  	s7 =	sld [smem:$0x3FAA]  }
0x2d: {  	s3 =	simm.s32 $0x108;
	s8 =	sld [smem:$0x3FAB]  }
0x2e: {  	s3 =	simm.s32 @!p0 $0x1082;
	s9 =	sld [smem:$0x3FAC]  }
0x2f: {  	lr =	sadd.s32 s0, s3;
	s0 =	sld [smem:$0x3FA3]  }
0x30: {  	s3 =	sld [smem:$0x3FA6]  }
0x31: {  	[smem:$0x3FAF] =	sst s10  }
0x32: {  	s10 =	sld [smem:$0x3FAD];
	_ =	sdelay $0x3  }
0x33: {  	p0 =	seq.s32 s10, $0x1;
	s10 =	sld [smem:$0x3FAF];
	_ =	sdelay $0x3  }
0x34: {  	[smem:$0x3FAF] =	sst s10  }
0x35: {  	s10 =	sld [smem:$0x3FAE];
	_ =	sdelay $0x3  }
0x36: {  	p1 =	seq.s32 s10, $0x1;
	s10 =	sld [smem:$0x3FAF];
	_ =	sdelay $0x3  }
0x37: {  	[smem:$0x3FAF] =	sst s10  }
0x38: {  	s10 =	sld [smem:$0x3FB0]  }
0x39: {  	_ = 	snop;
	(pc) =	sbr.ind lr, $3  }
0x3a: {  	_ = 	snop  }
0x3b: {  	_ = 	snop  }
0x3c: {  	p2 =	seq.s32 s10, $0x1;
	s10 =	sld [smem:$0x3FAF]  }
0x3d: {  	_ =	shalt  }
0x3e: {  	_ =	shalt  }
0x3f: {  	_ =	shalt  }
0x40: {  	_ =	shalt  }
0x41: {  	_ =	shalt  }
0x42: {  	_ =	shalt  }
0x43: {  	_ =	shalt  }
0x44: {  	_ =	shalt  }
0x45: {  	_ =	shalt  }
0x46: {  	_ =	shalt  }
0x47: {  	_ =	shalt  }
0x48: {  	_ =	shalt  }
0x49: {  	_ =	shalt  }
0x4a: {  	_ =	shalt  }
0x4b: {  	_ =	shalt  }
0x4c: {  	_ =	shalt  }
0x4d: {  	_ =	shalt  }
0x4e: {  	_ =	shalt  }
0x4f: {  	_ =	shalt  }
0x50: {  	_ =	shalt  }
0x51: {  	_ =	shalt  }
0x52: {  	_ =	shalt  }
0x53: {  	_ =	shalt  }
0x54: {  	_ =	shalt  }
0x55: {  	_ =	shalt  }
0x56: {  	_ =	shalt  }
0x57: {  	_ =	shalt  }
0x58: {  	_ =	shalt  }
0x59: {  	_ =	shalt  }
0x5a: {  	_ =	shalt  }
0x5b: {  	_ =	shalt  }
0x5c: {  	_ =	shalt  }
0x5d: {  	_ =	shalt  }
0x5e: {  	_ =	shalt  }
0x5f: {  	_ =	shalt  }
0x60: {  	_ =	shalt  }
0x61: {  	_ =	shalt  }
0x62: {  	_ =	shalt  }
0x63: {  	_ =	shalt  }
0x64: {  	_ =	shalt  }
0x65: {  	_ =	shalt  }
0x66: {  	_ =	shalt  }
0x67: {  	_ =	shalt  }
0x68: {  	_ =	shalt  }
0x69: {  	_ =	shalt  }
0x6a: {  	_ =	shalt  }
0x6b: {  	_ =	shalt  }
0x6c: {  	_ =	shalt  }
0x6d: {  	_ =	shalt  }
0x6e: {  	_ =	shalt  }
0x6f: {  	_ =	shalt  }
0x70: {  	_ =	shalt  }
0x71: {  	_ =	shalt  }
0x72: {  	_ =	shalt  }
0x73: {  	_ =	shalt  }
0x74: {  	_ =	shalt  }
0x75: {  	_ =	shalt  }
0x76: {  	_ =	shalt  }
0x77: {  	_ =	shalt  }
0x78: {  	_ =	shalt  }
0x79: {  	_ =	shalt  }
0x7a: {  	_ =	shalt  }
0x7b: {  	_ =	shalt  }
0x7c: {  	_ =	shalt  }
0x7d: {  	_ =	shalt  }
0x7e: {  	_ =	shalt  }
0x7f: {  	_ =	shalt  }
0x80: {  	_ =	shalt  }
0x81: {  	_ =	shalt  }
0x82: {  	_ =	shalt  }
0x83: {  	_ =	shalt  }
0x84: {  	_ =	shalt  }
0x85: {  	_ =	shalt  }
0x86: {  	_ =	shalt  }
0x87: {  	_ =	shalt  }
.Lfunc_end0:
.L_simem_size_0:
called_computation_lowered:
.L_overlay_start_0:
0x88: {  	s2 =	sld [smem:$0x3FD9]  }
0x89: {  	s3 =	sld [smem:$0x3FFE];
	_ =	sdelay $0x1  }
0x8a: {  	s1 =	srdreg.scid  }
0x8b: {  	s0 =	sand.u32 $0x1, s1  }
0x8c: {  	s17 =	sshll.u32 s0, $0xA;
	s2 =	sadd.s32 s3, s2  }
0x8d: {  	s2 =	sadd.s32 s2, s17  }
0x8e: {  	[smem:$0x3FBB] =	sst s2  }
0x8f: {  	_ = 	snop  }
0x90: {  	(tm) =	ssettm $0x1  }
0x91: {  	s18 =	sld [smem:$0x3FFB];
	_ =	sdelay $0x3  }
0x92: {  	_ =	strace s18  }
0x93: {  	s2 =	sld [smem:$0x3FFC];
	_ =	sdelay $0x3  }
0x94: {  	_ =	strace s2  }
0x95: {  	s2 =	sld [smem:$0x3FFD];
	_ =	sdelay $0x3  }
0x96: {  	_ =	strace s2  }
0x97: {  	_ =	strace $0x8FFFFFFF  }
0x98: {  	s19 =	sld [smem:$0x3FDB];
	_ =	sdelay $0x1  }
0x99: {  	s20 =	simm.s32 $_scs_section_size  }
0x9a: {  	s4 =	simm.s32 $_size__tile_overlayer_lowered;
	s5 =	simm.s32 $_tile_overlayer_lowered  }
0x9b: {  	s6 =	simm.s32 $0x1BFF;
	s21 =	sshll.u32 s5, $0x1;
	s3 =	sadd.s32 s20, s19  }
0x9c: {  	s22 =	simm.s32 $0x0;
	s4 =	sshll.u32 s4, $0x1;
	s5 =	sadd.s32 s21, s3  }
0x9d: {  	[timem:s22], [sflag:s6] =	dma.local [hbm:s5], s4  }
0x9e: {  	_ =	swait.ge [sflag:s6], s4  }
0x9f: {  	s4 =	ssub.s32 $0x0, s4;
	[sflag:s6] =	ssyncset.done $0x0  }
0xa0: {  	[sflag:s6] =	ssyncadd.s32 s4;
	_ =	sdelay $0x1  }
0xa1: {  	s23 =	simm.s32 $0x1B8B  }
0xa2: {  	_ =	swait.ge [sflag:s23], $0x1  }
0xa3: {  	[sflag:s23] =	ssyncset.done $0x0  }
0xa4: {  	[sflag:s23] =	ssyncadd.s32 $0xFFFFFFFF  }
0xa5: {  	s4 =	sld [smem:$0x0]  }
0xa6: {  	s5 =	sand.u32 $0xFFFFFFFE, s1  }
0xa7: {  	p0 =	sne.s32 s1, s5  }
0xa8: {  	s5 =	sshll.u32 @p0 s5, $0xE  }
0xa9: {  	s5 =	sadd.s32 @p0 $0x11B8D, s5;
	s6 =	sshll.u32 @p0 s4, $0x11  }
0xaa: {  	s5 =	sor.u32 @p0 s6, s5  }
0xab: {  	[sflag:s5] =	ssyncadd.remote.s32 @p0 $0x1;
	_ =	sdelay $0x1  }
0xac: {  	s5 =	simm.s32 @p0 $0x1B8D  }
0xad: {  	_ =	swait.eq @p0 [sflag:s5], $0x1  }
0xae: {  	[sflag:s5] =	ssyncadd.s32 @p0 $0xFFFFFFFF  }
0xaf: {  	s6 =	sshll.u32 @!p0 s1, $0xE  }
0xb0: {  	s6 =	sor.u32 @!p0 $0x4000, s6;
	s5 =	simm.s32 @!p0 $0x1B8D  }
0xb1: {  	s4 =	sshll.u32 @!p0 s4, $0x11;
	s6 =	sadd.s32 @!p0 $0x11B8D, s6;
	_ =	swait.eq @!p0 [sflag:s5], $0x1  }
0xb2: {  	s4 =	sor.u32 @!p0 s4, s6;
	[sflag:s5] =	ssyncadd.s32 @!p0 $0xFFFFFFFF  }
0xb3: {  	s25 =	simm.s32 $0x1B8E;
	s24 =	sld [smem:$0x3FFE];
	[sflag:s4] =	ssyncadd.remote.s32 @!p0 $0x1  }
0xb4: {  	s26 =	simm.s32 $execute0_lowered;
	[smem:$0x3FD2] =	sst s25  }
0xb5: {  	s5 =	sshll.u32 s26, $0x1;
	_ =	strace $0x80000049;
	[dreg:$0x1] =	wrdreg $0xFFFFFFFF  }
0xb6: {  	s28 =	simm.s32 $_size_execute0_lowered;
	s3 =	sadd.s32 s3, s5;
	[dreg:$0x0] =	wrdreg $0x0  }
0xb7: {  	s5 =	sshll.u32 s28, $0x1;
	[dreg:$0x2] =	wrdreg s3  }
0xb8: {  	[dreg:$0x3] =	wrdreg s5  }
0xb9: {  	[dreg:$0x4] =	wrdreg $0xC0  }
0xba: {  	_ =	task [dreg:s22], $0x5FFFF  }
0xbb: {  	[dreg:$0x1] =	wrdreg $0xFFFFFFFF  }
0xbc: {  	[dreg:$0x0] =	wrdreg $0x60  }
0xbd: {  	[dreg:$0x2] =	wrdreg s24  }
0xbe: {  	[dreg:$0x3] =	wrdreg $0x0  }
0xbf: {  	[dreg:$0x4] =	wrdreg $0x9  }
0xc0: {  	_ =	task.clear_ibuf [dreg:s22], $0x5FFFF;
	_ =	strace $0x90000049  }
0xc1: {  	s29 =	simm.s32 $0x9;
	_ =	strace $0x8000004B  }
0xc2: {  	_ =	swait.ge [sflag:s29], $0x1  }
0xc3: {  	[sflag:s29] =	ssyncadd.s32 $0xFFFFFFFF  }
0xc4: {  	_ =	strace $0x9000004B  }
0xc5: {  	_ =	sfence  }
0xc6: {  	s30 =	sld [smem:$0x0];
	_ =	sdelay $0x2  }
0xc7: {  	s31 =	sshll.u32 s1, $0xD;
	s1 =	sshrl.u32 s1, $0x2  }
0xc8: {  	s4 =	sand.u32 $0x4000, s31;
	s1 =	sadd.s32 s1, s30  }
0xc9: {  	s0 =	sor.u32 s4, s0;
	s1 =	sshll.u32 s1, $0x11  }
0xca: {  	s0 =	sor.u32 s1, s0  }
0xcb: {  	s0 =	sadd.s32 $0x8F2B, s0  }
0xcc: {  	[sflag:s0] =	ssyncadd.remote.s32 $0x1  }
0xcd: {  	_ =	sfence.sel $0xFFFF  }
0xce: {  	[dreg:$0x0] =	wrdreg $0xFFFFFFFF;
	(pc) =	sbr.abs _section_cstart, $3  }
0xcf: {  	[dreg:$0x1] =	wrdreg $0xFFFFFFFF  }
0xd0: {  	_ =	task.clear_ibuf [dreg:s22], $0x2FFFF;
	_ =	strace $0x9FFFFFFF  }
0xd1: {  	(tm) =	ssettm $0x7FFFFFFF  }
tec
execute0_lowered:
.L_overlay_start_1:
0x0: {  	(tag) =	ssettag $0x1  }
0x1: {  	s5 =	rddreg [dreg:$0x0]  }
0x2: {  	s0 =	srdreg.scid;
	s2 =	rddreg [dreg:$0x1];
	s3 =	simm.s32 $0x0  }
0x3: {  	s13 =	simm.s32 $0x4F80;
	s4 =	sand.u32 $0x1, s0;
	s0 =	stileid.u32  }
0x4: {  	s14 =	simm.s32 $0x80;
	s15 =	simm.s32 $0x0;
	s7 =	smul.u32 $0x2780, s0  }
0x5: {  	[smem:$0x7FF] =	sst s3;
	s1 =	sshll.u32 s4, $0x4;
	s8 =	smul.u32 $0x27800, s4  }
0x6: {  	s10 =	ssub.s32 $0x2, s4;
	s4 =	sadd.s32 $0x9B800, s5;
	s1 =	sor.u32 s0, s1  }
0x7: {  	s31 =	sshll.u32 s0, $0x6;
	s11 =	sshrl.u32 s10, $0x1;
	s6 =	smul.u32 $0x500, s1  }
0x8: {  	s1 =	rddreg [dreg:$0x2];
	_ =	strace $0x8000004A;
	s30 =	sshrl.u32 s7, $0x3  }
0x9: {  	s8 =	sadd.s32 s7, s8;
	s10 =	ssub.s32 s10, s11;
	s12 =	sadd.s32 s7, s2  }
0xa: {  	s8 =	sshrl.u32 s8, $0x3;
	s9 =	sadd.s32 s6, s5;
	s6 =	sadd.s32 s30, s5  }
0xb: {  	s11 =	simm.s32 $0x1;
	s8 =	sadd.s32 s8, s5;
	s5 =	sadd.s32 $0x96800, s6  }
0xc: {  	s6 =	sor.u32 $0x1C01, s31;
	s7 =	sadd.s32 $0x16000, s9;
	s8 =	sadd.s32 $0x9BA00, s8  }
0xd: {  	s9 =	smax.u32 s10, $0x1;
	s10 =	sshrl.u32 s12, $0x3;
	s12 =	simm.s32 $0x2780  }
.LBB2_1:
0xe: {  	[spmem:s10], [sflag:s6] =	dma.local [hbm:s5], $0x4F0  }
0xf: {  	_ =	swait.ge [sflag:s11], $0x4F0  }
0x10: {  	[sflag:s11] =	ssyncset.done $0x0  }
0x11: {  	[sflag:s11] =	ssyncadd.s32 $0xFFFFFB10  }
0x12: {  	[tilespmem:s12], [sflag:$0x1] =	stream.linear.gather [hbm4b:s7+s3], $0x2800, $0x38;
	[tilespmem:$0x5780] =	vst v63  }
0x13: {  	_ =	swait.ge [sflag:s11], $0x2800  }
0x14: {  	[sflag:s11] =	ssyncset.done $0x0  }
0x15: {  	[sflag:s11] =	ssyncadd.s32 $0xFFFFD800  }
0x16: {  	[tilespmem:s13], [sflag:$0x1] =	stream.linear.gather [hbm4b:s4+s3], $0x800, $0x38;
	[tilespmem:$0x5780] =	vst v63  }
0x17: {  	_ =	swait.ge [sflag:s11], $0x800  }
0x18: {  	[sflag:s11] =	ssyncset.done $0x0  }
0x19: {  	[sflag:s11] =	ssyncadd.s32 $0xFFFFF800  }
0x1a: {  	s16 =	simm.s32 $0x2780;
	[bflag:$0x0] =	sbarrier.arrive $0xFFFF  }
0x1b: {  	[spmem:s2] =	stream.indirect.scatter.add.f32 [tilespmem:s13], [sflag:$0x1], $0x10, s16, s14, $0xb8;
	[tilespmem:$0x5780] =	vst v63  }
0x1c: {  	s16 =	simm.s32 $0x200;
	_ =	swait.ge [sflag:s11], $0x800  }
.LBB2_2:
0x1d: {  	s17 =	sshra.s32 s16, $0x2;
	[sflag:s11] =	ssyncset.done $0x0;
	p0 =	sne.s32 s16, $0x9E00  }
.Ltmp0:
0x1e: {  	s17 =	sadd.s32 $0x2780, s17;
	[sflag:s11] =	ssyncadd.s32 $0xFFFFF800;
	(pc) =	sbr.rel @p0 .LBB2_2-.Ltmp0, $3  }
0x1f: {  	[spmem:s2] =	stream.indirect.scatter.add.f32 [tilespmem:s13], [sflag:$0x1], $0x10, s17, s14, $0xb8;
	[tilespmem:$0x5780] =	vst v63  }
0x20: {  	s16 =	sadd.s32 $0x200, s16;
	_ =	sdelay $0x1  }
0x21: {  	_ =	swait.ge [sflag:s11], $0x800  }
0x22: {  	[sflag:s11] =	ssyncset.done $0x0;
	s15 =	sadd.s32 $0x1, s15  }
0x23: {  	[sflag:s11] =	ssyncadd.s32 $0xFFFFF800;
	p0 =	sne.s32 s15, s9  }
.Ltmp1:
0x24: {  	[bflag:$0x0] =	sbarrier.arrive $0xFFFF;
	(pc) =	sbr.rel @p0 .LBB2_1-.Ltmp1, $4  }
0x25: {  	[hbm:s8], [sflag:s6] =	dma.local [spmem:s10], $0x4F0  }
0x26: {  	_ =	swait.ge [sflag:s11], $0x4F0  }
0x27: {  	[sflag:s11] =	ssyncset.done $0x0  }
0x28: {  	[sflag:s11] =	ssyncadd.s32 $0xFFFFFB10  }
0x29: {  	_ =	sfence.sel $0x180000  }
0x2a: {  	[bflag:$0x0] =	sbarrier.arrive $0xFFFF  }
0x2b: {  	p0 =	sne.s32 s0, $0x0;
	_ =	strace $0x9000004A  }
0x2c: {  	s0 =	sadd.s32 @!p0 $0x100000, s1;
	[bflag:$0x2] =	sbarrier.arrive $0xFFFF  }
0x2d: {  	[sflag:s0] =	ssyncadd.tile.s32 @!p0 $0x1;
	_ =	shalt  }
.Lfunc_end2:
_tile_overlayer_lowered:
.L_overlay_start_2:
0x2e: {  	(tag) =	ssettag $0x2  }
0x2f: {  	s0 =	rddreg [dreg:$0x0];
	s2 =	stileid.u32  }
0x30: {  	s1 =	rddreg [dreg:$0x1];
	p0 =	sne.s32 s2, $0x0  }
0x31: {  	s3 =	rddreg [dreg:$0x2];
	[bflag:$0x3] =	sbarrier.arrive $0xFFFF;
	s2 =	simm.s32 @!p0 $0x1C01  }
0x32: {  	[timem:s3], [sflag:s2] =	dma.local @!p0 [hbm:s0], s1  }
0x33: {  	s0 =	simm.s32 @!p0 $0x1  }
0x34: {  	_ =	swait.ge @!p0 [sflag:s0], s1  }
0x35: {  	s1 =	ssub.s32 @!p0 $0x0, s1;
	[sflag:s0] =	ssyncset.done @!p0 $0x0  }
0x36: {  	[sflag:s0] =	ssyncadd.s32 @!p0 s1  }
0x37: {  	[bflag:$0x3] =	sbarrier.arrive $0xFFFF  }
0x38: {  	_ =	shalt  }

</sc_bundles>
